<compile_context>
chip_gen: v7x
topology: tpu7x:2x2x1
jax: 0.10.2.dev20260603
libtpu: 0.0.44.dev20260713+nightly
codegen_flags: <defaults>
</compile_context>

<pallas_src>
import functools
import math

import jax
import jax.numpy as jnp
from jax import lax
from jax.experimental import pallas as pl
from jax.experimental.pallas import tpu as pltpu
from jax.experimental.pallas import tpu_sc as plsc

_B, _T, _A, _C = 16, 20, 3, 85
_NPAIR = _B * _T
_LANES = 16
_NW = _NPAIR // _LANES
_NCLS = 80
_SCALES = (13, 26, 52)
_BALANCE = (0.4, 1.0, 4.0)
_BOX_RATIO = 0.05
_OBJ_RATIO = 5.0
_CLS_RATIO = 1.0
_IGNORE = 0.5
_ANCHORS_PX = ((116.0, 90.0), (156.0, 198.0), (373.0, 326.0),
               (30.0, 61.0), (62.0, 45.0), (59.0, 119.0),
               (10.0, 13.0), (16.0, 30.0), (33.0, 23.0))
_ANC = tuple(tuple((aw / 416.0, ah / 416.0) for aw, ah in _ANCHORS_PX[3 * i:3 * i + 3])
             for i in range(3))


_CP = 128


def _sc_gather(pred_l, pred_m, pred_s, x_f, y_f, b_idx):
    info = plsc.get_sparse_core_info()
    nc = info.num_cores
    mesh = plsc.VectorSubcoreMesh(core_axis_name="c", subcore_axis_name="s")
    out_type = [jax.ShapeDtypeStruct((_A, _NW, _LANES, _CP), jnp.float32)
                for _ in range(3)]

    @functools.partial(
        pl.kernel, mesh=mesh, out_type=out_type,
        scratch_types=[
            pltpu.VMEM((_LANES,), jnp.float32),
            pltpu.VMEM((_LANES,), jnp.float32),
            pltpu.VMEM((_LANES,), jnp.int32),
            pltpu.VMEM((_LANES,), jnp.int32),
            pltpu.VMEM((_LANES, _CP), jnp.float32),
            pltpu.SemaphoreType.DMA,
        ],
    )
    def k(pl_hbm, pm_hbm, ps_hbm, x_hbm, y_hbm, b_hbm, out_l, out_m, out_s,
          x_v, y_v, b_v, idx_v, rows_v, sem):
        w = lax.axis_index("s") * nc + lax.axis_index("c")

        @pl.when(w < _NW)
        def _():
            base = w * _LANES
            pltpu.sync_copy(x_hbm.at[pl.ds(base, _LANES)], x_v)
            pltpu.sync_copy(y_hbm.at[pl.ds(base, _LANES)], y_v)
            pltpu.sync_copy(b_hbm.at[pl.ds(base, _LANES)], b_v)
            x = x_v[...]
            y = y_v[...]
            b = b_v[...]
            for s_id, (pred, out) in enumerate(((pl_hbm, out_l),
                                                (pm_hbm, out_m),
                                                (ps_hbm, out_s))):
                s = _SCALES[s_id]
                gi = (x * float(s)).astype(jnp.int32)
                gj = (y * float(s)).astype(jnp.int32)
                for a in range(_A):
                    idx_v[...] = ((b * _A + a) * s + gj) * s + gi
                    pltpu.async_copy(pred.at[idx_v], rows_v, sem).wait()
                    pltpu.sync_copy(rows_v, out.at[a, w])

    return k(pred_l, pred_m, pred_s, x_f, y_f, b_idx)


def _softplus(x):
    return jnp.maximum(x, 0.0) + jnp.log1p(jnp.exp(-jnp.abs(x)))


def _sigmoid(x):
    return 1.0 / (1.0 + jnp.exp(-x))


_ATAN_C = (9.999999991e-01, -3.333329672e-01, 1.999854227e-01, -1.426438979e-01,
           1.095344985e-01, -8.407879227e-02, 5.804045200e-02, -3.126450656e-02,
           1.096244315e-02, -1.804490181e-03)


def _atan_pos(z):
    zi = 1.0 / jnp.maximum(z, 1e-30)
    t = jnp.minimum(z, zi)
    t2 = t * t
    acc = jnp.full_like(t, _ATAN_C[-1])
    for c in _ATAN_C[-2::-1]:
        acc = acc * t2 + c
    at = t * acc
    return jnp.where(z <= 1.0, at, math.pi / 2.0 - at)


def _ciou(px, py, pw, ph, tx, ty, tw, th):
    p_x1 = px - pw * 0.5
    p_y1 = py - ph * 0.5
    p_x2 = px + pw * 0.5
    p_y2 = py + ph * 0.5
    t_x1 = tx - tw * 0.5
    t_y1 = ty - th * 0.5
    t_x2 = tx + tw * 0.5
    t_y2 = ty + th * 0.5
    area_p = pw * ph
    area_t = tw * th
    iw = jnp.maximum(jnp.minimum(p_x2, t_x2) - jnp.maximum(p_x1, t_x1), 0.0)
    ih = jnp.maximum(jnp.minimum(p_y2, t_y2) - jnp.maximum(p_y1, t_y1), 0.0)
    inter = iw * ih
    union = area_p + area_t - inter
    iou = inter / (union + 1e-6)
    d2 = (tx - px) ** 2 + (ty - py) ** 2
    c2 = ((jnp.maximum(p_x2, t_x2) - jnp.minimum(p_x1, t_x1)) ** 2 +
          (jnp.maximum(p_y2, t_y2) - jnp.minimum(p_y1, t_y1)) ** 2 + 1e-6)
    v = 4.0 * (_atan_pos(pw / (ph + 1e-6)) -
               _atan_pos(tw / (th + 1e-6))) ** 2 / (math.pi ** 2)
    alpha = v / (1.0 - iou + v + 1e-6)
    return iou - d2 / c2 - alpha * v


def _geom(x, y, w, h, p, s_id):
    s = _SCALES[s_id]
    anc = _ANC[s_id]
    gi = (x * float(s)).astype(jnp.int32)
    gj = (y * float(s)).astype(jnp.int32)
    gw = w * float(s)
    gh = h * float(s)
    ious = []
    for aw, ah in anc:
        inter = jnp.minimum(gw, aw) * jnp.minimum(gh, ah)
        ious.append(inter / (gw * gh + aw * ah - inter + 1e-6))
    best = jnp.where(ious[1] > ious[0], 1, 0).astype(jnp.int32)
    best = jnp.where(ious[2] > jnp.maximum(ious[0], ious[1]), 2, best)
    b = p // _T
    ids = [((b * _A + a) * s + gj) * s + gi for a in range(_A)]
    id_best = jnp.where(best == 0, ids[0], jnp.where(best == 1, ids[1], ids[2]))
    return gi, gj, gw, gh, ious, best, ids, id_best


def _not_any_match(u_col, u_row, uvalid_row, earlier, n):
    chunk = 128 if n % 128 == 0 else 64
    hit = None
    p_i = lax.broadcasted_iota(jnp.int32, (n, 1), 0)
    for j0 in range(0, n, chunk):
        ur = lax.slice(u_row, (0, j0), (1, j0 + chunk))
        vr = lax.slice(uvalid_row, (0, j0), (1, j0 + chunk))
        p_j = lax.broadcasted_iota(jnp.int32, (1, chunk), 1) + j0
        rel = (p_j < p_i) if earlier else (p_j > p_i)
        m = jnp.any((ur == u_col) & vr & rel, axis=1, keepdims=True)
        hit = m if hit is None else (hit | m)
    return ~hit


def _pad_conf_body(pred_ref, pad_ref, out_ref):
    i = pl.program_id(0)

    @pl.when(i == 0)
    def _():
        out_ref[...] = jnp.zeros_like(out_ref)

    blk = pred_ref.shape[0]
    xb = pred_ref[...]
    pad_ref[...] = jnp.concatenate(
        [xb, jnp.zeros((blk, _CP - _C), jnp.float32)], axis=1)
    out_ref[...] += jnp.sum(_softplus(xb[:, 4:5]))[None, None]


def _pad_conf(pred_flat, n_rows, interpret=False):
    blk = 8112
    steps = n_rows // blk
    pad, s0 = pl.pallas_call(
        _pad_conf_body,
        grid=(steps,),
        in_specs=[pl.BlockSpec((blk, _C), lambda i: (i, 0))],
        out_specs=[pl.BlockSpec((blk, _CP), lambda i: (i, 0)),
                   pl.BlockSpec((1, 1), lambda i: (0, 0))],
        out_shape=[jax.ShapeDtypeStruct((n_rows, _CP), jnp.float32),
                   jax.ShapeDtypeStruct((1, 1), jnp.float32)],
        interpret=interpret,
    )(pred_flat)
    return pad, s0


def _tc_loss_body(rows_l, rows_m, rows_s, s0_l, s0_m, s0_s,
                  xr, yr, wr, hr, cr, xc, yc, wc, hc, cc, out_ref):
    n = _NPAIR
    p_row = lax.broadcasted_iota(jnp.int32, (1, n), 1)
    p_col = lax.broadcasted_iota(jnp.int32, (n, 1), 0)
    cls_row = cr[...].astype(jnp.int32)
    cls_col = cc[...].astype(jnp.int32)
    total = jnp.float32(0.0)
    for s_id, (rows_ref, s0_ref) in enumerate(((rows_l, s0_l),
                                               (rows_m, s0_m),
                                               (rows_s, s0_s))):
        s = _SCALES[s_id]
        anc = _ANC[s_id]
        gi, gj, gw, gh, ious_c, best, ids_c, id_best_c = _geom(
            xc[...], yc[...], wc[...], hc[...], p_col, s_id)
        _, _, _, _, ious_r, _, ids_r, id_best_r = _geom(
            xr[...], yr[...], wr[...], hr[...], p_row, s_id)

        all_true_row = id_best_r == id_best_r
        winner = _not_any_match(id_best_c, id_best_r, all_true_row,
                                earlier=False, n=n)

        r0 = rows_ref[0]
        r1 = rows_ref[1]
        r2 = rows_ref[2]
        bestb = jnp.broadcast_to(best, (n, _CP))
        rb = jnp.where(bestb == 0, r0, jnp.where(bestb == 1, r1, r2))

        aw = jnp.where(best == 0, anc[0][0], jnp.where(best == 1, anc[1][0], anc[2][0]))
        ah = jnp.where(best == 0, anc[0][1], jnp.where(best == 1, anc[1][1], anc[2][1]))

        gif = gi.astype(jnp.float32)
        gjf = gj.astype(jnp.float32)
        px = _sigmoid(rb[:, 0:1]) + gif
        py = _sigmoid(rb[:, 1:2]) + gjf
        pw = jnp.exp(rb[:, 2:3]) * aw
        ph = jnp.exp(rb[:, 3:4]) * ah
        gx = xc[...] * float(s)
        gy = yc[...] * float(s)
        ciou = _ciou(px, py, pw, ph, gx, gy, gw, gh)
        bls = 2.0 - wc[...] * hc[...]
        winner_f = winner.astype(jnp.float32)
        n_pos = jnp.maximum(jnp.sum(winner_f), 1.0)
        box_sum = jnp.sum(winner_f * (1.0 - ciou) * bls)

        pcls = rb[:, 5:_C]
        base = jnp.sum(_softplus(pcls), axis=1, keepdims=True)
        cls_oh = (lax.broadcasted_iota(jnp.int32, (n, _NCLS), 1) ==
                  jnp.broadcast_to(cls_col, (n, _NCLS)))
        pick = jnp.sum(jnp.where(cls_oh, pcls, 0.0), axis=1, keepdims=True)
        pid_c = id_best_c * _NCLS + cls_col
        pid_r = id_best_r * _NCLS + cls_row
        pwin = _not_any_match(pid_c, pid_r, all_true_row, earlier=False, n=n)
        cls_sum = jnp.sum(winner_f * base) - jnp.sum(pwin.astype(jnp.float32) * pick)

        s0 = s0_ref[0, 0]
        u_col = jnp.concatenate([ids_c[0], ids_c[1], ids_c[2], id_best_c], axis=0)
        u_row = jnp.concatenate([ids_r[0], ids_r[1], ids_r[2], id_best_r], axis=1)
        uvalid_row = jnp.concatenate(
            [(ious_r[0] > _IGNORE).astype(jnp.int32),
             (ious_r[1] > _IGNORE).astype(jnp.int32),
             (ious_r[2] > _IGNORE).astype(jnp.int32),
             jnp.ones((1, n), jnp.int32)], axis=1) != 0
        uvalid_col = jnp.concatenate(
            [(ious_c[0] > _IGNORE).astype(jnp.int32),
             (ious_c[1] > _IGNORE).astype(jnp.int32),
             (ious_c[2] > _IGNORE).astype(jnp.int32),
             jnp.ones((n, 1), jnp.int32)], axis=0) != 0
        ufirst = _not_any_match(u_col, u_row, uvalid_row, earlier=True, n=4 * n)
        ufirst = ufirst & uvalid_col
        confu = jnp.concatenate([r0[:, 4:5], r1[:, 4:5], r2[:, 4:5], rb[:, 4:5]],
                                axis=0)
        conf_corr = (jnp.sum(winner_f * _softplus(-rb[:, 4:5])) -
                     jnp.sum(jnp.where(ufirst, _softplus(confu), 0.0)))

        n_cells = float(_B * _A * s * s)
        total = total + (box_sum / n_pos * _BOX_RATIO +
                         cls_sum / (n_pos * float(_NCLS)) * _CLS_RATIO +
                         (s0 + conf_corr) / n_cells * _BALANCE[s_id] * _OBJ_RATIO)
    out_ref[...] = total[None, None]


def _tc_loss(rows_l, rows_m, rows_s, s0_l, s0_m, s0_s, flds, interpret=False):
    xr, yr, wr, hr, cr = (flds[k].reshape(1, _NPAIR) for k in range(5))
    xc, yc, wc, hc, cc = (flds[k].reshape(_NPAIR, 1) for k in range(5))
    out = pl.pallas_call(
        _tc_loss_body,
        out_shape=jax.ShapeDtypeStruct((1, 1), jnp.float32),
        interpret=interpret,
    )(rows_l, rows_m, rows_s, s0_l, s0_m, s0_s,
      xr, yr, wr, hr, cr, xc, yc, wc, hc, cc)
    return out[0, 0]


def kernel(l_prediction, m_prediction, s_prediction, targets):
    preds = (l_prediction, m_prediction, s_prediction)
    pred_flat = [p.reshape(_B * _A * s * s, _C) for p, s in zip(preds, _SCALES)]
    flds = [targets[:, :, k].reshape(_NPAIR) for k in (1, 2, 3, 4, 0)]
    b_idx = jnp.arange(_NPAIR, dtype=jnp.int32) // _T
    padded, s0 = zip(*[_pad_conf(pf, _B * _A * s * s)
                       for pf, s in zip(pred_flat, _SCALES)])
    rows = _sc_gather(padded[0], padded[1], padded[2], flds[0], flds[1], b_idx)
    rows_p = [r.reshape(_A, _NPAIR, _CP) for r in rows]
    return _tc_loss(rows_p[0], rows_p[1], rows_p[2], s0[0], s0[1], s0[2], flds)

# --- scband reference (transcript-rebuilt; emitter-appended) ---
"""Pipeline reference for scband-yololoss-6597069766754 (READ-ONLY COPY).

The authoritative reference and input builder live on the scoring server;
editing this copy changes nothing except your own understanding.
"""

import math
import jax, jax.numpy as jnp
import numpy as np

ANCHORS = jnp.array([[10., 13.], [16., 30.], [33., 23.], [30., 61.], [62., 45.], [59., 119.], [116., 90.], [156., 198.], [373., 326.]], dtype=jnp.float32)
ANCHORS_MASK = [[6, 7, 8], [3, 4, 5], [0, 1, 2]]
NUM_CLASSES = 80
INPUT_SHAPE = (416, 416)
BALANCE = [0.4, 1.0, 4.0]
BOX_RATIO = 0.05
OBJ_RATIO = 5.0 * (INPUT_SHAPE[0] * INPUT_SHAPE[1]) / (416.0 ** 2)
CLS_RATIO = 1.0 * (NUM_CLASSES / 80.0)
IGNORE_THRESHOLD = 0.5


def bce_with_logits(x, t):
    return jnp.maximum(x, 0.0) - x * t + jnp.log1p(jnp.exp(-jnp.abs(x)))


def bbox_ciou(b1, b2):
    b1_x1 = b1[:, 0] - b1[:, 2] / 2
    b1_y1 = b1[:, 1] - b1[:, 3] / 2
    b1_x2 = b1[:, 0] + b1[:, 2] / 2
    b1_y2 = b1[:, 1] + b1[:, 3] / 2
    b2_x1 = b2[:, 0] - b2[:, 2] / 2
    b2_y1 = b2[:, 1] - b2[:, 3] / 2
    b2_x2 = b2[:, 0] + b2[:, 2] / 2
    b2_y2 = b2[:, 1] + b2[:, 3] / 2
    area1 = b1[:, 2] * b1[:, 3]
    area2 = b2[:, 2] * b2[:, 3]
    inter_w = jnp.maximum(jnp.minimum(b1_x2, b2_x2) - jnp.maximum(b1_x1, b2_x1), 0.0)
    inter_h = jnp.maximum(jnp.minimum(b1_y2, b2_y2) - jnp.maximum(b1_y1, b2_y1), 0.0)
    inter = inter_w * inter_h
    union = area1 + area2 - inter
    iou = inter / (union + 1e-6)
    d2 = (b2[:, 0] - b1[:, 0]) ** 2 + (b2[:, 1] - b1[:, 1]) ** 2
    c2 = (jnp.maximum(b1_x2, b2_x2) - jnp.minimum(b1_x1, b2_x1)) ** 2 + (jnp.maximum(b1_y2, b2_y2) - jnp.minimum(b1_y1, b2_y1)) ** 2 + 1e-6
    v = 4.0 * (jnp.arctan(b1[:, 2] / (b1[:, 3] + 1e-6)) - jnp.arctan(b2[:, 2] / (b2[:, 3] + 1e-6))) ** 2 / (math.pi ** 2)
    alpha = jax.lax.stop_gradient(v / (1.0 - iou + v + 1e-6))
    return iou - d2 / c2 - alpha * v


def get_target(targets, anchors, in_w, in_h):
    # torch version runs under no_grad with per-image python loops; here it is
    # vectorized with scatter ops and fully stop-gradiented.
    targets = jax.lax.stop_gradient(targets)
    B, T, _ = targets.shape
    A = anchors.shape[0]
    gt_wh = targets[:, :, 3:5] * jnp.array([in_w, in_h], dtype=jnp.float32)  # [B,T,2]
    wh1 = gt_wh[:, :, None, :]
    wh2 = anchors[None, None, :, :]
    inter = jnp.prod(jnp.minimum(wh1, wh2), axis=-1)
    anchor_iou = inter / (jnp.prod(wh1, axis=-1) + jnp.prod(wh2, axis=-1) - inter + 1e-6)  # [B,T,A]
    best_n = jnp.argmax(anchor_iou, axis=-1)  # [B,T]
    gt_x = targets[:, :, 1] * in_w
    gt_y = targets[:, :, 2] * in_h
    gi = gt_x.astype(jnp.int32)
    gj = gt_y.astype(jnp.int32)
    b_idx = jnp.broadcast_to(jnp.arange(B)[:, None], (B, T))
    noobj = jnp.ones((B, A, in_h, in_w), dtype=jnp.float32)
    for a in range(A):
        gj_a = jnp.where(anchor_iou[:, :, a] > IGNORE_THRESHOLD, gj, in_h)  # OOB rows dropped
        noobj = noobj.at[b_idx, a, gj_a, gi].set(0.0, mode='drop')
    noobj = noobj.at[b_idx, best_n, gj, gi].set(0.0)
    zeros = jnp.zeros((B, A, in_h, in_w), dtype=jnp.float32)
    mask = zeros.at[b_idx, best_n, gj, gi].set(1.0)
    tx = zeros.at[b_idx, best_n, gj, gi].set(gt_x - gi.astype(jnp.float32))
    ty = zeros.at[b_idx, best_n, gj, gi].set(gt_y - gj.astype(jnp.float32))
    tw = zeros.at[b_idx, best_n, gj, gi].set(jnp.log(gt_wh[:, :, 0] / anchors[best_n, 0]))
    th = zeros.at[b_idx, best_n, gj, gi].set(jnp.log(gt_wh[:, :, 1] / anchors[best_n, 1]))
    cls_id = targets[:, :, 0].astype(jnp.int32)
    t_cls = jnp.zeros((B, A, in_h, in_w, NUM_CLASSES), dtype=jnp.float32).at[b_idx, best_n, gj, gi, cls_id].set(1.0)
    bls = zeros.at[b_idx, best_n, gj, gi].set(2.0 - targets[:, :, 3] * targets[:, :, 4])
    return mask, noobj, tx, ty, tw, th, t_cls, bls


def scale_loss(pred, targets, anchors, balance):
    B = pred.shape[0]
    in_h = pred.shape[2]
    in_w = pred.shape[3]
    pred_dx = jax.nn.sigmoid(pred[..., 0])
    pred_dy = jax.nn.sigmoid(pred[..., 1])
    pred_dw = pred[..., 2]
    pred_dh = pred[..., 3]
    pred_conf = pred[..., 4]
    pred_cls = pred[..., 5:]
    mask, noobj, tx, ty, tw, th, t_cls, bls = get_target(targets, anchors, in_w, in_h)
    grid_x = jnp.broadcast_to(jnp.arange(in_w, dtype=jnp.float32)[None, None, None, :], pred_dx.shape)
    grid_y = jnp.broadcast_to(jnp.arange(in_h, dtype=jnp.float32)[None, None, :, None], pred_dy.shape)
    anchor_w = anchors[:, 0].reshape(1, -1, 1, 1)
    anchor_h = anchors[:, 1].reshape(1, -1, 1, 1)
    pred_bbox = jnp.stack([pred_dx + grid_x, pred_dy + grid_y, jnp.exp(pred_dw) * anchor_w, jnp.exp(pred_dh) * anchor_h], axis=-1)
    t_bbox = jnp.stack([tx + grid_x, ty + grid_y, jnp.exp(tw) * anchor_w, jnp.exp(th) * anchor_h], axis=-1)
    ciou = bbox_ciou(pred_bbox.reshape(-1, 4), t_bbox.reshape(-1, 4)).reshape(mask.shape)
    n_pos = jnp.maximum(jnp.sum(mask), 1.0)
    loss_box = jnp.sum((1.0 - ciou) * bls * mask) / n_pos * BOX_RATIO
    loss_cls = jnp.sum(bce_with_logits(pred_cls, t_cls) * mask[..., None]) / (n_pos * NUM_CLASSES) * CLS_RATIO
    loss_conf = jnp.mean(bce_with_logits(pred_conf, mask) * (mask + noobj)) * balance * OBJ_RATIO
    return loss_box + loss_cls + loss_conf


def _forward(l_prediction, m_prediction, s_prediction, targets):
    scaled_anchors = ANCHORS / jnp.array([INPUT_SHAPE[1], INPUT_SHAPE[0]], dtype=jnp.float32)
    preds = [l_prediction, m_prediction, s_prediction]
    total = jnp.float32(0.0)
    for i in range(3):
        anc = scaled_anchors[jnp.array(ANCHORS_MASK[i])]
        total = total + scale_loss(preds[i], targets, anc, BALANCE[i])
    return total


def setup_inputs(seed: int = 0) -> dict:
    key = jax.random.key(seed)
    k1, k2, k3, k4 = jax.random.split(key, 4)
    l_prediction = jax.random.normal(k1, (16, 3, 13, 13, 5 + NUM_CLASSES), dtype=jnp.float32)
    m_prediction = jax.random.normal(k2, (16, 3, 26, 26, 5 + NUM_CLASSES), dtype=jnp.float32)
    s_prediction = jax.random.normal(k3, (16, 3, 52, 52, 5 + NUM_CLASSES), dtype=jnp.float32)
    targets = jax.random.uniform(k4, (16, 20, 5), dtype=jnp.float32)
    return {"l_prediction": l_prediction, "m_prediction": m_prediction, "s_prediction": s_prediction, "targets": targets}


def reference(l_prediction, m_prediction, s_prediction, targets):
    return _forward(l_prediction, m_prediction, s_prediction, targets)

if __name__ == "__main__":
    import jax
    _d = setup_inputs()
    print(jax.jit(kernel)(*tuple(_d.values())))

</pallas_src>

<mosaic_0001>
#map = affine_map<(d0, d1) -> (0, 0)>
#map1 = affine_map<(d0, d1) -> (0)>
#map2 = affine_map<(d0, d1) -> (0, 0, 0, 0)>
module attributes {stable_mosaic.version = 14 : i64} {
  func.func @k(%arg0: i32, %arg1: i32, %arg2: memref<8112x128xf32, #tpu.memory_space<hbm>>, %arg3: memref<32448x128xf32, #tpu.memory_space<hbm>>, %arg4: memref<129792x128xf32, #tpu.memory_space<hbm>>, %arg5: memref<320xf32, #tpu.memory_space<hbm>>, %arg6: memref<320xf32, #tpu.memory_space<hbm>>, %arg7: memref<320xi32, #tpu.memory_space<hbm>>, %arg8: memref<3x20x16x128xf32, #tpu.memory_space<hbm>>, %arg9: memref<3x20x16x128xf32, #tpu.memory_space<hbm>>, %arg10: memref<3x20x16x128xf32, #tpu.memory_space<hbm>>, %arg11: memref<16xf32, #tpu.memory_space<vmem>>, %arg12: memref<16xf32, #tpu.memory_space<vmem>>, %arg13: memref<16xi32, #tpu.memory_space<vmem>>, %arg14: memref<16xi32, #tpu.memory_space<vmem>>, %arg15: memref<16x128xf32, #tpu.memory_space<vmem>>, %arg16: memref<!tpu.dma_semaphore, #tpu.memory_space<semaphore_mem>>) attributes {dimension_semantics = [#tpu.dimension_semantics<core_parallel>, #tpu.dimension_semantics<subcore_parallel>], iteration_bounds = array<i64: 2, 16>, scalar_prefetch = 0 : i64, scratch_operands = 6 : i64, tpu.core_type = #tpu.core_type<sc_vector_subcore>, window_params = [{transform_indices = #map}, {transform_indices = #map}, {transform_indices = #map}, {transform_indices = #map1}, {transform_indices = #map1}, {transform_indices = #map1}, {transform_indices = #map2}, {transform_indices = #map2}, {transform_indices = #map2}]} {
    %mul3A = arith.constant 2 : i32
    %mul3A_0 = arith.muli %arg1, %mul3A : i32
    %add3A = arith.addi %mul3A_0, %arg0 : i32
    %lt3A = arith.constant 20 : i32
    %lt3A_1 = arith.cmpi slt, %add3A, %lt3A : i32
    %convert_element_type3A = arith.extui %lt3A_1 : i1 to i32
    %cond3A = arith.constant 0 : i32
    %cond3A_2 = arith.cmpi ne, %convert_element_type3A, %cond3A : i32
    scf.if %cond3A_2 {
      %mul3A_3 = arith.constant 16 : i32
      %mul3A_4 = arith.muli %add3A, %mul3A_3 : i32
      "tpu.region"() ({
        %run_scoped3A_258 = tpu.sem_alloc : memref<!tpu.dma_semaphore, #tpu.memory_space<semaphore_mem>>
        %dma_start3A_259 = tpu.memref_slice %arg5[%mul3A_4] : memref<320xf32, #tpu.memory_space<hbm>> -> memref<16xf32, #tpu.memory_space<hbm>>
        %dma_start3A_260 = tpu.memref_slice %arg5[%mul3A_4] : memref<320xf32, #tpu.memory_space<hbm>> -> memref<16xf32, #tpu.memory_space<hbm>>
        tpu.enqueue_dma source(%dma_start3A_260 : memref<16xf32, #tpu.memory_space<hbm>>) target(%arg11 : memref<16xf32, #tpu.memory_space<vmem>>) target_semaphore(%run_scoped3A_258 : memref<!tpu.dma_semaphore, #tpu.memory_space<semaphore_mem>>)
        %dma_wait3A_261 = tpu.memref_slice %arg5[%mul3A_4] : memref<320xf32, #tpu.memory_space<hbm>> -> memref<16xf32, #tpu.memory_space<hbm>>
        %dma_wait3A_262 = tpu.memref_slice %arg5[%mul3A_4] : memref<320xf32, #tpu.memory_space<hbm>> -> memref<16xf32, #tpu.memory_space<hbm>>
        tpu.wait_dma2 semaphore(%run_scoped3A_258 : memref<!tpu.dma_semaphore, #tpu.memory_space<semaphore_mem>>) src(%dma_wait3A_262 : memref<16xf32, #tpu.memory_space<hbm>>) dst(%arg11 : memref<16xf32, #tpu.memory_space<vmem>>)
        tpu.yield
      }) : () -> ()
      "tpu.region"() ({
        %run_scoped3A_258 = tpu.sem_alloc : memref<!tpu.dma_semaphore, #tpu.memory_space<semaphore_mem>>
        %dma_start3A_259 = tpu.memref_slice %arg6[%mul3A_4] : memref<320xf32, #tpu.memory_space<hbm>> -> memref<16xf32, #tpu.memory_space<hbm>>
        %dma_start3A_260 = tpu.memref_slice %arg6[%mul3A_4] : memref<320xf32, #tpu.memory_space<hbm>> -> memref<16xf32, #tpu.memory_space<hbm>>
        tpu.enqueue_dma source(%dma_start3A_260 : memref<16xf32, #tpu.memory_space<hbm>>) target(%arg12 : memref<16xf32, #tpu.memory_space<vmem>>) target_semaphore(%run_scoped3A_258 : memref<!tpu.dma_semaphore, #tpu.memory_space<semaphore_mem>>)
        %dma_wait3A_261 = tpu.memref_slice %arg6[%mul3A_4] : memref<320xf32, #tpu.memory_space<hbm>> -> memref<16xf32, #tpu.memory_space<hbm>>
        %dma_wait3A_262 = tpu.memref_slice %arg6[%mul3A_4] : memref<320xf32, #tpu.memory_space<hbm>> -> memref<16xf32, #tpu.memory_space<hbm>>
        tpu.wait_dma2 semaphore(%run_scoped3A_258 : memref<!tpu.dma_semaphore, #tpu.memory_space<semaphore_mem>>) src(%dma_wait3A_262 : memref<16xf32, #tpu.memory_space<hbm>>) dst(%arg12 : memref<16xf32, #tpu.memory_space<vmem>>)
        tpu.yield
      }) : () -> ()
      "tpu.region"() ({
        %run_scoped3A_258 = tpu.sem_alloc : memref<!tpu.dma_semaphore, #tpu.memory_space<semaphore_mem>>
        %dma_start3A_259 = tpu.memref_slice %arg7[%mul3A_4] : memref<320xi32, #tpu.memory_space<hbm>> -> memref<16xi32, #tpu.memory_space<hbm>>
        %dma_start3A_260 = tpu.memref_slice %arg7[%mul3A_4] : memref<320xi32, #tpu.memory_space<hbm>> -> memref<16xi32, #tpu.memory_space<hbm>>
        tpu.enqueue_dma source(%dma_start3A_260 : memref<16xi32, #tpu.memory_space<hbm>>) target(%arg13 : memref<16xi32, #tpu.memory_space<vmem>>) target_semaphore(%run_scoped3A_258 : memref<!tpu.dma_semaphore, #tpu.memory_space<semaphore_mem>>)
        %dma_wait3A_261 = tpu.memref_slice %arg7[%mul3A_4] : memref<320xi32, #tpu.memory_space<hbm>> -> memref<16xi32, #tpu.memory_space<hbm>>
        %dma_wait3A_262 = tpu.memref_slice %arg7[%mul3A_4] : memref<320xi32, #tpu.memory_space<hbm>> -> memref<16xi32, #tpu.memory_space<hbm>>
        tpu.wait_dma2 semaphore(%run_scoped3A_258 : memref<!tpu.dma_semaphore, #tpu.memory_space<semaphore_mem>>) src(%dma_wait3A_262 : memref<16xi32, #tpu.memory_space<hbm>>) dst(%arg13 : memref<16xi32, #tpu.memory_space<vmem>>)
        tpu.yield
      }) : () -> ()
      %get3A = arith.constant 0 : index
      %get3A_5 = tpu.vector_load %arg11[%get3A] {strides = array<i32>} : memref<16xf32, #tpu.memory_space<vmem>>, vector<16xf32>,
      %get3A_6 = vector.shape_cast %get3A_5 : vector<16xf32> to vector<16xf32>
      %get3A_7 = arith.constant 0 : index
      %get3A_8 = tpu.vector_load %arg12[%get3A_7] {strides = array<i32>} : memref<16xf32, #tpu.memory_space<vmem>>, vector<16xf32>,
      %get3A_9 = vector.shape_cast %get3A_8 : vector<16xf32> to vector<16xf32>
      %get3A_10 = arith.constant 0 : index
      %get3A_11 = tpu.vector_load %arg13[%get3A_10] {strides = array<i32>} : memref<16xi32, #tpu.memory_space<vmem>>, vector<16xi32>,
      %get3A_12 = vector.shape_cast %get3A_11 : vector<16xi32> to vector<16xi32>
      %mul3A_13 = arith.constant 1.300000e+01 : f32
      %mul3A_14 = vector.broadcast %mul3A_13 : f32 to vector<16xf32>
      %mul3A_15 = arith.mulf %get3A_6, %mul3A_14 : vector<16xf32>
      %convert_element_type3A_16 = arith.fptosi %mul3A_15 : vector<16xf32> to vector<16xi32>
      %mul3A_17 = arith.constant 1.300000e+01 : f32
      %mul3A_18 = vector.broadcast %mul3A_17 : f32 to vector<16xf32>
      %mul3A_19 = arith.mulf %get3A_9, %mul3A_18 : vector<16xf32>
      %convert_element_type3A_20 = arith.fptosi %mul3A_19 : vector<16xf32> to vector<16xi32>
      %mul3A_21 = arith.constant 3 : i32
      %mul3A_22 = vector.broadcast %mul3A_21 : i32 to vector<16xi32>
      %mul3A_23 = arith.muli %get3A_12, %mul3A_22 : vector<16xi32>
      %add3A_24 = arith.constant 0 : i32
      %add3A_25 = vector.broadcast %add3A_24 : i32 to vector<16xi32>
      %add3A_26 = arith.addi %mul3A_23, %add3A_25 : vector<16xi32>
      %mul3A_27 = arith.constant 13 : i32
      %mul3A_28 = vector.broadcast %mul3A_27 : i32 to vector<16xi32>
      %mul3A_29 = arith.muli %add3A_26, %mul3A_28 : vector<16xi32>
      %add3A_30 = arith.addi %mul3A_29, %convert_element_type3A_20 : vector<16xi32>
      %mul3A_31 = arith.constant 13 : i32
      %mul3A_32 = vector.broadcast %mul3A_31 : i32 to vector<16xi32>
      %mul3A_33 = arith.muli %add3A_30, %mul3A_32 : vector<16xi32>
      %add3A_34 = arith.addi %mul3A_33, %convert_element_type3A_16 : vector<16xi32>
      %swap3A = arith.constant 0 : index
      %swap3A_35 = tpu.vector_load %arg14[%swap3A] {strides = array<i32>} : memref<16xi32, #tpu.memory_space<vmem>>, vector<16xi32>,
      %swap3A_36 = vector.shape_cast %swap3A_35 : vector<16xi32> to vector<16xi32>
      %swap3A_37 = vector.shape_cast %add3A_34 : vector<16xi32> to vector<16xi32>
      tpu.vector_store %arg14[%swap3A], %swap3A_37 {strides = array<i32>} : memref<16xi32, #tpu.memory_space<vmem>>, vector<16xi32>,
      %dma_start3A = arith.constant 0 : i32
      %dma_start3A_38 = arith.constant 0 : i32
      %dma_start3A_39 = tpu.memref_slice %arg2[%dma_start3A, %dma_start3A_38] : memref<8112x128xf32, #tpu.memory_space<hbm>> -> memref<8112x128xf32, #tpu.memory_space<hbm>>
      tpu.enqueue_indirect_dma source(%dma_start3A_39 : memref<8112x128xf32, #tpu.memory_space<hbm>>) target(%arg15 : memref<16x128xf32, #tpu.memory_space<vmem>>) offsets(%arg14 : memref<16xi32, #tpu.memory_space<vmem>>) semaphore(%arg16 : memref<!tpu.dma_semaphore, #tpu.memory_space<semaphore_mem>>)
      %dma_wait3A = arith.constant 0 : i32
      %dma_wait3A_40 = arith.constant 0 : i32
      %dma_wait3A_41 = tpu.memref_slice %arg2[%dma_wait3A, %dma_wait3A_40] : memref<8112x128xf32, #tpu.memory_space<hbm>> -> memref<8112x128xf32, #tpu.memory_space<hbm>>
      tpu.wait_indirect_dma semaphore(%arg16 : memref<!tpu.dma_semaphore, #tpu.memory_space<semaphore_mem>>) src(%dma_wait3A_41 : memref<8112x128xf32, #tpu.memory_space<hbm>>) dst(%arg15 : memref<16x128xf32, #tpu.memory_space<vmem>>)
      %run_scoped3A = arith.constant 0 : i32
      "tpu.region"() ({
        %run_scoped3A_258 = tpu.sem_alloc : memref<!tpu.dma_semaphore, #tpu.memory_space<semaphore_mem>>
        %dma_start3A_259 = arith.constant 0 : i32
        %dma_start3A_260 = arith.constant 0 : i32
        %dma_start3A_261 = tpu.memref_slice %arg8[%run_scoped3A, %add3A, %dma_start3A_259, %dma_start3A_260] : memref<3x20x16x128xf32, #tpu.memory_space<hbm>> -> memref<1x1x16x128xf32, #tpu.memory_space<hbm>>
        %dma_start3A_262 = tpu.memref_squeeze %dma_start3A_261 : memref<1x1x16x128xf32, #tpu.memory_space<hbm>> -> memref<16x128xf32, #tpu.memory_space<hbm>>
        %dma_start3A_263 = arith.constant 0 : i32
        %dma_start3A_264 = arith.constant 0 : i32
        %dma_start3A_265 = tpu.memref_slice %arg8[%run_scoped3A, %add3A, %dma_start3A_263, %dma_start3A_264] : memref<3x20x16x128xf32, #tpu.memory_space<hbm>> -> memref<1x1x16x128xf32, #tpu.memory_space<hbm>>
        %dma_start3A_266 = tpu.memref_squeeze %dma_start3A_265 : memref<1x1x16x128xf32, #tpu.memory_space<hbm>> -> memref<16x128xf32, #tpu.memory_space<hbm>>
        tpu.enqueue_dma source(%arg15 : memref<16x128xf32, #tpu.memory_space<vmem>>) target(%dma_start3A_266 : memref<16x128xf32, #tpu.memory_space<hbm>>) target_semaphore(%run_scoped3A_258 : memref<!tpu.dma_semaphore, #tpu.memory_space<semaphore_mem>>)
        %dma_wait3A_267 = arith.constant 0 : i32
        %dma_wait3A_268 = arith.constant 0 : i32
        %dma_wait3A_269 = tpu.memref_slice %arg8[%run_scoped3A, %add3A, %dma_wait3A_267, %dma_wait3A_268] : memref<3x20x16x128xf32, #tpu.memory_space<hbm>> -> memref<1x1x16x128xf32, #tpu.memory_space<hbm>>
        %dma_wait3A_270 = tpu.memref_squeeze %dma_wait3A_269 : memref<1x1x16x128xf32, #tpu.memory_space<hbm>> -> memref<16x128xf32, #tpu.memory_space<hbm>>
        %dma_wait3A_271 = arith.constant 0 : i32
        %dma_wait3A_272 = arith.constant 0 : i32
        %dma_wait3A_273 = tpu.memref_slice %arg8[%run_scoped3A, %add3A, %dma_wait3A_271, %dma_wait3A_272] : memref<3x20x16x128xf32, #tpu.memory_space<hbm>> -> memref<1x1x16x128xf32, #tpu.memory_space<hbm>>
        %dma_wait3A_274 = tpu.memref_squeeze %dma_wait3A_273 : memref<1x1x16x128xf32, #tpu.memory_space<hbm>> -> memref<16x128xf32, #tpu.memory_space<hbm>>
        tpu.wait_dma2 semaphore(%run_scoped3A_258 : memref<!tpu.dma_semaphore, #tpu.memory_space<semaphore_mem>>) src(%arg15 : memref<16x128xf32, #tpu.memory_space<vmem>>) dst(%dma_wait3A_274 : memref<16x128xf32, #tpu.memory_space<hbm>>)
        tpu.yield
      }) : () -> ()
      %mul3A_42 = arith.constant 3 : i32
      %mul3A_43 = vector.broadcast %mul3A_42 : i32 to vector<16xi32>
      %mul3A_44 = arith.muli %get3A_12, %mul3A_43 : vector<16xi32>
      %add3A_45 = arith.constant 1 : i32
      %add3A_46 = vector.broadcast %add3A_45 : i32 to vector<16xi32>
      %add3A_47 = arith.addi %mul3A_44, %add3A_46 : vector<16xi32>
      %mul3A_48 = arith.constant 13 : i32
      %mul3A_49 = vector.broadcast %mul3A_48 : i32 to vector<16xi32>
      %mul3A_50 = arith.muli %add3A_47, %mul3A_49 : vector<16xi32>
      %add3A_51 = arith.addi %mul3A_50, %convert_element_type3A_20 : vector<16xi32>
      %mul3A_52 = arith.constant 13 : i32
      %mul3A_53 = vector.broadcast %mul3A_52 : i32 to vector<16xi32>
      %mul3A_54 = arith.muli %add3A_51, %mul3A_53 : vector<16xi32>
      %add3A_55 = arith.addi %mul3A_54, %convert_element_type3A_16 : vector<16xi32>
      %swap3A_56 = arith.constant 0 : index
      %swap3A_57 = tpu.vector_load %arg14[%swap3A_56] {strides = array<i32>} : memref<16xi32, #tpu.memory_space<vmem>>, vector<16xi32>,
      %swap3A_58 = vector.shape_cast %swap3A_57 : vector<16xi32> to vector<16xi32>
      %swap3A_59 = vector.shape_cast %add3A_55 : vector<16xi32> to vector<16xi32>
      tpu.vector_store %arg14[%swap3A_56], %swap3A_59 {strides = array<i32>} : memref<16xi32, #tpu.memory_space<vmem>>, vector<16xi32>,
      %dma_start3A_60 = arith.constant 0 : i32
      %dma_start3A_61 = arith.constant 0 : i32
      %dma_start3A_62 = tpu.memref_slice %arg2[%dma_start3A_60, %dma_start3A_61] : memref<8112x128xf32, #tpu.memory_space<hbm>> -> memref<8112x128xf32, #tpu.memory_space<hbm>>
      tpu.enqueue_indirect_dma source(%dma_start3A_62 : memref<8112x128xf32, #tpu.memory_space<hbm>>) target(%arg15 : memref<16x128xf32, #tpu.memory_space<vmem>>) offsets(%arg14 : memref<16xi32, #tpu.memory_space<vmem>>) semaphore(%arg16 : memref<!tpu.dma_semaphore, #tpu.memory_space<semaphore_mem>>)
      %dma_wait3A_63 = arith.constant 0 : i32
      %dma_wait3A_64 = arith.constant 0 : i32
      %dma_wait3A_65 = tpu.memref_slice %arg2[%dma_wait3A_63, %dma_wait3A_64] : memref<8112x128xf32, #tpu.memory_space<hbm>> -> memref<8112x128xf32, #tpu.memory_space<hbm>>
      tpu.wait_indirect_dma semaphore(%arg16 : memref<!tpu.dma_semaphore, #tpu.memory_space<semaphore_mem>>) src(%dma_wait3A_65 : memref<8112x128xf32, #tpu.memory_space<hbm>>) dst(%arg15 : memref<16x128xf32, #tpu.memory_space<vmem>>)
      %run_scoped3A_66 = arith.constant 1 : i32
      "tpu.region"() ({
        %run_scoped3A_258 = tpu.sem_alloc : memref<!tpu.dma_semaphore, #tpu.memory_space<semaphore_mem>>
        %dma_start3A_259 = arith.constant 0 : i32
        %dma_start3A_260 = arith.constant 0 : i32
        %dma_start3A_261 = tpu.memref_slice %arg8[%run_scoped3A_66, %add3A, %dma_start3A_259, %dma_start3A_260] : memref<3x20x16x128xf32, #tpu.memory_space<hbm>> -> memref<1x1x16x128xf32, #tpu.memory_space<hbm>>
        %dma_start3A_262 = tpu.memref_squeeze %dma_start3A_261 : memref<1x1x16x128xf32, #tpu.memory_space<hbm>> -> memref<16x128xf32, #tpu.memory_space<hbm>>
        %dma_start3A_263 = arith.constant 0 : i32
        %dma_start3A_264 = arith.constant 0 : i32
        %dma_start3A_265 = tpu.memref_slice %arg8[%run_scoped3A_66, %add3A, %dma_start3A_263, %dma_start3A_264] : memref<3x20x16x128xf32, #tpu.memory_space<hbm>> -> memref<1x1x16x128xf32, #tpu.memory_space<hbm>>
        %dma_start3A_266 = tpu.memref_squeeze %dma_start3A_265 : memref<1x1x16x128xf32, #tpu.memory_space<hbm>> -> memref<16x128xf32, #tpu.memory_space<hbm>>
        tpu.enqueue_dma source(%arg15 : memref<16x128xf32, #tpu.memory_space<vmem>>) target(%dma_start3A_266 : memref<16x128xf32, #tpu.memory_space<hbm>>) target_semaphore(%run_scoped3A_258 : memref<!tpu.dma_semaphore, #tpu.memory_space<semaphore_mem>>)
        %dma_wait3A_267 = arith.constant 0 : i32
        %dma_wait3A_268 = arith.constant 0 : i32
        %dma_wait3A_269 = tpu.memref_slice %arg8[%run_scoped3A_66, %add3A, %dma_wait3A_267, %dma_wait3A_268] : memref<3x20x16x128xf32, #tpu.memory_space<hbm>> -> memref<1x1x16x128xf32, #tpu.memory_space<hbm>>
        %dma_wait3A_270 = tpu.memref_squeeze %dma_wait3A_269 : memref<1x1x16x128xf32, #tpu.memory_space<hbm>> -> memref<16x128xf32, #tpu.memory_space<hbm>>
        %dma_wait3A_271 = arith.constant 0 : i32
        %dma_wait3A_272 = arith.constant 0 : i32
        %dma_wait3A_273 = tpu.memref_slice %arg8[%run_scoped3A_66, %add3A, %dma_wait3A_271, %dma_wait3A_272] : memref<3x20x16x128xf32, #tpu.memory_space<hbm>> -> memref<1x1x16x128xf32, #tpu.memory_space<hbm>>
        %dma_wait3A_274 = tpu.memref_squeeze %dma_wait3A_273 : memref<1x1x16x128xf32, #tpu.memory_space<hbm>> -> memref<16x128xf32, #tpu.memory_space<hbm>>
        tpu.wait_dma2 semaphore(%run_scoped3A_258 : memref<!tpu.dma_semaphore, #tpu.memory_space<semaphore_mem>>) src(%arg15 : memref<16x128xf32, #tpu.memory_space<vmem>>) dst(%dma_wait3A_274 : memref<16x128xf32, #tpu.memory_space<hbm>>)
        tpu.yield
      }) : () -> ()
      %mul3A_67 = arith.constant 3 : i32
      %mul3A_68 = vector.broadcast %mul3A_67 : i32 to vector<16xi32>
      %mul3A_69 = arith.muli %get3A_12, %mul3A_68 : vector<16xi32>
      %add3A_70 = arith.constant 2 : i32
      %add3A_71 = vector.broadcast %add3A_70 : i32 to vector<16xi32>
      %add3A_72 = arith.addi %mul3A_69, %add3A_71 : vector<16xi32>
      %mul3A_73 = arith.constant 13 : i32
      %mul3A_74 = vector.broadcast %mul3A_73 : i32 to vector<16xi32>
      %mul3A_75 = arith.muli %add3A_72, %mul3A_74 : vector<16xi32>
      %add3A_76 = arith.addi %mul3A_75, %convert_element_type3A_20 : vector<16xi32>
      %mul3A_77 = arith.constant 13 : i32
      %mul3A_78 = vector.broadcast %mul3A_77 : i32 to vector<16xi32>
      %mul3A_79 = arith.muli %add3A_76, %mul3A_78 : vector<16xi32>
      %add3A_80 = arith.addi %mul3A_79, %convert_element_type3A_16 : vector<16xi32>
      %swap3A_81 = arith.constant 0 : index
      %swap3A_82 = tpu.vector_load %arg14[%swap3A_81] {strides = array<i32>} : memref<16xi32, #tpu.memory_space<vmem>>, vector<16xi32>,
      %swap3A_83 = vector.shape_cast %swap3A_82 : vector<16xi32> to vector<16xi32>
      %swap3A_84 = vector.shape_cast %add3A_80 : vector<16xi32> to vector<16xi32>
      tpu.vector_store %arg14[%swap3A_81], %swap3A_84 {strides = array<i32>} : memref<16xi32, #tpu.memory_space<vmem>>, vector<16xi32>,
      %dma_start3A_85 = arith.constant 0 : i32
      %dma_start3A_86 = arith.constant 0 : i32
      %dma_start3A_87 = tpu.memref_slice %arg2[%dma_start3A_85, %dma_start3A_86] : memref<8112x128xf32, #tpu.memory_space<hbm>> -> memref<8112x128xf32, #tpu.memory_space<hbm>>
      tpu.enqueue_indirect_dma source(%dma_start3A_87 : memref<8112x128xf32, #tpu.memory_space<hbm>>) target(%arg15 : memref<16x128xf32, #tpu.memory_space<vmem>>) offsets(%arg14 : memref<16xi32, #tpu.memory_space<vmem>>) semaphore(%arg16 : memref<!tpu.dma_semaphore, #tpu.memory_space<semaphore_mem>>)
      %dma_wait3A_88 = arith.constant 0 : i32
      %dma_wait3A_89 = arith.constant 0 : i32
      %dma_wait3A_90 = tpu.memref_slice %arg2[%dma_wait3A_88, %dma_wait3A_89] : memref<8112x128xf32, #tpu.memory_space<hbm>> -> memref<8112x128xf32, #tpu.memory_space<hbm>>
      tpu.wait_indirect_dma semaphore(%arg16 : memref<!tpu.dma_semaphore, #tpu.memory_space<semaphore_mem>>) src(%dma_wait3A_90 : memref<8112x128xf32, #tpu.memory_space<hbm>>) dst(%arg15 : memref<16x128xf32, #tpu.memory_space<vmem>>)
      %run_scoped3A_91 = arith.constant 2 : i32
      "tpu.region"() ({
        %run_scoped3A_258 = tpu.sem_alloc : memref<!tpu.dma_semaphore, #tpu.memory_space<semaphore_mem>>
        %dma_start3A_259 = arith.constant 0 : i32
        %dma_start3A_260 = arith.constant 0 : i32
        %dma_start3A_261 = tpu.memref_slice %arg8[%run_scoped3A_91, %add3A, %dma_start3A_259, %dma_start3A_260] : memref<3x20x16x128xf32, #tpu.memory_space<hbm>> -> memref<1x1x16x128xf32, #tpu.memory_space<hbm>>
        %dma_start3A_262 = tpu.memref_squeeze %dma_start3A_261 : memref<1x1x16x128xf32, #tpu.memory_space<hbm>> -> memref<16x128xf32, #tpu.memory_space<hbm>>
        %dma_start3A_263 = arith.constant 0 : i32
        %dma_start3A_264 = arith.constant 0 : i32
        %dma_start3A_265 = tpu.memref_slice %arg8[%run_scoped3A_91, %add3A, %dma_start3A_263, %dma_start3A_264] : memref<3x20x16x128xf32, #tpu.memory_space<hbm>> -> memref<1x1x16x128xf32, #tpu.memory_space<hbm>>
        %dma_start3A_266 = tpu.memref_squeeze %dma_start3A_265 : memref<1x1x16x128xf32, #tpu.memory_space<hbm>> -> memref<16x128xf32, #tpu.memory_space<hbm>>
        tpu.enqueue_dma source(%arg15 : memref<16x128xf32, #tpu.memory_space<vmem>>) target(%dma_start3A_266 : memref<16x128xf32, #tpu.memory_space<hbm>>) target_semaphore(%run_scoped3A_258 : memref<!tpu.dma_semaphore, #tpu.memory_space<semaphore_mem>>)
        %dma_wait3A_267 = arith.constant 0 : i32
        %dma_wait3A_268 = arith.constant 0 : i32
        %dma_wait3A_269 = tpu.memref_slice %arg8[%run_scoped3A_91, %add3A, %dma_wait3A_267, %dma_wait3A_268] : memref<3x20x16x128xf32, #tpu.memory_space<hbm>> -> memref<1x1x16x128xf32, #tpu.memory_space<hbm>>
        %dma_wait3A_270 = tpu.memref_squeeze %dma_wait3A_269 : memref<1x1x16x128xf32, #tpu.memory_space<hbm>> -> memref<16x128xf32, #tpu.memory_space<hbm>>
        %dma_wait3A_271 = arith.constant 0 : i32
        %dma_wait3A_272 = arith.constant 0 : i32
        %dma_wait3A_273 = tpu.memref_slice %arg8[%run_scoped3A_91, %add3A, %dma_wait3A_271, %dma_wait3A_272] : memref<3x20x16x128xf32, #tpu.memory_space<hbm>> -> memref<1x1x16x128xf32, #tpu.memory_space<hbm>>
        %dma_wait3A_274 = tpu.memref_squeeze %dma_wait3A_273 : memref<1x1x16x128xf32, #tpu.memory_space<hbm>> -> memref<16x128xf32, #tpu.memory_space<hbm>>
        tpu.wait_dma2 semaphore(%run_scoped3A_258 : memref<!tpu.dma_semaphore, #tpu.memory_space<semaphore_mem>>) src(%arg15 : memref<16x128xf32, #tpu.memory_space<vmem>>) dst(%dma_wait3A_274 : memref<16x128xf32, #tpu.memory_space<hbm>>)
        tpu.yield
      }) : () -> ()
      %mul3A_92 = arith.constant 2.600000e+01 : f32
      %mul3A_93 = vector.broadcast %mul3A_92 : f32 to vector<16xf32>
      %mul3A_94 = arith.mulf %get3A_6, %mul3A_93 : vector<16xf32>
      %convert_element_type3A_95 = arith.fptosi %mul3A_94 : vector<16xf32> to vector<16xi32>
      %mul3A_96 = arith.constant 2.600000e+01 : f32
      %mul3A_97 = vector.broadcast %mul3A_96 : f32 to vector<16xf32>
      %mul3A_98 = arith.mulf %get3A_9, %mul3A_97 : vector<16xf32>
      %convert_element_type3A_99 = arith.fptosi %mul3A_98 : vector<16xf32> to vector<16xi32>
      %mul3A_100 = arith.constant 3 : i32
      %mul3A_101 = vector.broadcast %mul3A_100 : i32 to vector<16xi32>
      %mul3A_102 = arith.muli %get3A_12, %mul3A_101 : vector<16xi32>
      %add3A_103 = arith.constant 0 : i32
      %add3A_104 = vector.broadcast %add3A_103 : i32 to vector<16xi32>
      %add3A_105 = arith.addi %mul3A_102, %add3A_104 : vector<16xi32>
      %mul3A_106 = arith.constant 26 : i32
      %mul3A_107 = vector.broadcast %mul3A_106 : i32 to vector<16xi32>
      %mul3A_108 = arith.muli %add3A_105, %mul3A_107 : vector<16xi32>
      %add3A_109 = arith.addi %mul3A_108, %convert_element_type3A_99 : vector<16xi32>
      %mul3A_110 = arith.constant 26 : i32
      %mul3A_111 = vector.broadcast %mul3A_110 : i32 to vector<16xi32>
      %mul3A_112 = arith.muli %add3A_109, %mul3A_111 : vector<16xi32>
      %add3A_113 = arith.addi %mul3A_112, %convert_element_type3A_95 : vector<16xi32>
      %swap3A_114 = arith.constant 0 : index
      %swap3A_115 = tpu.vector_load %arg14[%swap3A_114] {strides = array<i32>} : memref<16xi32, #tpu.memory_space<vmem>>, vector<16xi32>,
      %swap3A_116 = vector.shape_cast %swap3A_115 : vector<16xi32> to vector<16xi32>
      %swap3A_117 = vector.shape_cast %add3A_113 : vector<16xi32> to vector<16xi32>
      tpu.vector_store %arg14[%swap3A_114], %swap3A_117 {strides = array<i32>} : memref<16xi32, #tpu.memory_space<vmem>>, vector<16xi32>,
      %dma_start3A_118 = arith.constant 0 : i32
      %dma_start3A_119 = arith.constant 0 : i32
      %dma_start3A_120 = tpu.memref_slice %arg3[%dma_start3A_118, %dma_start3A_119] : memref<32448x128xf32, #tpu.memory_space<hbm>> -> memref<32448x128xf32, #tpu.memory_space<hbm>>
      tpu.enqueue_indirect_dma source(%dma_start3A_120 : memref<32448x128xf32, #tpu.memory_space<hbm>>) target(%arg15 : memref<16x128xf32, #tpu.memory_space<vmem>>) offsets(%arg14 : memref<16xi32, #tpu.memory_space<vmem>>) semaphore(%arg16 : memref<!tpu.dma_semaphore, #tpu.memory_space<semaphore_mem>>)
      %dma_wait3A_121 = arith.constant 0 : i32
      %dma_wait3A_122 = arith.constant 0 : i32
      %dma_wait3A_123 = tpu.memref_slice %arg3[%dma_wait3A_121, %dma_wait3A_122] : memref<32448x128xf32, #tpu.memory_space<hbm>> -> memref<32448x128xf32, #tpu.memory_space<hbm>>
      tpu.wait_indirect_dma semaphore(%arg16 : memref<!tpu.dma_semaphore, #tpu.memory_space<semaphore_mem>>) src(%dma_wait3A_123 : memref<32448x128xf32, #tpu.memory_space<hbm>>) dst(%arg15 : memref<16x128xf32, #tpu.memory_space<vmem>>)
      %run_scoped3A_124 = arith.constant 0 : i32
      "tpu.region"() ({
        %run_scoped3A_258 = tpu.sem_alloc : memref<!tpu.dma_semaphore, #tpu.memory_space<semaphore_mem>>
        %dma_start3A_259 = arith.constant 0 : i32
        %dma_start3A_260 = arith.constant 0 : i32
        %dma_start3A_261 = tpu.memref_slice %arg9[%run_scoped3A_124, %add3A, %dma_start3A_259, %dma_start3A_260] : memref<3x20x16x128xf32, #tpu.memory_space<hbm>> -> memref<1x1x16x128xf32, #tpu.memory_space<hbm>>
        %dma_start3A_262 = tpu.memref_squeeze %dma_start3A_261 : memref<1x1x16x128xf32, #tpu.memory_space<hbm>> -> memref<16x128xf32, #tpu.memory_space<hbm>>
        %dma_start3A_263 = arith.constant 0 : i32
        %dma_start3A_264 = arith.constant 0 : i32
        %dma_start3A_265 = tpu.memref_slice %arg9[%run_scoped3A_124, %add3A, %dma_start3A_263, %dma_start3A_264] : memref<3x20x16x128xf32, #tpu.memory_space<hbm>> -> memref<1x1x16x128xf32, #tpu.memory_space<hbm>>
        %dma_start3A_266 = tpu.memref_squeeze %dma_start3A_265 : memref<1x1x16x128xf32, #tpu.memory_space<hbm>> -> memref<16x128xf32, #tpu.memory_space<hbm>>
        tpu.enqueue_dma source(%arg15 : memref<16x128xf32, #tpu.memory_space<vmem>>) target(%dma_start3A_266 : memref<16x128xf32, #tpu.memory_space<hbm>>) target_semaphore(%run_scoped3A_258 : memref<!tpu.dma_semaphore, #tpu.memory_space<semaphore_mem>>)
        %dma_wait3A_267 = arith.constant 0 : i32
        %dma_wait3A_268 = arith.constant 0 : i32
        %dma_wait3A_269 = tpu.memref_slice %arg9[%run_scoped3A_124, %add3A, %dma_wait3A_267, %dma_wait3A_268] : memref<3x20x16x128xf32, #tpu.memory_space<hbm>> -> memref<1x1x16x128xf32, #tpu.memory_space<hbm>>
        %dma_wait3A_270 = tpu.memref_squeeze %dma_wait3A_269 : memref<1x1x16x128xf32, #tpu.memory_space<hbm>> -> memref<16x128xf32, #tpu.memory_space<hbm>>
        %dma_wait3A_271 = arith.constant 0 : i32
        %dma_wait3A_272 = arith.constant 0 : i32
        %dma_wait3A_273 = tpu.memref_slice %arg9[%run_scoped3A_124, %add3A, %dma_wait3A_271, %dma_wait3A_272] : memref<3x20x16x128xf32, #tpu.memory_space<hbm>> -> memref<1x1x16x128xf32, #tpu.memory_space<hbm>>
        %dma_wait3A_274 = tpu.memref_squeeze %dma_wait3A_273 : memref<1x1x16x128xf32, #tpu.memory_space<hbm>> -> memref<16x128xf32, #tpu.memory_space<hbm>>
        tpu.wait_dma2 semaphore(%run_scoped3A_258 : memref<!tpu.dma_semaphore, #tpu.memory_space<semaphore_mem>>) src(%arg15 : memref<16x128xf32, #tpu.memory_space<vmem>>) dst(%dma_wait3A_274 : memref<16x128xf32, #tpu.memory_space<hbm>>)
        tpu.yield
      }) : () -> ()
      %mul3A_125 = arith.constant 3 : i32
      %mul3A_126 = vector.broadcast %mul3A_125 : i32 to vector<16xi32>
      %mul3A_127 = arith.muli %get3A_12, %mul3A_126 : vector<16xi32>
      %add3A_128 = arith.constant 1 : i32
      %add3A_129 = vector.broadcast %add3A_128 : i32 to vector<16xi32>
      %add3A_130 = arith.addi %mul3A_127, %add3A_129 : vector<16xi32>
      %mul3A_131 = arith.constant 26 : i32
      %mul3A_132 = vector.broadcast %mul3A_131 : i32 to vector<16xi32>
      %mul3A_133 = arith.muli %add3A_130, %mul3A_132 : vector<16xi32>
      %add3A_134 = arith.addi %mul3A_133, %convert_element_type3A_99 : vector<16xi32>
      %mul3A_135 = arith.constant 26 : i32
      %mul3A_136 = vector.broadcast %mul3A_135 : i32 to vector<16xi32>
      %mul3A_137 = arith.muli %add3A_134, %mul3A_136 : vector<16xi32>
      %add3A_138 = arith.addi %mul3A_137, %convert_element_type3A_95 : vector<16xi32>
      %swap3A_139 = arith.constant 0 : index
      %swap3A_140 = tpu.vector_load %arg14[%swap3A_139] {strides = array<i32>} : memref<16xi32, #tpu.memory_space<vmem>>, vector<16xi32>,
      %swap3A_141 = vector.shape_cast %swap3A_140 : vector<16xi32> to vector<16xi32>
      %swap3A_142 = vector.shape_cast %add3A_138 : vector<16xi32> to vector<16xi32>
      tpu.vector_store %arg14[%swap3A_139], %swap3A_142 {strides = array<i32>} : memref<16xi32, #tpu.memory_space<vmem>>, vector<16xi32>,
      %dma_start3A_143 = arith.constant 0 : i32
      %dma_start3A_144 = arith.constant 0 : i32
      %dma_start3A_145 = tpu.memref_slice %arg3[%dma_start3A_143, %dma_start3A_144] : memref<32448x128xf32, #tpu.memory_space<hbm>> -> memref<32448x128xf32, #tpu.memory_space<hbm>>
      tpu.enqueue_indirect_dma source(%dma_start3A_145 : memref<32448x128xf32, #tpu.memory_space<hbm>>) target(%arg15 : memref<16x128xf32, #tpu.memory_space<vmem>>) offsets(%arg14 : memref<16xi32, #tpu.memory_space<vmem>>) semaphore(%arg16 : memref<!tpu.dma_semaphore, #tpu.memory_space<semaphore_mem>>)
      %dma_wait3A_146 = arith.constant 0 : i32
      %dma_wait3A_147 = arith.constant 0 : i32
      %dma_wait3A_148 = tpu.memref_slice %arg3[%dma_wait3A_146, %dma_wait3A_147] : memref<32448x128xf32, #tpu.memory_space<hbm>> -> memref<32448x128xf32, #tpu.memory_space<hbm>>
      tpu.wait_indirect_dma semaphore(%arg16 : memref<!tpu.dma_semaphore, #tpu.memory_space<semaphore_mem>>) src(%dma_wait3A_148 : memref<32448x128xf32, #tpu.memory_space<hbm>>) dst(%arg15 : memref<16x128xf32, #tpu.memory_space<vmem>>)
      %run_scoped3A_149 = arith.constant 1 : i32
      "tpu.region"() ({
        %run_scoped3A_258 = tpu.sem_alloc : memref<!tpu.dma_semaphore, #tpu.memory_space<semaphore_mem>>
        %dma_start3A_259 = arith.constant 0 : i32
        %dma_start3A_260 = arith.constant 0 : i32
        %dma_start3A_261 = tpu.memref_slice %arg9[%run_scoped3A_149, %add3A, %dma_start3A_259, %dma_start3A_260] : memref<3x20x16x128xf32, #tpu.memory_space<hbm>> -> memref<1x1x16x128xf32, #tpu.memory_space<hbm>>
        %dma_start3A_262 = tpu.memref_squeeze %dma_start3A_261 : memref<1x1x16x128xf32, #tpu.memory_space<hbm>> -> memref<16x128xf32, #tpu.memory_space<hbm>>
        %dma_start3A_263 = arith.constant 0 : i32
        %dma_start3A_264 = arith.constant 0 : i32
        %dma_start3A_265 = tpu.memref_slice %arg9[%run_scoped3A_149, %add3A, %dma_start3A_263, %dma_start3A_264] : memref<3x20x16x128xf32, #tpu.memory_space<hbm>> -> memref<1x1x16x128xf32, #tpu.memory_space<hbm>>
        %dma_start3A_266 = tpu.memref_squeeze %dma_start3A_265 : memref<1x1x16x128xf32, #tpu.memory_space<hbm>> -> memref<16x128xf32, #tpu.memory_space<hbm>>
        tpu.enqueue_dma source(%arg15 : memref<16x128xf32, #tpu.memory_space<vmem>>) target(%dma_start3A_266 : memref<16x128xf32, #tpu.memory_space<hbm>>) target_semaphore(%run_scoped3A_258 : memref<!tpu.dma_semaphore, #tpu.memory_space<semaphore_mem>>)
        %dma_wait3A_267 = arith.constant 0 : i32
        %dma_wait3A_268 = arith.constant 0 : i32
        %dma_wait3A_269 = tpu.memref_slice %arg9[%run_scoped3A_149, %add3A, %dma_wait3A_267, %dma_wait3A_268] : memref<3x20x16x128xf32, #tpu.memory_space<hbm>> -> memref<1x1x16x128xf32, #tpu.memory_space<hbm>>
        %dma_wait3A_270 = tpu.memref_squeeze %dma_wait3A_269 : memref<1x1x16x128xf32, #tpu.memory_space<hbm>> -> memref<16x128xf32, #tpu.memory_space<hbm>>
        %dma_wait3A_271 = arith.constant 0 : i32
        %dma_wait3A_272 = arith.constant 0 : i32
        %dma_wait3A_273 = tpu.memref_slice %arg9[%run_scoped3A_149, %add3A, %dma_wait3A_271, %dma_wait3A_272] : memref<3x20x16x128xf32, #tpu.memory_space<hbm>> -> memref<1x1x16x128xf32, #tpu.memory_space<hbm>>
        %dma_wait3A_274 = tpu.memref_squeeze %dma_wait3A_273 : memref<1x1x16x128xf32, #tpu.memory_space<hbm>> -> memref<16x128xf32, #tpu.memory_space<hbm>>
        tpu.wait_dma2 semaphore(%run_scoped3A_258 : memref<!tpu.dma_semaphore, #tpu.memory_space<semaphore_mem>>) src(%arg15 : memref<16x128xf32, #tpu.memory_space<vmem>>) dst(%dma_wait3A_274 : memref<16x128xf32, #tpu.memory_space<hbm>>)
        tpu.yield
      }) : () -> ()
      %mul3A_150 = arith.constant 3 : i32
      %mul3A_151 = vector.broadcast %mul3A_150 : i32 to vector<16xi32>
      %mul3A_152 = arith.muli %get3A_12, %mul3A_151 : vector<16xi32>
      %add3A_153 = arith.constant 2 : i32
      %add3A_154 = vector.broadcast %add3A_153 : i32 to vector<16xi32>
      %add3A_155 = arith.addi %mul3A_152, %add3A_154 : vector<16xi32>
      %mul3A_156 = arith.constant 26 : i32
      %mul3A_157 = vector.broadcast %mul3A_156 : i32 to vector<16xi32>
      %mul3A_158 = arith.muli %add3A_155, %mul3A_157 : vector<16xi32>
      %add3A_159 = arith.addi %mul3A_158, %convert_element_type3A_99 : vector<16xi32>
      %mul3A_160 = arith.constant 26 : i32
      %mul3A_161 = vector.broadcast %mul3A_160 : i32 to vector<16xi32>
      %mul3A_162 = arith.muli %add3A_159, %mul3A_161 : vector<16xi32>
      %add3A_163 = arith.addi %mul3A_162, %convert_element_type3A_95 : vector<16xi32>
      %swap3A_164 = arith.constant 0 : index
      %swap3A_165 = tpu.vector_load %arg14[%swap3A_164] {strides = array<i32>} : memref<16xi32, #tpu.memory_space<vmem>>, vector<16xi32>,
      %swap3A_166 = vector.shape_cast %swap3A_165 : vector<16xi32> to vector<16xi32>
      %swap3A_167 = vector.shape_cast %add3A_163 : vector<16xi32> to vector<16xi32>
      tpu.vector_store %arg14[%swap3A_164], %swap3A_167 {strides = array<i32>} : memref<16xi32, #tpu.memory_space<vmem>>, vector<16xi32>,
      %dma_start3A_168 = arith.constant 0 : i32
      %dma_start3A_169 = arith.constant 0 : i32
      %dma_start3A_170 = tpu.memref_slice %arg3[%dma_start3A_168, %dma_start3A_169] : memref<32448x128xf32, #tpu.memory_space<hbm>> -> memref<32448x128xf32, #tpu.memory_space<hbm>>
      tpu.enqueue_indirect_dma source(%dma_start3A_170 : memref<32448x128xf32, #tpu.memory_space<hbm>>) target(%arg15 : memref<16x128xf32, #tpu.memory_space<vmem>>) offsets(%arg14 : memref<16xi32, #tpu.memory_space<vmem>>) semaphore(%arg16 : memref<!tpu.dma_semaphore, #tpu.memory_space<semaphore_mem>>)
      %dma_wait3A_171 = arith.constant 0 : i32
      %dma_wait3A_172 = arith.constant 0 : i32
      %dma_wait3A_173 = tpu.memref_slice %arg3[%dma_wait3A_171, %dma_wait3A_172] : memref<32448x128xf32, #tpu.memory_space<hbm>> -> memref<32448x128xf32, #tpu.memory_space<hbm>>
      tpu.wait_indirect_dma semaphore(%arg16 : memref<!tpu.dma_semaphore, #tpu.memory_space<semaphore_mem>>) src(%dma_wait3A_173 : memref<32448x128xf32, #tpu.memory_space<hbm>>) dst(%arg15 : memref<16x128xf32, #tpu.memory_space<vmem>>)
      %run_scoped3A_174 = arith.constant 2 : i32
      "tpu.region"() ({
        %run_scoped3A_258 = tpu.sem_alloc : memref<!tpu.dma_semaphore, #tpu.memory_space<semaphore_mem>>
        %dma_start3A_259 = arith.constant 0 : i32
        %dma_start3A_260 = arith.constant 0 : i32
        %dma_start3A_261 = tpu.memref_slice %arg9[%run_scoped3A_174, %add3A, %dma_start3A_259, %dma_start3A_260] : memref<3x20x16x128xf32, #tpu.memory_space<hbm>> -> memref<1x1x16x128xf32, #tpu.memory_space<hbm>>
        %dma_start3A_262 = tpu.memref_squeeze %dma_start3A_261 : memref<1x1x16x128xf32, #tpu.memory_space<hbm>> -> memref<16x128xf32, #tpu.memory_space<hbm>>
        %dma_start3A_263 = arith.constant 0 : i32
        %dma_start3A_264 = arith.constant 0 : i32
        %dma_start3A_265 = tpu.memref_slice %arg9[%run_scoped3A_174, %add3A, %dma_start3A_263, %dma_start3A_264] : memref<3x20x16x128xf32, #tpu.memory_space<hbm>> -> memref<1x1x16x128xf32, #tpu.memory_space<hbm>>
        %dma_start3A_266 = tpu.memref_squeeze %dma_start3A_265 : memref<1x1x16x128xf32, #tpu.memory_space<hbm>> -> memref<16x128xf32, #tpu.memory_space<hbm>>
        tpu.enqueue_dma source(%arg15 : memref<16x128xf32, #tpu.memory_space<vmem>>) target(%dma_start3A_266 : memref<16x128xf32, #tpu.memory_space<hbm>>) target_semaphore(%run_scoped3A_258 : memref<!tpu.dma_semaphore, #tpu.memory_space<semaphore_mem>>)
        %dma_wait3A_267 = arith.constant 0 : i32
        %dma_wait3A_268 = arith.constant 0 : i32
        %dma_wait3A_269 = tpu.memref_slice %arg9[%run_scoped3A_174, %add3A, %dma_wait3A_267, %dma_wait3A_268] : memref<3x20x16x128xf32, #tpu.memory_space<hbm>> -> memref<1x1x16x128xf32, #tpu.memory_space<hbm>>
        %dma_wait3A_270 = tpu.memref_squeeze %dma_wait3A_269 : memref<1x1x16x128xf32, #tpu.memory_space<hbm>> -> memref<16x128xf32, #tpu.memory_space<hbm>>
        %dma_wait3A_271 = arith.constant 0 : i32
        %dma_wait3A_272 = arith.constant 0 : i32
        %dma_wait3A_273 = tpu.memref_slice %arg9[%run_scoped3A_174, %add3A, %dma_wait3A_271, %dma_wait3A_272] : memref<3x20x16x128xf32, #tpu.memory_space<hbm>> -> memref<1x1x16x128xf32, #tpu.memory_space<hbm>>
        %dma_wait3A_274 = tpu.memref_squeeze %dma_wait3A_273 : memref<1x1x16x128xf32, #tpu.memory_space<hbm>> -> memref<16x128xf32, #tpu.memory_space<hbm>>
        tpu.wait_dma2 semaphore(%run_scoped3A_258 : memref<!tpu.dma_semaphore, #tpu.memory_space<semaphore_mem>>) src(%arg15 : memref<16x128xf32, #tpu.memory_space<vmem>>) dst(%dma_wait3A_274 : memref<16x128xf32, #tpu.memory_space<hbm>>)
        tpu.yield
      }) : () -> ()
      %mul3A_175 = arith.constant 5.200000e+01 : f32
      %mul3A_176 = vector.broadcast %mul3A_175 : f32 to vector<16xf32>
      %mul3A_177 = arith.mulf %get3A_6, %mul3A_176 : vector<16xf32>
      %convert_element_type3A_178 = arith.fptosi %mul3A_177 : vector<16xf32> to vector<16xi32>
      %mul3A_179 = arith.constant 5.200000e+01 : f32
      %mul3A_180 = vector.broadcast %mul3A_179 : f32 to vector<16xf32>
      %mul3A_181 = arith.mulf %get3A_9, %mul3A_180 : vector<16xf32>
      %convert_element_type3A_182 = arith.fptosi %mul3A_181 : vector<16xf32> to vector<16xi32>
      %mul3A_183 = arith.constant 3 : i32
      %mul3A_184 = vector.broadcast %mul3A_183 : i32 to vector<16xi32>
      %mul3A_185 = arith.muli %get3A_12, %mul3A_184 : vector<16xi32>
      %add3A_186 = arith.constant 0 : i32
      %add3A_187 = vector.broadcast %add3A_186 : i32 to vector<16xi32>
      %add3A_188 = arith.addi %mul3A_185, %add3A_187 : vector<16xi32>
      %mul3A_189 = arith.constant 52 : i32
      %mul3A_190 = vector.broadcast %mul3A_189 : i32 to vector<16xi32>
      %mul3A_191 = arith.muli %add3A_188, %mul3A_190 : vector<16xi32>
      %add3A_192 = arith.addi %mul3A_191, %convert_element_type3A_182 : vector<16xi32>
      %mul3A_193 = arith.constant 52 : i32
      %mul3A_194 = vector.broadcast %mul3A_193 : i32 to vector<16xi32>
      %mul3A_195 = arith.muli %add3A_192, %mul3A_194 : vector<16xi32>
      %add3A_196 = arith.addi %mul3A_195, %convert_element_type3A_178 : vector<16xi32>
      %swap3A_197 = arith.constant 0 : index
      %swap3A_198 = tpu.vector_load %arg14[%swap3A_197] {strides = array<i32>} : memref<16xi32, #tpu.memory_space<vmem>>, vector<16xi32>,
      %swap3A_199 = vector.shape_cast %swap3A_198 : vector<16xi32> to vector<16xi32>
      %swap3A_200 = vector.shape_cast %add3A_196 : vector<16xi32> to vector<16xi32>
      tpu.vector_store %arg14[%swap3A_197], %swap3A_200 {strides = array<i32>} : memref<16xi32, #tpu.memory_space<vmem>>, vector<16xi32>,
      %dma_start3A_201 = arith.constant 0 : i32
      %dma_start3A_202 = arith.constant 0 : i32
      %dma_start3A_203 = tpu.memref_slice %arg4[%dma_start3A_201, %dma_start3A_202] : memref<129792x128xf32, #tpu.memory_space<hbm>> -> memref<129792x128xf32, #tpu.memory_space<hbm>>
      tpu.enqueue_indirect_dma source(%dma_start3A_203 : memref<129792x128xf32, #tpu.memory_space<hbm>>) target(%arg15 : memref<16x128xf32, #tpu.memory_space<vmem>>) offsets(%arg14 : memref<16xi32, #tpu.memory_space<vmem>>) semaphore(%arg16 : memref<!tpu.dma_semaphore, #tpu.memory_space<semaphore_mem>>)
      %dma_wait3A_204 = arith.constant 0 : i32
      %dma_wait3A_205 = arith.constant 0 : i32
      %dma_wait3A_206 = tpu.memref_slice %arg4[%dma_wait3A_204, %dma_wait3A_205] : memref<129792x128xf32, #tpu.memory_space<hbm>> -> memref<129792x128xf32, #tpu.memory_space<hbm>>
      tpu.wait_indirect_dma semaphore(%arg16 : memref<!tpu.dma_semaphore, #tpu.memory_space<semaphore_mem>>) src(%dma_wait3A_206 : memref<129792x128xf32, #tpu.memory_space<hbm>>) dst(%arg15 : memref<16x128xf32, #tpu.memory_space<vmem>>)
      %run_scoped3A_207 = arith.constant 0 : i32
      "tpu.region"() ({
        %run_scoped3A_258 = tpu.sem_alloc : memref<!tpu.dma_semaphore, #tpu.memory_space<semaphore_mem>>
        %dma_start3A_259 = arith.constant 0 : i32
        %dma_start3A_260 = arith.constant 0 : i32
        %dma_start3A_261 = tpu.memref_slice %arg10[%run_scoped3A_207, %add3A, %dma_start3A_259, %dma_start3A_260] : memref<3x20x16x128xf32, #tpu.memory_space<hbm>> -> memref<1x1x16x128xf32, #tpu.memory_space<hbm>>
        %dma_start3A_262 = tpu.memref_squeeze %dma_start3A_261 : memref<1x1x16x128xf32, #tpu.memory_space<hbm>> -> memref<16x128xf32, #tpu.memory_space<hbm>>
        %dma_start3A_263 = arith.constant 0 : i32
        %dma_start3A_264 = arith.constant 0 : i32
        %dma_start3A_265 = tpu.memref_slice %arg10[%run_scoped3A_207, %add3A, %dma_start3A_263, %dma_start3A_264] : memref<3x20x16x128xf32, #tpu.memory_space<hbm>> -> memref<1x1x16x128xf32, #tpu.memory_space<hbm>>
        %dma_start3A_266 = tpu.memref_squeeze %dma_start3A_265 : memref<1x1x16x128xf32, #tpu.memory_space<hbm>> -> memref<16x128xf32, #tpu.memory_space<hbm>>
        tpu.enqueue_dma source(%arg15 : memref<16x128xf32, #tpu.memory_space<vmem>>) target(%dma_start3A_266 : memref<16x128xf32, #tpu.memory_space<hbm>>) target_semaphore(%run_scoped3A_258 : memref<!tpu.dma_semaphore, #tpu.memory_space<semaphore_mem>>)
        %dma_wait3A_267 = arith.constant 0 : i32
        %dma_wait3A_268 = arith.constant 0 : i32
        %dma_wait3A_269 = tpu.memref_slice %arg10[%run_scoped3A_207, %add3A, %dma_wait3A_267, %dma_wait3A_268] : memref<3x20x16x128xf32, #tpu.memory_space<hbm>> -> memref<1x1x16x128xf32, #tpu.memory_space<hbm>>
        %dma_wait3A_270 = tpu.memref_squeeze %dma_wait3A_269 : memref<1x1x16x128xf32, #tpu.memory_space<hbm>> -> memref<16x128xf32, #tpu.memory_space<hbm>>
        %dma_wait3A_271 = arith.constant 0 : i32
        %dma_wait3A_272 = arith.constant 0 : i32
        %dma_wait3A_273 = tpu.memref_slice %arg10[%run_scoped3A_207, %add3A, %dma_wait3A_271, %dma_wait3A_272] : memref<3x20x16x128xf32, #tpu.memory_space<hbm>> -> memref<1x1x16x128xf32, #tpu.memory_space<hbm>>
        %dma_wait3A_274 = tpu.memref_squeeze %dma_wait3A_273 : memref<1x1x16x128xf32, #tpu.memory_space<hbm>> -> memref<16x128xf32, #tpu.memory_space<hbm>>
        tpu.wait_dma2 semaphore(%run_scoped3A_258 : memref<!tpu.dma_semaphore, #tpu.memory_space<semaphore_mem>>) src(%arg15 : memref<16x128xf32, #tpu.memory_space<vmem>>) dst(%dma_wait3A_274 : memref<16x128xf32, #tpu.memory_space<hbm>>)
        tpu.yield
      }) : () -> ()
      %mul3A_208 = arith.constant 3 : i32
      %mul3A_209 = vector.broadcast %mul3A_208 : i32 to vector<16xi32>
      %mul3A_210 = arith.muli %get3A_12, %mul3A_209 : vector<16xi32>
      %add3A_211 = arith.constant 1 : i32
      %add3A_212 = vector.broadcast %add3A_211 : i32 to vector<16xi32>
      %add3A_213 = arith.addi %mul3A_210, %add3A_212 : vector<16xi32>
      %mul3A_214 = arith.constant 52 : i32
      %mul3A_215 = vector.broadcast %mul3A_214 : i32 to vector<16xi32>
      %mul3A_216 = arith.muli %add3A_213, %mul3A_215 : vector<16xi32>
      %add3A_217 = arith.addi %mul3A_216, %convert_element_type3A_182 : vector<16xi32>
      %mul3A_218 = arith.constant 52 : i32
      %mul3A_219 = vector.broadcast %mul3A_218 : i32 to vector<16xi32>
      %mul3A_220 = arith.muli %add3A_217, %mul3A_219 : vector<16xi32>
      %add3A_221 = arith.addi %mul3A_220, %convert_element_type3A_178 : vector<16xi32>
      %swap3A_222 = arith.constant 0 : index
      %swap3A_223 = tpu.vector_load %arg14[%swap3A_222] {strides = array<i32>} : memref<16xi32, #tpu.memory_space<vmem>>, vector<16xi32>,
      %swap3A_224 = vector.shape_cast %swap3A_223 : vector<16xi32> to vector<16xi32>
      %swap3A_225 = vector.shape_cast %add3A_221 : vector<16xi32> to vector<16xi32>
      tpu.vector_store %arg14[%swap3A_222], %swap3A_225 {strides = array<i32>} : memref<16xi32, #tpu.memory_space<vmem>>, vector<16xi32>,
      %dma_start3A_226 = arith.constant 0 : i32
      %dma_start3A_227 = arith.constant 0 : i32
      %dma_start3A_228 = tpu.memref_slice %arg4[%dma_start3A_226, %dma_start3A_227] : memref<129792x128xf32, #tpu.memory_space<hbm>> -> memref<129792x128xf32, #tpu.memory_space<hbm>>
      tpu.enqueue_indirect_dma source(%dma_start3A_228 : memref<129792x128xf32, #tpu.memory_space<hbm>>) target(%arg15 : memref<16x128xf32, #tpu.memory_space<vmem>>) offsets(%arg14 : memref<16xi32, #tpu.memory_space<vmem>>) semaphore(%arg16 : memref<!tpu.dma_semaphore, #tpu.memory_space<semaphore_mem>>)
      %dma_wait3A_229 = arith.constant 0 : i32
      %dma_wait3A_230 = arith.constant 0 : i32
      %dma_wait3A_231 = tpu.memref_slice %arg4[%dma_wait3A_229, %dma_wait3A_230] : memref<129792x128xf32, #tpu.memory_space<hbm>> -> memref<129792x128xf32, #tpu.memory_space<hbm>>
      tpu.wait_indirect_dma semaphore(%arg16 : memref<!tpu.dma_semaphore, #tpu.memory_space<semaphore_mem>>) src(%dma_wait3A_231 : memref<129792x128xf32, #tpu.memory_space<hbm>>) dst(%arg15 : memref<16x128xf32, #tpu.memory_space<vmem>>)
      %run_scoped3A_232 = arith.constant 1 : i32
      "tpu.region"() ({
        %run_scoped3A_258 = tpu.sem_alloc : memref<!tpu.dma_semaphore, #tpu.memory_space<semaphore_mem>>
        %dma_start3A_259 = arith.constant 0 : i32
        %dma_start3A_260 = arith.constant 0 : i32
        %dma_start3A_261 = tpu.memref_slice %arg10[%run_scoped3A_232, %add3A, %dma_start3A_259, %dma_start3A_260] : memref<3x20x16x128xf32, #tpu.memory_space<hbm>> -> memref<1x1x16x128xf32, #tpu.memory_space<hbm>>
        %dma_start3A_262 = tpu.memref_squeeze %dma_start3A_261 : memref<1x1x16x128xf32, #tpu.memory_space<hbm>> -> memref<16x128xf32, #tpu.memory_space<hbm>>
        %dma_start3A_263 = arith.constant 0 : i32
        %dma_start3A_264 = arith.constant 0 : i32
        %dma_start3A_265 = tpu.memref_slice %arg10[%run_scoped3A_232, %add3A, %dma_start3A_263, %dma_start3A_264] : memref<3x20x16x128xf32, #tpu.memory_space<hbm>> -> memref<1x1x16x128xf32, #tpu.memory_space<hbm>>
        %dma_start3A_266 = tpu.memref_squeeze %dma_start3A_265 : memref<1x1x16x128xf32, #tpu.memory_space<hbm>> -> memref<16x128xf32, #tpu.memory_space<hbm>>
        tpu.enqueue_dma source(%arg15 : memref<16x128xf32, #tpu.memory_space<vmem>>) target(%dma_start3A_266 : memref<16x128xf32, #tpu.memory_space<hbm>>) target_semaphore(%run_scoped3A_258 : memref<!tpu.dma_semaphore, #tpu.memory_space<semaphore_mem>>)
        %dma_wait3A_267 = arith.constant 0 : i32
        %dma_wait3A_268 = arith.constant 0 : i32
        %dma_wait3A_269 = tpu.memref_slice %arg10[%run_scoped3A_232, %add3A, %dma_wait3A_267, %dma_wait3A_268] : memref<3x20x16x128xf32, #tpu.memory_space<hbm>> -> memref<1x1x16x128xf32, #tpu.memory_space<hbm>>
        %dma_wait3A_270 = tpu.memref_squeeze %dma_wait3A_269 : memref<1x1x16x128xf32, #tpu.memory_space<hbm>> -> memref<16x128xf32, #tpu.memory_space<hbm>>
        %dma_wait3A_271 = arith.constant 0 : i32
        %dma_wait3A_272 = arith.constant 0 : i32
        %dma_wait3A_273 = tpu.memref_slice %arg10[%run_scoped3A_232, %add3A, %dma_wait3A_271, %dma_wait3A_272] : memref<3x20x16x128xf32, #tpu.memory_space<hbm>> -> memref<1x1x16x128xf32, #tpu.memory_space<hbm>>
        %dma_wait3A_274 = tpu.memref_squeeze %dma_wait3A_273 : memref<1x1x16x128xf32, #tpu.memory_space<hbm>> -> memref<16x128xf32, #tpu.memory_space<hbm>>
        tpu.wait_dma2 semaphore(%run_scoped3A_258 : memref<!tpu.dma_semaphore, #tpu.memory_space<semaphore_mem>>) src(%arg15 : memref<16x128xf32, #tpu.memory_space<vmem>>) dst(%dma_wait3A_274 : memref<16x128xf32, #tpu.memory_space<hbm>>)
        tpu.yield
      }) : () -> ()
      %mul3A_233 = arith.constant 3 : i32
      %mul3A_234 = vector.broadcast %mul3A_233 : i32 to vector<16xi32>
      %mul3A_235 = arith.muli %get3A_12, %mul3A_234 : vector<16xi32>
      %add3A_236 = arith.constant 2 : i32
      %add3A_237 = vector.broadcast %add3A_236 : i32 to vector<16xi32>
      %add3A_238 = arith.addi %mul3A_235, %add3A_237 : vector<16xi32>
      %mul3A_239 = arith.constant 52 : i32
      %mul3A_240 = vector.broadcast %mul3A_239 : i32 to vector<16xi32>
      %mul3A_241 = arith.muli %add3A_238, %mul3A_240 : vector<16xi32>
      %add3A_242 = arith.addi %mul3A_241, %convert_element_type3A_182 : vector<16xi32>
      %mul3A_243 = arith.constant 52 : i32
      %mul3A_244 = vector.broadcast %mul3A_243 : i32 to vector<16xi32>
      %mul3A_245 = arith.muli %add3A_242, %mul3A_244 : vector<16xi32>
      %add3A_246 = arith.addi %mul3A_245, %convert_element_type3A_178 : vector<16xi32>
      %swap3A_247 = arith.constant 0 : index
      %swap3A_248 = tpu.vector_load %arg14[%swap3A_247] {strides = array<i32>} : memref<16xi32, #tpu.memory_space<vmem>>, vector<16xi32>,
      %swap3A_249 = vector.shape_cast %swap3A_248 : vector<16xi32> to vector<16xi32>
      %swap3A_250 = vector.shape_cast %add3A_246 : vector<16xi32> to vector<16xi32>
      tpu.vector_store %arg14[%swap3A_247], %swap3A_250 {strides = array<i32>} : memref<16xi32, #tpu.memory_space<vmem>>, vector<16xi32>,
      %dma_start3A_251 = arith.constant 0 : i32
      %dma_start3A_252 = arith.constant 0 : i32
      %dma_start3A_253 = tpu.memref_slice %arg4[%dma_start3A_251, %dma_start3A_252] : memref<129792x128xf32, #tpu.memory_space<hbm>> -> memref<129792x128xf32, #tpu.memory_space<hbm>>
      tpu.enqueue_indirect_dma source(%dma_start3A_253 : memref<129792x128xf32, #tpu.memory_space<hbm>>) target(%arg15 : memref<16x128xf32, #tpu.memory_space<vmem>>) offsets(%arg14 : memref<16xi32, #tpu.memory_space<vmem>>) semaphore(%arg16 : memref<!tpu.dma_semaphore, #tpu.memory_space<semaphore_mem>>)
      %dma_wait3A_254 = arith.constant 0 : i32
      %dma_wait3A_255 = arith.constant 0 : i32
      %dma_wait3A_256 = tpu.memref_slice %arg4[%dma_wait3A_254, %dma_wait3A_255] : memref<129792x128xf32, #tpu.memory_space<hbm>> -> memref<129792x128xf32, #tpu.memory_space<hbm>>
      tpu.wait_indirect_dma semaphore(%arg16 : memref<!tpu.dma_semaphore, #tpu.memory_space<semaphore_mem>>) src(%dma_wait3A_256 : memref<129792x128xf32, #tpu.memory_space<hbm>>) dst(%arg15 : memref<16x128xf32, #tpu.memory_space<vmem>>)
      %run_scoped3A_257 = arith.constant 2 : i32
      "tpu.region"() ({
        %run_scoped3A_258 = tpu.sem_alloc : memref<!tpu.dma_semaphore, #tpu.memory_space<semaphore_mem>>
        %dma_start3A_259 = arith.constant 0 : i32
        %dma_start3A_260 = arith.constant 0 : i32
        %dma_start3A_261 = tpu.memref_slice %arg10[%run_scoped3A_257, %add3A, %dma_start3A_259, %dma_start3A_260] : memref<3x20x16x128xf32, #tpu.memory_space<hbm>> -> memref<1x1x16x128xf32, #tpu.memory_space<hbm>>
        %dma_start3A_262 = tpu.memref_squeeze %dma_start3A_261 : memref<1x1x16x128xf32, #tpu.memory_space<hbm>> -> memref<16x128xf32, #tpu.memory_space<hbm>>
        %dma_start3A_263 = arith.constant 0 : i32
        %dma_start3A_264 = arith.constant 0 : i32
        %dma_start3A_265 = tpu.memref_slice %arg10[%run_scoped3A_257, %add3A, %dma_start3A_263, %dma_start3A_264] : memref<3x20x16x128xf32, #tpu.memory_space<hbm>> -> memref<1x1x16x128xf32, #tpu.memory_space<hbm>>
        %dma_start3A_266 = tpu.memref_squeeze %dma_start3A_265 : memref<1x1x16x128xf32, #tpu.memory_space<hbm>> -> memref<16x128xf32, #tpu.memory_space<hbm>>
        tpu.enqueue_dma source(%arg15 : memref<16x128xf32, #tpu.memory_space<vmem>>) target(%dma_start3A_266 : memref<16x128xf32, #tpu.memory_space<hbm>>) target_semaphore(%run_scoped3A_258 : memref<!tpu.dma_semaphore, #tpu.memory_space<semaphore_mem>>)
        %dma_wait3A_267 = arith.constant 0 : i32
        %dma_wait3A_268 = arith.constant 0 : i32
        %dma_wait3A_269 = tpu.memref_slice %arg10[%run_scoped3A_257, %add3A, %dma_wait3A_267, %dma_wait3A_268] : memref<3x20x16x128xf32, #tpu.memory_space<hbm>> -> memref<1x1x16x128xf32, #tpu.memory_space<hbm>>
        %dma_wait3A_270 = tpu.memref_squeeze %dma_wait3A_269 : memref<1x1x16x128xf32, #tpu.memory_space<hbm>> -> memref<16x128xf32, #tpu.memory_space<hbm>>
        %dma_wait3A_271 = arith.constant 0 : i32
        %dma_wait3A_272 = arith.constant 0 : i32
        %dma_wait3A_273 = tpu.memref_slice %arg10[%run_scoped3A_257, %add3A, %dma_wait3A_271, %dma_wait3A_272] : memref<3x20x16x128xf32, #tpu.memory_space<hbm>> -> memref<1x1x16x128xf32, #tpu.memory_space<hbm>>
        %dma_wait3A_274 = tpu.memref_squeeze %dma_wait3A_273 : memref<1x1x16x128xf32, #tpu.memory_space<hbm>> -> memref<16x128xf32, #tpu.memory_space<hbm>>
        tpu.wait_dma2 semaphore(%run_scoped3A_258 : memref<!tpu.dma_semaphore, #tpu.memory_space<semaphore_mem>>) src(%arg15 : memref<16x128xf32, #tpu.memory_space<vmem>>) dst(%dma_wait3A_274 : memref<16x128xf32, #tpu.memory_space<hbm>>)
        tpu.yield
      }) : () -> ()
    } else {
    }
    return
  }
}

module attributes {stable_mosaic.version = 14 : i64} {
  func.func @_pad_conf_body(%arg0: i32, %arg1: memref<8112x85xf32, #tpu.memory_space<vmem>>, %arg2: memref<8112x128xf32, #tpu.memory_space<vmem>>, %arg3: memref<1x1xf32, #tpu.memory_space<vmem>>) attributes {dimension_semantics = [#tpu.dimension_semantics<arbitrary>], iteration_bounds = array<i64: 16>, scalar_prefetch = 0 : i64, scratch_operands = 0 : i64, tpu.core_type = #tpu.core_type<tc>, window_params = [{transform_indices = @transform_0, window_bounds = array<i64: 8112, 85>}, {transform_indices = @transform_1, window_bounds = array<i64: 8112, 128>}, {pipeline_mode = #tpu.pipeline_mode<synchronous>, transform_indices = @transform_2, window_bounds = array<i64: 1, 1>}]} {
    %eq3A = arith.constant 0 : i32
    %eq3A_0 = arith.cmpi eq, %arg0, %eq3A : i32
    %convert_element_type3A = arith.extui %eq3A_0 : i1 to i32
    %cond3A = arith.constant 0 : i32
    %cond3A_1 = arith.cmpi ne, %convert_element_type3A, %cond3A : i32
    scf.if %cond3A_1 {
      %broadcast_in_dim3A_23 = arith.constant 0.000000e+00 : f32
      %broadcast_in_dim3A_24 = vector.broadcast %broadcast_in_dim3A_23 : f32 to vector<1x1xf32>
      %swap3A_25 = arith.constant 0 : index
      %swap3A_26 = arith.constant 0 : index
      %swap3A_27 = vector.load %arg3[%swap3A_25, %swap3A_26] : memref<1x1xf32, #tpu.memory_space<vmem>>, vector<1x1xf32>
      tpu.vector_store %arg3[%swap3A_25, %swap3A_26], %broadcast_in_dim3A_24 {strides = array<i32>} : memref<1x1xf32, #tpu.memory_space<vmem>>, vector<1x1xf32>,
    } else {
    }
    %get3A = arith.constant 0 : index
    %get3A_2 = arith.constant 0 : index
    %get3A_3 = vector.load %arg1[%get3A, %get3A_2] : memref<8112x85xf32, #tpu.memory_space<vmem>>, vector<8112x85xf32>
    %broadcast_in_dim3A = arith.constant 0.000000e+00 : f32
    %broadcast_in_dim3A_4 = vector.broadcast %broadcast_in_dim3A : f32 to vector<8112x43xf32>
    %concatenate3A = tpu.concatenate %get3A_3, %broadcast_in_dim3A_4 in 1 : vector<8112x85xf32>, vector<8112x43xf32> -> vector<8112x128xf32>
    %swap3A = arith.constant 0 : index
    %swap3A_5 = arith.constant 0 : index
    %swap3A_6 = vector.load %arg2[%swap3A, %swap3A_5] : memref<8112x128xf32, #tpu.memory_space<vmem>>, vector<8112x128xf32>
    tpu.vector_store %arg2[%swap3A, %swap3A_5], %concatenate3A {strides = array<i32>} : memref<8112x128xf32, #tpu.memory_space<vmem>>, vector<8112x128xf32>,
    %get3A_7 = arith.constant 0 : index
    %get3A_8 = arith.constant 0 : index
    %get3A_9 = vector.load %arg3[%get3A_7, %get3A_8] : memref<1x1xf32, #tpu.memory_space<vmem>>, vector<1x1xf32>
    %slice3A = vector.extract_strided_slice %get3A_3 {offsets = [0, 4], sizes = [8112, 1], strides = [1, 1]} : vector<8112x85xf32> to vector<8112x1xf32>
    %max3A = arith.constant 0.000000e+00 : f32
    %max3A_10 = vector.broadcast %max3A : f32 to vector<8112x1xf32>
    %max3A_11 = arith.maximumf %slice3A, %max3A_10 : vector<8112x1xf32>
    %abs3A = math.absf %slice3A : vector<8112x1xf32>
    %neg3A = arith.constant 0.000000e+00 : f32
    %neg3A_12 = vector.broadcast %neg3A : f32 to vector<8112x1xf32>
    %neg3A_13 = arith.subf %neg3A_12, %abs3A : vector<8112x1xf32>
    %exp3A = math.exp %neg3A_13 : vector<8112x1xf32>
    %log1p3A = math.log1p %exp3A : vector<8112x1xf32>
    %add3A = arith.addf %max3A_11, %log1p3A : vector<8112x1xf32>
    %reduce_sum3A = vector.shape_cast %add3A : vector<8112x1xf32> to vector<1x8112x1xf32>
    %reduce_sum3A_14 = arith.constant dense<0.000000e+00> : vector<1xf32>
    %reduce_sum3A_15 = vector.multi_reduction <add>, %reduce_sum3A, %reduce_sum3A_14 [1, 2] : vector<1x8112x1xf32> to vector<1xf32>
    %reduce_sum3A_16 = vector.shape_cast %reduce_sum3A_15 : vector<1xf32> to vector<1x1x1xf32>
    %reduce_sum3A_17 = vector.extract %reduce_sum3A_16[0, 0, 0] : f32 from vector<1x1x1xf32>
    %broadcast_in_dim3A_18 = vector.broadcast %reduce_sum3A_17 : f32 to vector<1x1xf32>
    %add3A_19 = arith.addf %get3A_9, %broadcast_in_dim3A_18 : vector<1x1xf32>
    %swap3A_20 = arith.constant 0 : index
    %swap3A_21 = arith.constant 0 : index
    %swap3A_22 = vector.load %arg3[%swap3A_20, %swap3A_21] : memref<1x1xf32, #tpu.memory_space<vmem>>, vector<1x1xf32>
    tpu.vector_store %arg3[%swap3A_20, %swap3A_21], %add3A_19 {strides = array<i32>} : memref<1x1xf32, #tpu.memory_space<vmem>>, vector<1x1xf32>,
    return
  }
  func.func @transform_0(%arg0: i32) -> (i32, i32) {
    %c0_i32 = arith.constant 0 : i32
    %c0_i32_0 = arith.constant 0 : i32
    return %arg0, %c0_i32 : i32, i32
  }
  func.func @transform_1(%arg0: i32) -> (i32, i32) {
    %c0_i32 = arith.constant 0 : i32
    %c0_i32_0 = arith.constant 0 : i32
    return %arg0, %c0_i32 : i32, i32
  }
  func.func @transform_2(%arg0: i32) -> (i32, i32) {
    %c0_i32 = arith.constant 0 : i32
    %c0_i32_0 = arith.constant 0 : i32
    %c0_i32_1 = arith.constant 0 : i32
    return %c0_i32, %c0_i32_0 : i32, i32
  }
}

module attributes {stable_mosaic.version = 14 : i64} {
  func.func @_pad_conf_body(%arg0: i32, %arg1: memref<8112x85xf32, #tpu.memory_space<vmem>>, %arg2: memref<8112x128xf32, #tpu.memory_space<vmem>>, %arg3: memref<1x1xf32, #tpu.memory_space<vmem>>) attributes {dimension_semantics = [#tpu.dimension_semantics<arbitrary>], iteration_bounds = array<i64: 4>, scalar_prefetch = 0 : i64, scratch_operands = 0 : i64, tpu.core_type = #tpu.core_type<tc>, window_params = [{transform_indices = @transform_0, window_bounds = array<i64: 8112, 85>}, {transform_indices = @transform_1, window_bounds = array<i64: 8112, 128>}, {pipeline_mode = #tpu.pipeline_mode<synchronous>, transform_indices = @transform_2, window_bounds = array<i64: 1, 1>}]} {
    %eq3A = arith.constant 0 : i32
    %eq3A_0 = arith.cmpi eq, %arg0, %eq3A : i32
    %convert_element_type3A = arith.extui %eq3A_0 : i1 to i32
    %cond3A = arith.constant 0 : i32
    %cond3A_1 = arith.cmpi ne, %convert_element_type3A, %cond3A : i32
    scf.if %cond3A_1 {
      %broadcast_in_dim3A_23 = arith.constant 0.000000e+00 : f32
      %broadcast_in_dim3A_24 = vector.broadcast %broadcast_in_dim3A_23 : f32 to vector<1x1xf32>
      %swap3A_25 = arith.constant 0 : index
      %swap3A_26 = arith.constant 0 : index
      %swap3A_27 = vector.load %arg3[%swap3A_25, %swap3A_26] : memref<1x1xf32, #tpu.memory_space<vmem>>, vector<1x1xf32>
      tpu.vector_store %arg3[%swap3A_25, %swap3A_26], %broadcast_in_dim3A_24 {strides = array<i32>} : memref<1x1xf32, #tpu.memory_space<vmem>>, vector<1x1xf32>,
    } else {
    }
    %get3A = arith.constant 0 : index
    %get3A_2 = arith.constant 0 : index
    %get3A_3 = vector.load %arg1[%get3A, %get3A_2] : memref<8112x85xf32, #tpu.memory_space<vmem>>, vector<8112x85xf32>
    %broadcast_in_dim3A = arith.constant 0.000000e+00 : f32
    %broadcast_in_dim3A_4 = vector.broadcast %broadcast_in_dim3A : f32 to vector<8112x43xf32>
    %concatenate3A = tpu.concatenate %get3A_3, %broadcast_in_dim3A_4 in 1 : vector<8112x85xf32>, vector<8112x43xf32> -> vector<8112x128xf32>
    %swap3A = arith.constant 0 : index
    %swap3A_5 = arith.constant 0 : index
    %swap3A_6 = vector.load %arg2[%swap3A, %swap3A_5] : memref<8112x128xf32, #tpu.memory_space<vmem>>, vector<8112x128xf32>
    tpu.vector_store %arg2[%swap3A, %swap3A_5], %concatenate3A {strides = array<i32>} : memref<8112x128xf32, #tpu.memory_space<vmem>>, vector<8112x128xf32>,
    %get3A_7 = arith.constant 0 : index
    %get3A_8 = arith.constant 0 : index
    %get3A_9 = vector.load %arg3[%get3A_7, %get3A_8] : memref<1x1xf32, #tpu.memory_space<vmem>>, vector<1x1xf32>
    %slice3A = vector.extract_strided_slice %get3A_3 {offsets = [0, 4], sizes = [8112, 1], strides = [1, 1]} : vector<8112x85xf32> to vector<8112x1xf32>
    %max3A = arith.constant 0.000000e+00 : f32
    %max3A_10 = vector.broadcast %max3A : f32 to vector<8112x1xf32>
    %max3A_11 = arith.maximumf %slice3A, %max3A_10 : vector<8112x1xf32>
    %abs3A = math.absf %slice3A : vector<8112x1xf32>
    %neg3A = arith.constant 0.000000e+00 : f32
    %neg3A_12 = vector.broadcast %neg3A : f32 to vector<8112x1xf32>
    %neg3A_13 = arith.subf %neg3A_12, %abs3A : vector<8112x1xf32>
    %exp3A = math.exp %neg3A_13 : vector<8112x1xf32>
    %log1p3A = math.log1p %exp3A : vector<8112x1xf32>
    %add3A = arith.addf %max3A_11, %log1p3A : vector<8112x1xf32>
    %reduce_sum3A = vector.shape_cast %add3A : vector<8112x1xf32> to vector<1x8112x1xf32>
    %reduce_sum3A_14 = arith.constant dense<0.000000e+00> : vector<1xf32>
    %reduce_sum3A_15 = vector.multi_reduction <add>, %reduce_sum3A, %reduce_sum3A_14 [1, 2] : vector<1x8112x1xf32> to vector<1xf32>
    %reduce_sum3A_16 = vector.shape_cast %reduce_sum3A_15 : vector<1xf32> to vector<1x1x1xf32>
    %reduce_sum3A_17 = vector.extract %reduce_sum3A_16[0, 0, 0] : f32 from vector<1x1x1xf32>
    %broadcast_in_dim3A_18 = vector.broadcast %reduce_sum3A_17 : f32 to vector<1x1xf32>
    %add3A_19 = arith.addf %get3A_9, %broadcast_in_dim3A_18 : vector<1x1xf32>
    %swap3A_20 = arith.constant 0 : index
    %swap3A_21 = arith.constant 0 : index
    %swap3A_22 = vector.load %arg3[%swap3A_20, %swap3A_21] : memref<1x1xf32, #tpu.memory_space<vmem>>, vector<1x1xf32>
    tpu.vector_store %arg3[%swap3A_20, %swap3A_21], %add3A_19 {strides = array<i32>} : memref<1x1xf32, #tpu.memory_space<vmem>>, vector<1x1xf32>,
    return
  }
  func.func @transform_0(%arg0: i32) -> (i32, i32) {
    %c0_i32 = arith.constant 0 : i32
    %c0_i32_0 = arith.constant 0 : i32
    return %arg0, %c0_i32 : i32, i32
  }
  func.func @transform_1(%arg0: i32) -> (i32, i32) {
    %c0_i32 = arith.constant 0 : i32
    %c0_i32_0 = arith.constant 0 : i32
    return %arg0, %c0_i32 : i32, i32
  }
  func.func @transform_2(%arg0: i32) -> (i32, i32) {
    %c0_i32 = arith.constant 0 : i32
    %c0_i32_0 = arith.constant 0 : i32
    %c0_i32_1 = arith.constant 0 : i32
    return %c0_i32, %c0_i32_0 : i32, i32
  }
}

module attributes {stable_mosaic.version = 14 : i64} {
  func.func @_pad_conf_body(%arg0: i32, %arg1: memref<8112x85xf32, #tpu.memory_space<vmem>>, %arg2: memref<8112x128xf32, #tpu.memory_space<vmem>>, %arg3: memref<1x1xf32, #tpu.memory_space<vmem>>) attributes {dimension_semantics = [#tpu.dimension_semantics<arbitrary>], iteration_bounds = array<i64: 1>, scalar_prefetch = 0 : i64, scratch_operands = 0 : i64, tpu.core_type = #tpu.core_type<tc>, window_params = [{transform_indices = @transform_0, window_bounds = array<i64: 8112, 85>}, {transform_indices = @transform_1, window_bounds = array<i64: 8112, 128>}, {pipeline_mode = #tpu.pipeline_mode<synchronous>, transform_indices = @transform_2, window_bounds = array<i64: 1, 1>}]} {
    %eq3A = arith.constant 0 : i32
    %eq3A_0 = arith.cmpi eq, %arg0, %eq3A : i32
    %convert_element_type3A = arith.extui %eq3A_0 : i1 to i32
    %cond3A = arith.constant 0 : i32
    %cond3A_1 = arith.cmpi ne, %convert_element_type3A, %cond3A : i32
    scf.if %cond3A_1 {
      %broadcast_in_dim3A_23 = arith.constant 0.000000e+00 : f32
      %broadcast_in_dim3A_24 = vector.broadcast %broadcast_in_dim3A_23 : f32 to vector<1x1xf32>
      %swap3A_25 = arith.constant 0 : index
      %swap3A_26 = arith.constant 0 : index
      %swap3A_27 = vector.load %arg3[%swap3A_25, %swap3A_26] : memref<1x1xf32, #tpu.memory_space<vmem>>, vector<1x1xf32>
      tpu.vector_store %arg3[%swap3A_25, %swap3A_26], %broadcast_in_dim3A_24 {strides = array<i32>} : memref<1x1xf32, #tpu.memory_space<vmem>>, vector<1x1xf32>,
    } else {
    }
    %get3A = arith.constant 0 : index
    %get3A_2 = arith.constant 0 : index
    %get3A_3 = vector.load %arg1[%get3A, %get3A_2] : memref<8112x85xf32, #tpu.memory_space<vmem>>, vector<8112x85xf32>
    %broadcast_in_dim3A = arith.constant 0.000000e+00 : f32
    %broadcast_in_dim3A_4 = vector.broadcast %broadcast_in_dim3A : f32 to vector<8112x43xf32>
    %concatenate3A = tpu.concatenate %get3A_3, %broadcast_in_dim3A_4 in 1 : vector<8112x85xf32>, vector<8112x43xf32> -> vector<8112x128xf32>
    %swap3A = arith.constant 0 : index
    %swap3A_5 = arith.constant 0 : index
    %swap3A_6 = vector.load %arg2[%swap3A, %swap3A_5] : memref<8112x128xf32, #tpu.memory_space<vmem>>, vector<8112x128xf32>
    tpu.vector_store %arg2[%swap3A, %swap3A_5], %concatenate3A {strides = array<i32>} : memref<8112x128xf32, #tpu.memory_space<vmem>>, vector<8112x128xf32>,
    %get3A_7 = arith.constant 0 : index
    %get3A_8 = arith.constant 0 : index
    %get3A_9 = vector.load %arg3[%get3A_7, %get3A_8] : memref<1x1xf32, #tpu.memory_space<vmem>>, vector<1x1xf32>
    %slice3A = vector.extract_strided_slice %get3A_3 {offsets = [0, 4], sizes = [8112, 1], strides = [1, 1]} : vector<8112x85xf32> to vector<8112x1xf32>
    %max3A = arith.constant 0.000000e+00 : f32
    %max3A_10 = vector.broadcast %max3A : f32 to vector<8112x1xf32>
    %max3A_11 = arith.maximumf %slice3A, %max3A_10 : vector<8112x1xf32>
    %abs3A = math.absf %slice3A : vector<8112x1xf32>
    %neg3A = arith.constant 0.000000e+00 : f32
    %neg3A_12 = vector.broadcast %neg3A : f32 to vector<8112x1xf32>
    %neg3A_13 = arith.subf %neg3A_12, %abs3A : vector<8112x1xf32>
    %exp3A = math.exp %neg3A_13 : vector<8112x1xf32>
    %log1p3A = math.log1p %exp3A : vector<8112x1xf32>
    %add3A = arith.addf %max3A_11, %log1p3A : vector<8112x1xf32>
    %reduce_sum3A = vector.shape_cast %add3A : vector<8112x1xf32> to vector<1x8112x1xf32>
    %reduce_sum3A_14 = arith.constant dense<0.000000e+00> : vector<1xf32>
    %reduce_sum3A_15 = vector.multi_reduction <add>, %reduce_sum3A, %reduce_sum3A_14 [1, 2] : vector<1x8112x1xf32> to vector<1xf32>
    %reduce_sum3A_16 = vector.shape_cast %reduce_sum3A_15 : vector<1xf32> to vector<1x1x1xf32>
    %reduce_sum3A_17 = vector.extract %reduce_sum3A_16[0, 0, 0] : f32 from vector<1x1x1xf32>
    %broadcast_in_dim3A_18 = vector.broadcast %reduce_sum3A_17 : f32 to vector<1x1xf32>
    %add3A_19 = arith.addf %get3A_9, %broadcast_in_dim3A_18 : vector<1x1xf32>
    %swap3A_20 = arith.constant 0 : index
    %swap3A_21 = arith.constant 0 : index
    %swap3A_22 = vector.load %arg3[%swap3A_20, %swap3A_21] : memref<1x1xf32, #tpu.memory_space<vmem>>, vector<1x1xf32>
    tpu.vector_store %arg3[%swap3A_20, %swap3A_21], %add3A_19 {strides = array<i32>} : memref<1x1xf32, #tpu.memory_space<vmem>>, vector<1x1xf32>,
    return
  }
  func.func @transform_0(%arg0: i32) -> (i32, i32) {
    %c0_i32 = arith.constant 0 : i32
    %c0_i32_0 = arith.constant 0 : i32
    return %arg0, %c0_i32 : i32, i32
  }
  func.func @transform_1(%arg0: i32) -> (i32, i32) {
    %c0_i32 = arith.constant 0 : i32
    %c0_i32_0 = arith.constant 0 : i32
    return %arg0, %c0_i32 : i32, i32
  }
  func.func @transform_2(%arg0: i32) -> (i32, i32) {
    %c0_i32 = arith.constant 0 : i32
    %c0_i32_0 = arith.constant 0 : i32
    %c0_i32_1 = arith.constant 0 : i32
    return %c0_i32, %c0_i32_0 : i32, i32
  }
}

module attributes {stable_mosaic.version = 14 : i64} {
  func.func @_tc_loss_body(%arg0: memref<3x320x128xf32, #tpu.memory_space<vmem>>, %arg1: memref<3x320x128xf32, #tpu.memory_space<vmem>>, %arg2: memref<3x320x128xf32, #tpu.memory_space<vmem>>, %arg3: memref<1x1xf32, #tpu.memory_space<vmem>>, %arg4: memref<1x1xf32, #tpu.memory_space<vmem>>, %arg5: memref<1x1xf32, #tpu.memory_space<vmem>>, %arg6: memref<1x320xf32, #tpu.memory_space<vmem>>, %arg7: memref<1x320xf32, #tpu.memory_space<vmem>>, %arg8: memref<1x320xf32, #tpu.memory_space<vmem>>, %arg9: memref<1x320xf32, #tpu.memory_space<vmem>>, %arg10: memref<1x320xf32, #tpu.memory_space<vmem>>, %arg11: memref<320x1xf32, #tpu.memory_space<vmem>>, %arg12: memref<320x1xf32, #tpu.memory_space<vmem>>, %arg13: memref<320x1xf32, #tpu.memory_space<vmem>>, %arg14: memref<320x1xf32, #tpu.memory_space<vmem>>, %arg15: memref<320x1xf32, #tpu.memory_space<vmem>>, %arg16: memref<1x1xf32, #tpu.memory_space<vmem>>) attributes {dimension_semantics = [], scalar_prefetch = 0 : i64, scratch_operands = 0 : i64, tpu.core_type = #tpu.core_type<tc>} {
    %iota3A = tpu.iota {dimensions = array<i32: 1>} : vector<1x320xi32>
    %iota3A_0 = tpu.iota {dimensions = array<i32: 0>} : vector<320x1xi32>
    %get3A = arith.constant 0 : index
    %get3A_1 = arith.constant 0 : index
    %get3A_2 = vector.load %arg10[%get3A, %get3A_1] : memref<1x320xf32, #tpu.memory_space<vmem>>, vector<1x320xf32>
    %convert_element_type3A = arith.fptosi %get3A_2 : vector<1x320xf32> to vector<1x320xi32>
    %get3A_3 = arith.constant 0 : index
    %get3A_4 = arith.constant 0 : index
    %get3A_5 = vector.load %arg15[%get3A_3, %get3A_4] : memref<320x1xf32, #tpu.memory_space<vmem>>, vector<320x1xf32>
    %convert_element_type3A_6 = arith.fptosi %get3A_5 : vector<320x1xf32> to vector<320x1xi32>
    %get3A_7 = arith.constant 0 : index
    %get3A_8 = arith.constant 0 : index
    %get3A_9 = vector.load %arg11[%get3A_7, %get3A_8] : memref<320x1xf32, #tpu.memory_space<vmem>>, vector<320x1xf32>
    %get3A_10 = arith.constant 0 : index
    %get3A_11 = arith.constant 0 : index
    %get3A_12 = vector.load %arg12[%get3A_10, %get3A_11] : memref<320x1xf32, #tpu.memory_space<vmem>>, vector<320x1xf32>
    %get3A_13 = arith.constant 0 : index
    %get3A_14 = arith.constant 0 : index
    %get3A_15 = vector.load %arg13[%get3A_13, %get3A_14] : memref<320x1xf32, #tpu.memory_space<vmem>>, vector<320x1xf32>
    %get3A_16 = arith.constant 0 : index
    %get3A_17 = arith.constant 0 : index
    %get3A_18 = vector.load %arg14[%get3A_16, %get3A_17] : memref<320x1xf32, #tpu.memory_space<vmem>>, vector<320x1xf32>
    %mul3A = arith.constant 1.300000e+01 : f32
    %mul3A_19 = vector.broadcast %mul3A : f32 to vector<320x1xf32>
    %mul3A_20 = arith.mulf %get3A_9, %mul3A_19 : vector<320x1xf32>
    %convert_element_type3A_21 = arith.fptosi %mul3A_20 : vector<320x1xf32> to vector<320x1xi32>
    %mul3A_22 = arith.constant 1.300000e+01 : f32
    %mul3A_23 = vector.broadcast %mul3A_22 : f32 to vector<320x1xf32>
    %mul3A_24 = arith.mulf %get3A_12, %mul3A_23 : vector<320x1xf32>
    %convert_element_type3A_25 = arith.fptosi %mul3A_24 : vector<320x1xf32> to vector<320x1xi32>
    %mul3A_26 = arith.constant 1.300000e+01 : f32
    %mul3A_27 = vector.broadcast %mul3A_26 : f32 to vector<320x1xf32>
    %mul3A_28 = arith.mulf %get3A_15, %mul3A_27 : vector<320x1xf32>
    %mul3A_29 = arith.constant 1.300000e+01 : f32
    %mul3A_30 = vector.broadcast %mul3A_29 : f32 to vector<320x1xf32>
    %mul3A_31 = arith.mulf %get3A_18, %mul3A_30 : vector<320x1xf32>
    %min3A = arith.constant 0.278846145 : f32
    %min3A_32 = vector.broadcast %min3A : f32 to vector<320x1xf32>
    %min3A_33 = arith.minimumf %mul3A_28, %min3A_32 : vector<320x1xf32>
    %min3A_34 = arith.constant 0.21634616 : f32
    %min3A_35 = vector.broadcast %min3A_34 : f32 to vector<320x1xf32>
    %min3A_36 = arith.minimumf %mul3A_31, %min3A_35 : vector<320x1xf32>
    %mul3A_37 = arith.mulf %min3A_33, %min3A_36 : vector<320x1xf32>
    %mul3A_38 = arith.mulf %mul3A_28, %mul3A_31 : vector<320x1xf32>
    %add3A = arith.constant 0.0603272914 : f32
    %add3A_39 = vector.broadcast %add3A : f32 to vector<320x1xf32>
    %add3A_40 = arith.addf %mul3A_38, %add3A_39 : vector<320x1xf32>
    %sub3A = arith.subf %add3A_40, %mul3A_37 : vector<320x1xf32>
    %add3A_41 = arith.constant 9.99999997E-7 : f32
    %add3A_42 = vector.broadcast %add3A_41 : f32 to vector<320x1xf32>
    %add3A_43 = arith.addf %sub3A, %add3A_42 : vector<320x1xf32>
    %div3A = arith.divf %mul3A_37, %add3A_43 : vector<320x1xf32>
    %min3A_44 = arith.constant 3.750000e-01 : f32
    %min3A_45 = vector.broadcast %min3A_44 : f32 to vector<320x1xf32>
    %min3A_46 = arith.minimumf %mul3A_28, %min3A_45 : vector<320x1xf32>
    %min3A_47 = arith.constant 0.475961536 : f32
    %min3A_48 = vector.broadcast %min3A_47 : f32 to vector<320x1xf32>
    %min3A_49 = arith.minimumf %mul3A_31, %min3A_48 : vector<320x1xf32>
    %mul3A_50 = arith.mulf %min3A_46, %min3A_49 : vector<320x1xf32>
    %mul3A_51 = arith.mulf %mul3A_28, %mul3A_31 : vector<320x1xf32>
    %add3A_52 = arith.constant 0.178485572 : f32
    %add3A_53 = vector.broadcast %add3A_52 : f32 to vector<320x1xf32>
    %add3A_54 = arith.addf %mul3A_51, %add3A_53 : vector<320x1xf32>
    %sub3A_55 = arith.subf %add3A_54, %mul3A_50 : vector<320x1xf32>
    %add3A_56 = arith.constant 9.99999997E-7 : f32
    %add3A_57 = vector.broadcast %add3A_56 : f32 to vector<320x1xf32>
    %add3A_58 = arith.addf %sub3A_55, %add3A_57 : vector<320x1xf32>
    %div3A_59 = arith.divf %mul3A_50, %add3A_58 : vector<320x1xf32>
    %min3A_60 = arith.constant 0.896634638 : f32
    %min3A_61 = vector.broadcast %min3A_60 : f32 to vector<320x1xf32>
    %min3A_62 = arith.minimumf %mul3A_28, %min3A_61 : vector<320x1xf32>
    %min3A_63 = arith.constant 0.783653855 : f32
    %min3A_64 = vector.broadcast %min3A_63 : f32 to vector<320x1xf32>
    %min3A_65 = arith.minimumf %mul3A_31, %min3A_64 : vector<320x1xf32>
    %mul3A_66 = arith.mulf %min3A_62, %min3A_65 : vector<320x1xf32>
    %mul3A_67 = arith.mulf %mul3A_28, %mul3A_31 : vector<320x1xf32>
    %add3A_68 = arith.constant 0.702651143 : f32
    %add3A_69 = vector.broadcast %add3A_68 : f32 to vector<320x1xf32>
    %add3A_70 = arith.addf %mul3A_67, %add3A_69 : vector<320x1xf32>
    %sub3A_71 = arith.subf %add3A_70, %mul3A_66 : vector<320x1xf32>
    %add3A_72 = arith.constant 9.99999997E-7 : f32
    %add3A_73 = vector.broadcast %add3A_72 : f32 to vector<320x1xf32>
    %add3A_74 = arith.addf %sub3A_71, %add3A_73 : vector<320x1xf32>
    %div3A_75 = arith.divf %mul3A_66, %add3A_74 : vector<320x1xf32>
    %gt3A = arith.cmpf ogt, %div3A_59, %div3A : vector<320x1xf32>
    %jit3A = arith.constant 1 : i32
    %jit3A_76 = arith.constant 0 : i32
    %broadcast_in_dim3A = vector.broadcast %jit3A : i32 to vector<320x1xi32>
    %broadcast_in_dim3A_77 = vector.broadcast %jit3A_76 : i32 to vector<320x1xi32>
    %select_n3A = arith.select %gt3A, %broadcast_in_dim3A, %broadcast_in_dim3A_77 : vector<320x1xi1>, vector<320x1xi32>
    %max3A = arith.maximumf %div3A, %div3A_59 : vector<320x1xf32>
    %gt3A_78 = arith.cmpf ogt, %div3A_75, %max3A : vector<320x1xf32>
    %jit3A_79 = arith.constant 2 : i32
    %broadcast_in_dim3A_80 = vector.broadcast %jit3A_79 : i32 to vector<320x1xi32>
    %select_n3A_81 = arith.select %gt3A_78, %broadcast_in_dim3A_80, %select_n3A : vector<320x1xi1>, vector<320x1xi32>
    %jit3A_82 = arith.constant 20 : i32
    %div3A_83 = vector.broadcast %jit3A_82 : i32 to vector<320x1xi32>
    %div3A_84 = arith.divsi %iota3A_0, %div3A_83 : vector<320x1xi32>
    %sign3A = arith.constant 0 : i32
    %sign3A_85 = vector.broadcast %sign3A : i32 to vector<320x1xi32>
    %sign3A_86 = arith.cmpi sgt, %iota3A_0, %sign3A_85 : vector<320x1xi32>
    %sign3A_87 = arith.extui %sign3A_86 : vector<320x1xi1> to vector<320x1xi32>
    %sign3A_88 = arith.constant 0 : i32
    %sign3A_89 = vector.broadcast %sign3A_88 : i32 to vector<320x1xi32>
    %sign3A_90 = arith.cmpi slt, %iota3A_0, %sign3A_89 : vector<320x1xi32>
    %sign3A_91 = arith.extui %sign3A_90 : vector<320x1xi1> to vector<320x1xi32>
    %sign3A_92 = arith.subi %sign3A_87, %sign3A_91 : vector<320x1xi32>
    %sign3A_93 = arith.constant 0 : i32
    %sign3A_94 = arith.cmpi sgt, %jit3A_82, %sign3A_93 : i32
    %sign3A_95 = arith.extui %sign3A_94 : i1 to i32
    %sign3A_96 = arith.constant 0 : i32
    %sign3A_97 = arith.cmpi slt, %jit3A_82, %sign3A_96 : i32
    %sign3A_98 = arith.extui %sign3A_97 : i1 to i32
    %sign3A_99 = arith.subi %sign3A_95, %sign3A_98 : i32
    %ne3A = vector.broadcast %sign3A_99 : i32 to vector<320x1xi32>
    %ne3A_100 = arith.cmpi ne, %sign3A_92, %ne3A : vector<320x1xi32>
    %rem3A = vector.broadcast %jit3A_82 : i32 to vector<320x1xi32>
    %rem3A_101 = arith.remsi %iota3A_0, %rem3A : vector<320x1xi32>
    %ne3A_102 = arith.constant 0 : i32
    %ne3A_103 = vector.broadcast %ne3A_102 : i32 to vector<320x1xi32>
    %ne3A_104 = arith.cmpi ne, %rem3A_101, %ne3A_103 : vector<320x1xi32>
    %and3A = arith.andi %ne3A_100, %ne3A_104 : vector<320x1xi1>
    %sub3A_105 = arith.constant 1 : i32
    %sub3A_106 = vector.broadcast %sub3A_105 : i32 to vector<320x1xi32>
    %sub3A_107 = arith.subi %div3A_84, %sub3A_106 : vector<320x1xi32>
    %select_n3A_108 = arith.select %and3A, %sub3A_107, %div3A_84 : vector<320x1xi1>, vector<320x1xi32>
    %mul3A_109 = arith.constant 3 : i32
    %mul3A_110 = vector.broadcast %mul3A_109 : i32 to vector<320x1xi32>
    %mul3A_111 = arith.muli %select_n3A_108, %mul3A_110 : vector<320x1xi32>
    %add3A_112 = arith.constant 0 : i32
    %add3A_113 = vector.broadcast %add3A_112 : i32 to vector<320x1xi32>
    %add3A_114 = arith.addi %mul3A_111, %add3A_113 : vector<320x1xi32>
    %mul3A_115 = arith.constant 13 : i32
    %mul3A_116 = vector.broadcast %mul3A_115 : i32 to vector<320x1xi32>
    %mul3A_117 = arith.muli %add3A_114, %mul3A_116 : vector<320x1xi32>
    %add3A_118 = arith.addi %mul3A_117, %convert_element_type3A_25 : vector<320x1xi32>
    %mul3A_119 = arith.constant 13 : i32
    %mul3A_120 = vector.broadcast %mul3A_119 : i32 to vector<320x1xi32>
    %mul3A_121 = arith.muli %add3A_118, %mul3A_120 : vector<320x1xi32>
    %add3A_122 = arith.addi %mul3A_121, %convert_element_type3A_21 : vector<320x1xi32>
    %mul3A_123 = arith.constant 3 : i32
    %mul3A_124 = vector.broadcast %mul3A_123 : i32 to vector<320x1xi32>
    %mul3A_125 = arith.muli %select_n3A_108, %mul3A_124 : vector<320x1xi32>
    %add3A_126 = arith.constant 1 : i32
    %add3A_127 = vector.broadcast %add3A_126 : i32 to vector<320x1xi32>
    %add3A_128 = arith.addi %mul3A_125, %add3A_127 : vector<320x1xi32>
    %mul3A_129 = arith.constant 13 : i32
    %mul3A_130 = vector.broadcast %mul3A_129 : i32 to vector<320x1xi32>
    %mul3A_131 = arith.muli %add3A_128, %mul3A_130 : vector<320x1xi32>
    %add3A_132 = arith.addi %mul3A_131, %convert_element_type3A_25 : vector<320x1xi32>
    %mul3A_133 = arith.constant 13 : i32
    %mul3A_134 = vector.broadcast %mul3A_133 : i32 to vector<320x1xi32>
    %mul3A_135 = arith.muli %add3A_132, %mul3A_134 : vector<320x1xi32>
    %add3A_136 = arith.addi %mul3A_135, %convert_element_type3A_21 : vector<320x1xi32>
    %mul3A_137 = arith.constant 3 : i32
    %mul3A_138 = vector.broadcast %mul3A_137 : i32 to vector<320x1xi32>
    %mul3A_139 = arith.muli %select_n3A_108, %mul3A_138 : vector<320x1xi32>
    %add3A_140 = arith.constant 2 : i32
    %add3A_141 = vector.broadcast %add3A_140 : i32 to vector<320x1xi32>
    %add3A_142 = arith.addi %mul3A_139, %add3A_141 : vector<320x1xi32>
    %mul3A_143 = arith.constant 13 : i32
    %mul3A_144 = vector.broadcast %mul3A_143 : i32 to vector<320x1xi32>
    %mul3A_145 = arith.muli %add3A_142, %mul3A_144 : vector<320x1xi32>
    %add3A_146 = arith.addi %mul3A_145, %convert_element_type3A_25 : vector<320x1xi32>
    %mul3A_147 = arith.constant 13 : i32
    %mul3A_148 = vector.broadcast %mul3A_147 : i32 to vector<320x1xi32>
    %mul3A_149 = arith.muli %add3A_146, %mul3A_148 : vector<320x1xi32>
    %add3A_150 = arith.addi %mul3A_149, %convert_element_type3A_21 : vector<320x1xi32>
    %eq3A = arith.constant 0 : i32
    %eq3A_151 = vector.broadcast %eq3A : i32 to vector<320x1xi32>
    %eq3A_152 = arith.cmpi eq, %select_n3A_81, %eq3A_151 : vector<320x1xi32>
    %eq3A_153 = arith.constant 1 : i32
    %eq3A_154 = vector.broadcast %eq3A_153 : i32 to vector<320x1xi32>
    %eq3A_155 = arith.cmpi eq, %select_n3A_81, %eq3A_154 : vector<320x1xi32>
    %select_n3A_156 = arith.select %eq3A_155, %add3A_136, %add3A_150 : vector<320x1xi1>, vector<320x1xi32>
    %select_n3A_157 = arith.select %eq3A_152, %add3A_122, %select_n3A_156 : vector<320x1xi1>, vector<320x1xi32>
    %get3A_158 = arith.constant 0 : index
    %get3A_159 = arith.constant 0 : index
    %get3A_160 = vector.load %arg6[%get3A_158, %get3A_159] : memref<1x320xf32, #tpu.memory_space<vmem>>, vector<1x320xf32>
    %get3A_161 = arith.constant 0 : index
    %get3A_162 = arith.constant 0 : index
    %get3A_163 = vector.load %arg7[%get3A_161, %get3A_162] : memref<1x320xf32, #tpu.memory_space<vmem>>, vector<1x320xf32>
    %get3A_164 = arith.constant 0 : index
    %get3A_165 = arith.constant 0 : index
    %get3A_166 = vector.load %arg8[%get3A_164, %get3A_165] : memref<1x320xf32, #tpu.memory_space<vmem>>, vector<1x320xf32>
    %get3A_167 = arith.constant 0 : index
    %get3A_168 = arith.constant 0 : index
    %get3A_169 = vector.load %arg9[%get3A_167, %get3A_168] : memref<1x320xf32, #tpu.memory_space<vmem>>, vector<1x320xf32>
    %mul3A_170 = arith.constant 1.300000e+01 : f32
    %mul3A_171 = vector.broadcast %mul3A_170 : f32 to vector<1x320xf32>
    %mul3A_172 = arith.mulf %get3A_160, %mul3A_171 : vector<1x320xf32>
    %convert_element_type3A_173 = arith.fptosi %mul3A_172 : vector<1x320xf32> to vector<1x320xi32>
    %mul3A_174 = arith.constant 1.300000e+01 : f32
    %mul3A_175 = vector.broadcast %mul3A_174 : f32 to vector<1x320xf32>
    %mul3A_176 = arith.mulf %get3A_163, %mul3A_175 : vector<1x320xf32>
    %convert_element_type3A_177 = arith.fptosi %mul3A_176 : vector<1x320xf32> to vector<1x320xi32>
    %mul3A_178 = arith.constant 1.300000e+01 : f32
    %mul3A_179 = vector.broadcast %mul3A_178 : f32 to vector<1x320xf32>
    %mul3A_180 = arith.mulf %get3A_166, %mul3A_179 : vector<1x320xf32>
    %mul3A_181 = arith.constant 1.300000e+01 : f32
    %mul3A_182 = vector.broadcast %mul3A_181 : f32 to vector<1x320xf32>
    %mul3A_183 = arith.mulf %get3A_169, %mul3A_182 : vector<1x320xf32>
    %min3A_184 = arith.constant 0.278846145 : f32
    %min3A_185 = vector.broadcast %min3A_184 : f32 to vector<1x320xf32>
    %min3A_186 = arith.minimumf %mul3A_180, %min3A_185 : vector<1x320xf32>
    %min3A_187 = arith.constant 0.21634616 : f32
    %min3A_188 = vector.broadcast %min3A_187 : f32 to vector<1x320xf32>
    %min3A_189 = arith.minimumf %mul3A_183, %min3A_188 : vector<1x320xf32>
    %mul3A_190 = arith.mulf %min3A_186, %min3A_189 : vector<1x320xf32>
    %mul3A_191 = arith.mulf %mul3A_180, %mul3A_183 : vector<1x320xf32>
    %add3A_192 = arith.constant 0.0603272914 : f32
    %add3A_193 = vector.broadcast %add3A_192 : f32 to vector<1x320xf32>
    %add3A_194 = arith.addf %mul3A_191, %add3A_193 : vector<1x320xf32>
    %sub3A_195 = arith.subf %add3A_194, %mul3A_190 : vector<1x320xf32>
    %add3A_196 = arith.constant 9.99999997E-7 : f32
    %add3A_197 = vector.broadcast %add3A_196 : f32 to vector<1x320xf32>
    %add3A_198 = arith.addf %sub3A_195, %add3A_197 : vector<1x320xf32>
    %div3A_199 = arith.divf %mul3A_190, %add3A_198 : vector<1x320xf32>
    %min3A_200 = arith.constant 3.750000e-01 : f32
    %min3A_201 = vector.broadcast %min3A_200 : f32 to vector<1x320xf32>
    %min3A_202 = arith.minimumf %mul3A_180, %min3A_201 : vector<1x320xf32>
    %min3A_203 = arith.constant 0.475961536 : f32
    %min3A_204 = vector.broadcast %min3A_203 : f32 to vector<1x320xf32>
    %min3A_205 = arith.minimumf %mul3A_183, %min3A_204 : vector<1x320xf32>
    %mul3A_206 = arith.mulf %min3A_202, %min3A_205 : vector<1x320xf32>
    %mul3A_207 = arith.mulf %mul3A_180, %mul3A_183 : vector<1x320xf32>
    %add3A_208 = arith.constant 0.178485572 : f32
    %add3A_209 = vector.broadcast %add3A_208 : f32 to vector<1x320xf32>
    %add3A_210 = arith.addf %mul3A_207, %add3A_209 : vector<1x320xf32>
    %sub3A_211 = arith.subf %add3A_210, %mul3A_206 : vector<1x320xf32>
    %add3A_212 = arith.constant 9.99999997E-7 : f32
    %add3A_213 = vector.broadcast %add3A_212 : f32 to vector<1x320xf32>
    %add3A_214 = arith.addf %sub3A_211, %add3A_213 : vector<1x320xf32>
    %div3A_215 = arith.divf %mul3A_206, %add3A_214 : vector<1x320xf32>
    %min3A_216 = arith.constant 0.896634638 : f32
    %min3A_217 = vector.broadcast %min3A_216 : f32 to vector<1x320xf32>
    %min3A_218 = arith.minimumf %mul3A_180, %min3A_217 : vector<1x320xf32>
    %min3A_219 = arith.constant 0.783653855 : f32
    %min3A_220 = vector.broadcast %min3A_219 : f32 to vector<1x320xf32>
    %min3A_221 = arith.minimumf %mul3A_183, %min3A_220 : vector<1x320xf32>
    %mul3A_222 = arith.mulf %min3A_218, %min3A_221 : vector<1x320xf32>
    %mul3A_223 = arith.mulf %mul3A_180, %mul3A_183 : vector<1x320xf32>
    %add3A_224 = arith.constant 0.702651143 : f32
    %add3A_225 = vector.broadcast %add3A_224 : f32 to vector<1x320xf32>
    %add3A_226 = arith.addf %mul3A_223, %add3A_225 : vector<1x320xf32>
    %sub3A_227 = arith.subf %add3A_226, %mul3A_222 : vector<1x320xf32>
    %add3A_228 = arith.constant 9.99999997E-7 : f32
    %add3A_229 = vector.broadcast %add3A_228 : f32 to vector<1x320xf32>
    %add3A_230 = arith.addf %sub3A_227, %add3A_229 : vector<1x320xf32>
    %div3A_231 = arith.divf %mul3A_222, %add3A_230 : vector<1x320xf32>
    %gt3A_232 = arith.cmpf ogt, %div3A_215, %div3A_199 : vector<1x320xf32>
    %jit3A_233 = arith.constant 1 : i32
    %jit3A_234 = arith.constant 0 : i32
    %broadcast_in_dim3A_235 = vector.broadcast %jit3A_233 : i32 to vector<1x320xi32>
    %broadcast_in_dim3A_236 = vector.broadcast %jit3A_234 : i32 to vector<1x320xi32>
    %select_n3A_237 = arith.select %gt3A_232, %broadcast_in_dim3A_235, %broadcast_in_dim3A_236 : vector<1x320xi1>, vector<1x320xi32>
    %max3A_238 = arith.maximumf %div3A_199, %div3A_215 : vector<1x320xf32>
    %gt3A_239 = arith.cmpf ogt, %div3A_231, %max3A_238 : vector<1x320xf32>
    %jit3A_240 = arith.constant 2 : i32
    %broadcast_in_dim3A_241 = vector.broadcast %jit3A_240 : i32 to vector<1x320xi32>
    %select_n3A_242 = arith.select %gt3A_239, %broadcast_in_dim3A_241, %select_n3A_237 : vector<1x320xi1>, vector<1x320xi32>
    %jit3A_243 = arith.constant 20 : i32
    %div3A_244 = vector.broadcast %jit3A_243 : i32 to vector<1x320xi32>
    %div3A_245 = arith.divsi %iota3A, %div3A_244 : vector<1x320xi32>
    %sign3A_246 = arith.constant 0 : i32
    %sign3A_247 = vector.broadcast %sign3A_246 : i32 to vector<1x320xi32>
    %sign3A_248 = arith.cmpi sgt, %iota3A, %sign3A_247 : vector<1x320xi32>
    %sign3A_249 = arith.extui %sign3A_248 : vector<1x320xi1> to vector<1x320xi32>
    %sign3A_250 = arith.constant 0 : i32
    %sign3A_251 = vector.broadcast %sign3A_250 : i32 to vector<1x320xi32>
    %sign3A_252 = arith.cmpi slt, %iota3A, %sign3A_251 : vector<1x320xi32>
    %sign3A_253 = arith.extui %sign3A_252 : vector<1x320xi1> to vector<1x320xi32>
    %sign3A_254 = arith.subi %sign3A_249, %sign3A_253 : vector<1x320xi32>
    %sign3A_255 = arith.constant 0 : i32
    %sign3A_256 = arith.cmpi sgt, %jit3A_243, %sign3A_255 : i32
    %sign3A_257 = arith.extui %sign3A_256 : i1 to i32
    %sign3A_258 = arith.constant 0 : i32
    %sign3A_259 = arith.cmpi slt, %jit3A_243, %sign3A_258 : i32
    %sign3A_260 = arith.extui %sign3A_259 : i1 to i32
    %sign3A_261 = arith.subi %sign3A_257, %sign3A_260 : i32
    %ne3A_262 = vector.broadcast %sign3A_261 : i32 to vector<1x320xi32>
    %ne3A_263 = arith.cmpi ne, %sign3A_254, %ne3A_262 : vector<1x320xi32>
    %rem3A_264 = vector.broadcast %jit3A_243 : i32 to vector<1x320xi32>
    %rem3A_265 = arith.remsi %iota3A, %rem3A_264 : vector<1x320xi32>
    %ne3A_266 = arith.constant 0 : i32
    %ne3A_267 = vector.broadcast %ne3A_266 : i32 to vector<1x320xi32>
    %ne3A_268 = arith.cmpi ne, %rem3A_265, %ne3A_267 : vector<1x320xi32>
    %and3A_269 = arith.andi %ne3A_263, %ne3A_268 : vector<1x320xi1>
    %sub3A_270 = arith.constant 1 : i32
    %sub3A_271 = vector.broadcast %sub3A_270 : i32 to vector<1x320xi32>
    %sub3A_272 = arith.subi %div3A_245, %sub3A_271 : vector<1x320xi32>
    %select_n3A_273 = arith.select %and3A_269, %sub3A_272, %div3A_245 : vector<1x320xi1>, vector<1x320xi32>
    %mul3A_274 = arith.constant 3 : i32
    %mul3A_275 = vector.broadcast %mul3A_274 : i32 to vector<1x320xi32>
    %mul3A_276 = arith.muli %select_n3A_273, %mul3A_275 : vector<1x320xi32>
    %add3A_277 = arith.constant 0 : i32
    %add3A_278 = vector.broadcast %add3A_277 : i32 to vector<1x320xi32>
    %add3A_279 = arith.addi %mul3A_276, %add3A_278 : vector<1x320xi32>
    %mul3A_280 = arith.constant 13 : i32
    %mul3A_281 = vector.broadcast %mul3A_280 : i32 to vector<1x320xi32>
    %mul3A_282 = arith.muli %add3A_279, %mul3A_281 : vector<1x320xi32>
    %add3A_283 = arith.addi %mul3A_282, %convert_element_type3A_177 : vector<1x320xi32>
    %mul3A_284 = arith.constant 13 : i32
    %mul3A_285 = vector.broadcast %mul3A_284 : i32 to vector<1x320xi32>
    %mul3A_286 = arith.muli %add3A_283, %mul3A_285 : vector<1x320xi32>
    %add3A_287 = arith.addi %mul3A_286, %convert_element_type3A_173 : vector<1x320xi32>
    %mul3A_288 = arith.constant 3 : i32
    %mul3A_289 = vector.broadcast %mul3A_288 : i32 to vector<1x320xi32>
    %mul3A_290 = arith.muli %select_n3A_273, %mul3A_289 : vector<1x320xi32>
    %add3A_291 = arith.constant 1 : i32
    %add3A_292 = vector.broadcast %add3A_291 : i32 to vector<1x320xi32>
    %add3A_293 = arith.addi %mul3A_290, %add3A_292 : vector<1x320xi32>
    %mul3A_294 = arith.constant 13 : i32
    %mul3A_295 = vector.broadcast %mul3A_294 : i32 to vector<1x320xi32>
    %mul3A_296 = arith.muli %add3A_293, %mul3A_295 : vector<1x320xi32>
    %add3A_297 = arith.addi %mul3A_296, %convert_element_type3A_177 : vector<1x320xi32>
    %mul3A_298 = arith.constant 13 : i32
    %mul3A_299 = vector.broadcast %mul3A_298 : i32 to vector<1x320xi32>
    %mul3A_300 = arith.muli %add3A_297, %mul3A_299 : vector<1x320xi32>
    %add3A_301 = arith.addi %mul3A_300, %convert_element_type3A_173 : vector<1x320xi32>
    %mul3A_302 = arith.constant 3 : i32
    %mul3A_303 = vector.broadcast %mul3A_302 : i32 to vector<1x320xi32>
    %mul3A_304 = arith.muli %select_n3A_273, %mul3A_303 : vector<1x320xi32>
    %add3A_305 = arith.constant 2 : i32
    %add3A_306 = vector.broadcast %add3A_305 : i32 to vector<1x320xi32>
    %add3A_307 = arith.addi %mul3A_304, %add3A_306 : vector<1x320xi32>
    %mul3A_308 = arith.constant 13 : i32
    %mul3A_309 = vector.broadcast %mul3A_308 : i32 to vector<1x320xi32>
    %mul3A_310 = arith.muli %add3A_307, %mul3A_309 : vector<1x320xi32>
    %add3A_311 = arith.addi %mul3A_310, %convert_element_type3A_177 : vector<1x320xi32>
    %mul3A_312 = arith.constant 13 : i32
    %mul3A_313 = vector.broadcast %mul3A_312 : i32 to vector<1x320xi32>
    %mul3A_314 = arith.muli %add3A_311, %mul3A_313 : vector<1x320xi32>
    %add3A_315 = arith.addi %mul3A_314, %convert_element_type3A_173 : vector<1x320xi32>
    %eq3A_316 = arith.constant 0 : i32
    %eq3A_317 = vector.broadcast %eq3A_316 : i32 to vector<1x320xi32>
    %eq3A_318 = arith.cmpi eq, %select_n3A_242, %eq3A_317 : vector<1x320xi32>
    %eq3A_319 = arith.constant 1 : i32
    %eq3A_320 = vector.broadcast %eq3A_319 : i32 to vector<1x320xi32>
    %eq3A_321 = arith.cmpi eq, %select_n3A_242, %eq3A_320 : vector<1x320xi32>
    %select_n3A_322 = arith.select %eq3A_321, %add3A_301, %add3A_315 : vector<1x320xi1>, vector<1x320xi32>
    %select_n3A_323 = arith.select %eq3A_318, %add3A_287, %select_n3A_322 : vector<1x320xi1>, vector<1x320xi32>
    %eq3A_324 = arith.cmpi eq, %select_n3A_323, %select_n3A_323 : vector<1x320xi32>
    %iota3A_325 = tpu.iota {dimensions = array<i32: 0>} : vector<320x1xi32>
    %slice3A = vector.extract_strided_slice %select_n3A_323 {offsets = [0, 0], sizes = [1, 64], strides = [1, 1]} : vector<1x320xi32> to vector<1x64xi32>
    %slice3A_326 = vector.extract_strided_slice %eq3A_324 {offsets = [0, 0], sizes = [1, 64], strides = [1, 1]} : vector<1x320xi1> to vector<1x64xi1>
    %iota3A_327 = tpu.iota {dimensions = array<i32: 1>} : vector<1x64xi32>
    %add3A_328 = arith.constant 0 : i32
    %add3A_329 = vector.broadcast %add3A_328 : i32 to vector<1x64xi32>
    %add3A_330 = arith.addi %iota3A_327, %add3A_329 : vector<1x64xi32>
    %gt3A_331 = vector.broadcast %add3A_330 : vector<1x64xi32> to vector<320x64xi32>
    %gt3A_332 = vector.broadcast %iota3A_325 : vector<320x1xi32> to vector<320x64xi32>
    %gt3A_333 = arith.cmpi sgt, %gt3A_331, %gt3A_332 : vector<320x64xi32>
    %eq3A_334 = vector.broadcast %slice3A : vector<1x64xi32> to vector<320x64xi32>
    %eq3A_335 = vector.broadcast %select_n3A_157 : vector<320x1xi32> to vector<320x64xi32>
    %eq3A_336 = arith.cmpi eq, %eq3A_334, %eq3A_335 : vector<320x64xi32>
    %and3A_337 = vector.broadcast %slice3A_326 : vector<1x64xi1> to vector<320x64xi1>
    %and3A_338 = arith.andi %eq3A_336, %and3A_337 : vector<320x64xi1>
    %and3A_339 = arith.andi %and3A_338, %gt3A_333 : vector<320x64xi1>
    %reduce_or3A = arith.constant 1.000000e+00 : f32
    %reduce_or3A_340 = arith.constant 0.000000e+00 : f32
    %reduce_or3A_341 = vector.broadcast %reduce_or3A : f32 to vector<320x64xf32>
    %reduce_or3A_342 = vector.broadcast %reduce_or3A_340 : f32 to vector<320x64xf32>
    %reduce_or3A_343 = arith.select %and3A_339, %reduce_or3A_341, %reduce_or3A_342 : vector<320x64xi1>, vector<320x64xf32>
    %reduce_or3A_344 = arith.constant dense<0xFF800000> : vector<320xf32>
    %reduce_or3A_345 = vector.multi_reduction <maximumf>, %reduce_or3A_343, %reduce_or3A_344 [1] : vector<320x64xf32> to vector<320xf32>
    %reduce_or3A_346 = arith.constant 0.000000e+00 : f32
    %reduce_or3A_347 = vector.broadcast %reduce_or3A_346 : f32 to vector<320xf32>
    %reduce_or3A_348 = arith.cmpf ogt, %reduce_or3A_345, %reduce_or3A_347 : vector<320xf32>
    %broadcast_in_dim3A_349 = vector.shape_cast %reduce_or3A_348 : vector<320xi1> to vector<320x1xi1>
    %slice3A_350 = vector.extract_strided_slice %select_n3A_323 {offsets = [0, 64], sizes = [1, 64], strides = [1, 1]} : vector<1x320xi32> to vector<1x64xi32>
    %slice3A_351 = vector.extract_strided_slice %eq3A_324 {offsets = [0, 64], sizes = [1, 64], strides = [1, 1]} : vector<1x320xi1> to vector<1x64xi1>
    %iota3A_352 = tpu.iota {dimensions = array<i32: 1>} : vector<1x64xi32>
    %add3A_353 = arith.constant 64 : i32
    %add3A_354 = vector.broadcast %add3A_353 : i32 to vector<1x64xi32>
    %add3A_355 = arith.addi %iota3A_352, %add3A_354 : vector<1x64xi32>
    %gt3A_356 = vector.broadcast %add3A_355 : vector<1x64xi32> to vector<320x64xi32>
    %gt3A_357 = vector.broadcast %iota3A_325 : vector<320x1xi32> to vector<320x64xi32>
    %gt3A_358 = arith.cmpi sgt, %gt3A_356, %gt3A_357 : vector<320x64xi32>
    %eq3A_359 = vector.broadcast %slice3A_350 : vector<1x64xi32> to vector<320x64xi32>
    %eq3A_360 = vector.broadcast %select_n3A_157 : vector<320x1xi32> to vector<320x64xi32>
    %eq3A_361 = arith.cmpi eq, %eq3A_359, %eq3A_360 : vector<320x64xi32>
    %and3A_362 = vector.broadcast %slice3A_351 : vector<1x64xi1> to vector<320x64xi1>
    %and3A_363 = arith.andi %eq3A_361, %and3A_362 : vector<320x64xi1>
    %and3A_364 = arith.andi %and3A_363, %gt3A_358 : vector<320x64xi1>
    %reduce_or3A_365 = arith.constant 1.000000e+00 : f32
    %reduce_or3A_366 = arith.constant 0.000000e+00 : f32
    %reduce_or3A_367 = vector.broadcast %reduce_or3A_365 : f32 to vector<320x64xf32>
    %reduce_or3A_368 = vector.broadcast %reduce_or3A_366 : f32 to vector<320x64xf32>
    %reduce_or3A_369 = arith.select %and3A_364, %reduce_or3A_367, %reduce_or3A_368 : vector<320x64xi1>, vector<320x64xf32>
    %reduce_or3A_370 = arith.constant dense<0xFF800000> : vector<320xf32>
    %reduce_or3A_371 = vector.multi_reduction <maximumf>, %reduce_or3A_369, %reduce_or3A_370 [1] : vector<320x64xf32> to vector<320xf32>
    %reduce_or3A_372 = arith.constant 0.000000e+00 : f32
    %reduce_or3A_373 = vector.broadcast %reduce_or3A_372 : f32 to vector<320xf32>
    %reduce_or3A_374 = arith.cmpf ogt, %reduce_or3A_371, %reduce_or3A_373 : vector<320xf32>
    %broadcast_in_dim3A_375 = vector.shape_cast %reduce_or3A_374 : vector<320xi1> to vector<320x1xi1>
    %or3A = arith.ori %broadcast_in_dim3A_349, %broadcast_in_dim3A_375 : vector<320x1xi1>
    %slice3A_376 = vector.extract_strided_slice %select_n3A_323 {offsets = [0, 128], sizes = [1, 64], strides = [1, 1]} : vector<1x320xi32> to vector<1x64xi32>
    %slice3A_377 = vector.extract_strided_slice %eq3A_324 {offsets = [0, 128], sizes = [1, 64], strides = [1, 1]} : vector<1x320xi1> to vector<1x64xi1>
    %iota3A_378 = tpu.iota {dimensions = array<i32: 1>} : vector<1x64xi32>
    %add3A_379 = arith.constant 128 : i32
    %add3A_380 = vector.broadcast %add3A_379 : i32 to vector<1x64xi32>
    %add3A_381 = arith.addi %iota3A_378, %add3A_380 : vector<1x64xi32>
    %gt3A_382 = vector.broadcast %add3A_381 : vector<1x64xi32> to vector<320x64xi32>
    %gt3A_383 = vector.broadcast %iota3A_325 : vector<320x1xi32> to vector<320x64xi32>
    %gt3A_384 = arith.cmpi sgt, %gt3A_382, %gt3A_383 : vector<320x64xi32>
    %eq3A_385 = vector.broadcast %slice3A_376 : vector<1x64xi32> to vector<320x64xi32>
    %eq3A_386 = vector.broadcast %select_n3A_157 : vector<320x1xi32> to vector<320x64xi32>
    %eq3A_387 = arith.cmpi eq, %eq3A_385, %eq3A_386 : vector<320x64xi32>
    %and3A_388 = vector.broadcast %slice3A_377 : vector<1x64xi1> to vector<320x64xi1>
    %and3A_389 = arith.andi %eq3A_387, %and3A_388 : vector<320x64xi1>
    %and3A_390 = arith.andi %and3A_389, %gt3A_384 : vector<320x64xi1>
    %reduce_or3A_391 = arith.constant 1.000000e+00 : f32
    %reduce_or3A_392 = arith.constant 0.000000e+00 : f32
    %reduce_or3A_393 = vector.broadcast %reduce_or3A_391 : f32 to vector<320x64xf32>
    %reduce_or3A_394 = vector.broadcast %reduce_or3A_392 : f32 to vector<320x64xf32>
    %reduce_or3A_395 = arith.select %and3A_390, %reduce_or3A_393, %reduce_or3A_394 : vector<320x64xi1>, vector<320x64xf32>
    %reduce_or3A_396 = arith.constant dense<0xFF800000> : vector<320xf32>
    %reduce_or3A_397 = vector.multi_reduction <maximumf>, %reduce_or3A_395, %reduce_or3A_396 [1] : vector<320x64xf32> to vector<320xf32>
    %reduce_or3A_398 = arith.constant 0.000000e+00 : f32
    %reduce_or3A_399 = vector.broadcast %reduce_or3A_398 : f32 to vector<320xf32>
    %reduce_or3A_400 = arith.cmpf ogt, %reduce_or3A_397, %reduce_or3A_399 : vector<320xf32>
    %broadcast_in_dim3A_401 = vector.shape_cast %reduce_or3A_400 : vector<320xi1> to vector<320x1xi1>
    %or3A_402 = arith.ori %or3A, %broadcast_in_dim3A_401 : vector<320x1xi1>
    %slice3A_403 = vector.extract_strided_slice %select_n3A_323 {offsets = [0, 192], sizes = [1, 64], strides = [1, 1]} : vector<1x320xi32> to vector<1x64xi32>
    %slice3A_404 = vector.extract_strided_slice %eq3A_324 {offsets = [0, 192], sizes = [1, 64], strides = [1, 1]} : vector<1x320xi1> to vector<1x64xi1>
    %iota3A_405 = tpu.iota {dimensions = array<i32: 1>} : vector<1x64xi32>
    %add3A_406 = arith.constant 192 : i32
    %add3A_407 = vector.broadcast %add3A_406 : i32 to vector<1x64xi32>
    %add3A_408 = arith.addi %iota3A_405, %add3A_407 : vector<1x64xi32>
    %gt3A_409 = vector.broadcast %add3A_408 : vector<1x64xi32> to vector<320x64xi32>
    %gt3A_410 = vector.broadcast %iota3A_325 : vector<320x1xi32> to vector<320x64xi32>
    %gt3A_411 = arith.cmpi sgt, %gt3A_409, %gt3A_410 : vector<320x64xi32>
    %eq3A_412 = vector.broadcast %slice3A_403 : vector<1x64xi32> to vector<320x64xi32>
    %eq3A_413 = vector.broadcast %select_n3A_157 : vector<320x1xi32> to vector<320x64xi32>
    %eq3A_414 = arith.cmpi eq, %eq3A_412, %eq3A_413 : vector<320x64xi32>
    %and3A_415 = vector.broadcast %slice3A_404 : vector<1x64xi1> to vector<320x64xi1>
    %and3A_416 = arith.andi %eq3A_414, %and3A_415 : vector<320x64xi1>
    %and3A_417 = arith.andi %and3A_416, %gt3A_411 : vector<320x64xi1>
    %reduce_or3A_418 = arith.constant 1.000000e+00 : f32
    %reduce_or3A_419 = arith.constant 0.000000e+00 : f32
    %reduce_or3A_420 = vector.broadcast %reduce_or3A_418 : f32 to vector<320x64xf32>
    %reduce_or3A_421 = vector.broadcast %reduce_or3A_419 : f32 to vector<320x64xf32>
    %reduce_or3A_422 = arith.select %and3A_417, %reduce_or3A_420, %reduce_or3A_421 : vector<320x64xi1>, vector<320x64xf32>
    %reduce_or3A_423 = arith.constant dense<0xFF800000> : vector<320xf32>
    %reduce_or3A_424 = vector.multi_reduction <maximumf>, %reduce_or3A_422, %reduce_or3A_423 [1] : vector<320x64xf32> to vector<320xf32>
    %reduce_or3A_425 = arith.constant 0.000000e+00 : f32
    %reduce_or3A_426 = vector.broadcast %reduce_or3A_425 : f32 to vector<320xf32>
    %reduce_or3A_427 = arith.cmpf ogt, %reduce_or3A_424, %reduce_or3A_426 : vector<320xf32>
    %broadcast_in_dim3A_428 = vector.shape_cast %reduce_or3A_427 : vector<320xi1> to vector<320x1xi1>
    %or3A_429 = arith.ori %or3A_402, %broadcast_in_dim3A_428 : vector<320x1xi1>
    %slice3A_430 = vector.extract_strided_slice %select_n3A_323 {offsets = [0, 256], sizes = [1, 64], strides = [1, 1]} : vector<1x320xi32> to vector<1x64xi32>
    %slice3A_431 = vector.extract_strided_slice %eq3A_324 {offsets = [0, 256], sizes = [1, 64], strides = [1, 1]} : vector<1x320xi1> to vector<1x64xi1>
    %iota3A_432 = tpu.iota {dimensions = array<i32: 1>} : vector<1x64xi32>
    %add3A_433 = arith.constant 256 : i32
    %add3A_434 = vector.broadcast %add3A_433 : i32 to vector<1x64xi32>
    %add3A_435 = arith.addi %iota3A_432, %add3A_434 : vector<1x64xi32>
    %gt3A_436 = vector.broadcast %add3A_435 : vector<1x64xi32> to vector<320x64xi32>
    %gt3A_437 = vector.broadcast %iota3A_325 : vector<320x1xi32> to vector<320x64xi32>
    %gt3A_438 = arith.cmpi sgt, %gt3A_436, %gt3A_437 : vector<320x64xi32>
    %eq3A_439 = vector.broadcast %slice3A_430 : vector<1x64xi32> to vector<320x64xi32>
    %eq3A_440 = vector.broadcast %select_n3A_157 : vector<320x1xi32> to vector<320x64xi32>
    %eq3A_441 = arith.cmpi eq, %eq3A_439, %eq3A_440 : vector<320x64xi32>
    %and3A_442 = vector.broadcast %slice3A_431 : vector<1x64xi1> to vector<320x64xi1>
    %and3A_443 = arith.andi %eq3A_441, %and3A_442 : vector<320x64xi1>
    %and3A_444 = arith.andi %and3A_443, %gt3A_438 : vector<320x64xi1>
    %reduce_or3A_445 = arith.constant 1.000000e+00 : f32
    %reduce_or3A_446 = arith.constant 0.000000e+00 : f32
    %reduce_or3A_447 = vector.broadcast %reduce_or3A_445 : f32 to vector<320x64xf32>
    %reduce_or3A_448 = vector.broadcast %reduce_or3A_446 : f32 to vector<320x64xf32>
    %reduce_or3A_449 = arith.select %and3A_444, %reduce_or3A_447, %reduce_or3A_448 : vector<320x64xi1>, vector<320x64xf32>
    %reduce_or3A_450 = arith.constant dense<0xFF800000> : vector<320xf32>
    %reduce_or3A_451 = vector.multi_reduction <maximumf>, %reduce_or3A_449, %reduce_or3A_450 [1] : vector<320x64xf32> to vector<320xf32>
    %reduce_or3A_452 = arith.constant 0.000000e+00 : f32
    %reduce_or3A_453 = vector.broadcast %reduce_or3A_452 : f32 to vector<320xf32>
    %reduce_or3A_454 = arith.cmpf ogt, %reduce_or3A_451, %reduce_or3A_453 : vector<320xf32>
    %broadcast_in_dim3A_455 = vector.shape_cast %reduce_or3A_454 : vector<320xi1> to vector<320x1xi1>
    %or3A_456 = arith.ori %or3A_429, %broadcast_in_dim3A_455 : vector<320x1xi1>
    %not3A = arith.constant dense<true> : vector<320x1xi1>
    %not3A_457 = arith.xori %or3A_456, %not3A : vector<320x1xi1>
    %get3A_458 = arith.constant 0 : index
    %get3A_459 = arith.constant 0 : index
    %get3A_460 = arith.constant 0 : index
    %get3A_461 = vector.load %arg0[%get3A_458, %get3A_459, %get3A_460] : memref<3x320x128xf32, #tpu.memory_space<vmem>>, vector<1x320x128xf32>
    %get3A_462 = vector.shape_cast %get3A_461 : vector<1x320x128xf32> to vector<320x128xf32>
    %get3A_463 = arith.constant 1 : index
    %get3A_464 = arith.constant 0 : index
    %get3A_465 = arith.constant 0 : index
    %get3A_466 = vector.load %arg0[%get3A_463, %get3A_464, %get3A_465] : memref<3x320x128xf32, #tpu.memory_space<vmem>>, vector<1x320x128xf32>
    %get3A_467 = vector.shape_cast %get3A_466 : vector<1x320x128xf32> to vector<320x128xf32>
    %get3A_468 = arith.constant 2 : index
    %get3A_469 = arith.constant 0 : index
    %get3A_470 = arith.constant 0 : index
    %get3A_471 = vector.load %arg0[%get3A_468, %get3A_469, %get3A_470] : memref<3x320x128xf32, #tpu.memory_space<vmem>>, vector<1x320x128xf32>
    %get3A_472 = vector.shape_cast %get3A_471 : vector<1x320x128xf32> to vector<320x128xf32>
    %broadcast_in_dim3A_473 = vector.shape_cast %select_n3A_81 : vector<320x1xi32> to vector<320x1xi32>
    %broadcast_in_dim3A_474 = vector.broadcast %broadcast_in_dim3A_473 : vector<320x1xi32> to vector<320x128xi32>
    %eq3A_475 = arith.constant 0 : i32
    %eq3A_476 = vector.broadcast %eq3A_475 : i32 to vector<320x128xi32>
    %eq3A_477 = arith.cmpi eq, %broadcast_in_dim3A_474, %eq3A_476 : vector<320x128xi32>
    %eq3A_478 = arith.constant 1 : i32
    %eq3A_479 = vector.broadcast %eq3A_478 : i32 to vector<320x128xi32>
    %eq3A_480 = arith.cmpi eq, %broadcast_in_dim3A_474, %eq3A_479 : vector<320x128xi32>
    %select_n3A_481 = arith.select %eq3A_480, %get3A_467, %get3A_472 : vector<320x128xi1>, vector<320x128xf32>
    %select_n3A_482 = arith.select %eq3A_477, %get3A_462, %select_n3A_481 : vector<320x128xi1>, vector<320x128xf32>
    %eq3A_483 = arith.constant 0 : i32
    %eq3A_484 = vector.broadcast %eq3A_483 : i32 to vector<320x1xi32>
    %eq3A_485 = arith.cmpi eq, %select_n3A_81, %eq3A_484 : vector<320x1xi32>
    %eq3A_486 = arith.constant 1 : i32
    %eq3A_487 = vector.broadcast %eq3A_486 : i32 to vector<320x1xi32>
    %eq3A_488 = arith.cmpi eq, %select_n3A_81, %eq3A_487 : vector<320x1xi32>
    %jit3A_489 = arith.constant 3.750000e-01 : f32
    %jit3A_490 = arith.constant 0.896634638 : f32
    %broadcast_in_dim3A_491 = vector.broadcast %jit3A_489 : f32 to vector<320x1xf32>
    %broadcast_in_dim3A_492 = vector.broadcast %jit3A_490 : f32 to vector<320x1xf32>
    %select_n3A_493 = arith.select %eq3A_488, %broadcast_in_dim3A_491, %broadcast_in_dim3A_492 : vector<320x1xi1>, vector<320x1xf32>
    %jit3A_494 = arith.constant 0.278846145 : f32
    %broadcast_in_dim3A_495 = vector.broadcast %jit3A_494 : f32 to vector<320x1xf32>
    %select_n3A_496 = arith.select %eq3A_485, %broadcast_in_dim3A_495, %select_n3A_493 : vector<320x1xi1>, vector<320x1xf32>
    %eq3A_497 = arith.constant 0 : i32
    %eq3A_498 = vector.broadcast %eq3A_497 : i32 to vector<320x1xi32>
    %eq3A_499 = arith.cmpi eq, %select_n3A_81, %eq3A_498 : vector<320x1xi32>
    %eq3A_500 = arith.constant 1 : i32
    %eq3A_501 = vector.broadcast %eq3A_500 : i32 to vector<320x1xi32>
    %eq3A_502 = arith.cmpi eq, %select_n3A_81, %eq3A_501 : vector<320x1xi32>
    %jit3A_503 = arith.constant 0.475961536 : f32
    %jit3A_504 = arith.constant 0.783653855 : f32
    %broadcast_in_dim3A_505 = vector.broadcast %jit3A_503 : f32 to vector<320x1xf32>
    %broadcast_in_dim3A_506 = vector.broadcast %jit3A_504 : f32 to vector<320x1xf32>
    %select_n3A_507 = arith.select %eq3A_502, %broadcast_in_dim3A_505, %broadcast_in_dim3A_506 : vector<320x1xi1>, vector<320x1xf32>
    %jit3A_508 = arith.constant 0.21634616 : f32
    %broadcast_in_dim3A_509 = vector.broadcast %jit3A_508 : f32 to vector<320x1xf32>
    %select_n3A_510 = arith.select %eq3A_499, %broadcast_in_dim3A_509, %select_n3A_507 : vector<320x1xi1>, vector<320x1xf32>
    %convert_element_type3A_511 = arith.sitofp %convert_element_type3A_21 : vector<320x1xi32> to vector<320x1xf32>
    %convert_element_type3A_512 = arith.sitofp %convert_element_type3A_25 : vector<320x1xi32> to vector<320x1xf32>
    %slice3A_513 = vector.extract_strided_slice %select_n3A_482 {offsets = [0, 0], sizes = [320, 1], strides = [1, 1]} : vector<320x128xf32> to vector<320x1xf32>
    %neg3A = arith.constant 0.000000e+00 : f32
    %neg3A_514 = vector.broadcast %neg3A : f32 to vector<320x1xf32>
    %neg3A_515 = arith.subf %neg3A_514, %slice3A_513 : vector<320x1xf32>
    %exp3A = math.exp %neg3A_515 : vector<320x1xf32>
    %add3A_516 = arith.constant 1.000000e+00 : f32
    %add3A_517 = vector.broadcast %add3A_516 : f32 to vector<320x1xf32>
    %add3A_518 = arith.addf %add3A_517, %exp3A : vector<320x1xf32>
    %div3A_519 = arith.constant 1.000000e+00 : f32
    %div3A_520 = vector.broadcast %div3A_519 : f32 to vector<320x1xf32>
    %div3A_521 = arith.divf %div3A_520, %add3A_518 : vector<320x1xf32>
    %add3A_522 = arith.addf %div3A_521, %convert_element_type3A_511 : vector<320x1xf32>
    %slice3A_523 = vector.extract_strided_slice %select_n3A_482 {offsets = [0, 1], sizes = [320, 1], strides = [1, 1]} : vector<320x128xf32> to vector<320x1xf32>
    %neg3A_524 = arith.constant 0.000000e+00 : f32
    %neg3A_525 = vector.broadcast %neg3A_524 : f32 to vector<320x1xf32>
    %neg3A_526 = arith.subf %neg3A_525, %slice3A_523 : vector<320x1xf32>
    %exp3A_527 = math.exp %neg3A_526 : vector<320x1xf32>
    %add3A_528 = arith.constant 1.000000e+00 : f32
    %add3A_529 = vector.broadcast %add3A_528 : f32 to vector<320x1xf32>
    %add3A_530 = arith.addf %add3A_529, %exp3A_527 : vector<320x1xf32>
    %div3A_531 = arith.constant 1.000000e+00 : f32
    %div3A_532 = vector.broadcast %div3A_531 : f32 to vector<320x1xf32>
    %div3A_533 = arith.divf %div3A_532, %add3A_530 : vector<320x1xf32>
    %add3A_534 = arith.addf %div3A_533, %convert_element_type3A_512 : vector<320x1xf32>
    %slice3A_535 = vector.extract_strided_slice %select_n3A_482 {offsets = [0, 2], sizes = [320, 1], strides = [1, 1]} : vector<320x128xf32> to vector<320x1xf32>
    %exp3A_536 = math.exp %slice3A_535 : vector<320x1xf32>
    %mul3A_537 = arith.mulf %exp3A_536, %select_n3A_496 : vector<320x1xf32>
    %slice3A_538 = vector.extract_strided_slice %select_n3A_482 {offsets = [0, 3], sizes = [320, 1], strides = [1, 1]} : vector<320x128xf32> to vector<320x1xf32>
    %exp3A_539 = math.exp %slice3A_538 : vector<320x1xf32>
    %mul3A_540 = arith.mulf %exp3A_539, %select_n3A_510 : vector<320x1xf32>
    %get3A_541 = arith.constant 0 : index
    %get3A_542 = arith.constant 0 : index
    %get3A_543 = vector.load %arg11[%get3A_541, %get3A_542] : memref<320x1xf32, #tpu.memory_space<vmem>>, vector<320x1xf32>
    %mul3A_544 = arith.constant 1.300000e+01 : f32
    %mul3A_545 = vector.broadcast %mul3A_544 : f32 to vector<320x1xf32>
    %mul3A_546 = arith.mulf %get3A_543, %mul3A_545 : vector<320x1xf32>
    %get3A_547 = arith.constant 0 : index
    %get3A_548 = arith.constant 0 : index
    %get3A_549 = vector.load %arg12[%get3A_547, %get3A_548] : memref<320x1xf32, #tpu.memory_space<vmem>>, vector<320x1xf32>
    %mul3A_550 = arith.constant 1.300000e+01 : f32
    %mul3A_551 = vector.broadcast %mul3A_550 : f32 to vector<320x1xf32>
    %mul3A_552 = arith.mulf %get3A_549, %mul3A_551 : vector<320x1xf32>
    %mul3A_553 = arith.constant 5.000000e-01 : f32
    %mul3A_554 = vector.broadcast %mul3A_553 : f32 to vector<320x1xf32>
    %mul3A_555 = arith.mulf %mul3A_537, %mul3A_554 : vector<320x1xf32>
    %sub3A_556 = arith.subf %add3A_522, %mul3A_555 : vector<320x1xf32>
    %mul3A_557 = arith.constant 5.000000e-01 : f32
    %mul3A_558 = vector.broadcast %mul3A_557 : f32 to vector<320x1xf32>
    %mul3A_559 = arith.mulf %mul3A_540, %mul3A_558 : vector<320x1xf32>
    %sub3A_560 = arith.subf %add3A_534, %mul3A_559 : vector<320x1xf32>
    %mul3A_561 = arith.constant 5.000000e-01 : f32
    %mul3A_562 = vector.broadcast %mul3A_561 : f32 to vector<320x1xf32>
    %mul3A_563 = arith.mulf %mul3A_537, %mul3A_562 : vector<320x1xf32>
    %add3A_564 = arith.addf %add3A_522, %mul3A_563 : vector<320x1xf32>
    %mul3A_565 = arith.constant 5.000000e-01 : f32
    %mul3A_566 = vector.broadcast %mul3A_565 : f32 to vector<320x1xf32>
    %mul3A_567 = arith.mulf %mul3A_540, %mul3A_566 : vector<320x1xf32>
    %add3A_568 = arith.addf %add3A_534, %mul3A_567 : vector<320x1xf32>
    %mul3A_569 = arith.constant 5.000000e-01 : f32
    %mul3A_570 = vector.broadcast %mul3A_569 : f32 to vector<320x1xf32>
    %mul3A_571 = arith.mulf %mul3A_28, %mul3A_570 : vector<320x1xf32>
    %sub3A_572 = arith.subf %mul3A_546, %mul3A_571 : vector<320x1xf32>
    %mul3A_573 = arith.constant 5.000000e-01 : f32
    %mul3A_574 = vector.broadcast %mul3A_573 : f32 to vector<320x1xf32>
    %mul3A_575 = arith.mulf %mul3A_31, %mul3A_574 : vector<320x1xf32>
    %sub3A_576 = arith.subf %mul3A_552, %mul3A_575 : vector<320x1xf32>
    %mul3A_577 = arith.constant 5.000000e-01 : f32
    %mul3A_578 = vector.broadcast %mul3A_577 : f32 to vector<320x1xf32>
    %mul3A_579 = arith.mulf %mul3A_28, %mul3A_578 : vector<320x1xf32>
    %add3A_580 = arith.addf %mul3A_546, %mul3A_579 : vector<320x1xf32>
    %mul3A_581 = arith.constant 5.000000e-01 : f32
    %mul3A_582 = vector.broadcast %mul3A_581 : f32 to vector<320x1xf32>
    %mul3A_583 = arith.mulf %mul3A_31, %mul3A_582 : vector<320x1xf32>
    %add3A_584 = arith.addf %mul3A_552, %mul3A_583 : vector<320x1xf32>
    %mul3A_585 = arith.mulf %mul3A_537, %mul3A_540 : vector<320x1xf32>
    %mul3A_586 = arith.mulf %mul3A_28, %mul3A_31 : vector<320x1xf32>
    %min3A_587 = arith.minimumf %add3A_564, %add3A_580 : vector<320x1xf32>
    %max3A_588 = arith.maximumf %sub3A_556, %sub3A_572 : vector<320x1xf32>
    %sub3A_589 = arith.subf %min3A_587, %max3A_588 : vector<320x1xf32>
    %max3A_590 = arith.constant 0.000000e+00 : f32
    %max3A_591 = vector.broadcast %max3A_590 : f32 to vector<320x1xf32>
    %max3A_592 = arith.maximumf %sub3A_589, %max3A_591 : vector<320x1xf32>
    %min3A_593 = arith.minimumf %add3A_568, %add3A_584 : vector<320x1xf32>
    %max3A_594 = arith.maximumf %sub3A_560, %sub3A_576 : vector<320x1xf32>
    %sub3A_595 = arith.subf %min3A_593, %max3A_594 : vector<320x1xf32>
    %max3A_596 = arith.constant 0.000000e+00 : f32
    %max3A_597 = vector.broadcast %max3A_596 : f32 to vector<320x1xf32>
    %max3A_598 = arith.maximumf %sub3A_595, %max3A_597 : vector<320x1xf32>
    %mul3A_599 = arith.mulf %max3A_592, %max3A_598 : vector<320x1xf32>
    %add3A_600 = arith.addf %mul3A_585, %mul3A_586 : vector<320x1xf32>
    %sub3A_601 = arith.subf %add3A_600, %mul3A_599 : vector<320x1xf32>
    %add3A_602 = arith.constant 9.99999997E-7 : f32
    %add3A_603 = vector.broadcast %add3A_602 : f32 to vector<320x1xf32>
    %add3A_604 = arith.addf %sub3A_601, %add3A_603 : vector<320x1xf32>
    %div3A_605 = arith.divf %mul3A_599, %add3A_604 : vector<320x1xf32>
    %sub3A_606 = arith.subf %mul3A_546, %add3A_522 : vector<320x1xf32>
    %integer_pow3A = arith.mulf %sub3A_606, %sub3A_606 : vector<320x1xf32>
    %sub3A_607 = arith.subf %mul3A_552, %add3A_534 : vector<320x1xf32>
    %integer_pow3A_608 = arith.mulf %sub3A_607, %sub3A_607 : vector<320x1xf32>
    %add3A_609 = arith.addf %integer_pow3A, %integer_pow3A_608 : vector<320x1xf32>
    %max3A_610 = arith.maximumf %add3A_564, %add3A_580 : vector<320x1xf32>
    %min3A_611 = arith.minimumf %sub3A_556, %sub3A_572 : vector<320x1xf32>
    %sub3A_612 = arith.subf %max3A_610, %min3A_611 : vector<320x1xf32>
    %integer_pow3A_613 = arith.mulf %sub3A_612, %sub3A_612 : vector<320x1xf32>
    %max3A_614 = arith.maximumf %add3A_568, %add3A_584 : vector<320x1xf32>
    %min3A_615 = arith.minimumf %sub3A_560, %sub3A_576 : vector<320x1xf32>
    %sub3A_616 = arith.subf %max3A_614, %min3A_615 : vector<320x1xf32>
    %integer_pow3A_617 = arith.mulf %sub3A_616, %sub3A_616 : vector<320x1xf32>
    %add3A_618 = arith.addf %integer_pow3A_613, %integer_pow3A_617 : vector<320x1xf32>
    %add3A_619 = arith.constant 9.99999997E-7 : f32
    %add3A_620 = vector.broadcast %add3A_619 : f32 to vector<320x1xf32>
    %add3A_621 = arith.addf %add3A_618, %add3A_620 : vector<320x1xf32>
    %add3A_622 = arith.constant 9.99999997E-7 : f32
    %add3A_623 = vector.broadcast %add3A_622 : f32 to vector<320x1xf32>
    %add3A_624 = arith.addf %mul3A_540, %add3A_623 : vector<320x1xf32>
    %div3A_625 = arith.divf %mul3A_537, %add3A_624 : vector<320x1xf32>
    %max3A_626 = arith.constant 1.000000e-30 : f32
    %max3A_627 = vector.broadcast %max3A_626 : f32 to vector<320x1xf32>
    %max3A_628 = arith.maximumf %div3A_625, %max3A_627 : vector<320x1xf32>
    %div3A_629 = arith.constant 1.000000e+00 : f32
    %div3A_630 = vector.broadcast %div3A_629 : f32 to vector<320x1xf32>
    %div3A_631 = arith.divf %div3A_630, %max3A_628 : vector<320x1xf32>
    %min3A_632 = arith.minimumf %div3A_625, %div3A_631 : vector<320x1xf32>
    %mul3A_633 = arith.mulf %min3A_632, %min3A_632 : vector<320x1xf32>
    %broadcast_in_dim3A_634 = arith.constant -0.00180449022 : f32
    %broadcast_in_dim3A_635 = vector.broadcast %broadcast_in_dim3A_634 : f32 to vector<320x1xf32>
    %mul3A_636 = arith.mulf %broadcast_in_dim3A_635, %mul3A_633 : vector<320x1xf32>
    %add3A_637 = arith.constant 0.0109624434 : f32
    %add3A_638 = vector.broadcast %add3A_637 : f32 to vector<320x1xf32>
    %add3A_639 = arith.addf %mul3A_636, %add3A_638 : vector<320x1xf32>
    %mul3A_640 = arith.mulf %add3A_639, %mul3A_633 : vector<320x1xf32>
    %add3A_641 = arith.constant -0.0312645063 : f32
    %add3A_642 = vector.broadcast %add3A_641 : f32 to vector<320x1xf32>
    %add3A_643 = arith.addf %mul3A_640, %add3A_642 : vector<320x1xf32>
    %mul3A_644 = arith.mulf %add3A_643, %mul3A_633 : vector<320x1xf32>
    %add3A_645 = arith.constant 0.0580404513 : f32
    %add3A_646 = vector.broadcast %add3A_645 : f32 to vector<320x1xf32>
    %add3A_647 = arith.addf %mul3A_644, %add3A_646 : vector<320x1xf32>
    %mul3A_648 = arith.mulf %add3A_647, %mul3A_633 : vector<320x1xf32>
    %add3A_649 = arith.constant -0.0840787888 : f32
    %add3A_650 = vector.broadcast %add3A_649 : f32 to vector<320x1xf32>
    %add3A_651 = arith.addf %mul3A_648, %add3A_650 : vector<320x1xf32>
    %mul3A_652 = arith.mulf %add3A_651, %mul3A_633 : vector<320x1xf32>
    %add3A_653 = arith.constant 0.109534502 : f32
    %add3A_654 = vector.broadcast %add3A_653 : f32 to vector<320x1xf32>
    %add3A_655 = arith.addf %mul3A_652, %add3A_654 : vector<320x1xf32>
    %mul3A_656 = arith.mulf %add3A_655, %mul3A_633 : vector<320x1xf32>
    %add3A_657 = arith.constant -0.142643899 : f32
    %add3A_658 = vector.broadcast %add3A_657 : f32 to vector<320x1xf32>
    %add3A_659 = arith.addf %mul3A_656, %add3A_658 : vector<320x1xf32>
    %mul3A_660 = arith.mulf %add3A_659, %mul3A_633 : vector<320x1xf32>
    %add3A_661 = arith.constant 0.19998543 : f32
    %add3A_662 = vector.broadcast %add3A_661 : f32 to vector<320x1xf32>
    %add3A_663 = arith.addf %mul3A_660, %add3A_662 : vector<320x1xf32>
    %mul3A_664 = arith.mulf %add3A_663, %mul3A_633 : vector<320x1xf32>
    %add3A_665 = arith.constant -0.333332956 : f32
    %add3A_666 = vector.broadcast %add3A_665 : f32 to vector<320x1xf32>
    %add3A_667 = arith.addf %mul3A_664, %add3A_666 : vector<320x1xf32>
    %mul3A_668 = arith.mulf %add3A_667, %mul3A_633 : vector<320x1xf32>
    %add3A_669 = arith.constant 1.000000e+00 : f32
    %add3A_670 = vector.broadcast %add3A_669 : f32 to vector<320x1xf32>
    %add3A_671 = arith.addf %mul3A_668, %add3A_670 : vector<320x1xf32>
    %mul3A_672 = arith.mulf %min3A_632, %add3A_671 : vector<320x1xf32>
    %le3A = arith.constant 1.000000e+00 : f32
    %le3A_673 = vector.broadcast %le3A : f32 to vector<320x1xf32>
    %le3A_674 = arith.cmpf ole, %div3A_625, %le3A_673 : vector<320x1xf32>
    %sub3A_675 = arith.constant 1.57079637 : f32
    %sub3A_676 = vector.broadcast %sub3A_675 : f32 to vector<320x1xf32>
    %sub3A_677 = arith.subf %sub3A_676, %mul3A_672 : vector<320x1xf32>
    %select_n3A_678 = arith.select %le3A_674, %mul3A_672, %sub3A_677 : vector<320x1xi1>, vector<320x1xf32>
    %add3A_679 = arith.constant 9.99999997E-7 : f32
    %add3A_680 = vector.broadcast %add3A_679 : f32 to vector<320x1xf32>
    %add3A_681 = arith.addf %mul3A_31, %add3A_680 : vector<320x1xf32>
    %div3A_682 = arith.divf %mul3A_28, %add3A_681 : vector<320x1xf32>
    %max3A_683 = arith.constant 1.000000e-30 : f32
    %max3A_684 = vector.broadcast %max3A_683 : f32 to vector<320x1xf32>
    %max3A_685 = arith.maximumf %div3A_682, %max3A_684 : vector<320x1xf32>
    %div3A_686 = arith.constant 1.000000e+00 : f32
    %div3A_687 = vector.broadcast %div3A_686 : f32 to vector<320x1xf32>
    %div3A_688 = arith.divf %div3A_687, %max3A_685 : vector<320x1xf32>
    %min3A_689 = arith.minimumf %div3A_682, %div3A_688 : vector<320x1xf32>
    %mul3A_690 = arith.mulf %min3A_689, %min3A_689 : vector<320x1xf32>
    %broadcast_in_dim3A_691 = arith.constant -0.00180449022 : f32
    %broadcast_in_dim3A_692 = vector.broadcast %broadcast_in_dim3A_691 : f32 to vector<320x1xf32>
    %mul3A_693 = arith.mulf %broadcast_in_dim3A_692, %mul3A_690 : vector<320x1xf32>
    %add3A_694 = arith.constant 0.0109624434 : f32
    %add3A_695 = vector.broadcast %add3A_694 : f32 to vector<320x1xf32>
    %add3A_696 = arith.addf %mul3A_693, %add3A_695 : vector<320x1xf32>
    %mul3A_697 = arith.mulf %add3A_696, %mul3A_690 : vector<320x1xf32>
    %add3A_698 = arith.constant -0.0312645063 : f32
    %add3A_699 = vector.broadcast %add3A_698 : f32 to vector<320x1xf32>
    %add3A_700 = arith.addf %mul3A_697, %add3A_699 : vector<320x1xf32>
    %mul3A_701 = arith.mulf %add3A_700, %mul3A_690 : vector<320x1xf32>
    %add3A_702 = arith.constant 0.0580404513 : f32
    %add3A_703 = vector.broadcast %add3A_702 : f32 to vector<320x1xf32>
    %add3A_704 = arith.addf %mul3A_701, %add3A_703 : vector<320x1xf32>
    %mul3A_705 = arith.mulf %add3A_704, %mul3A_690 : vector<320x1xf32>
    %add3A_706 = arith.constant -0.0840787888 : f32
    %add3A_707 = vector.broadcast %add3A_706 : f32 to vector<320x1xf32>
    %add3A_708 = arith.addf %mul3A_705, %add3A_707 : vector<320x1xf32>
    %mul3A_709 = arith.mulf %add3A_708, %mul3A_690 : vector<320x1xf32>
    %add3A_710 = arith.constant 0.109534502 : f32
    %add3A_711 = vector.broadcast %add3A_710 : f32 to vector<320x1xf32>
    %add3A_712 = arith.addf %mul3A_709, %add3A_711 : vector<320x1xf32>
    %mul3A_713 = arith.mulf %add3A_712, %mul3A_690 : vector<320x1xf32>
    %add3A_714 = arith.constant -0.142643899 : f32
    %add3A_715 = vector.broadcast %add3A_714 : f32 to vector<320x1xf32>
    %add3A_716 = arith.addf %mul3A_713, %add3A_715 : vector<320x1xf32>
    %mul3A_717 = arith.mulf %add3A_716, %mul3A_690 : vector<320x1xf32>
    %add3A_718 = arith.constant 0.19998543 : f32
    %add3A_719 = vector.broadcast %add3A_718 : f32 to vector<320x1xf32>
    %add3A_720 = arith.addf %mul3A_717, %add3A_719 : vector<320x1xf32>
    %mul3A_721 = arith.mulf %add3A_720, %mul3A_690 : vector<320x1xf32>
    %add3A_722 = arith.constant -0.333332956 : f32
    %add3A_723 = vector.broadcast %add3A_722 : f32 to vector<320x1xf32>
    %add3A_724 = arith.addf %mul3A_721, %add3A_723 : vector<320x1xf32>
    %mul3A_725 = arith.mulf %add3A_724, %mul3A_690 : vector<320x1xf32>
    %add3A_726 = arith.constant 1.000000e+00 : f32
    %add3A_727 = vector.broadcast %add3A_726 : f32 to vector<320x1xf32>
    %add3A_728 = arith.addf %mul3A_725, %add3A_727 : vector<320x1xf32>
    %mul3A_729 = arith.mulf %min3A_689, %add3A_728 : vector<320x1xf32>
    %le3A_730 = arith.constant 1.000000e+00 : f32
    %le3A_731 = vector.broadcast %le3A_730 : f32 to vector<320x1xf32>
    %le3A_732 = arith.cmpf ole, %div3A_682, %le3A_731 : vector<320x1xf32>
    %sub3A_733 = arith.constant 1.57079637 : f32
    %sub3A_734 = vector.broadcast %sub3A_733 : f32 to vector<320x1xf32>
    %sub3A_735 = arith.subf %sub3A_734, %mul3A_729 : vector<320x1xf32>
    %select_n3A_736 = arith.select %le3A_732, %mul3A_729, %sub3A_735 : vector<320x1xi1>, vector<320x1xf32>
    %sub3A_737 = arith.subf %select_n3A_678, %select_n3A_736 : vector<320x1xf32>
    %integer_pow3A_738 = arith.mulf %sub3A_737, %sub3A_737 : vector<320x1xf32>
    %mul3A_739 = arith.constant 4.000000e+00 : f32
    %mul3A_740 = vector.broadcast %mul3A_739 : f32 to vector<320x1xf32>
    %mul3A_741 = arith.mulf %mul3A_740, %integer_pow3A_738 : vector<320x1xf32>
    %div3A_742 = arith.constant 9.86960411 : f32
    %div3A_743 = vector.broadcast %div3A_742 : f32 to vector<320x1xf32>
    %div3A_744 = arith.divf %mul3A_741, %div3A_743 : vector<320x1xf32>
    %sub3A_745 = arith.constant 1.000000e+00 : f32
    %sub3A_746 = vector.broadcast %sub3A_745 : f32 to vector<320x1xf32>
    %sub3A_747 = arith.subf %sub3A_746, %div3A_605 : vector<320x1xf32>
    %add3A_748 = arith.addf %sub3A_747, %div3A_744 : vector<320x1xf32>
    %add3A_749 = arith.constant 9.99999997E-7 : f32
    %add3A_750 = vector.broadcast %add3A_749 : f32 to vector<320x1xf32>
    %add3A_751 = arith.addf %add3A_748, %add3A_750 : vector<320x1xf32>
    %div3A_752 = arith.divf %div3A_744, %add3A_751 : vector<320x1xf32>
    %div3A_753 = arith.divf %add3A_609, %add3A_621 : vector<320x1xf32>
    %sub3A_754 = arith.subf %div3A_605, %div3A_753 : vector<320x1xf32>
    %mul3A_755 = arith.mulf %div3A_752, %div3A_744 : vector<320x1xf32>
    %sub3A_756 = arith.subf %sub3A_754, %mul3A_755 : vector<320x1xf32>
    %get3A_757 = arith.constant 0 : index
    %get3A_758 = arith.constant 0 : index
    %get3A_759 = vector.load %arg13[%get3A_757, %get3A_758] : memref<320x1xf32, #tpu.memory_space<vmem>>, vector<320x1xf32>
    %get3A_760 = arith.constant 0 : index
    %get3A_761 = arith.constant 0 : index
    %get3A_762 = vector.load %arg14[%get3A_760, %get3A_761] : memref<320x1xf32, #tpu.memory_space<vmem>>, vector<320x1xf32>
    %mul3A_763 = arith.mulf %get3A_759, %get3A_762 : vector<320x1xf32>
    %sub3A_764 = arith.constant 2.000000e+00 : f32
    %sub3A_765 = vector.broadcast %sub3A_764 : f32 to vector<320x1xf32>
    %sub3A_766 = arith.subf %sub3A_765, %mul3A_763 : vector<320x1xf32>
    %convert_element_type3A_767 = arith.extui %not3A_457 : vector<320x1xi1> to vector<320x1xi32>
    %convert_element_type3A_768 = arith.sitofp %convert_element_type3A_767 : vector<320x1xi32> to vector<320x1xf32>
    %reduce_sum3A = vector.shape_cast %convert_element_type3A_768 : vector<320x1xf32> to vector<1x320x1xf32>
    %reduce_sum3A_769 = arith.constant dense<0.000000e+00> : vector<1xf32>
    %reduce_sum3A_770 = vector.multi_reduction <add>, %reduce_sum3A, %reduce_sum3A_769 [1, 2] : vector<1x320x1xf32> to vector<1xf32>
    %reduce_sum3A_771 = vector.shape_cast %reduce_sum3A_770 : vector<1xf32> to vector<1x1x1xf32>
    %reduce_sum3A_772 = vector.extract %reduce_sum3A_771[0, 0, 0] : f32 from vector<1x1x1xf32>
    %max3A_773 = arith.constant 1.000000e+00 : f32
    %max3A_774 = arith.maximumf %reduce_sum3A_772, %max3A_773 : f32
    %sub3A_775 = arith.constant 1.000000e+00 : f32
    %sub3A_776 = vector.broadcast %sub3A_775 : f32 to vector<320x1xf32>
    %sub3A_777 = arith.subf %sub3A_776, %sub3A_756 : vector<320x1xf32>
    %mul3A_778 = arith.mulf %convert_element_type3A_768, %sub3A_777 : vector<320x1xf32>
    %mul3A_779 = arith.mulf %mul3A_778, %sub3A_766 : vector<320x1xf32>
    %reduce_sum3A_780 = vector.shape_cast %mul3A_779 : vector<320x1xf32> to vector<1x320x1xf32>
    %reduce_sum3A_781 = arith.constant dense<0.000000e+00> : vector<1xf32>
    %reduce_sum3A_782 = vector.multi_reduction <add>, %reduce_sum3A_780, %reduce_sum3A_781 [1, 2] : vector<1x320x1xf32> to vector<1xf32>
    %reduce_sum3A_783 = vector.shape_cast %reduce_sum3A_782 : vector<1xf32> to vector<1x1x1xf32>
    %reduce_sum3A_784 = vector.extract %reduce_sum3A_783[0, 0, 0] : f32 from vector<1x1x1xf32>
    %slice3A_785 = vector.extract_strided_slice %select_n3A_482 {offsets = [0, 5], sizes = [320, 80], strides = [1, 1]} : vector<320x128xf32> to vector<320x80xf32>
    %max3A_786 = arith.constant 0.000000e+00 : f32
    %max3A_787 = vector.broadcast %max3A_786 : f32 to vector<320x80xf32>
    %max3A_788 = arith.maximumf %slice3A_785, %max3A_787 : vector<320x80xf32>
    %abs3A = math.absf %slice3A_785 : vector<320x80xf32>
    %neg3A_789 = arith.constant 0.000000e+00 : f32
    %neg3A_790 = vector.broadcast %neg3A_789 : f32 to vector<320x80xf32>
    %neg3A_791 = arith.subf %neg3A_790, %abs3A : vector<320x80xf32>
    %exp3A_792 = math.exp %neg3A_791 : vector<320x80xf32>
    %log1p3A = math.log1p %exp3A_792 : vector<320x80xf32>
    %add3A_793 = arith.addf %max3A_788, %log1p3A : vector<320x80xf32>
    %reduce_sum3A_794 = arith.constant dense<0.000000e+00> : vector<320xf32>
    %reduce_sum3A_795 = vector.multi_reduction <add>, %add3A_793, %reduce_sum3A_794 [1] : vector<320x80xf32> to vector<320xf32>
    %broadcast_in_dim3A_796 = vector.shape_cast %reduce_sum3A_795 : vector<320xf32> to vector<320x1xf32>
    %iota3A_797 = tpu.iota {dimensions = array<i32: 1>} : vector<320x80xi32>
    %broadcast_in_dim3A_798 = vector.shape_cast %convert_element_type3A_6 : vector<320x1xi32> to vector<320x1xi32>
    %broadcast_in_dim3A_799 = vector.broadcast %broadcast_in_dim3A_798 : vector<320x1xi32> to vector<320x80xi32>
    %eq3A_800 = arith.cmpi eq, %iota3A_797, %broadcast_in_dim3A_799 : vector<320x80xi32>
    %jit3A_801 = arith.constant 0.000000e+00 : f32
    %broadcast_in_dim3A_802 = vector.broadcast %jit3A_801 : f32 to vector<320x80xf32>
    %select_n3A_803 = arith.select %eq3A_800, %slice3A_785, %broadcast_in_dim3A_802 : vector<320x80xi1>, vector<320x80xf32>
    %reduce_sum3A_804 = arith.constant dense<0.000000e+00> : vector<320xf32>
    %reduce_sum3A_805 = vector.multi_reduction <add>, %select_n3A_803, %reduce_sum3A_804 [1] : vector<320x80xf32> to vector<320xf32>
    %broadcast_in_dim3A_806 = vector.shape_cast %reduce_sum3A_805 : vector<320xf32> to vector<320x1xf32>
    %mul3A_807 = arith.constant 80 : i32
    %mul3A_808 = vector.broadcast %mul3A_807 : i32 to vector<320x1xi32>
    %mul3A_809 = arith.muli %select_n3A_157, %mul3A_808 : vector<320x1xi32>
    %add3A_810 = arith.addi %mul3A_809, %convert_element_type3A_6 : vector<320x1xi32>
    %mul3A_811 = arith.constant 80 : i32
    %mul3A_812 = vector.broadcast %mul3A_811 : i32 to vector<1x320xi32>
    %mul3A_813 = arith.muli %select_n3A_323, %mul3A_812 : vector<1x320xi32>
    %add3A_814 = arith.addi %mul3A_813, %convert_element_type3A : vector<1x320xi32>
    %iota3A_815 = tpu.iota {dimensions = array<i32: 0>} : vector<320x1xi32>
    %slice3A_816 = vector.extract_strided_slice %add3A_814 {offsets = [0, 0], sizes = [1, 64], strides = [1, 1]} : vector<1x320xi32> to vector<1x64xi32>
    %slice3A_817 = vector.extract_strided_slice %eq3A_324 {offsets = [0, 0], sizes = [1, 64], strides = [1, 1]} : vector<1x320xi1> to vector<1x64xi1>
    %iota3A_818 = tpu.iota {dimensions = array<i32: 1>} : vector<1x64xi32>
    %add3A_819 = arith.constant 0 : i32
    %add3A_820 = vector.broadcast %add3A_819 : i32 to vector<1x64xi32>
    %add3A_821 = arith.addi %iota3A_818, %add3A_820 : vector<1x64xi32>
    %gt3A_822 = vector.broadcast %add3A_821 : vector<1x64xi32> to vector<320x64xi32>
    %gt3A_823 = vector.broadcast %iota3A_815 : vector<320x1xi32> to vector<320x64xi32>
    %gt3A_824 = arith.cmpi sgt, %gt3A_822, %gt3A_823 : vector<320x64xi32>
    %eq3A_825 = vector.broadcast %slice3A_816 : vector<1x64xi32> to vector<320x64xi32>
    %eq3A_826 = vector.broadcast %add3A_810 : vector<320x1xi32> to vector<320x64xi32>
    %eq3A_827 = arith.cmpi eq, %eq3A_825, %eq3A_826 : vector<320x64xi32>
    %and3A_828 = vector.broadcast %slice3A_817 : vector<1x64xi1> to vector<320x64xi1>
    %and3A_829 = arith.andi %eq3A_827, %and3A_828 : vector<320x64xi1>
    %and3A_830 = arith.andi %and3A_829, %gt3A_824 : vector<320x64xi1>
    %reduce_or3A_831 = arith.constant 1.000000e+00 : f32
    %reduce_or3A_832 = arith.constant 0.000000e+00 : f32
    %reduce_or3A_833 = vector.broadcast %reduce_or3A_831 : f32 to vector<320x64xf32>
    %reduce_or3A_834 = vector.broadcast %reduce_or3A_832 : f32 to vector<320x64xf32>
    %reduce_or3A_835 = arith.select %and3A_830, %reduce_or3A_833, %reduce_or3A_834 : vector<320x64xi1>, vector<320x64xf32>
    %reduce_or3A_836 = arith.constant dense<0xFF800000> : vector<320xf32>
    %reduce_or3A_837 = vector.multi_reduction <maximumf>, %reduce_or3A_835, %reduce_or3A_836 [1] : vector<320x64xf32> to vector<320xf32>
    %reduce_or3A_838 = arith.constant 0.000000e+00 : f32
    %reduce_or3A_839 = vector.broadcast %reduce_or3A_838 : f32 to vector<320xf32>
    %reduce_or3A_840 = arith.cmpf ogt, %reduce_or3A_837, %reduce_or3A_839 : vector<320xf32>
    %broadcast_in_dim3A_841 = vector.shape_cast %reduce_or3A_840 : vector<320xi1> to vector<320x1xi1>
    %slice3A_842 = vector.extract_strided_slice %add3A_814 {offsets = [0, 64], sizes = [1, 64], strides = [1, 1]} : vector<1x320xi32> to vector<1x64xi32>
    %slice3A_843 = vector.extract_strided_slice %eq3A_324 {offsets = [0, 64], sizes = [1, 64], strides = [1, 1]} : vector<1x320xi1> to vector<1x64xi1>
    %iota3A_844 = tpu.iota {dimensions = array<i32: 1>} : vector<1x64xi32>
    %add3A_845 = arith.constant 64 : i32
    %add3A_846 = vector.broadcast %add3A_845 : i32 to vector<1x64xi32>
    %add3A_847 = arith.addi %iota3A_844, %add3A_846 : vector<1x64xi32>
    %gt3A_848 = vector.broadcast %add3A_847 : vector<1x64xi32> to vector<320x64xi32>
    %gt3A_849 = vector.broadcast %iota3A_815 : vector<320x1xi32> to vector<320x64xi32>
    %gt3A_850 = arith.cmpi sgt, %gt3A_848, %gt3A_849 : vector<320x64xi32>
    %eq3A_851 = vector.broadcast %slice3A_842 : vector<1x64xi32> to vector<320x64xi32>
    %eq3A_852 = vector.broadcast %add3A_810 : vector<320x1xi32> to vector<320x64xi32>
    %eq3A_853 = arith.cmpi eq, %eq3A_851, %eq3A_852 : vector<320x64xi32>
    %and3A_854 = vector.broadcast %slice3A_843 : vector<1x64xi1> to vector<320x64xi1>
    %and3A_855 = arith.andi %eq3A_853, %and3A_854 : vector<320x64xi1>
    %and3A_856 = arith.andi %and3A_855, %gt3A_850 : vector<320x64xi1>
    %reduce_or3A_857 = arith.constant 1.000000e+00 : f32
    %reduce_or3A_858 = arith.constant 0.000000e+00 : f32
    %reduce_or3A_859 = vector.broadcast %reduce_or3A_857 : f32 to vector<320x64xf32>
    %reduce_or3A_860 = vector.broadcast %reduce_or3A_858 : f32 to vector<320x64xf32>
    %reduce_or3A_861 = arith.select %and3A_856, %reduce_or3A_859, %reduce_or3A_860 : vector<320x64xi1>, vector<320x64xf32>
    %reduce_or3A_862 = arith.constant dense<0xFF800000> : vector<320xf32>
    %reduce_or3A_863 = vector.multi_reduction <maximumf>, %reduce_or3A_861, %reduce_or3A_862 [1] : vector<320x64xf32> to vector<320xf32>
    %reduce_or3A_864 = arith.constant 0.000000e+00 : f32
    %reduce_or3A_865 = vector.broadcast %reduce_or3A_864 : f32 to vector<320xf32>
    %reduce_or3A_866 = arith.cmpf ogt, %reduce_or3A_863, %reduce_or3A_865 : vector<320xf32>
    %broadcast_in_dim3A_867 = vector.shape_cast %reduce_or3A_866 : vector<320xi1> to vector<320x1xi1>
    %or3A_868 = arith.ori %broadcast_in_dim3A_841, %broadcast_in_dim3A_867 : vector<320x1xi1>
    %slice3A_869 = vector.extract_strided_slice %add3A_814 {offsets = [0, 128], sizes = [1, 64], strides = [1, 1]} : vector<1x320xi32> to vector<1x64xi32>
    %slice3A_870 = vector.extract_strided_slice %eq3A_324 {offsets = [0, 128], sizes = [1, 64], strides = [1, 1]} : vector<1x320xi1> to vector<1x64xi1>
    %iota3A_871 = tpu.iota {dimensions = array<i32: 1>} : vector<1x64xi32>
    %add3A_872 = arith.constant 128 : i32
    %add3A_873 = vector.broadcast %add3A_872 : i32 to vector<1x64xi32>
    %add3A_874 = arith.addi %iota3A_871, %add3A_873 : vector<1x64xi32>
    %gt3A_875 = vector.broadcast %add3A_874 : vector<1x64xi32> to vector<320x64xi32>
    %gt3A_876 = vector.broadcast %iota3A_815 : vector<320x1xi32> to vector<320x64xi32>
    %gt3A_877 = arith.cmpi sgt, %gt3A_875, %gt3A_876 : vector<320x64xi32>
    %eq3A_878 = vector.broadcast %slice3A_869 : vector<1x64xi32> to vector<320x64xi32>
    %eq3A_879 = vector.broadcast %add3A_810 : vector<320x1xi32> to vector<320x64xi32>
    %eq3A_880 = arith.cmpi eq, %eq3A_878, %eq3A_879 : vector<320x64xi32>
    %and3A_881 = vector.broadcast %slice3A_870 : vector<1x64xi1> to vector<320x64xi1>
    %and3A_882 = arith.andi %eq3A_880, %and3A_881 : vector<320x64xi1>
    %and3A_883 = arith.andi %and3A_882, %gt3A_877 : vector<320x64xi1>
    %reduce_or3A_884 = arith.constant 1.000000e+00 : f32
    %reduce_or3A_885 = arith.constant 0.000000e+00 : f32
    %reduce_or3A_886 = vector.broadcast %reduce_or3A_884 : f32 to vector<320x64xf32>
    %reduce_or3A_887 = vector.broadcast %reduce_or3A_885 : f32 to vector<320x64xf32>
    %reduce_or3A_888 = arith.select %and3A_883, %reduce_or3A_886, %reduce_or3A_887 : vector<320x64xi1>, vector<320x64xf32>
    %reduce_or3A_889 = arith.constant dense<0xFF800000> : vector<320xf32>
    %reduce_or3A_890 = vector.multi_reduction <maximumf>, %reduce_or3A_888, %reduce_or3A_889 [1] : vector<320x64xf32> to vector<320xf32>
    %reduce_or3A_891 = arith.constant 0.000000e+00 : f32
    %reduce_or3A_892 = vector.broadcast %reduce_or3A_891 : f32 to vector<320xf32>
    %reduce_or3A_893 = arith.cmpf ogt, %reduce_or3A_890, %reduce_or3A_892 : vector<320xf32>
    %broadcast_in_dim3A_894 = vector.shape_cast %reduce_or3A_893 : vector<320xi1> to vector<320x1xi1>
    %or3A_895 = arith.ori %or3A_868, %broadcast_in_dim3A_894 : vector<320x1xi1>
    %slice3A_896 = vector.extract_strided_slice %add3A_814 {offsets = [0, 192], sizes = [1, 64], strides = [1, 1]} : vector<1x320xi32> to vector<1x64xi32>
    %slice3A_897 = vector.extract_strided_slice %eq3A_324 {offsets = [0, 192], sizes = [1, 64], strides = [1, 1]} : vector<1x320xi1> to vector<1x64xi1>
    %iota3A_898 = tpu.iota {dimensions = array<i32: 1>} : vector<1x64xi32>
    %add3A_899 = arith.constant 192 : i32
    %add3A_900 = vector.broadcast %add3A_899 : i32 to vector<1x64xi32>
    %add3A_901 = arith.addi %iota3A_898, %add3A_900 : vector<1x64xi32>
    %gt3A_902 = vector.broadcast %add3A_901 : vector<1x64xi32> to vector<320x64xi32>
    %gt3A_903 = vector.broadcast %iota3A_815 : vector<320x1xi32> to vector<320x64xi32>
    %gt3A_904 = arith.cmpi sgt, %gt3A_902, %gt3A_903 : vector<320x64xi32>
    %eq3A_905 = vector.broadcast %slice3A_896 : vector<1x64xi32> to vector<320x64xi32>
    %eq3A_906 = vector.broadcast %add3A_810 : vector<320x1xi32> to vector<320x64xi32>
    %eq3A_907 = arith.cmpi eq, %eq3A_905, %eq3A_906 : vector<320x64xi32>
    %and3A_908 = vector.broadcast %slice3A_897 : vector<1x64xi1> to vector<320x64xi1>
    %and3A_909 = arith.andi %eq3A_907, %and3A_908 : vector<320x64xi1>
    %and3A_910 = arith.andi %and3A_909, %gt3A_904 : vector<320x64xi1>
    %reduce_or3A_911 = arith.constant 1.000000e+00 : f32
    %reduce_or3A_912 = arith.constant 0.000000e+00 : f32
    %reduce_or3A_913 = vector.broadcast %reduce_or3A_911 : f32 to vector<320x64xf32>
    %reduce_or3A_914 = vector.broadcast %reduce_or3A_912 : f32 to vector<320x64xf32>
    %reduce_or3A_915 = arith.select %and3A_910, %reduce_or3A_913, %reduce_or3A_914 : vector<320x64xi1>, vector<320x64xf32>
    %reduce_or3A_916 = arith.constant dense<0xFF800000> : vector<320xf32>
    %reduce_or3A_917 = vector.multi_reduction <maximumf>, %reduce_or3A_915, %reduce_or3A_916 [1] : vector<320x64xf32> to vector<320xf32>
    %reduce_or3A_918 = arith.constant 0.000000e+00 : f32
    %reduce_or3A_919 = vector.broadcast %reduce_or3A_918 : f32 to vector<320xf32>
    %reduce_or3A_920 = arith.cmpf ogt, %reduce_or3A_917, %reduce_or3A_919 : vector<320xf32>
    %broadcast_in_dim3A_921 = vector.shape_cast %reduce_or3A_920 : vector<320xi1> to vector<320x1xi1>
    %or3A_922 = arith.ori %or3A_895, %broadcast_in_dim3A_921 : vector<320x1xi1>
    %slice3A_923 = vector.extract_strided_slice %add3A_814 {offsets = [0, 256], sizes = [1, 64], strides = [1, 1]} : vector<1x320xi32> to vector<1x64xi32>
    %slice3A_924 = vector.extract_strided_slice %eq3A_324 {offsets = [0, 256], sizes = [1, 64], strides = [1, 1]} : vector<1x320xi1> to vector<1x64xi1>
    %iota3A_925 = tpu.iota {dimensions = array<i32: 1>} : vector<1x64xi32>
    %add3A_926 = arith.constant 256 : i32
    %add3A_927 = vector.broadcast %add3A_926 : i32 to vector<1x64xi32>
    %add3A_928 = arith.addi %iota3A_925, %add3A_927 : vector<1x64xi32>
    %gt3A_929 = vector.broadcast %add3A_928 : vector<1x64xi32> to vector<320x64xi32>
    %gt3A_930 = vector.broadcast %iota3A_815 : vector<320x1xi32> to vector<320x64xi32>
    %gt3A_931 = arith.cmpi sgt, %gt3A_929, %gt3A_930 : vector<320x64xi32>
    %eq3A_932 = vector.broadcast %slice3A_923 : vector<1x64xi32> to vector<320x64xi32>
    %eq3A_933 = vector.broadcast %add3A_810 : vector<320x1xi32> to vector<320x64xi32>
    %eq3A_934 = arith.cmpi eq, %eq3A_932, %eq3A_933 : vector<320x64xi32>
    %and3A_935 = vector.broadcast %slice3A_924 : vector<1x64xi1> to vector<320x64xi1>
    %and3A_936 = arith.andi %eq3A_934, %and3A_935 : vector<320x64xi1>
    %and3A_937 = arith.andi %and3A_936, %gt3A_931 : vector<320x64xi1>
    %reduce_or3A_938 = arith.constant 1.000000e+00 : f32
    %reduce_or3A_939 = arith.constant 0.000000e+00 : f32
    %reduce_or3A_940 = vector.broadcast %reduce_or3A_938 : f32 to vector<320x64xf32>
    %reduce_or3A_941 = vector.broadcast %reduce_or3A_939 : f32 to vector<320x64xf32>
    %reduce_or3A_942 = arith.select %and3A_937, %reduce_or3A_940, %reduce_or3A_941 : vector<320x64xi1>, vector<320x64xf32>
    %reduce_or3A_943 = arith.constant dense<0xFF800000> : vector<320xf32>
    %reduce_or3A_944 = vector.multi_reduction <maximumf>, %reduce_or3A_942, %reduce_or3A_943 [1] : vector<320x64xf32> to vector<320xf32>
    %reduce_or3A_945 = arith.constant 0.000000e+00 : f32
    %reduce_or3A_946 = vector.broadcast %reduce_or3A_945 : f32 to vector<320xf32>
    %reduce_or3A_947 = arith.cmpf ogt, %reduce_or3A_944, %reduce_or3A_946 : vector<320xf32>
    %broadcast_in_dim3A_948 = vector.shape_cast %reduce_or3A_947 : vector<320xi1> to vector<320x1xi1>
    %or3A_949 = arith.ori %or3A_922, %broadcast_in_dim3A_948 : vector<320x1xi1>
    %not3A_950 = arith.constant dense<true> : vector<320x1xi1>
    %not3A_951 = arith.xori %or3A_949, %not3A_950 : vector<320x1xi1>
    %mul3A_952 = arith.mulf %convert_element_type3A_768, %broadcast_in_dim3A_796 : vector<320x1xf32>
    %reduce_sum3A_953 = vector.shape_cast %mul3A_952 : vector<320x1xf32> to vector<1x320x1xf32>
    %reduce_sum3A_954 = arith.constant dense<0.000000e+00> : vector<1xf32>
    %reduce_sum3A_955 = vector.multi_reduction <add>, %reduce_sum3A_953, %reduce_sum3A_954 [1, 2] : vector<1x320x1xf32> to vector<1xf32>
    %reduce_sum3A_956 = vector.shape_cast %reduce_sum3A_955 : vector<1xf32> to vector<1x1x1xf32>
    %reduce_sum3A_957 = vector.extract %reduce_sum3A_956[0, 0, 0] : f32 from vector<1x1x1xf32>
    %convert_element_type3A_958 = arith.extui %not3A_951 : vector<320x1xi1> to vector<320x1xi32>
    %convert_element_type3A_959 = arith.sitofp %convert_element_type3A_958 : vector<320x1xi32> to vector<320x1xf32>
    %mul3A_960 = arith.mulf %convert_element_type3A_959, %broadcast_in_dim3A_806 : vector<320x1xf32>
    %reduce_sum3A_961 = vector.shape_cast %mul3A_960 : vector<320x1xf32> to vector<1x320x1xf32>
    %reduce_sum3A_962 = arith.constant dense<0.000000e+00> : vector<1xf32>
    %reduce_sum3A_963 = vector.multi_reduction <add>, %reduce_sum3A_961, %reduce_sum3A_962 [1, 2] : vector<1x320x1xf32> to vector<1xf32>
    %reduce_sum3A_964 = vector.shape_cast %reduce_sum3A_963 : vector<1xf32> to vector<1x1x1xf32>
    %reduce_sum3A_965 = vector.extract %reduce_sum3A_964[0, 0, 0] : f32 from vector<1x1x1xf32>
    %sub3A_966 = arith.subf %reduce_sum3A_957, %reduce_sum3A_965 : f32
    %get3A_967 = arith.constant 0 : index
    %get3A_968 = arith.constant 0 : index
    %get3A_969 = vector.load %arg3[%get3A_967, %get3A_968] : memref<1x1xf32, #tpu.memory_space<vmem>>, vector<1x1xf32>
    %get3A_970 = vector.extract %get3A_969[0, 0] : f32 from vector<1x1xf32>
    %concatenate3A = tpu.concatenate %add3A_122, %add3A_136, %add3A_150, %select_n3A_157 in 0 : vector<320x1xi32>, vector<320x1xi32>, vector<320x1xi32>, vector<320x1xi32> -> vector<1280x1xi32>
    %concatenate3A_971 = tpu.concatenate %add3A_287, %add3A_301, %add3A_315, %select_n3A_323 in 1 : vector<1x320xi32>, vector<1x320xi32>, vector<1x320xi32>, vector<1x320xi32> -> vector<1x1280xi32>
    %gt3A_972 = arith.constant 5.000000e-01 : f32
    %gt3A_973 = vector.broadcast %gt3A_972 : f32 to vector<1x320xf32>
    %gt3A_974 = arith.cmpf ogt, %div3A_199, %gt3A_973 : vector<1x320xf32>
    %convert_element_type3A_975 = arith.extui %gt3A_974 : vector<1x320xi1> to vector<1x320xi32>
    %gt3A_976 = arith.constant 5.000000e-01 : f32
    %gt3A_977 = vector.broadcast %gt3A_976 : f32 to vector<1x320xf32>
    %gt3A_978 = arith.cmpf ogt, %div3A_215, %gt3A_977 : vector<1x320xf32>
    %convert_element_type3A_979 = arith.extui %gt3A_978 : vector<1x320xi1> to vector<1x320xi32>
    %gt3A_980 = arith.constant 5.000000e-01 : f32
    %gt3A_981 = vector.broadcast %gt3A_980 : f32 to vector<1x320xf32>
    %gt3A_982 = arith.cmpf ogt, %div3A_231, %gt3A_981 : vector<1x320xf32>
    %convert_element_type3A_983 = arith.extui %gt3A_982 : vector<1x320xi1> to vector<1x320xi32>
    %broadcast_in_dim3A_984 = arith.constant 1 : i32
    %broadcast_in_dim3A_985 = vector.broadcast %broadcast_in_dim3A_984 : i32 to vector<1x320xi32>
    %concatenate3A_986 = tpu.concatenate %convert_element_type3A_975, %convert_element_type3A_979, %convert_element_type3A_983, %broadcast_in_dim3A_985 in 1 : vector<1x320xi32>, vector<1x320xi32>, vector<1x320xi32>, vector<1x320xi32> -> vector<1x1280xi32>
    %ne3A_987 = arith.constant 0 : i32
    %ne3A_988 = vector.broadcast %ne3A_987 : i32 to vector<1x1280xi32>
    %ne3A_989 = arith.cmpi ne, %concatenate3A_986, %ne3A_988 : vector<1x1280xi32>
    %gt3A_990 = arith.constant 5.000000e-01 : f32
    %gt3A_991 = vector.broadcast %gt3A_990 : f32 to vector<320x1xf32>
    %gt3A_992 = arith.cmpf ogt, %div3A, %gt3A_991 : vector<320x1xf32>
    %convert_element_type3A_993 = arith.extui %gt3A_992 : vector<320x1xi1> to vector<320x1xi32>
    %gt3A_994 = arith.constant 5.000000e-01 : f32
    %gt3A_995 = vector.broadcast %gt3A_994 : f32 to vector<320x1xf32>
    %gt3A_996 = arith.cmpf ogt, %div3A_59, %gt3A_995 : vector<320x1xf32>
    %convert_element_type3A_997 = arith.extui %gt3A_996 : vector<320x1xi1> to vector<320x1xi32>
    %gt3A_998 = arith.constant 5.000000e-01 : f32
    %gt3A_999 = vector.broadcast %gt3A_998 : f32 to vector<320x1xf32>
    %gt3A_1000 = arith.cmpf ogt, %div3A_75, %gt3A_999 : vector<320x1xf32>
    %convert_element_type3A_1001 = arith.extui %gt3A_1000 : vector<320x1xi1> to vector<320x1xi32>
    %broadcast_in_dim3A_1002 = arith.constant 1 : i32
    %broadcast_in_dim3A_1003 = vector.broadcast %broadcast_in_dim3A_1002 : i32 to vector<320x1xi32>
    %concatenate3A_1004 = tpu.concatenate %convert_element_type3A_993, %convert_element_type3A_997, %convert_element_type3A_1001, %broadcast_in_dim3A_1003 in 0 : vector<320x1xi32>, vector<320x1xi32>, vector<320x1xi32>, vector<320x1xi32> -> vector<1280x1xi32>
    %ne3A_1005 = arith.constant 0 : i32
    %ne3A_1006 = vector.broadcast %ne3A_1005 : i32 to vector<1280x1xi32>
    %ne3A_1007 = arith.cmpi ne, %concatenate3A_1004, %ne3A_1006 : vector<1280x1xi32>
    %iota3A_1008 = tpu.iota {dimensions = array<i32: 0>} : vector<1280x1xi32>
    %slice3A_1009 = vector.extract_strided_slice %concatenate3A_971 {offsets = [0, 0], sizes = [1, 128], strides = [1, 1]} : vector<1x1280xi32> to vector<1x128xi32>
    %slice3A_1010 = vector.extract_strided_slice %ne3A_989 {offsets = [0, 0], sizes = [1, 128], strides = [1, 1]} : vector<1x1280xi1> to vector<1x128xi1>
    %iota3A_1011 = tpu.iota {dimensions = array<i32: 1>} : vector<1x128xi32>
    %add3A_1012 = arith.constant 0 : i32
    %add3A_1013 = vector.broadcast %add3A_1012 : i32 to vector<1x128xi32>
    %add3A_1014 = arith.addi %iota3A_1011, %add3A_1013 : vector<1x128xi32>
    %lt3A = vector.broadcast %add3A_1014 : vector<1x128xi32> to vector<1280x128xi32>
    %lt3A_1015 = vector.broadcast %iota3A_1008 : vector<1280x1xi32> to vector<1280x128xi32>
    %lt3A_1016 = arith.cmpi slt, %lt3A, %lt3A_1015 : vector<1280x128xi32>
    %eq3A_1017 = vector.broadcast %slice3A_1009 : vector<1x128xi32> to vector<1280x128xi32>
    %eq3A_1018 = vector.broadcast %concatenate3A : vector<1280x1xi32> to vector<1280x128xi32>
    %eq3A_1019 = arith.cmpi eq, %eq3A_1017, %eq3A_1018 : vector<1280x128xi32>
    %and3A_1020 = vector.broadcast %slice3A_1010 : vector<1x128xi1> to vector<1280x128xi1>
    %and3A_1021 = arith.andi %eq3A_1019, %and3A_1020 : vector<1280x128xi1>
    %and3A_1022 = arith.andi %and3A_1021, %lt3A_1016 : vector<1280x128xi1>
    %reduce_or3A_1023 = arith.constant 1.000000e+00 : f32
    %reduce_or3A_1024 = arith.constant 0.000000e+00 : f32
    %reduce_or3A_1025 = vector.broadcast %reduce_or3A_1023 : f32 to vector<1280x128xf32>
    %reduce_or3A_1026 = vector.broadcast %reduce_or3A_1024 : f32 to vector<1280x128xf32>
    %reduce_or3A_1027 = arith.select %and3A_1022, %reduce_or3A_1025, %reduce_or3A_1026 : vector<1280x128xi1>, vector<1280x128xf32>
    %reduce_or3A_1028 = arith.constant dense<0xFF800000> : vector<1280xf32>
    %reduce_or3A_1029 = vector.multi_reduction <maximumf>, %reduce_or3A_1027, %reduce_or3A_1028 [1] : vector<1280x128xf32> to vector<1280xf32>
    %reduce_or3A_1030 = arith.constant 0.000000e+00 : f32
    %reduce_or3A_1031 = vector.broadcast %reduce_or3A_1030 : f32 to vector<1280xf32>
    %reduce_or3A_1032 = arith.cmpf ogt, %reduce_or3A_1029, %reduce_or3A_1031 : vector<1280xf32>
    %broadcast_in_dim3A_1033 = vector.shape_cast %reduce_or3A_1032 : vector<1280xi1> to vector<1280x1xi1>
    %slice3A_1034 = vector.extract_strided_slice %concatenate3A_971 {offsets = [0, 128], sizes = [1, 128], strides = [1, 1]} : vector<1x1280xi32> to vector<1x128xi32>
    %slice3A_1035 = vector.extract_strided_slice %ne3A_989 {offsets = [0, 128], sizes = [1, 128], strides = [1, 1]} : vector<1x1280xi1> to vector<1x128xi1>
    %iota3A_1036 = tpu.iota {dimensions = array<i32: 1>} : vector<1x128xi32>
    %add3A_1037 = arith.constant 128 : i32
    %add3A_1038 = vector.broadcast %add3A_1037 : i32 to vector<1x128xi32>
    %add3A_1039 = arith.addi %iota3A_1036, %add3A_1038 : vector<1x128xi32>
    %lt3A_1040 = vector.broadcast %add3A_1039 : vector<1x128xi32> to vector<1280x128xi32>
    %lt3A_1041 = vector.broadcast %iota3A_1008 : vector<1280x1xi32> to vector<1280x128xi32>
    %lt3A_1042 = arith.cmpi slt, %lt3A_1040, %lt3A_1041 : vector<1280x128xi32>
    %eq3A_1043 = vector.broadcast %slice3A_1034 : vector<1x128xi32> to vector<1280x128xi32>
    %eq3A_1044 = vector.broadcast %concatenate3A : vector<1280x1xi32> to vector<1280x128xi32>
    %eq3A_1045 = arith.cmpi eq, %eq3A_1043, %eq3A_1044 : vector<1280x128xi32>
    %and3A_1046 = vector.broadcast %slice3A_1035 : vector<1x128xi1> to vector<1280x128xi1>
    %and3A_1047 = arith.andi %eq3A_1045, %and3A_1046 : vector<1280x128xi1>
    %and3A_1048 = arith.andi %and3A_1047, %lt3A_1042 : vector<1280x128xi1>
    %reduce_or3A_1049 = arith.constant 1.000000e+00 : f32
    %reduce_or3A_1050 = arith.constant 0.000000e+00 : f32
    %reduce_or3A_1051 = vector.broadcast %reduce_or3A_1049 : f32 to vector<1280x128xf32>
    %reduce_or3A_1052 = vector.broadcast %reduce_or3A_1050 : f32 to vector<1280x128xf32>
    %reduce_or3A_1053 = arith.select %and3A_1048, %reduce_or3A_1051, %reduce_or3A_1052 : vector<1280x128xi1>, vector<1280x128xf32>
    %reduce_or3A_1054 = arith.constant dense<0xFF800000> : vector<1280xf32>
    %reduce_or3A_1055 = vector.multi_reduction <maximumf>, %reduce_or3A_1053, %reduce_or3A_1054 [1] : vector<1280x128xf32> to vector<1280xf32>
    %reduce_or3A_1056 = arith.constant 0.000000e+00 : f32
    %reduce_or3A_1057 = vector.broadcast %reduce_or3A_1056 : f32 to vector<1280xf32>
    %reduce_or3A_1058 = arith.cmpf ogt, %reduce_or3A_1055, %reduce_or3A_1057 : vector<1280xf32>
    %broadcast_in_dim3A_1059 = vector.shape_cast %reduce_or3A_1058 : vector<1280xi1> to vector<1280x1xi1>
    %or3A_1060 = arith.ori %broadcast_in_dim3A_1033, %broadcast_in_dim3A_1059 : vector<1280x1xi1>
    %slice3A_1061 = vector.extract_strided_slice %concatenate3A_971 {offsets = [0, 256], sizes = [1, 128], strides = [1, 1]} : vector<1x1280xi32> to vector<1x128xi32>
    %slice3A_1062 = vector.extract_strided_slice %ne3A_989 {offsets = [0, 256], sizes = [1, 128], strides = [1, 1]} : vector<1x1280xi1> to vector<1x128xi1>
    %iota3A_1063 = tpu.iota {dimensions = array<i32: 1>} : vector<1x128xi32>
    %add3A_1064 = arith.constant 256 : i32
    %add3A_1065 = vector.broadcast %add3A_1064 : i32 to vector<1x128xi32>
    %add3A_1066 = arith.addi %iota3A_1063, %add3A_1065 : vector<1x128xi32>
    %lt3A_1067 = vector.broadcast %add3A_1066 : vector<1x128xi32> to vector<1280x128xi32>
    %lt3A_1068 = vector.broadcast %iota3A_1008 : vector<1280x1xi32> to vector<1280x128xi32>
    %lt3A_1069 = arith.cmpi slt, %lt3A_1067, %lt3A_1068 : vector<1280x128xi32>
    %eq3A_1070 = vector.broadcast %slice3A_1061 : vector<1x128xi32> to vector<1280x128xi32>
    %eq3A_1071 = vector.broadcast %concatenate3A : vector<1280x1xi32> to vector<1280x128xi32>
    %eq3A_1072 = arith.cmpi eq, %eq3A_1070, %eq3A_1071 : vector<1280x128xi32>
    %and3A_1073 = vector.broadcast %slice3A_1062 : vector<1x128xi1> to vector<1280x128xi1>
    %and3A_1074 = arith.andi %eq3A_1072, %and3A_1073 : vector<1280x128xi1>
    %and3A_1075 = arith.andi %and3A_1074, %lt3A_1069 : vector<1280x128xi1>
    %reduce_or3A_1076 = arith.constant 1.000000e+00 : f32
    %reduce_or3A_1077 = arith.constant 0.000000e+00 : f32
    %reduce_or3A_1078 = vector.broadcast %reduce_or3A_1076 : f32 to vector<1280x128xf32>
    %reduce_or3A_1079 = vector.broadcast %reduce_or3A_1077 : f32 to vector<1280x128xf32>
    %reduce_or3A_1080 = arith.select %and3A_1075, %reduce_or3A_1078, %reduce_or3A_1079 : vector<1280x128xi1>, vector<1280x128xf32>
    %reduce_or3A_1081 = arith.constant dense<0xFF800000> : vector<1280xf32>
    %reduce_or3A_1082 = vector.multi_reduction <maximumf>, %reduce_or3A_1080, %reduce_or3A_1081 [1] : vector<1280x128xf32> to vector<1280xf32>
    %reduce_or3A_1083 = arith.constant 0.000000e+00 : f32
    %reduce_or3A_1084 = vector.broadcast %reduce_or3A_1083 : f32 to vector<1280xf32>
    %reduce_or3A_1085 = arith.cmpf ogt, %reduce_or3A_1082, %reduce_or3A_1084 : vector<1280xf32>
    %broadcast_in_dim3A_1086 = vector.shape_cast %reduce_or3A_1085 : vector<1280xi1> to vector<1280x1xi1>
    %or3A_1087 = arith.ori %or3A_1060, %broadcast_in_dim3A_1086 : vector<1280x1xi1>
    %slice3A_1088 = vector.extract_strided_slice %concatenate3A_971 {offsets = [0, 384], sizes = [1, 128], strides = [1, 1]} : vector<1x1280xi32> to vector<1x128xi32>
    %slice3A_1089 = vector.extract_strided_slice %ne3A_989 {offsets = [0, 384], sizes = [1, 128], strides = [1, 1]} : vector<1x1280xi1> to vector<1x128xi1>
    %iota3A_1090 = tpu.iota {dimensions = array<i32: 1>} : vector<1x128xi32>
    %add3A_1091 = arith.constant 384 : i32
    %add3A_1092 = vector.broadcast %add3A_1091 : i32 to vector<1x128xi32>
    %add3A_1093 = arith.addi %iota3A_1090, %add3A_1092 : vector<1x128xi32>
    %lt3A_1094 = vector.broadcast %add3A_1093 : vector<1x128xi32> to vector<1280x128xi32>
    %lt3A_1095 = vector.broadcast %iota3A_1008 : vector<1280x1xi32> to vector<1280x128xi32>
    %lt3A_1096 = arith.cmpi slt, %lt3A_1094, %lt3A_1095 : vector<1280x128xi32>
    %eq3A_1097 = vector.broadcast %slice3A_1088 : vector<1x128xi32> to vector<1280x128xi32>
    %eq3A_1098 = vector.broadcast %concatenate3A : vector<1280x1xi32> to vector<1280x128xi32>
    %eq3A_1099 = arith.cmpi eq, %eq3A_1097, %eq3A_1098 : vector<1280x128xi32>
    %and3A_1100 = vector.broadcast %slice3A_1089 : vector<1x128xi1> to vector<1280x128xi1>
    %and3A_1101 = arith.andi %eq3A_1099, %and3A_1100 : vector<1280x128xi1>
    %and3A_1102 = arith.andi %and3A_1101, %lt3A_1096 : vector<1280x128xi1>
    %reduce_or3A_1103 = arith.constant 1.000000e+00 : f32
    %reduce_or3A_1104 = arith.constant 0.000000e+00 : f32
    %reduce_or3A_1105 = vector.broadcast %reduce_or3A_1103 : f32 to vector<1280x128xf32>
    %reduce_or3A_1106 = vector.broadcast %reduce_or3A_1104 : f32 to vector<1280x128xf32>
    %reduce_or3A_1107 = arith.select %and3A_1102, %reduce_or3A_1105, %reduce_or3A_1106 : vector<1280x128xi1>, vector<1280x128xf32>
    %reduce_or3A_1108 = arith.constant dense<0xFF800000> : vector<1280xf32>
    %reduce_or3A_1109 = vector.multi_reduction <maximumf>, %reduce_or3A_1107, %reduce_or3A_1108 [1] : vector<1280x128xf32> to vector<1280xf32>
    %reduce_or3A_1110 = arith.constant 0.000000e+00 : f32
    %reduce_or3A_1111 = vector.broadcast %reduce_or3A_1110 : f32 to vector<1280xf32>
    %reduce_or3A_1112 = arith.cmpf ogt, %reduce_or3A_1109, %reduce_or3A_1111 : vector<1280xf32>
    %broadcast_in_dim3A_1113 = vector.shape_cast %reduce_or3A_1112 : vector<1280xi1> to vector<1280x1xi1>
    %or3A_1114 = arith.ori %or3A_1087, %broadcast_in_dim3A_1113 : vector<1280x1xi1>
    %slice3A_1115 = vector.extract_strided_slice %concatenate3A_971 {offsets = [0, 512], sizes = [1, 128], strides = [1, 1]} : vector<1x1280xi32> to vector<1x128xi32>
    %slice3A_1116 = vector.extract_strided_slice %ne3A_989 {offsets = [0, 512], sizes = [1, 128], strides = [1, 1]} : vector<1x1280xi1> to vector<1x128xi1>
    %iota3A_1117 = tpu.iota {dimensions = array<i32: 1>} : vector<1x128xi32>
    %add3A_1118 = arith.constant 512 : i32
    %add3A_1119 = vector.broadcast %add3A_1118 : i32 to vector<1x128xi32>
    %add3A_1120 = arith.addi %iota3A_1117, %add3A_1119 : vector<1x128xi32>
    %lt3A_1121 = vector.broadcast %add3A_1120 : vector<1x128xi32> to vector<1280x128xi32>
    %lt3A_1122 = vector.broadcast %iota3A_1008 : vector<1280x1xi32> to vector<1280x128xi32>
    %lt3A_1123 = arith.cmpi slt, %lt3A_1121, %lt3A_1122 : vector<1280x128xi32>
    %eq3A_1124 = vector.broadcast %slice3A_1115 : vector<1x128xi32> to vector<1280x128xi32>
    %eq3A_1125 = vector.broadcast %concatenate3A : vector<1280x1xi32> to vector<1280x128xi32>
    %eq3A_1126 = arith.cmpi eq, %eq3A_1124, %eq3A_1125 : vector<1280x128xi32>
    %and3A_1127 = vector.broadcast %slice3A_1116 : vector<1x128xi1> to vector<1280x128xi1>
    %and3A_1128 = arith.andi %eq3A_1126, %and3A_1127 : vector<1280x128xi1>
    %and3A_1129 = arith.andi %and3A_1128, %lt3A_1123 : vector<1280x128xi1>
    %reduce_or3A_1130 = arith.constant 1.000000e+00 : f32
    %reduce_or3A_1131 = arith.constant 0.000000e+00 : f32
    %reduce_or3A_1132 = vector.broadcast %reduce_or3A_1130 : f32 to vector<1280x128xf32>
    %reduce_or3A_1133 = vector.broadcast %reduce_or3A_1131 : f32 to vector<1280x128xf32>
    %reduce_or3A_1134 = arith.select %and3A_1129, %reduce_or3A_1132, %reduce_or3A_1133 : vector<1280x128xi1>, vector<1280x128xf32>
    %reduce_or3A_1135 = arith.constant dense<0xFF800000> : vector<1280xf32>
    %reduce_or3A_1136 = vector.multi_reduction <maximumf>, %reduce_or3A_1134, %reduce_or3A_1135 [1] : vector<1280x128xf32> to vector<1280xf32>
    %reduce_or3A_1137 = arith.constant 0.000000e+00 : f32
    %reduce_or3A_1138 = vector.broadcast %reduce_or3A_1137 : f32 to vector<1280xf32>
    %reduce_or3A_1139 = arith.cmpf ogt, %reduce_or3A_1136, %reduce_or3A_1138 : vector<1280xf32>
    %broadcast_in_dim3A_1140 = vector.shape_cast %reduce_or3A_1139 : vector<1280xi1> to vector<1280x1xi1>
    %or3A_1141 = arith.ori %or3A_1114, %broadcast_in_dim3A_1140 : vector<1280x1xi1>
    %slice3A_1142 = vector.extract_strided_slice %concatenate3A_971 {offsets = [0, 640], sizes = [1, 128], strides = [1, 1]} : vector<1x1280xi32> to vector<1x128xi32>
    %slice3A_1143 = vector.extract_strided_slice %ne3A_989 {offsets = [0, 640], sizes = [1, 128], strides = [1, 1]} : vector<1x1280xi1> to vector<1x128xi1>
    %iota3A_1144 = tpu.iota {dimensions = array<i32: 1>} : vector<1x128xi32>
    %add3A_1145 = arith.constant 640 : i32
    %add3A_1146 = vector.broadcast %add3A_1145 : i32 to vector<1x128xi32>
    %add3A_1147 = arith.addi %iota3A_1144, %add3A_1146 : vector<1x128xi32>
    %lt3A_1148 = vector.broadcast %add3A_1147 : vector<1x128xi32> to vector<1280x128xi32>
    %lt3A_1149 = vector.broadcast %iota3A_1008 : vector<1280x1xi32> to vector<1280x128xi32>
    %lt3A_1150 = arith.cmpi slt, %lt3A_1148, %lt3A_1149 : vector<1280x128xi32>
    %eq3A_1151 = vector.broadcast %slice3A_1142 : vector<1x128xi32> to vector<1280x128xi32>
    %eq3A_1152 = vector.broadcast %concatenate3A : vector<1280x1xi32> to vector<1280x128xi32>
    %eq3A_1153 = arith.cmpi eq, %eq3A_1151, %eq3A_1152 : vector<1280x128xi32>
    %and3A_1154 = vector.broadcast %slice3A_1143 : vector<1x128xi1> to vector<1280x128xi1>
    %and3A_1155 = arith.andi %eq3A_1153, %and3A_1154 : vector<1280x128xi1>
    %and3A_1156 = arith.andi %and3A_1155, %lt3A_1150 : vector<1280x128xi1>
    %reduce_or3A_1157 = arith.constant 1.000000e+00 : f32
    %reduce_or3A_1158 = arith.constant 0.000000e+00 : f32
    %reduce_or3A_1159 = vector.broadcast %reduce_or3A_1157 : f32 to vector<1280x128xf32>
    %reduce_or3A_1160 = vector.broadcast %reduce_or3A_1158 : f32 to vector<1280x128xf32>
    %reduce_or3A_1161 = arith.select %and3A_1156, %reduce_or3A_1159, %reduce_or3A_1160 : vector<1280x128xi1>, vector<1280x128xf32>
    %reduce_or3A_1162 = arith.constant dense<0xFF800000> : vector<1280xf32>
    %reduce_or3A_1163 = vector.multi_reduction <maximumf>, %reduce_or3A_1161, %reduce_or3A_1162 [1] : vector<1280x128xf32> to vector<1280xf32>
    %reduce_or3A_1164 = arith.constant 0.000000e+00 : f32
    %reduce_or3A_1165 = vector.broadcast %reduce_or3A_1164 : f32 to vector<1280xf32>
    %reduce_or3A_1166 = arith.cmpf ogt, %reduce_or3A_1163, %reduce_or3A_1165 : vector<1280xf32>
    %broadcast_in_dim3A_1167 = vector.shape_cast %reduce_or3A_1166 : vector<1280xi1> to vector<1280x1xi1>
    %or3A_1168 = arith.ori %or3A_1141, %broadcast_in_dim3A_1167 : vector<1280x1xi1>
    %slice3A_1169 = vector.extract_strided_slice %concatenate3A_971 {offsets = [0, 768], sizes = [1, 128], strides = [1, 1]} : vector<1x1280xi32> to vector<1x128xi32>
    %slice3A_1170 = vector.extract_strided_slice %ne3A_989 {offsets = [0, 768], sizes = [1, 128], strides = [1, 1]} : vector<1x1280xi1> to vector<1x128xi1>
    %iota3A_1171 = tpu.iota {dimensions = array<i32: 1>} : vector<1x128xi32>
    %add3A_1172 = arith.constant 768 : i32
    %add3A_1173 = vector.broadcast %add3A_1172 : i32 to vector<1x128xi32>
    %add3A_1174 = arith.addi %iota3A_1171, %add3A_1173 : vector<1x128xi32>
    %lt3A_1175 = vector.broadcast %add3A_1174 : vector<1x128xi32> to vector<1280x128xi32>
    %lt3A_1176 = vector.broadcast %iota3A_1008 : vector<1280x1xi32> to vector<1280x128xi32>
    %lt3A_1177 = arith.cmpi slt, %lt3A_1175, %lt3A_1176 : vector<1280x128xi32>
    %eq3A_1178 = vector.broadcast %slice3A_1169 : vector<1x128xi32> to vector<1280x128xi32>
    %eq3A_1179 = vector.broadcast %concatenate3A : vector<1280x1xi32> to vector<1280x128xi32>
    %eq3A_1180 = arith.cmpi eq, %eq3A_1178, %eq3A_1179 : vector<1280x128xi32>
    %and3A_1181 = vector.broadcast %slice3A_1170 : vector<1x128xi1> to vector<1280x128xi1>
    %and3A_1182 = arith.andi %eq3A_1180, %and3A_1181 : vector<1280x128xi1>
    %and3A_1183 = arith.andi %and3A_1182, %lt3A_1177 : vector<1280x128xi1>
    %reduce_or3A_1184 = arith.constant 1.000000e+00 : f32
    %reduce_or3A_1185 = arith.constant 0.000000e+00 : f32
    %reduce_or3A_1186 = vector.broadcast %reduce_or3A_1184 : f32 to vector<1280x128xf32>
    %reduce_or3A_1187 = vector.broadcast %reduce_or3A_1185 : f32 to vector<1280x128xf32>
    %reduce_or3A_1188 = arith.select %and3A_1183, %reduce_or3A_1186, %reduce_or3A_1187 : vector<1280x128xi1>, vector<1280x128xf32>
    %reduce_or3A_1189 = arith.constant dense<0xFF800000> : vector<1280xf32>
    %reduce_or3A_1190 = vector.multi_reduction <maximumf>, %reduce_or3A_1188, %reduce_or3A_1189 [1] : vector<1280x128xf32> to vector<1280xf32>
    %reduce_or3A_1191 = arith.constant 0.000000e+00 : f32
    %reduce_or3A_1192 = vector.broadcast %reduce_or3A_1191 : f32 to vector<1280xf32>
    %reduce_or3A_1193 = arith.cmpf ogt, %reduce_or3A_1190, %reduce_or3A_1192 : vector<1280xf32>
    %broadcast_in_dim3A_1194 = vector.shape_cast %reduce_or3A_1193 : vector<1280xi1> to vector<1280x1xi1>
    %or3A_1195 = arith.ori %or3A_1168, %broadcast_in_dim3A_1194 : vector<1280x1xi1>
    %slice3A_1196 = vector.extract_strided_slice %concatenate3A_971 {offsets = [0, 896], sizes = [1, 128], strides = [1, 1]} : vector<1x1280xi32> to vector<1x128xi32>
    %slice3A_1197 = vector.extract_strided_slice %ne3A_989 {offsets = [0, 896], sizes = [1, 128], strides = [1, 1]} : vector<1x1280xi1> to vector<1x128xi1>
    %iota3A_1198 = tpu.iota {dimensions = array<i32: 1>} : vector<1x128xi32>
    %add3A_1199 = arith.constant 896 : i32
    %add3A_1200 = vector.broadcast %add3A_1199 : i32 to vector<1x128xi32>
    %add3A_1201 = arith.addi %iota3A_1198, %add3A_1200 : vector<1x128xi32>
    %lt3A_1202 = vector.broadcast %add3A_1201 : vector<1x128xi32> to vector<1280x128xi32>
    %lt3A_1203 = vector.broadcast %iota3A_1008 : vector<1280x1xi32> to vector<1280x128xi32>
    %lt3A_1204 = arith.cmpi slt, %lt3A_1202, %lt3A_1203 : vector<1280x128xi32>
    %eq3A_1205 = vector.broadcast %slice3A_1196 : vector<1x128xi32> to vector<1280x128xi32>
    %eq3A_1206 = vector.broadcast %concatenate3A : vector<1280x1xi32> to vector<1280x128xi32>
    %eq3A_1207 = arith.cmpi eq, %eq3A_1205, %eq3A_1206 : vector<1280x128xi32>
    %and3A_1208 = vector.broadcast %slice3A_1197 : vector<1x128xi1> to vector<1280x128xi1>
    %and3A_1209 = arith.andi %eq3A_1207, %and3A_1208 : vector<1280x128xi1>
    %and3A_1210 = arith.andi %and3A_1209, %lt3A_1204 : vector<1280x128xi1>
    %reduce_or3A_1211 = arith.constant 1.000000e+00 : f32
    %reduce_or3A_1212 = arith.constant 0.000000e+00 : f32
    %reduce_or3A_1213 = vector.broadcast %reduce_or3A_1211 : f32 to vector<1280x128xf32>
    %reduce_or3A_1214 = vector.broadcast %reduce_or3A_1212 : f32 to vector<1280x128xf32>
    %reduce_or3A_1215 = arith.select %and3A_1210, %reduce_or3A_1213, %reduce_or3A_1214 : vector<1280x128xi1>, vector<1280x128xf32>
    %reduce_or3A_1216 = arith.constant dense<0xFF800000> : vector<1280xf32>
    %reduce_or3A_1217 = vector.multi_reduction <maximumf>, %reduce_or3A_1215, %reduce_or3A_1216 [1] : vector<1280x128xf32> to vector<1280xf32>
    %reduce_or3A_1218 = arith.constant 0.000000e+00 : f32
    %reduce_or3A_1219 = vector.broadcast %reduce_or3A_1218 : f32 to vector<1280xf32>
    %reduce_or3A_1220 = arith.cmpf ogt, %reduce_or3A_1217, %reduce_or3A_1219 : vector<1280xf32>
    %broadcast_in_dim3A_1221 = vector.shape_cast %reduce_or3A_1220 : vector<1280xi1> to vector<1280x1xi1>
    %or3A_1222 = arith.ori %or3A_1195, %broadcast_in_dim3A_1221 : vector<1280x1xi1>
    %slice3A_1223 = vector.extract_strided_slice %concatenate3A_971 {offsets = [0, 1024], sizes = [1, 128], strides = [1, 1]} : vector<1x1280xi32> to vector<1x128xi32>
    %slice3A_1224 = vector.extract_strided_slice %ne3A_989 {offsets = [0, 1024], sizes = [1, 128], strides = [1, 1]} : vector<1x1280xi1> to vector<1x128xi1>
    %iota3A_1225 = tpu.iota {dimensions = array<i32: 1>} : vector<1x128xi32>
    %add3A_1226 = arith.constant 1024 : i32
    %add3A_1227 = vector.broadcast %add3A_1226 : i32 to vector<1x128xi32>
    %add3A_1228 = arith.addi %iota3A_1225, %add3A_1227 : vector<1x128xi32>
    %lt3A_1229 = vector.broadcast %add3A_1228 : vector<1x128xi32> to vector<1280x128xi32>
    %lt3A_1230 = vector.broadcast %iota3A_1008 : vector<1280x1xi32> to vector<1280x128xi32>
    %lt3A_1231 = arith.cmpi slt, %lt3A_1229, %lt3A_1230 : vector<1280x128xi32>
    %eq3A_1232 = vector.broadcast %slice3A_1223 : vector<1x128xi32> to vector<1280x128xi32>
    %eq3A_1233 = vector.broadcast %concatenate3A : vector<1280x1xi32> to vector<1280x128xi32>
    %eq3A_1234 = arith.cmpi eq, %eq3A_1232, %eq3A_1233 : vector<1280x128xi32>
    %and3A_1235 = vector.broadcast %slice3A_1224 : vector<1x128xi1> to vector<1280x128xi1>
    %and3A_1236 = arith.andi %eq3A_1234, %and3A_1235 : vector<1280x128xi1>
    %and3A_1237 = arith.andi %and3A_1236, %lt3A_1231 : vector<1280x128xi1>
    %reduce_or3A_1238 = arith.constant 1.000000e+00 : f32
    %reduce_or3A_1239 = arith.constant 0.000000e+00 : f32
    %reduce_or3A_1240 = vector.broadcast %reduce_or3A_1238 : f32 to vector<1280x128xf32>
    %reduce_or3A_1241 = vector.broadcast %reduce_or3A_1239 : f32 to vector<1280x128xf32>
    %reduce_or3A_1242 = arith.select %and3A_1237, %reduce_or3A_1240, %reduce_or3A_1241 : vector<1280x128xi1>, vector<1280x128xf32>
    %reduce_or3A_1243 = arith.constant dense<0xFF800000> : vector<1280xf32>
    %reduce_or3A_1244 = vector.multi_reduction <maximumf>, %reduce_or3A_1242, %reduce_or3A_1243 [1] : vector<1280x128xf32> to vector<1280xf32>
    %reduce_or3A_1245 = arith.constant 0.000000e+00 : f32
    %reduce_or3A_1246 = vector.broadcast %reduce_or3A_1245 : f32 to vector<1280xf32>
    %reduce_or3A_1247 = arith.cmpf ogt, %reduce_or3A_1244, %reduce_or3A_1246 : vector<1280xf32>
    %broadcast_in_dim3A_1248 = vector.shape_cast %reduce_or3A_1247 : vector<1280xi1> to vector<1280x1xi1>
    %or3A_1249 = arith.ori %or3A_1222, %broadcast_in_dim3A_1248 : vector<1280x1xi1>
    %slice3A_1250 = vector.extract_strided_slice %concatenate3A_971 {offsets = [0, 1152], sizes = [1, 128], strides = [1, 1]} : vector<1x1280xi32> to vector<1x128xi32>
    %slice3A_1251 = vector.extract_strided_slice %ne3A_989 {offsets = [0, 1152], sizes = [1, 128], strides = [1, 1]} : vector<1x1280xi1> to vector<1x128xi1>
    %iota3A_1252 = tpu.iota {dimensions = array<i32: 1>} : vector<1x128xi32>
    %add3A_1253 = arith.constant 1152 : i32
    %add3A_1254 = vector.broadcast %add3A_1253 : i32 to vector<1x128xi32>
    %add3A_1255 = arith.addi %iota3A_1252, %add3A_1254 : vector<1x128xi32>
    %lt3A_1256 = vector.broadcast %add3A_1255 : vector<1x128xi32> to vector<1280x128xi32>
    %lt3A_1257 = vector.broadcast %iota3A_1008 : vector<1280x1xi32> to vector<1280x128xi32>
    %lt3A_1258 = arith.cmpi slt, %lt3A_1256, %lt3A_1257 : vector<1280x128xi32>
    %eq3A_1259 = vector.broadcast %slice3A_1250 : vector<1x128xi32> to vector<1280x128xi32>
    %eq3A_1260 = vector.broadcast %concatenate3A : vector<1280x1xi32> to vector<1280x128xi32>
    %eq3A_1261 = arith.cmpi eq, %eq3A_1259, %eq3A_1260 : vector<1280x128xi32>
    %and3A_1262 = vector.broadcast %slice3A_1251 : vector<1x128xi1> to vector<1280x128xi1>
    %and3A_1263 = arith.andi %eq3A_1261, %and3A_1262 : vector<1280x128xi1>
    %and3A_1264 = arith.andi %and3A_1263, %lt3A_1258 : vector<1280x128xi1>
    %reduce_or3A_1265 = arith.constant 1.000000e+00 : f32
    %reduce_or3A_1266 = arith.constant 0.000000e+00 : f32
    %reduce_or3A_1267 = vector.broadcast %reduce_or3A_1265 : f32 to vector<1280x128xf32>
    %reduce_or3A_1268 = vector.broadcast %reduce_or3A_1266 : f32 to vector<1280x128xf32>
    %reduce_or3A_1269 = arith.select %and3A_1264, %reduce_or3A_1267, %reduce_or3A_1268 : vector<1280x128xi1>, vector<1280x128xf32>
    %reduce_or3A_1270 = arith.constant dense<0xFF800000> : vector<1280xf32>
    %reduce_or3A_1271 = vector.multi_reduction <maximumf>, %reduce_or3A_1269, %reduce_or3A_1270 [1] : vector<1280x128xf32> to vector<1280xf32>
    %reduce_or3A_1272 = arith.constant 0.000000e+00 : f32
    %reduce_or3A_1273 = vector.broadcast %reduce_or3A_1272 : f32 to vector<1280xf32>
    %reduce_or3A_1274 = arith.cmpf ogt, %reduce_or3A_1271, %reduce_or3A_1273 : vector<1280xf32>
    %broadcast_in_dim3A_1275 = vector.shape_cast %reduce_or3A_1274 : vector<1280xi1> to vector<1280x1xi1>
    %or3A_1276 = arith.ori %or3A_1249, %broadcast_in_dim3A_1275 : vector<1280x1xi1>
    %not3A_1277 = arith.constant dense<true> : vector<1280x1xi1>
    %not3A_1278 = arith.xori %or3A_1276, %not3A_1277 : vector<1280x1xi1>
    %and3A_1279 = arith.andi %not3A_1278, %ne3A_1007 : vector<1280x1xi1>
    %slice3A_1280 = vector.extract_strided_slice %get3A_462 {offsets = [0, 4], sizes = [320, 1], strides = [1, 1]} : vector<320x128xf32> to vector<320x1xf32>
    %slice3A_1281 = vector.extract_strided_slice %get3A_467 {offsets = [0, 4], sizes = [320, 1], strides = [1, 1]} : vector<320x128xf32> to vector<320x1xf32>
    %slice3A_1282 = vector.extract_strided_slice %get3A_472 {offsets = [0, 4], sizes = [320, 1], strides = [1, 1]} : vector<320x128xf32> to vector<320x1xf32>
    %slice3A_1283 = vector.extract_strided_slice %select_n3A_482 {offsets = [0, 4], sizes = [320, 1], strides = [1, 1]} : vector<320x128xf32> to vector<320x1xf32>
    %concatenate3A_1284 = tpu.concatenate %slice3A_1280, %slice3A_1281, %slice3A_1282, %slice3A_1283 in 0 : vector<320x1xf32>, vector<320x1xf32>, vector<320x1xf32>, vector<320x1xf32> -> vector<1280x1xf32>
    %slice3A_1285 = vector.extract_strided_slice %select_n3A_482 {offsets = [0, 4], sizes = [320, 1], strides = [1, 1]} : vector<320x128xf32> to vector<320x1xf32>
    %neg3A_1286 = arith.constant 0.000000e+00 : f32
    %neg3A_1287 = vector.broadcast %neg3A_1286 : f32 to vector<320x1xf32>
    %neg3A_1288 = arith.subf %neg3A_1287, %slice3A_1285 : vector<320x1xf32>
    %max3A_1289 = arith.constant 0.000000e+00 : f32
    %max3A_1290 = vector.broadcast %max3A_1289 : f32 to vector<320x1xf32>
    %max3A_1291 = arith.maximumf %neg3A_1288, %max3A_1290 : vector<320x1xf32>
    %abs3A_1292 = math.absf %neg3A_1288 : vector<320x1xf32>
    %neg3A_1293 = arith.constant 0.000000e+00 : f32
    %neg3A_1294 = vector.broadcast %neg3A_1293 : f32 to vector<320x1xf32>
    %neg3A_1295 = arith.subf %neg3A_1294, %abs3A_1292 : vector<320x1xf32>
    %exp3A_1296 = math.exp %neg3A_1295 : vector<320x1xf32>
    %log1p3A_1297 = math.log1p %exp3A_1296 : vector<320x1xf32>
    %add3A_1298 = arith.addf %max3A_1291, %log1p3A_1297 : vector<320x1xf32>
    %mul3A_1299 = arith.mulf %convert_element_type3A_768, %add3A_1298 : vector<320x1xf32>
    %reduce_sum3A_1300 = vector.shape_cast %mul3A_1299 : vector<320x1xf32> to vector<1x320x1xf32>
    %reduce_sum3A_1301 = arith.constant dense<0.000000e+00> : vector<1xf32>
    %reduce_sum3A_1302 = vector.multi_reduction <add>, %reduce_sum3A_1300, %reduce_sum3A_1301 [1, 2] : vector<1x320x1xf32> to vector<1xf32>
    %reduce_sum3A_1303 = vector.shape_cast %reduce_sum3A_1302 : vector<1xf32> to vector<1x1x1xf32>
    %reduce_sum3A_1304 = vector.extract %reduce_sum3A_1303[0, 0, 0] : f32 from vector<1x1x1xf32>
    %max3A_1305 = arith.constant 0.000000e+00 : f32
    %max3A_1306 = vector.broadcast %max3A_1305 : f32 to vector<1280x1xf32>
    %max3A_1307 = arith.maximumf %concatenate3A_1284, %max3A_1306 : vector<1280x1xf32>
    %abs3A_1308 = math.absf %concatenate3A_1284 : vector<1280x1xf32>
    %neg3A_1309 = arith.constant 0.000000e+00 : f32
    %neg3A_1310 = vector.broadcast %neg3A_1309 : f32 to vector<1280x1xf32>
    %neg3A_1311 = arith.subf %neg3A_1310, %abs3A_1308 : vector<1280x1xf32>
    %exp3A_1312 = math.exp %neg3A_1311 : vector<1280x1xf32>
    %log1p3A_1313 = math.log1p %exp3A_1312 : vector<1280x1xf32>
    %add3A_1314 = arith.addf %max3A_1307, %log1p3A_1313 : vector<1280x1xf32>
    %jit3A_1315 = arith.constant 0.000000e+00 : f32
    %broadcast_in_dim3A_1316 = vector.broadcast %jit3A_1315 : f32 to vector<1280x1xf32>
    %select_n3A_1317 = arith.select %and3A_1279, %add3A_1314, %broadcast_in_dim3A_1316 : vector<1280x1xi1>, vector<1280x1xf32>
    %reduce_sum3A_1318 = vector.shape_cast %select_n3A_1317 : vector<1280x1xf32> to vector<1x1280x1xf32>
    %reduce_sum3A_1319 = arith.constant dense<0.000000e+00> : vector<1xf32>
    %reduce_sum3A_1320 = vector.multi_reduction <add>, %reduce_sum3A_1318, %reduce_sum3A_1319 [1, 2] : vector<1x1280x1xf32> to vector<1xf32>
    %reduce_sum3A_1321 = vector.shape_cast %reduce_sum3A_1320 : vector<1xf32> to vector<1x1x1xf32>
    %reduce_sum3A_1322 = vector.extract %reduce_sum3A_1321[0, 0, 0] : f32 from vector<1x1x1xf32>
    %sub3A_1323 = arith.subf %reduce_sum3A_1304, %reduce_sum3A_1322 : f32
    %div3A_1324 = arith.divf %reduce_sum3A_784, %max3A_774 : f32
    %mul3A_1325 = arith.constant 5.000000e-02 : f32
    %mul3A_1326 = arith.mulf %div3A_1324, %mul3A_1325 : f32
    %mul3A_1327 = arith.constant 8.000000e+01 : f32
    %mul3A_1328 = arith.mulf %max3A_774, %mul3A_1327 : f32
    %div3A_1329 = arith.divf %sub3A_966, %mul3A_1328 : f32
    %mul3A_1330 = arith.constant 1.000000e+00 : f32
    %mul3A_1331 = arith.mulf %div3A_1329, %mul3A_1330 : f32
    %add3A_1332 = arith.addf %mul3A_1326, %mul3A_1331 : f32
    %add3A_1333 = arith.addf %get3A_970, %sub3A_1323 : f32
    %div3A_1334 = arith.constant 8.112000e+03 : f32
    %div3A_1335 = arith.divf %add3A_1333, %div3A_1334 : f32
    %mul3A_1336 = arith.constant 4.000000e-01 : f32
    %mul3A_1337 = arith.mulf %div3A_1335, %mul3A_1336 : f32
    %mul3A_1338 = arith.constant 5.000000e+00 : f32
    %mul3A_1339 = arith.mulf %mul3A_1337, %mul3A_1338 : f32
    %add3A_1340 = arith.addf %add3A_1332, %mul3A_1339 : f32
    %add3A_1341 = arith.constant 0.000000e+00 : f32
    %add3A_1342 = arith.addf %add3A_1341, %add3A_1340 : f32
    %get3A_1343 = arith.constant 0 : index
    %get3A_1344 = arith.constant 0 : index
    %get3A_1345 = vector.load %arg11[%get3A_1343, %get3A_1344] : memref<320x1xf32, #tpu.memory_space<vmem>>, vector<320x1xf32>
    %get3A_1346 = arith.constant 0 : index
    %get3A_1347 = arith.constant 0 : index
    %get3A_1348 = vector.load %arg12[%get3A_1346, %get3A_1347] : memref<320x1xf32, #tpu.memory_space<vmem>>, vector<320x1xf32>
    %get3A_1349 = arith.constant 0 : index
    %get3A_1350 = arith.constant 0 : index
    %get3A_1351 = vector.load %arg13[%get3A_1349, %get3A_1350] : memref<320x1xf32, #tpu.memory_space<vmem>>, vector<320x1xf32>
    %get3A_1352 = arith.constant 0 : index
    %get3A_1353 = arith.constant 0 : index
    %get3A_1354 = vector.load %arg14[%get3A_1352, %get3A_1353] : memref<320x1xf32, #tpu.memory_space<vmem>>, vector<320x1xf32>
    %mul3A_1355 = arith.constant 2.600000e+01 : f32
    %mul3A_1356 = vector.broadcast %mul3A_1355 : f32 to vector<320x1xf32>
    %mul3A_1357 = arith.mulf %get3A_1345, %mul3A_1356 : vector<320x1xf32>
    %convert_element_type3A_1358 = arith.fptosi %mul3A_1357 : vector<320x1xf32> to vector<320x1xi32>
    %mul3A_1359 = arith.constant 2.600000e+01 : f32
    %mul3A_1360 = vector.broadcast %mul3A_1359 : f32 to vector<320x1xf32>
    %mul3A_1361 = arith.mulf %get3A_1348, %mul3A_1360 : vector<320x1xf32>
    %convert_element_type3A_1362 = arith.fptosi %mul3A_1361 : vector<320x1xf32> to vector<320x1xi32>
    %mul3A_1363 = arith.constant 2.600000e+01 : f32
    %mul3A_1364 = vector.broadcast %mul3A_1363 : f32 to vector<320x1xf32>
    %mul3A_1365 = arith.mulf %get3A_1351, %mul3A_1364 : vector<320x1xf32>
    %mul3A_1366 = arith.constant 2.600000e+01 : f32
    %mul3A_1367 = vector.broadcast %mul3A_1366 : f32 to vector<320x1xf32>
    %mul3A_1368 = arith.mulf %get3A_1354, %mul3A_1367 : vector<320x1xf32>
    %min3A_1369 = arith.constant 0.072115384 : f32
    %min3A_1370 = vector.broadcast %min3A_1369 : f32 to vector<320x1xf32>
    %min3A_1371 = arith.minimumf %mul3A_1365, %min3A_1370 : vector<320x1xf32>
    %min3A_1372 = arith.constant 0.146634609 : f32
    %min3A_1373 = vector.broadcast %min3A_1372 : f32 to vector<320x1xf32>
    %min3A_1374 = arith.minimumf %mul3A_1368, %min3A_1373 : vector<320x1xf32>
    %mul3A_1375 = arith.mulf %min3A_1371, %min3A_1374 : vector<320x1xf32>
    %mul3A_1376 = arith.mulf %mul3A_1365, %mul3A_1368 : vector<320x1xf32>
    %add3A_1377 = arith.constant 0.0105746118 : f32
    %add3A_1378 = vector.broadcast %add3A_1377 : f32 to vector<320x1xf32>
    %add3A_1379 = arith.addf %mul3A_1376, %add3A_1378 : vector<320x1xf32>
    %sub3A_1380 = arith.subf %add3A_1379, %mul3A_1375 : vector<320x1xf32>
    %add3A_1381 = arith.constant 9.99999997E-7 : f32
    %add3A_1382 = vector.broadcast %add3A_1381 : f32 to vector<320x1xf32>
    %add3A_1383 = arith.addf %sub3A_1380, %add3A_1382 : vector<320x1xf32>
    %div3A_1384 = arith.divf %mul3A_1375, %add3A_1383 : vector<320x1xf32>
    %min3A_1385 = arith.constant 0.149038464 : f32
    %min3A_1386 = vector.broadcast %min3A_1385 : f32 to vector<320x1xf32>
    %min3A_1387 = arith.minimumf %mul3A_1365, %min3A_1386 : vector<320x1xf32>
    %min3A_1388 = arith.constant 0.10817308 : f32
    %min3A_1389 = vector.broadcast %min3A_1388 : f32 to vector<320x1xf32>
    %min3A_1390 = arith.minimumf %mul3A_1368, %min3A_1389 : vector<320x1xf32>
    %mul3A_1391 = arith.mulf %min3A_1387, %min3A_1390 : vector<320x1xf32>
    %mul3A_1392 = arith.mulf %mul3A_1365, %mul3A_1368 : vector<320x1xf32>
    %add3A_1393 = arith.constant 0.0161219481 : f32
    %add3A_1394 = vector.broadcast %add3A_1393 : f32 to vector<320x1xf32>
    %add3A_1395 = arith.addf %mul3A_1392, %add3A_1394 : vector<320x1xf32>
    %sub3A_1396 = arith.subf %add3A_1395, %mul3A_1391 : vector<320x1xf32>
    %add3A_1397 = arith.constant 9.99999997E-7 : f32
    %add3A_1398 = vector.broadcast %add3A_1397 : f32 to vector<320x1xf32>
    %add3A_1399 = arith.addf %sub3A_1396, %add3A_1398 : vector<320x1xf32>
    %div3A_1400 = arith.divf %mul3A_1391, %add3A_1399 : vector<320x1xf32>
    %min3A_1401 = arith.constant 0.141826928 : f32
    %min3A_1402 = vector.broadcast %min3A_1401 : f32 to vector<320x1xf32>
    %min3A_1403 = arith.minimumf %mul3A_1365, %min3A_1402 : vector<320x1xf32>
    %min3A_1404 = arith.constant 0.286057681 : f32
    %min3A_1405 = vector.broadcast %min3A_1404 : f32 to vector<320x1xf32>
    %min3A_1406 = arith.minimumf %mul3A_1368, %min3A_1405 : vector<320x1xf32>
    %mul3A_1407 = arith.mulf %min3A_1403, %min3A_1406 : vector<320x1xf32>
    %mul3A_1408 = arith.mulf %mul3A_1365, %mul3A_1368 : vector<320x1xf32>
    %add3A_1409 = arith.constant 0.0405706838 : f32
    %add3A_1410 = vector.broadcast %add3A_1409 : f32 to vector<320x1xf32>
    %add3A_1411 = arith.addf %mul3A_1408, %add3A_1410 : vector<320x1xf32>
    %sub3A_1412 = arith.subf %add3A_1411, %mul3A_1407 : vector<320x1xf32>
    %add3A_1413 = arith.constant 9.99999997E-7 : f32
    %add3A_1414 = vector.broadcast %add3A_1413 : f32 to vector<320x1xf32>
    %add3A_1415 = arith.addf %sub3A_1412, %add3A_1414 : vector<320x1xf32>
    %div3A_1416 = arith.divf %mul3A_1407, %add3A_1415 : vector<320x1xf32>
    %gt3A_1417 = arith.cmpf ogt, %div3A_1400, %div3A_1384 : vector<320x1xf32>
    %jit3A_1418 = arith.constant 1 : i32
    %jit3A_1419 = arith.constant 0 : i32
    %broadcast_in_dim3A_1420 = vector.broadcast %jit3A_1418 : i32 to vector<320x1xi32>
    %broadcast_in_dim3A_1421 = vector.broadcast %jit3A_1419 : i32 to vector<320x1xi32>
    %select_n3A_1422 = arith.select %gt3A_1417, %broadcast_in_dim3A_1420, %broadcast_in_dim3A_1421 : vector<320x1xi1>, vector<320x1xi32>
    %max3A_1423 = arith.maximumf %div3A_1384, %div3A_1400 : vector<320x1xf32>
    %gt3A_1424 = arith.cmpf ogt, %div3A_1416, %max3A_1423 : vector<320x1xf32>
    %jit3A_1425 = arith.constant 2 : i32
    %broadcast_in_dim3A_1426 = vector.broadcast %jit3A_1425 : i32 to vector<320x1xi32>
    %select_n3A_1427 = arith.select %gt3A_1424, %broadcast_in_dim3A_1426, %select_n3A_1422 : vector<320x1xi1>, vector<320x1xi32>
    %jit3A_1428 = arith.constant 20 : i32
    %div3A_1429 = vector.broadcast %jit3A_1428 : i32 to vector<320x1xi32>
    %div3A_1430 = arith.divsi %iota3A_0, %div3A_1429 : vector<320x1xi32>
    %sign3A_1431 = arith.constant 0 : i32
    %sign3A_1432 = vector.broadcast %sign3A_1431 : i32 to vector<320x1xi32>
    %sign3A_1433 = arith.cmpi sgt, %iota3A_0, %sign3A_1432 : vector<320x1xi32>
    %sign3A_1434 = arith.extui %sign3A_1433 : vector<320x1xi1> to vector<320x1xi32>
    %sign3A_1435 = arith.constant 0 : i32
    %sign3A_1436 = vector.broadcast %sign3A_1435 : i32 to vector<320x1xi32>
    %sign3A_1437 = arith.cmpi slt, %iota3A_0, %sign3A_1436 : vector<320x1xi32>
    %sign3A_1438 = arith.extui %sign3A_1437 : vector<320x1xi1> to vector<320x1xi32>
    %sign3A_1439 = arith.subi %sign3A_1434, %sign3A_1438 : vector<320x1xi32>
    %sign3A_1440 = arith.constant 0 : i32
    %sign3A_1441 = arith.cmpi sgt, %jit3A_1428, %sign3A_1440 : i32
    %sign3A_1442 = arith.extui %sign3A_1441 : i1 to i32
    %sign3A_1443 = arith.constant 0 : i32
    %sign3A_1444 = arith.cmpi slt, %jit3A_1428, %sign3A_1443 : i32
    %sign3A_1445 = arith.extui %sign3A_1444 : i1 to i32
    %sign3A_1446 = arith.subi %sign3A_1442, %sign3A_1445 : i32
    %ne3A_1447 = vector.broadcast %sign3A_1446 : i32 to vector<320x1xi32>
    %ne3A_1448 = arith.cmpi ne, %sign3A_1439, %ne3A_1447 : vector<320x1xi32>
    %rem3A_1449 = vector.broadcast %jit3A_1428 : i32 to vector<320x1xi32>
    %rem3A_1450 = arith.remsi %iota3A_0, %rem3A_1449 : vector<320x1xi32>
    %ne3A_1451 = arith.constant 0 : i32
    %ne3A_1452 = vector.broadcast %ne3A_1451 : i32 to vector<320x1xi32>
    %ne3A_1453 = arith.cmpi ne, %rem3A_1450, %ne3A_1452 : vector<320x1xi32>
    %and3A_1454 = arith.andi %ne3A_1448, %ne3A_1453 : vector<320x1xi1>
    %sub3A_1455 = arith.constant 1 : i32
    %sub3A_1456 = vector.broadcast %sub3A_1455 : i32 to vector<320x1xi32>
    %sub3A_1457 = arith.subi %div3A_1430, %sub3A_1456 : vector<320x1xi32>
    %select_n3A_1458 = arith.select %and3A_1454, %sub3A_1457, %div3A_1430 : vector<320x1xi1>, vector<320x1xi32>
    %mul3A_1459 = arith.constant 3 : i32
    %mul3A_1460 = vector.broadcast %mul3A_1459 : i32 to vector<320x1xi32>
    %mul3A_1461 = arith.muli %select_n3A_1458, %mul3A_1460 : vector<320x1xi32>
    %add3A_1462 = arith.constant 0 : i32
    %add3A_1463 = vector.broadcast %add3A_1462 : i32 to vector<320x1xi32>
    %add3A_1464 = arith.addi %mul3A_1461, %add3A_1463 : vector<320x1xi32>
    %mul3A_1465 = arith.constant 26 : i32
    %mul3A_1466 = vector.broadcast %mul3A_1465 : i32 to vector<320x1xi32>
    %mul3A_1467 = arith.muli %add3A_1464, %mul3A_1466 : vector<320x1xi32>
    %add3A_1468 = arith.addi %mul3A_1467, %convert_element_type3A_1362 : vector<320x1xi32>
    %mul3A_1469 = arith.constant 26 : i32
    %mul3A_1470 = vector.broadcast %mul3A_1469 : i32 to vector<320x1xi32>
    %mul3A_1471 = arith.muli %add3A_1468, %mul3A_1470 : vector<320x1xi32>
    %add3A_1472 = arith.addi %mul3A_1471, %convert_element_type3A_1358 : vector<320x1xi32>
    %mul3A_1473 = arith.constant 3 : i32
    %mul3A_1474 = vector.broadcast %mul3A_1473 : i32 to vector<320x1xi32>
    %mul3A_1475 = arith.muli %select_n3A_1458, %mul3A_1474 : vector<320x1xi32>
    %add3A_1476 = arith.constant 1 : i32
    %add3A_1477 = vector.broadcast %add3A_1476 : i32 to vector<320x1xi32>
    %add3A_1478 = arith.addi %mul3A_1475, %add3A_1477 : vector<320x1xi32>
    %mul3A_1479 = arith.constant 26 : i32
    %mul3A_1480 = vector.broadcast %mul3A_1479 : i32 to vector<320x1xi32>
    %mul3A_1481 = arith.muli %add3A_1478, %mul3A_1480 : vector<320x1xi32>
    %add3A_1482 = arith.addi %mul3A_1481, %convert_element_type3A_1362 : vector<320x1xi32>
    %mul3A_1483 = arith.constant 26 : i32
    %mul3A_1484 = vector.broadcast %mul3A_1483 : i32 to vector<320x1xi32>
    %mul3A_1485 = arith.muli %add3A_1482, %mul3A_1484 : vector<320x1xi32>
    %add3A_1486 = arith.addi %mul3A_1485, %convert_element_type3A_1358 : vector<320x1xi32>
    %mul3A_1487 = arith.constant 3 : i32
    %mul3A_1488 = vector.broadcast %mul3A_1487 : i32 to vector<320x1xi32>
    %mul3A_1489 = arith.muli %select_n3A_1458, %mul3A_1488 : vector<320x1xi32>
    %add3A_1490 = arith.constant 2 : i32
    %add3A_1491 = vector.broadcast %add3A_1490 : i32 to vector<320x1xi32>
    %add3A_1492 = arith.addi %mul3A_1489, %add3A_1491 : vector<320x1xi32>
    %mul3A_1493 = arith.constant 26 : i32
    %mul3A_1494 = vector.broadcast %mul3A_1493 : i32 to vector<320x1xi32>
    %mul3A_1495 = arith.muli %add3A_1492, %mul3A_1494 : vector<320x1xi32>
    %add3A_1496 = arith.addi %mul3A_1495, %convert_element_type3A_1362 : vector<320x1xi32>
    %mul3A_1497 = arith.constant 26 : i32
    %mul3A_1498 = vector.broadcast %mul3A_1497 : i32 to vector<320x1xi32>
    %mul3A_1499 = arith.muli %add3A_1496, %mul3A_1498 : vector<320x1xi32>
    %add3A_1500 = arith.addi %mul3A_1499, %convert_element_type3A_1358 : vector<320x1xi32>
    %eq3A_1501 = arith.constant 0 : i32
    %eq3A_1502 = vector.broadcast %eq3A_1501 : i32 to vector<320x1xi32>
    %eq3A_1503 = arith.cmpi eq, %select_n3A_1427, %eq3A_1502 : vector<320x1xi32>
    %eq3A_1504 = arith.constant 1 : i32
    %eq3A_1505 = vector.broadcast %eq3A_1504 : i32 to vector<320x1xi32>
    %eq3A_1506 = arith.cmpi eq, %select_n3A_1427, %eq3A_1505 : vector<320x1xi32>
    %select_n3A_1507 = arith.select %eq3A_1506, %add3A_1486, %add3A_1500 : vector<320x1xi1>, vector<320x1xi32>
    %select_n3A_1508 = arith.select %eq3A_1503, %add3A_1472, %select_n3A_1507 : vector<320x1xi1>, vector<320x1xi32>
    %get3A_1509 = arith.constant 0 : index
    %get3A_1510 = arith.constant 0 : index
    %get3A_1511 = vector.load %arg6[%get3A_1509, %get3A_1510] : memref<1x320xf32, #tpu.memory_space<vmem>>, vector<1x320xf32>
    %get3A_1512 = arith.constant 0 : index
    %get3A_1513 = arith.constant 0 : index
    %get3A_1514 = vector.load %arg7[%get3A_1512, %get3A_1513] : memref<1x320xf32, #tpu.memory_space<vmem>>, vector<1x320xf32>
    %get3A_1515 = arith.constant 0 : index
    %get3A_1516 = arith.constant 0 : index
    %get3A_1517 = vector.load %arg8[%get3A_1515, %get3A_1516] : memref<1x320xf32, #tpu.memory_space<vmem>>, vector<1x320xf32>
    %get3A_1518 = arith.constant 0 : index
    %get3A_1519 = arith.constant 0 : index
    %get3A_1520 = vector.load %arg9[%get3A_1518, %get3A_1519] : memref<1x320xf32, #tpu.memory_space<vmem>>, vector<1x320xf32>
    %mul3A_1521 = arith.constant 2.600000e+01 : f32
    %mul3A_1522 = vector.broadcast %mul3A_1521 : f32 to vector<1x320xf32>
    %mul3A_1523 = arith.mulf %get3A_1511, %mul3A_1522 : vector<1x320xf32>
    %convert_element_type3A_1524 = arith.fptosi %mul3A_1523 : vector<1x320xf32> to vector<1x320xi32>
    %mul3A_1525 = arith.constant 2.600000e+01 : f32
    %mul3A_1526 = vector.broadcast %mul3A_1525 : f32 to vector<1x320xf32>
    %mul3A_1527 = arith.mulf %get3A_1514, %mul3A_1526 : vector<1x320xf32>
    %convert_element_type3A_1528 = arith.fptosi %mul3A_1527 : vector<1x320xf32> to vector<1x320xi32>
    %mul3A_1529 = arith.constant 2.600000e+01 : f32
    %mul3A_1530 = vector.broadcast %mul3A_1529 : f32 to vector<1x320xf32>
    %mul3A_1531 = arith.mulf %get3A_1517, %mul3A_1530 : vector<1x320xf32>
    %mul3A_1532 = arith.constant 2.600000e+01 : f32
    %mul3A_1533 = vector.broadcast %mul3A_1532 : f32 to vector<1x320xf32>
    %mul3A_1534 = arith.mulf %get3A_1520, %mul3A_1533 : vector<1x320xf32>
    %min3A_1535 = arith.constant 0.072115384 : f32
    %min3A_1536 = vector.broadcast %min3A_1535 : f32 to vector<1x320xf32>
    %min3A_1537 = arith.minimumf %mul3A_1531, %min3A_1536 : vector<1x320xf32>
    %min3A_1538 = arith.constant 0.146634609 : f32
    %min3A_1539 = vector.broadcast %min3A_1538 : f32 to vector<1x320xf32>
    %min3A_1540 = arith.minimumf %mul3A_1534, %min3A_1539 : vector<1x320xf32>
    %mul3A_1541 = arith.mulf %min3A_1537, %min3A_1540 : vector<1x320xf32>
    %mul3A_1542 = arith.mulf %mul3A_1531, %mul3A_1534 : vector<1x320xf32>
    %add3A_1543 = arith.constant 0.0105746118 : f32
    %add3A_1544 = vector.broadcast %add3A_1543 : f32 to vector<1x320xf32>
    %add3A_1545 = arith.addf %mul3A_1542, %add3A_1544 : vector<1x320xf32>
    %sub3A_1546 = arith.subf %add3A_1545, %mul3A_1541 : vector<1x320xf32>
    %add3A_1547 = arith.constant 9.99999997E-7 : f32
    %add3A_1548 = vector.broadcast %add3A_1547 : f32 to vector<1x320xf32>
    %add3A_1549 = arith.addf %sub3A_1546, %add3A_1548 : vector<1x320xf32>
    %div3A_1550 = arith.divf %mul3A_1541, %add3A_1549 : vector<1x320xf32>
    %min3A_1551 = arith.constant 0.149038464 : f32
    %min3A_1552 = vector.broadcast %min3A_1551 : f32 to vector<1x320xf32>
    %min3A_1553 = arith.minimumf %mul3A_1531, %min3A_1552 : vector<1x320xf32>
    %min3A_1554 = arith.constant 0.10817308 : f32
    %min3A_1555 = vector.broadcast %min3A_1554 : f32 to vector<1x320xf32>
    %min3A_1556 = arith.minimumf %mul3A_1534, %min3A_1555 : vector<1x320xf32>
    %mul3A_1557 = arith.mulf %min3A_1553, %min3A_1556 : vector<1x320xf32>
    %mul3A_1558 = arith.mulf %mul3A_1531, %mul3A_1534 : vector<1x320xf32>
    %add3A_1559 = arith.constant 0.0161219481 : f32
    %add3A_1560 = vector.broadcast %add3A_1559 : f32 to vector<1x320xf32>
    %add3A_1561 = arith.addf %mul3A_1558, %add3A_1560 : vector<1x320xf32>
    %sub3A_1562 = arith.subf %add3A_1561, %mul3A_1557 : vector<1x320xf32>
    %add3A_1563 = arith.constant 9.99999997E-7 : f32
    %add3A_1564 = vector.broadcast %add3A_1563 : f32 to vector<1x320xf32>
    %add3A_1565 = arith.addf %sub3A_1562, %add3A_1564 : vector<1x320xf32>
    %div3A_1566 = arith.divf %mul3A_1557, %add3A_1565 : vector<1x320xf32>
    %min3A_1567 = arith.constant 0.141826928 : f32
    %min3A_1568 = vector.broadcast %min3A_1567 : f32 to vector<1x320xf32>
    %min3A_1569 = arith.minimumf %mul3A_1531, %min3A_1568 : vector<1x320xf32>
    %min3A_1570 = arith.constant 0.286057681 : f32
    %min3A_1571 = vector.broadcast %min3A_1570 : f32 to vector<1x320xf32>
    %min3A_1572 = arith.minimumf %mul3A_1534, %min3A_1571 : vector<1x320xf32>
    %mul3A_1573 = arith.mulf %min3A_1569, %min3A_1572 : vector<1x320xf32>
    %mul3A_1574 = arith.mulf %mul3A_1531, %mul3A_1534 : vector<1x320xf32>
    %add3A_1575 = arith.constant 0.0405706838 : f32
    %add3A_1576 = vector.broadcast %add3A_1575 : f32 to vector<1x320xf32>
    %add3A_1577 = arith.addf %mul3A_1574, %add3A_1576 : vector<1x320xf32>
    %sub3A_1578 = arith.subf %add3A_1577, %mul3A_1573 : vector<1x320xf32>
    %add3A_1579 = arith.constant 9.99999997E-7 : f32
    %add3A_1580 = vector.broadcast %add3A_1579 : f32 to vector<1x320xf32>
    %add3A_1581 = arith.addf %sub3A_1578, %add3A_1580 : vector<1x320xf32>
    %div3A_1582 = arith.divf %mul3A_1573, %add3A_1581 : vector<1x320xf32>
    %gt3A_1583 = arith.cmpf ogt, %div3A_1566, %div3A_1550 : vector<1x320xf32>
    %jit3A_1584 = arith.constant 1 : i32
    %jit3A_1585 = arith.constant 0 : i32
    %broadcast_in_dim3A_1586 = vector.broadcast %jit3A_1584 : i32 to vector<1x320xi32>
    %broadcast_in_dim3A_1587 = vector.broadcast %jit3A_1585 : i32 to vector<1x320xi32>
    %select_n3A_1588 = arith.select %gt3A_1583, %broadcast_in_dim3A_1586, %broadcast_in_dim3A_1587 : vector<1x320xi1>, vector<1x320xi32>
    %max3A_1589 = arith.maximumf %div3A_1550, %div3A_1566 : vector<1x320xf32>
    %gt3A_1590 = arith.cmpf ogt, %div3A_1582, %max3A_1589 : vector<1x320xf32>
    %jit3A_1591 = arith.constant 2 : i32
    %broadcast_in_dim3A_1592 = vector.broadcast %jit3A_1591 : i32 to vector<1x320xi32>
    %select_n3A_1593 = arith.select %gt3A_1590, %broadcast_in_dim3A_1592, %select_n3A_1588 : vector<1x320xi1>, vector<1x320xi32>
    %jit3A_1594 = arith.constant 20 : i32
    %div3A_1595 = vector.broadcast %jit3A_1594 : i32 to vector<1x320xi32>
    %div3A_1596 = arith.divsi %iota3A, %div3A_1595 : vector<1x320xi32>
    %sign3A_1597 = arith.constant 0 : i32
    %sign3A_1598 = vector.broadcast %sign3A_1597 : i32 to vector<1x320xi32>
    %sign3A_1599 = arith.cmpi sgt, %iota3A, %sign3A_1598 : vector<1x320xi32>
    %sign3A_1600 = arith.extui %sign3A_1599 : vector<1x320xi1> to vector<1x320xi32>
    %sign3A_1601 = arith.constant 0 : i32
    %sign3A_1602 = vector.broadcast %sign3A_1601 : i32 to vector<1x320xi32>
    %sign3A_1603 = arith.cmpi slt, %iota3A, %sign3A_1602 : vector<1x320xi32>
    %sign3A_1604 = arith.extui %sign3A_1603 : vector<1x320xi1> to vector<1x320xi32>
    %sign3A_1605 = arith.subi %sign3A_1600, %sign3A_1604 : vector<1x320xi32>
    %sign3A_1606 = arith.constant 0 : i32
    %sign3A_1607 = arith.cmpi sgt, %jit3A_1594, %sign3A_1606 : i32
    %sign3A_1608 = arith.extui %sign3A_1607 : i1 to i32
    %sign3A_1609 = arith.constant 0 : i32
    %sign3A_1610 = arith.cmpi slt, %jit3A_1594, %sign3A_1609 : i32
    %sign3A_1611 = arith.extui %sign3A_1610 : i1 to i32
    %sign3A_1612 = arith.subi %sign3A_1608, %sign3A_1611 : i32
    %ne3A_1613 = vector.broadcast %sign3A_1612 : i32 to vector<1x320xi32>
    %ne3A_1614 = arith.cmpi ne, %sign3A_1605, %ne3A_1613 : vector<1x320xi32>
    %rem3A_1615 = vector.broadcast %jit3A_1594 : i32 to vector<1x320xi32>
    %rem3A_1616 = arith.remsi %iota3A, %rem3A_1615 : vector<1x320xi32>
    %ne3A_1617 = arith.constant 0 : i32
    %ne3A_1618 = vector.broadcast %ne3A_1617 : i32 to vector<1x320xi32>
    %ne3A_1619 = arith.cmpi ne, %rem3A_1616, %ne3A_1618 : vector<1x320xi32>
    %and3A_1620 = arith.andi %ne3A_1614, %ne3A_1619 : vector<1x320xi1>
    %sub3A_1621 = arith.constant 1 : i32
    %sub3A_1622 = vector.broadcast %sub3A_1621 : i32 to vector<1x320xi32>
    %sub3A_1623 = arith.subi %div3A_1596, %sub3A_1622 : vector<1x320xi32>
    %select_n3A_1624 = arith.select %and3A_1620, %sub3A_1623, %div3A_1596 : vector<1x320xi1>, vector<1x320xi32>
    %mul3A_1625 = arith.constant 3 : i32
    %mul3A_1626 = vector.broadcast %mul3A_1625 : i32 to vector<1x320xi32>
    %mul3A_1627 = arith.muli %select_n3A_1624, %mul3A_1626 : vector<1x320xi32>
    %add3A_1628 = arith.constant 0 : i32
    %add3A_1629 = vector.broadcast %add3A_1628 : i32 to vector<1x320xi32>
    %add3A_1630 = arith.addi %mul3A_1627, %add3A_1629 : vector<1x320xi32>
    %mul3A_1631 = arith.constant 26 : i32
    %mul3A_1632 = vector.broadcast %mul3A_1631 : i32 to vector<1x320xi32>
    %mul3A_1633 = arith.muli %add3A_1630, %mul3A_1632 : vector<1x320xi32>
    %add3A_1634 = arith.addi %mul3A_1633, %convert_element_type3A_1528 : vector<1x320xi32>
    %mul3A_1635 = arith.constant 26 : i32
    %mul3A_1636 = vector.broadcast %mul3A_1635 : i32 to vector<1x320xi32>
    %mul3A_1637 = arith.muli %add3A_1634, %mul3A_1636 : vector<1x320xi32>
    %add3A_1638 = arith.addi %mul3A_1637, %convert_element_type3A_1524 : vector<1x320xi32>
    %mul3A_1639 = arith.constant 3 : i32
    %mul3A_1640 = vector.broadcast %mul3A_1639 : i32 to vector<1x320xi32>
    %mul3A_1641 = arith.muli %select_n3A_1624, %mul3A_1640 : vector<1x320xi32>
    %add3A_1642 = arith.constant 1 : i32
    %add3A_1643 = vector.broadcast %add3A_1642 : i32 to vector<1x320xi32>
    %add3A_1644 = arith.addi %mul3A_1641, %add3A_1643 : vector<1x320xi32>
    %mul3A_1645 = arith.constant 26 : i32
    %mul3A_1646 = vector.broadcast %mul3A_1645 : i32 to vector<1x320xi32>
    %mul3A_1647 = arith.muli %add3A_1644, %mul3A_1646 : vector<1x320xi32>
    %add3A_1648 = arith.addi %mul3A_1647, %convert_element_type3A_1528 : vector<1x320xi32>
    %mul3A_1649 = arith.constant 26 : i32
    %mul3A_1650 = vector.broadcast %mul3A_1649 : i32 to vector<1x320xi32>
    %mul3A_1651 = arith.muli %add3A_1648, %mul3A_1650 : vector<1x320xi32>
    %add3A_1652 = arith.addi %mul3A_1651, %convert_element_type3A_1524 : vector<1x320xi32>
    %mul3A_1653 = arith.constant 3 : i32
    %mul3A_1654 = vector.broadcast %mul3A_1653 : i32 to vector<1x320xi32>
    %mul3A_1655 = arith.muli %select_n3A_1624, %mul3A_1654 : vector<1x320xi32>
    %add3A_1656 = arith.constant 2 : i32
    %add3A_1657 = vector.broadcast %add3A_1656 : i32 to vector<1x320xi32>
    %add3A_1658 = arith.addi %mul3A_1655, %add3A_1657 : vector<1x320xi32>
    %mul3A_1659 = arith.constant 26 : i32
    %mul3A_1660 = vector.broadcast %mul3A_1659 : i32 to vector<1x320xi32>
    %mul3A_1661 = arith.muli %add3A_1658, %mul3A_1660 : vector<1x320xi32>
    %add3A_1662 = arith.addi %mul3A_1661, %convert_element_type3A_1528 : vector<1x320xi32>
    %mul3A_1663 = arith.constant 26 : i32
    %mul3A_1664 = vector.broadcast %mul3A_1663 : i32 to vector<1x320xi32>
    %mul3A_1665 = arith.muli %add3A_1662, %mul3A_1664 : vector<1x320xi32>
    %add3A_1666 = arith.addi %mul3A_1665, %convert_element_type3A_1524 : vector<1x320xi32>
    %eq3A_1667 = arith.constant 0 : i32
    %eq3A_1668 = vector.broadcast %eq3A_1667 : i32 to vector<1x320xi32>
    %eq3A_1669 = arith.cmpi eq, %select_n3A_1593, %eq3A_1668 : vector<1x320xi32>
    %eq3A_1670 = arith.constant 1 : i32
    %eq3A_1671 = vector.broadcast %eq3A_1670 : i32 to vector<1x320xi32>
    %eq3A_1672 = arith.cmpi eq, %select_n3A_1593, %eq3A_1671 : vector<1x320xi32>
    %select_n3A_1673 = arith.select %eq3A_1672, %add3A_1652, %add3A_1666 : vector<1x320xi1>, vector<1x320xi32>
    %select_n3A_1674 = arith.select %eq3A_1669, %add3A_1638, %select_n3A_1673 : vector<1x320xi1>, vector<1x320xi32>
    %eq3A_1675 = arith.cmpi eq, %select_n3A_1674, %select_n3A_1674 : vector<1x320xi32>
    %iota3A_1676 = tpu.iota {dimensions = array<i32: 0>} : vector<320x1xi32>
    %slice3A_1677 = vector.extract_strided_slice %select_n3A_1674 {offsets = [0, 0], sizes = [1, 64], strides = [1, 1]} : vector<1x320xi32> to vector<1x64xi32>
    %slice3A_1678 = vector.extract_strided_slice %eq3A_1675 {offsets = [0, 0], sizes = [1, 64], strides = [1, 1]} : vector<1x320xi1> to vector<1x64xi1>
    %iota3A_1679 = tpu.iota {dimensions = array<i32: 1>} : vector<1x64xi32>
    %add3A_1680 = arith.constant 0 : i32
    %add3A_1681 = vector.broadcast %add3A_1680 : i32 to vector<1x64xi32>
    %add3A_1682 = arith.addi %iota3A_1679, %add3A_1681 : vector<1x64xi32>
    %gt3A_1683 = vector.broadcast %add3A_1682 : vector<1x64xi32> to vector<320x64xi32>
    %gt3A_1684 = vector.broadcast %iota3A_1676 : vector<320x1xi32> to vector<320x64xi32>
    %gt3A_1685 = arith.cmpi sgt, %gt3A_1683, %gt3A_1684 : vector<320x64xi32>
    %eq3A_1686 = vector.broadcast %slice3A_1677 : vector<1x64xi32> to vector<320x64xi32>
    %eq3A_1687 = vector.broadcast %select_n3A_1508 : vector<320x1xi32> to vector<320x64xi32>
    %eq3A_1688 = arith.cmpi eq, %eq3A_1686, %eq3A_1687 : vector<320x64xi32>
    %and3A_1689 = vector.broadcast %slice3A_1678 : vector<1x64xi1> to vector<320x64xi1>
    %and3A_1690 = arith.andi %eq3A_1688, %and3A_1689 : vector<320x64xi1>
    %and3A_1691 = arith.andi %and3A_1690, %gt3A_1685 : vector<320x64xi1>
    %reduce_or3A_1692 = arith.constant 1.000000e+00 : f32
    %reduce_or3A_1693 = arith.constant 0.000000e+00 : f32
    %reduce_or3A_1694 = vector.broadcast %reduce_or3A_1692 : f32 to vector<320x64xf32>
    %reduce_or3A_1695 = vector.broadcast %reduce_or3A_1693 : f32 to vector<320x64xf32>
    %reduce_or3A_1696 = arith.select %and3A_1691, %reduce_or3A_1694, %reduce_or3A_1695 : vector<320x64xi1>, vector<320x64xf32>
    %reduce_or3A_1697 = arith.constant dense<0xFF800000> : vector<320xf32>
    %reduce_or3A_1698 = vector.multi_reduction <maximumf>, %reduce_or3A_1696, %reduce_or3A_1697 [1] : vector<320x64xf32> to vector<320xf32>
    %reduce_or3A_1699 = arith.constant 0.000000e+00 : f32
    %reduce_or3A_1700 = vector.broadcast %reduce_or3A_1699 : f32 to vector<320xf32>
    %reduce_or3A_1701 = arith.cmpf ogt, %reduce_or3A_1698, %reduce_or3A_1700 : vector<320xf32>
    %broadcast_in_dim3A_1702 = vector.shape_cast %reduce_or3A_1701 : vector<320xi1> to vector<320x1xi1>
    %slice3A_1703 = vector.extract_strided_slice %select_n3A_1674 {offsets = [0, 64], sizes = [1, 64], strides = [1, 1]} : vector<1x320xi32> to vector<1x64xi32>
    %slice3A_1704 = vector.extract_strided_slice %eq3A_1675 {offsets = [0, 64], sizes = [1, 64], strides = [1, 1]} : vector<1x320xi1> to vector<1x64xi1>
    %iota3A_1705 = tpu.iota {dimensions = array<i32: 1>} : vector<1x64xi32>
    %add3A_1706 = arith.constant 64 : i32
    %add3A_1707 = vector.broadcast %add3A_1706 : i32 to vector<1x64xi32>
    %add3A_1708 = arith.addi %iota3A_1705, %add3A_1707 : vector<1x64xi32>
    %gt3A_1709 = vector.broadcast %add3A_1708 : vector<1x64xi32> to vector<320x64xi32>
    %gt3A_1710 = vector.broadcast %iota3A_1676 : vector<320x1xi32> to vector<320x64xi32>
    %gt3A_1711 = arith.cmpi sgt, %gt3A_1709, %gt3A_1710 : vector<320x64xi32>
    %eq3A_1712 = vector.broadcast %slice3A_1703 : vector<1x64xi32> to vector<320x64xi32>
    %eq3A_1713 = vector.broadcast %select_n3A_1508 : vector<320x1xi32> to vector<320x64xi32>
    %eq3A_1714 = arith.cmpi eq, %eq3A_1712, %eq3A_1713 : vector<320x64xi32>
    %and3A_1715 = vector.broadcast %slice3A_1704 : vector<1x64xi1> to vector<320x64xi1>
    %and3A_1716 = arith.andi %eq3A_1714, %and3A_1715 : vector<320x64xi1>
    %and3A_1717 = arith.andi %and3A_1716, %gt3A_1711 : vector<320x64xi1>
    %reduce_or3A_1718 = arith.constant 1.000000e+00 : f32
    %reduce_or3A_1719 = arith.constant 0.000000e+00 : f32
    %reduce_or3A_1720 = vector.broadcast %reduce_or3A_1718 : f32 to vector<320x64xf32>
    %reduce_or3A_1721 = vector.broadcast %reduce_or3A_1719 : f32 to vector<320x64xf32>
    %reduce_or3A_1722 = arith.select %and3A_1717, %reduce_or3A_1720, %reduce_or3A_1721 : vector<320x64xi1>, vector<320x64xf32>
    %reduce_or3A_1723 = arith.constant dense<0xFF800000> : vector<320xf32>
    %reduce_or3A_1724 = vector.multi_reduction <maximumf>, %reduce_or3A_1722, %reduce_or3A_1723 [1] : vector<320x64xf32> to vector<320xf32>
    %reduce_or3A_1725 = arith.constant 0.000000e+00 : f32
    %reduce_or3A_1726 = vector.broadcast %reduce_or3A_1725 : f32 to vector<320xf32>
    %reduce_or3A_1727 = arith.cmpf ogt, %reduce_or3A_1724, %reduce_or3A_1726 : vector<320xf32>
    %broadcast_in_dim3A_1728 = vector.shape_cast %reduce_or3A_1727 : vector<320xi1> to vector<320x1xi1>
    %or3A_1729 = arith.ori %broadcast_in_dim3A_1702, %broadcast_in_dim3A_1728 : vector<320x1xi1>
    %slice3A_1730 = vector.extract_strided_slice %select_n3A_1674 {offsets = [0, 128], sizes = [1, 64], strides = [1, 1]} : vector<1x320xi32> to vector<1x64xi32>
    %slice3A_1731 = vector.extract_strided_slice %eq3A_1675 {offsets = [0, 128], sizes = [1, 64], strides = [1, 1]} : vector<1x320xi1> to vector<1x64xi1>
    %iota3A_1732 = tpu.iota {dimensions = array<i32: 1>} : vector<1x64xi32>
    %add3A_1733 = arith.constant 128 : i32
    %add3A_1734 = vector.broadcast %add3A_1733 : i32 to vector<1x64xi32>
    %add3A_1735 = arith.addi %iota3A_1732, %add3A_1734 : vector<1x64xi32>
    %gt3A_1736 = vector.broadcast %add3A_1735 : vector<1x64xi32> to vector<320x64xi32>
    %gt3A_1737 = vector.broadcast %iota3A_1676 : vector<320x1xi32> to vector<320x64xi32>
    %gt3A_1738 = arith.cmpi sgt, %gt3A_1736, %gt3A_1737 : vector<320x64xi32>
    %eq3A_1739 = vector.broadcast %slice3A_1730 : vector<1x64xi32> to vector<320x64xi32>
    %eq3A_1740 = vector.broadcast %select_n3A_1508 : vector<320x1xi32> to vector<320x64xi32>
    %eq3A_1741 = arith.cmpi eq, %eq3A_1739, %eq3A_1740 : vector<320x64xi32>
    %and3A_1742 = vector.broadcast %slice3A_1731 : vector<1x64xi1> to vector<320x64xi1>
    %and3A_1743 = arith.andi %eq3A_1741, %and3A_1742 : vector<320x64xi1>
    %and3A_1744 = arith.andi %and3A_1743, %gt3A_1738 : vector<320x64xi1>
    %reduce_or3A_1745 = arith.constant 1.000000e+00 : f32
    %reduce_or3A_1746 = arith.constant 0.000000e+00 : f32
    %reduce_or3A_1747 = vector.broadcast %reduce_or3A_1745 : f32 to vector<320x64xf32>
    %reduce_or3A_1748 = vector.broadcast %reduce_or3A_1746 : f32 to vector<320x64xf32>
    %reduce_or3A_1749 = arith.select %and3A_1744, %reduce_or3A_1747, %reduce_or3A_1748 : vector<320x64xi1>, vector<320x64xf32>
    %reduce_or3A_1750 = arith.constant dense<0xFF800000> : vector<320xf32>
    %reduce_or3A_1751 = vector.multi_reduction <maximumf>, %reduce_or3A_1749, %reduce_or3A_1750 [1] : vector<320x64xf32> to vector<320xf32>
    %reduce_or3A_1752 = arith.constant 0.000000e+00 : f32
    %reduce_or3A_1753 = vector.broadcast %reduce_or3A_1752 : f32 to vector<320xf32>
    %reduce_or3A_1754 = arith.cmpf ogt, %reduce_or3A_1751, %reduce_or3A_1753 : vector<320xf32>
    %broadcast_in_dim3A_1755 = vector.shape_cast %reduce_or3A_1754 : vector<320xi1> to vector<320x1xi1>
    %or3A_1756 = arith.ori %or3A_1729, %broadcast_in_dim3A_1755 : vector<320x1xi1>
    %slice3A_1757 = vector.extract_strided_slice %select_n3A_1674 {offsets = [0, 192], sizes = [1, 64], strides = [1, 1]} : vector<1x320xi32> to vector<1x64xi32>
    %slice3A_1758 = vector.extract_strided_slice %eq3A_1675 {offsets = [0, 192], sizes = [1, 64], strides = [1, 1]} : vector<1x320xi1> to vector<1x64xi1>
    %iota3A_1759 = tpu.iota {dimensions = array<i32: 1>} : vector<1x64xi32>
    %add3A_1760 = arith.constant 192 : i32
    %add3A_1761 = vector.broadcast %add3A_1760 : i32 to vector<1x64xi32>
    %add3A_1762 = arith.addi %iota3A_1759, %add3A_1761 : vector<1x64xi32>
    %gt3A_1763 = vector.broadcast %add3A_1762 : vector<1x64xi32> to vector<320x64xi32>
    %gt3A_1764 = vector.broadcast %iota3A_1676 : vector<320x1xi32> to vector<320x64xi32>
    %gt3A_1765 = arith.cmpi sgt, %gt3A_1763, %gt3A_1764 : vector<320x64xi32>
    %eq3A_1766 = vector.broadcast %slice3A_1757 : vector<1x64xi32> to vector<320x64xi32>
    %eq3A_1767 = vector.broadcast %select_n3A_1508 : vector<320x1xi32> to vector<320x64xi32>
    %eq3A_1768 = arith.cmpi eq, %eq3A_1766, %eq3A_1767 : vector<320x64xi32>
    %and3A_1769 = vector.broadcast %slice3A_1758 : vector<1x64xi1> to vector<320x64xi1>
    %and3A_1770 = arith.andi %eq3A_1768, %and3A_1769 : vector<320x64xi1>
    %and3A_1771 = arith.andi %and3A_1770, %gt3A_1765 : vector<320x64xi1>
    %reduce_or3A_1772 = arith.constant 1.000000e+00 : f32
    %reduce_or3A_1773 = arith.constant 0.000000e+00 : f32
    %reduce_or3A_1774 = vector.broadcast %reduce_or3A_1772 : f32 to vector<320x64xf32>
    %reduce_or3A_1775 = vector.broadcast %reduce_or3A_1773 : f32 to vector<320x64xf32>
    %reduce_or3A_1776 = arith.select %and3A_1771, %reduce_or3A_1774, %reduce_or3A_1775 : vector<320x64xi1>, vector<320x64xf32>
    %reduce_or3A_1777 = arith.constant dense<0xFF800000> : vector<320xf32>
    %reduce_or3A_1778 = vector.multi_reduction <maximumf>, %reduce_or3A_1776, %reduce_or3A_1777 [1] : vector<320x64xf32> to vector<320xf32>
    %reduce_or3A_1779 = arith.constant 0.000000e+00 : f32
    %reduce_or3A_1780 = vector.broadcast %reduce_or3A_1779 : f32 to vector<320xf32>
    %reduce_or3A_1781 = arith.cmpf ogt, %reduce_or3A_1778, %reduce_or3A_1780 : vector<320xf32>
    %broadcast_in_dim3A_1782 = vector.shape_cast %reduce_or3A_1781 : vector<320xi1> to vector<320x1xi1>
    %or3A_1783 = arith.ori %or3A_1756, %broadcast_in_dim3A_1782 : vector<320x1xi1>
    %slice3A_1784 = vector.extract_strided_slice %select_n3A_1674 {offsets = [0, 256], sizes = [1, 64], strides = [1, 1]} : vector<1x320xi32> to vector<1x64xi32>
    %slice3A_1785 = vector.extract_strided_slice %eq3A_1675 {offsets = [0, 256], sizes = [1, 64], strides = [1, 1]} : vector<1x320xi1> to vector<1x64xi1>
    %iota3A_1786 = tpu.iota {dimensions = array<i32: 1>} : vector<1x64xi32>
    %add3A_1787 = arith.constant 256 : i32
    %add3A_1788 = vector.broadcast %add3A_1787 : i32 to vector<1x64xi32>
    %add3A_1789 = arith.addi %iota3A_1786, %add3A_1788 : vector<1x64xi32>
    %gt3A_1790 = vector.broadcast %add3A_1789 : vector<1x64xi32> to vector<320x64xi32>
    %gt3A_1791 = vector.broadcast %iota3A_1676 : vector<320x1xi32> to vector<320x64xi32>
    %gt3A_1792 = arith.cmpi sgt, %gt3A_1790, %gt3A_1791 : vector<320x64xi32>
    %eq3A_1793 = vector.broadcast %slice3A_1784 : vector<1x64xi32> to vector<320x64xi32>
    %eq3A_1794 = vector.broadcast %select_n3A_1508 : vector<320x1xi32> to vector<320x64xi32>
    %eq3A_1795 = arith.cmpi eq, %eq3A_1793, %eq3A_1794 : vector<320x64xi32>
    %and3A_1796 = vector.broadcast %slice3A_1785 : vector<1x64xi1> to vector<320x64xi1>
    %and3A_1797 = arith.andi %eq3A_1795, %and3A_1796 : vector<320x64xi1>
    %and3A_1798 = arith.andi %and3A_1797, %gt3A_1792 : vector<320x64xi1>
    %reduce_or3A_1799 = arith.constant 1.000000e+00 : f32
    %reduce_or3A_1800 = arith.constant 0.000000e+00 : f32
    %reduce_or3A_1801 = vector.broadcast %reduce_or3A_1799 : f32 to vector<320x64xf32>
    %reduce_or3A_1802 = vector.broadcast %reduce_or3A_1800 : f32 to vector<320x64xf32>
    %reduce_or3A_1803 = arith.select %and3A_1798, %reduce_or3A_1801, %reduce_or3A_1802 : vector<320x64xi1>, vector<320x64xf32>
    %reduce_or3A_1804 = arith.constant dense<0xFF800000> : vector<320xf32>
    %reduce_or3A_1805 = vector.multi_reduction <maximumf>, %reduce_or3A_1803, %reduce_or3A_1804 [1] : vector<320x64xf32> to vector<320xf32>
    %reduce_or3A_1806 = arith.constant 0.000000e+00 : f32
    %reduce_or3A_1807 = vector.broadcast %reduce_or3A_1806 : f32 to vector<320xf32>
    %reduce_or3A_1808 = arith.cmpf ogt, %reduce_or3A_1805, %reduce_or3A_1807 : vector<320xf32>
    %broadcast_in_dim3A_1809 = vector.shape_cast %reduce_or3A_1808 : vector<320xi1> to vector<320x1xi1>
    %or3A_1810 = arith.ori %or3A_1783, %broadcast_in_dim3A_1809 : vector<320x1xi1>
    %not3A_1811 = arith.constant dense<true> : vector<320x1xi1>
    %not3A_1812 = arith.xori %or3A_1810, %not3A_1811 : vector<320x1xi1>
    %get3A_1813 = arith.constant 0 : index
    %get3A_1814 = arith.constant 0 : index
    %get3A_1815 = arith.constant 0 : index
    %get3A_1816 = vector.load %arg1[%get3A_1813, %get3A_1814, %get3A_1815] : memref<3x320x128xf32, #tpu.memory_space<vmem>>, vector<1x320x128xf32>
    %get3A_1817 = vector.shape_cast %get3A_1816 : vector<1x320x128xf32> to vector<320x128xf32>
    %get3A_1818 = arith.constant 1 : index
    %get3A_1819 = arith.constant 0 : index
    %get3A_1820 = arith.constant 0 : index
    %get3A_1821 = vector.load %arg1[%get3A_1818, %get3A_1819, %get3A_1820] : memref<3x320x128xf32, #tpu.memory_space<vmem>>, vector<1x320x128xf32>
    %get3A_1822 = vector.shape_cast %get3A_1821 : vector<1x320x128xf32> to vector<320x128xf32>
    %get3A_1823 = arith.constant 2 : index
    %get3A_1824 = arith.constant 0 : index
    %get3A_1825 = arith.constant 0 : index
    %get3A_1826 = vector.load %arg1[%get3A_1823, %get3A_1824, %get3A_1825] : memref<3x320x128xf32, #tpu.memory_space<vmem>>, vector<1x320x128xf32>
    %get3A_1827 = vector.shape_cast %get3A_1826 : vector<1x320x128xf32> to vector<320x128xf32>
    %broadcast_in_dim3A_1828 = vector.shape_cast %select_n3A_1427 : vector<320x1xi32> to vector<320x1xi32>
    %broadcast_in_dim3A_1829 = vector.broadcast %broadcast_in_dim3A_1828 : vector<320x1xi32> to vector<320x128xi32>
    %eq3A_1830 = arith.constant 0 : i32
    %eq3A_1831 = vector.broadcast %eq3A_1830 : i32 to vector<320x128xi32>
    %eq3A_1832 = arith.cmpi eq, %broadcast_in_dim3A_1829, %eq3A_1831 : vector<320x128xi32>
    %eq3A_1833 = arith.constant 1 : i32
    %eq3A_1834 = vector.broadcast %eq3A_1833 : i32 to vector<320x128xi32>
    %eq3A_1835 = arith.cmpi eq, %broadcast_in_dim3A_1829, %eq3A_1834 : vector<320x128xi32>
    %select_n3A_1836 = arith.select %eq3A_1835, %get3A_1822, %get3A_1827 : vector<320x128xi1>, vector<320x128xf32>
    %select_n3A_1837 = arith.select %eq3A_1832, %get3A_1817, %select_n3A_1836 : vector<320x128xi1>, vector<320x128xf32>
    %eq3A_1838 = arith.constant 0 : i32
    %eq3A_1839 = vector.broadcast %eq3A_1838 : i32 to vector<320x1xi32>
    %eq3A_1840 = arith.cmpi eq, %select_n3A_1427, %eq3A_1839 : vector<320x1xi32>
    %eq3A_1841 = arith.constant 1 : i32
    %eq3A_1842 = vector.broadcast %eq3A_1841 : i32 to vector<320x1xi32>
    %eq3A_1843 = arith.cmpi eq, %select_n3A_1427, %eq3A_1842 : vector<320x1xi32>
    %jit3A_1844 = arith.constant 0.149038464 : f32
    %jit3A_1845 = arith.constant 0.141826928 : f32
    %broadcast_in_dim3A_1846 = vector.broadcast %jit3A_1844 : f32 to vector<320x1xf32>
    %broadcast_in_dim3A_1847 = vector.broadcast %jit3A_1845 : f32 to vector<320x1xf32>
    %select_n3A_1848 = arith.select %eq3A_1843, %broadcast_in_dim3A_1846, %broadcast_in_dim3A_1847 : vector<320x1xi1>, vector<320x1xf32>
    %jit3A_1849 = arith.constant 0.072115384 : f32
    %broadcast_in_dim3A_1850 = vector.broadcast %jit3A_1849 : f32 to vector<320x1xf32>
    %select_n3A_1851 = arith.select %eq3A_1840, %broadcast_in_dim3A_1850, %select_n3A_1848 : vector<320x1xi1>, vector<320x1xf32>
    %eq3A_1852 = arith.constant 0 : i32
    %eq3A_1853 = vector.broadcast %eq3A_1852 : i32 to vector<320x1xi32>
    %eq3A_1854 = arith.cmpi eq, %select_n3A_1427, %eq3A_1853 : vector<320x1xi32>
    %eq3A_1855 = arith.constant 1 : i32
    %eq3A_1856 = vector.broadcast %eq3A_1855 : i32 to vector<320x1xi32>
    %eq3A_1857 = arith.cmpi eq, %select_n3A_1427, %eq3A_1856 : vector<320x1xi32>
    %jit3A_1858 = arith.constant 0.10817308 : f32
    %jit3A_1859 = arith.constant 0.286057681 : f32
    %broadcast_in_dim3A_1860 = vector.broadcast %jit3A_1858 : f32 to vector<320x1xf32>
    %broadcast_in_dim3A_1861 = vector.broadcast %jit3A_1859 : f32 to vector<320x1xf32>
    %select_n3A_1862 = arith.select %eq3A_1857, %broadcast_in_dim3A_1860, %broadcast_in_dim3A_1861 : vector<320x1xi1>, vector<320x1xf32>
    %jit3A_1863 = arith.constant 0.146634609 : f32
    %broadcast_in_dim3A_1864 = vector.broadcast %jit3A_1863 : f32 to vector<320x1xf32>
    %select_n3A_1865 = arith.select %eq3A_1854, %broadcast_in_dim3A_1864, %select_n3A_1862 : vector<320x1xi1>, vector<320x1xf32>
    %convert_element_type3A_1866 = arith.sitofp %convert_element_type3A_1358 : vector<320x1xi32> to vector<320x1xf32>
    %convert_element_type3A_1867 = arith.sitofp %convert_element_type3A_1362 : vector<320x1xi32> to vector<320x1xf32>
    %slice3A_1868 = vector.extract_strided_slice %select_n3A_1837 {offsets = [0, 0], sizes = [320, 1], strides = [1, 1]} : vector<320x128xf32> to vector<320x1xf32>
    %neg3A_1869 = arith.constant 0.000000e+00 : f32
    %neg3A_1870 = vector.broadcast %neg3A_1869 : f32 to vector<320x1xf32>
    %neg3A_1871 = arith.subf %neg3A_1870, %slice3A_1868 : vector<320x1xf32>
    %exp3A_1872 = math.exp %neg3A_1871 : vector<320x1xf32>
    %add3A_1873 = arith.constant 1.000000e+00 : f32
    %add3A_1874 = vector.broadcast %add3A_1873 : f32 to vector<320x1xf32>
    %add3A_1875 = arith.addf %add3A_1874, %exp3A_1872 : vector<320x1xf32>
    %div3A_1876 = arith.constant 1.000000e+00 : f32
    %div3A_1877 = vector.broadcast %div3A_1876 : f32 to vector<320x1xf32>
    %div3A_1878 = arith.divf %div3A_1877, %add3A_1875 : vector<320x1xf32>
    %add3A_1879 = arith.addf %div3A_1878, %convert_element_type3A_1866 : vector<320x1xf32>
    %slice3A_1880 = vector.extract_strided_slice %select_n3A_1837 {offsets = [0, 1], sizes = [320, 1], strides = [1, 1]} : vector<320x128xf32> to vector<320x1xf32>
    %neg3A_1881 = arith.constant 0.000000e+00 : f32
    %neg3A_1882 = vector.broadcast %neg3A_1881 : f32 to vector<320x1xf32>
    %neg3A_1883 = arith.subf %neg3A_1882, %slice3A_1880 : vector<320x1xf32>
    %exp3A_1884 = math.exp %neg3A_1883 : vector<320x1xf32>
    %add3A_1885 = arith.constant 1.000000e+00 : f32
    %add3A_1886 = vector.broadcast %add3A_1885 : f32 to vector<320x1xf32>
    %add3A_1887 = arith.addf %add3A_1886, %exp3A_1884 : vector<320x1xf32>
    %div3A_1888 = arith.constant 1.000000e+00 : f32
    %div3A_1889 = vector.broadcast %div3A_1888 : f32 to vector<320x1xf32>
    %div3A_1890 = arith.divf %div3A_1889, %add3A_1887 : vector<320x1xf32>
    %add3A_1891 = arith.addf %div3A_1890, %convert_element_type3A_1867 : vector<320x1xf32>
    %slice3A_1892 = vector.extract_strided_slice %select_n3A_1837 {offsets = [0, 2], sizes = [320, 1], strides = [1, 1]} : vector<320x128xf32> to vector<320x1xf32>
    %exp3A_1893 = math.exp %slice3A_1892 : vector<320x1xf32>
    %mul3A_1894 = arith.mulf %exp3A_1893, %select_n3A_1851 : vector<320x1xf32>
    %slice3A_1895 = vector.extract_strided_slice %select_n3A_1837 {offsets = [0, 3], sizes = [320, 1], strides = [1, 1]} : vector<320x128xf32> to vector<320x1xf32>
    %exp3A_1896 = math.exp %slice3A_1895 : vector<320x1xf32>
    %mul3A_1897 = arith.mulf %exp3A_1896, %select_n3A_1865 : vector<320x1xf32>
    %get3A_1898 = arith.constant 0 : index
    %get3A_1899 = arith.constant 0 : index
    %get3A_1900 = vector.load %arg11[%get3A_1898, %get3A_1899] : memref<320x1xf32, #tpu.memory_space<vmem>>, vector<320x1xf32>
    %mul3A_1901 = arith.constant 2.600000e+01 : f32
    %mul3A_1902 = vector.broadcast %mul3A_1901 : f32 to vector<320x1xf32>
    %mul3A_1903 = arith.mulf %get3A_1900, %mul3A_1902 : vector<320x1xf32>
    %get3A_1904 = arith.constant 0 : index
    %get3A_1905 = arith.constant 0 : index
    %get3A_1906 = vector.load %arg12[%get3A_1904, %get3A_1905] : memref<320x1xf32, #tpu.memory_space<vmem>>, vector<320x1xf32>
    %mul3A_1907 = arith.constant 2.600000e+01 : f32
    %mul3A_1908 = vector.broadcast %mul3A_1907 : f32 to vector<320x1xf32>
    %mul3A_1909 = arith.mulf %get3A_1906, %mul3A_1908 : vector<320x1xf32>
    %mul3A_1910 = arith.constant 5.000000e-01 : f32
    %mul3A_1911 = vector.broadcast %mul3A_1910 : f32 to vector<320x1xf32>
    %mul3A_1912 = arith.mulf %mul3A_1894, %mul3A_1911 : vector<320x1xf32>
    %sub3A_1913 = arith.subf %add3A_1879, %mul3A_1912 : vector<320x1xf32>
    %mul3A_1914 = arith.constant 5.000000e-01 : f32
    %mul3A_1915 = vector.broadcast %mul3A_1914 : f32 to vector<320x1xf32>
    %mul3A_1916 = arith.mulf %mul3A_1897, %mul3A_1915 : vector<320x1xf32>
    %sub3A_1917 = arith.subf %add3A_1891, %mul3A_1916 : vector<320x1xf32>
    %mul3A_1918 = arith.constant 5.000000e-01 : f32
    %mul3A_1919 = vector.broadcast %mul3A_1918 : f32 to vector<320x1xf32>
    %mul3A_1920 = arith.mulf %mul3A_1894, %mul3A_1919 : vector<320x1xf32>
    %add3A_1921 = arith.addf %add3A_1879, %mul3A_1920 : vector<320x1xf32>
    %mul3A_1922 = arith.constant 5.000000e-01 : f32
    %mul3A_1923 = vector.broadcast %mul3A_1922 : f32 to vector<320x1xf32>
    %mul3A_1924 = arith.mulf %mul3A_1897, %mul3A_1923 : vector<320x1xf32>
    %add3A_1925 = arith.addf %add3A_1891, %mul3A_1924 : vector<320x1xf32>
    %mul3A_1926 = arith.constant 5.000000e-01 : f32
    %mul3A_1927 = vector.broadcast %mul3A_1926 : f32 to vector<320x1xf32>
    %mul3A_1928 = arith.mulf %mul3A_1365, %mul3A_1927 : vector<320x1xf32>
    %sub3A_1929 = arith.subf %mul3A_1903, %mul3A_1928 : vector<320x1xf32>
    %mul3A_1930 = arith.constant 5.000000e-01 : f32
    %mul3A_1931 = vector.broadcast %mul3A_1930 : f32 to vector<320x1xf32>
    %mul3A_1932 = arith.mulf %mul3A_1368, %mul3A_1931 : vector<320x1xf32>
    %sub3A_1933 = arith.subf %mul3A_1909, %mul3A_1932 : vector<320x1xf32>
    %mul3A_1934 = arith.constant 5.000000e-01 : f32
    %mul3A_1935 = vector.broadcast %mul3A_1934 : f32 to vector<320x1xf32>
    %mul3A_1936 = arith.mulf %mul3A_1365, %mul3A_1935 : vector<320x1xf32>
    %add3A_1937 = arith.addf %mul3A_1903, %mul3A_1936 : vector<320x1xf32>
    %mul3A_1938 = arith.constant 5.000000e-01 : f32
    %mul3A_1939 = vector.broadcast %mul3A_1938 : f32 to vector<320x1xf32>
    %mul3A_1940 = arith.mulf %mul3A_1368, %mul3A_1939 : vector<320x1xf32>
    %add3A_1941 = arith.addf %mul3A_1909, %mul3A_1940 : vector<320x1xf32>
    %mul3A_1942 = arith.mulf %mul3A_1894, %mul3A_1897 : vector<320x1xf32>
    %mul3A_1943 = arith.mulf %mul3A_1365, %mul3A_1368 : vector<320x1xf32>
    %min3A_1944 = arith.minimumf %add3A_1921, %add3A_1937 : vector<320x1xf32>
    %max3A_1945 = arith.maximumf %sub3A_1913, %sub3A_1929 : vector<320x1xf32>
    %sub3A_1946 = arith.subf %min3A_1944, %max3A_1945 : vector<320x1xf32>
    %max3A_1947 = arith.constant 0.000000e+00 : f32
    %max3A_1948 = vector.broadcast %max3A_1947 : f32 to vector<320x1xf32>
    %max3A_1949 = arith.maximumf %sub3A_1946, %max3A_1948 : vector<320x1xf32>
    %min3A_1950 = arith.minimumf %add3A_1925, %add3A_1941 : vector<320x1xf32>
    %max3A_1951 = arith.maximumf %sub3A_1917, %sub3A_1933 : vector<320x1xf32>
    %sub3A_1952 = arith.subf %min3A_1950, %max3A_1951 : vector<320x1xf32>
    %max3A_1953 = arith.constant 0.000000e+00 : f32
    %max3A_1954 = vector.broadcast %max3A_1953 : f32 to vector<320x1xf32>
    %max3A_1955 = arith.maximumf %sub3A_1952, %max3A_1954 : vector<320x1xf32>
    %mul3A_1956 = arith.mulf %max3A_1949, %max3A_1955 : vector<320x1xf32>
    %add3A_1957 = arith.addf %mul3A_1942, %mul3A_1943 : vector<320x1xf32>
    %sub3A_1958 = arith.subf %add3A_1957, %mul3A_1956 : vector<320x1xf32>
    %add3A_1959 = arith.constant 9.99999997E-7 : f32
    %add3A_1960 = vector.broadcast %add3A_1959 : f32 to vector<320x1xf32>
    %add3A_1961 = arith.addf %sub3A_1958, %add3A_1960 : vector<320x1xf32>
    %div3A_1962 = arith.divf %mul3A_1956, %add3A_1961 : vector<320x1xf32>
    %sub3A_1963 = arith.subf %mul3A_1903, %add3A_1879 : vector<320x1xf32>
    %integer_pow3A_1964 = arith.mulf %sub3A_1963, %sub3A_1963 : vector<320x1xf32>
    %sub3A_1965 = arith.subf %mul3A_1909, %add3A_1891 : vector<320x1xf32>
    %integer_pow3A_1966 = arith.mulf %sub3A_1965, %sub3A_1965 : vector<320x1xf32>
    %add3A_1967 = arith.addf %integer_pow3A_1964, %integer_pow3A_1966 : vector<320x1xf32>
    %max3A_1968 = arith.maximumf %add3A_1921, %add3A_1937 : vector<320x1xf32>
    %min3A_1969 = arith.minimumf %sub3A_1913, %sub3A_1929 : vector<320x1xf32>
    %sub3A_1970 = arith.subf %max3A_1968, %min3A_1969 : vector<320x1xf32>
    %integer_pow3A_1971 = arith.mulf %sub3A_1970, %sub3A_1970 : vector<320x1xf32>
    %max3A_1972 = arith.maximumf %add3A_1925, %add3A_1941 : vector<320x1xf32>
    %min3A_1973 = arith.minimumf %sub3A_1917, %sub3A_1933 : vector<320x1xf32>
    %sub3A_1974 = arith.subf %max3A_1972, %min3A_1973 : vector<320x1xf32>
    %integer_pow3A_1975 = arith.mulf %sub3A_1974, %sub3A_1974 : vector<320x1xf32>
    %add3A_1976 = arith.addf %integer_pow3A_1971, %integer_pow3A_1975 : vector<320x1xf32>
    %add3A_1977 = arith.constant 9.99999997E-7 : f32
    %add3A_1978 = vector.broadcast %add3A_1977 : f32 to vector<320x1xf32>
    %add3A_1979 = arith.addf %add3A_1976, %add3A_1978 : vector<320x1xf32>
    %add3A_1980 = arith.constant 9.99999997E-7 : f32
    %add3A_1981 = vector.broadcast %add3A_1980 : f32 to vector<320x1xf32>
    %add3A_1982 = arith.addf %mul3A_1897, %add3A_1981 : vector<320x1xf32>
    %div3A_1983 = arith.divf %mul3A_1894, %add3A_1982 : vector<320x1xf32>
    %max3A_1984 = arith.constant 1.000000e-30 : f32
    %max3A_1985 = vector.broadcast %max3A_1984 : f32 to vector<320x1xf32>
    %max3A_1986 = arith.maximumf %div3A_1983, %max3A_1985 : vector<320x1xf32>
    %div3A_1987 = arith.constant 1.000000e+00 : f32
    %div3A_1988 = vector.broadcast %div3A_1987 : f32 to vector<320x1xf32>
    %div3A_1989 = arith.divf %div3A_1988, %max3A_1986 : vector<320x1xf32>
    %min3A_1990 = arith.minimumf %div3A_1983, %div3A_1989 : vector<320x1xf32>
    %mul3A_1991 = arith.mulf %min3A_1990, %min3A_1990 : vector<320x1xf32>
    %broadcast_in_dim3A_1992 = arith.constant -0.00180449022 : f32
    %broadcast_in_dim3A_1993 = vector.broadcast %broadcast_in_dim3A_1992 : f32 to vector<320x1xf32>
    %mul3A_1994 = arith.mulf %broadcast_in_dim3A_1993, %mul3A_1991 : vector<320x1xf32>
    %add3A_1995 = arith.constant 0.0109624434 : f32
    %add3A_1996 = vector.broadcast %add3A_1995 : f32 to vector<320x1xf32>
    %add3A_1997 = arith.addf %mul3A_1994, %add3A_1996 : vector<320x1xf32>
    %mul3A_1998 = arith.mulf %add3A_1997, %mul3A_1991 : vector<320x1xf32>
    %add3A_1999 = arith.constant -0.0312645063 : f32
    %add3A_2000 = vector.broadcast %add3A_1999 : f32 to vector<320x1xf32>
    %add3A_2001 = arith.addf %mul3A_1998, %add3A_2000 : vector<320x1xf32>
    %mul3A_2002 = arith.mulf %add3A_2001, %mul3A_1991 : vector<320x1xf32>
    %add3A_2003 = arith.constant 0.0580404513 : f32
    %add3A_2004 = vector.broadcast %add3A_2003 : f32 to vector<320x1xf32>
    %add3A_2005 = arith.addf %mul3A_2002, %add3A_2004 : vector<320x1xf32>
    %mul3A_2006 = arith.mulf %add3A_2005, %mul3A_1991 : vector<320x1xf32>
    %add3A_2007 = arith.constant -0.0840787888 : f32
    %add3A_2008 = vector.broadcast %add3A_2007 : f32 to vector<320x1xf32>
    %add3A_2009 = arith.addf %mul3A_2006, %add3A_2008 : vector<320x1xf32>
    %mul3A_2010 = arith.mulf %add3A_2009, %mul3A_1991 : vector<320x1xf32>
    %add3A_2011 = arith.constant 0.109534502 : f32
    %add3A_2012 = vector.broadcast %add3A_2011 : f32 to vector<320x1xf32>
    %add3A_2013 = arith.addf %mul3A_2010, %add3A_2012 : vector<320x1xf32>
    %mul3A_2014 = arith.mulf %add3A_2013, %mul3A_1991 : vector<320x1xf32>
    %add3A_2015 = arith.constant -0.142643899 : f32
    %add3A_2016 = vector.broadcast %add3A_2015 : f32 to vector<320x1xf32>
    %add3A_2017 = arith.addf %mul3A_2014, %add3A_2016 : vector<320x1xf32>
    %mul3A_2018 = arith.mulf %add3A_2017, %mul3A_1991 : vector<320x1xf32>
    %add3A_2019 = arith.constant 0.19998543 : f32
    %add3A_2020 = vector.broadcast %add3A_2019 : f32 to vector<320x1xf32>
    %add3A_2021 = arith.addf %mul3A_2018, %add3A_2020 : vector<320x1xf32>
    %mul3A_2022 = arith.mulf %add3A_2021, %mul3A_1991 : vector<320x1xf32>
    %add3A_2023 = arith.constant -0.333332956 : f32
    %add3A_2024 = vector.broadcast %add3A_2023 : f32 to vector<320x1xf32>
    %add3A_2025 = arith.addf %mul3A_2022, %add3A_2024 : vector<320x1xf32>
    %mul3A_2026 = arith.mulf %add3A_2025, %mul3A_1991 : vector<320x1xf32>
    %add3A_2027 = arith.constant 1.000000e+00 : f32
    %add3A_2028 = vector.broadcast %add3A_2027 : f32 to vector<320x1xf32>
    %add3A_2029 = arith.addf %mul3A_2026, %add3A_2028 : vector<320x1xf32>
    %mul3A_2030 = arith.mulf %min3A_1990, %add3A_2029 : vector<320x1xf32>
    %le3A_2031 = arith.constant 1.000000e+00 : f32
    %le3A_2032 = vector.broadcast %le3A_2031 : f32 to vector<320x1xf32>
    %le3A_2033 = arith.cmpf ole, %div3A_1983, %le3A_2032 : vector<320x1xf32>
    %sub3A_2034 = arith.constant 1.57079637 : f32
    %sub3A_2035 = vector.broadcast %sub3A_2034 : f32 to vector<320x1xf32>
    %sub3A_2036 = arith.subf %sub3A_2035, %mul3A_2030 : vector<320x1xf32>
    %select_n3A_2037 = arith.select %le3A_2033, %mul3A_2030, %sub3A_2036 : vector<320x1xi1>, vector<320x1xf32>
    %add3A_2038 = arith.constant 9.99999997E-7 : f32
    %add3A_2039 = vector.broadcast %add3A_2038 : f32 to vector<320x1xf32>
    %add3A_2040 = arith.addf %mul3A_1368, %add3A_2039 : vector<320x1xf32>
    %div3A_2041 = arith.divf %mul3A_1365, %add3A_2040 : vector<320x1xf32>
    %max3A_2042 = arith.constant 1.000000e-30 : f32
    %max3A_2043 = vector.broadcast %max3A_2042 : f32 to vector<320x1xf32>
    %max3A_2044 = arith.maximumf %div3A_2041, %max3A_2043 : vector<320x1xf32>
    %div3A_2045 = arith.constant 1.000000e+00 : f32
    %div3A_2046 = vector.broadcast %div3A_2045 : f32 to vector<320x1xf32>
    %div3A_2047 = arith.divf %div3A_2046, %max3A_2044 : vector<320x1xf32>
    %min3A_2048 = arith.minimumf %div3A_2041, %div3A_2047 : vector<320x1xf32>
    %mul3A_2049 = arith.mulf %min3A_2048, %min3A_2048 : vector<320x1xf32>
    %broadcast_in_dim3A_2050 = arith.constant -0.00180449022 : f32
    %broadcast_in_dim3A_2051 = vector.broadcast %broadcast_in_dim3A_2050 : f32 to vector<320x1xf32>
    %mul3A_2052 = arith.mulf %broadcast_in_dim3A_2051, %mul3A_2049 : vector<320x1xf32>
    %add3A_2053 = arith.constant 0.0109624434 : f32
    %add3A_2054 = vector.broadcast %add3A_2053 : f32 to vector<320x1xf32>
    %add3A_2055 = arith.addf %mul3A_2052, %add3A_2054 : vector<320x1xf32>
    %mul3A_2056 = arith.mulf %add3A_2055, %mul3A_2049 : vector<320x1xf32>
    %add3A_2057 = arith.constant -0.0312645063 : f32
    %add3A_2058 = vector.broadcast %add3A_2057 : f32 to vector<320x1xf32>
    %add3A_2059 = arith.addf %mul3A_2056, %add3A_2058 : vector<320x1xf32>
    %mul3A_2060 = arith.mulf %add3A_2059, %mul3A_2049 : vector<320x1xf32>
    %add3A_2061 = arith.constant 0.0580404513 : f32
    %add3A_2062 = vector.broadcast %add3A_2061 : f32 to vector<320x1xf32>
    %add3A_2063 = arith.addf %mul3A_2060, %add3A_2062 : vector<320x1xf32>
    %mul3A_2064 = arith.mulf %add3A_2063, %mul3A_2049 : vector<320x1xf32>
    %add3A_2065 = arith.constant -0.0840787888 : f32
    %add3A_2066 = vector.broadcast %add3A_2065 : f32 to vector<320x1xf32>
    %add3A_2067 = arith.addf %mul3A_2064, %add3A_2066 : vector<320x1xf32>
    %mul3A_2068 = arith.mulf %add3A_2067, %mul3A_2049 : vector<320x1xf32>
    %add3A_2069 = arith.constant 0.109534502 : f32
    %add3A_2070 = vector.broadcast %add3A_2069 : f32 to vector<320x1xf32>
    %add3A_2071 = arith.addf %mul3A_2068, %add3A_2070 : vector<320x1xf32>
    %mul3A_2072 = arith.mulf %add3A_2071, %mul3A_2049 : vector<320x1xf32>
    %add3A_2073 = arith.constant -0.142643899 : f32
    %add3A_2074 = vector.broadcast %add3A_2073 : f32 to vector<320x1xf32>
    %add3A_2075 = arith.addf %mul3A_2072, %add3A_2074 : vector<320x1xf32>
    %mul3A_2076 = arith.mulf %add3A_2075, %mul3A_2049 : vector<320x1xf32>
    %add3A_2077 = arith.constant 0.19998543 : f32
    %add3A_2078 = vector.broadcast %add3A_2077 : f32 to vector<320x1xf32>
    %add3A_2079 = arith.addf %mul3A_2076, %add3A_2078 : vector<320x1xf32>
    %mul3A_2080 = arith.mulf %add3A_2079, %mul3A_2049 : vector<320x1xf32>
    %add3A_2081 = arith.constant -0.333332956 : f32
    %add3A_2082 = vector.broadcast %add3A_2081 : f32 to vector<320x1xf32>
    %add3A_2083 = arith.addf %mul3A_2080, %add3A_2082 : vector<320x1xf32>
    %mul3A_2084 = arith.mulf %add3A_2083, %mul3A_2049 : vector<320x1xf32>
    %add3A_2085 = arith.constant 1.000000e+00 : f32
    %add3A_2086 = vector.broadcast %add3A_2085 : f32 to vector<320x1xf32>
    %add3A_2087 = arith.addf %mul3A_2084, %add3A_2086 : vector<320x1xf32>
    %mul3A_2088 = arith.mulf %min3A_2048, %add3A_2087 : vector<320x1xf32>
    %le3A_2089 = arith.constant 1.000000e+00 : f32
    %le3A_2090 = vector.broadcast %le3A_2089 : f32 to vector<320x1xf32>
    %le3A_2091 = arith.cmpf ole, %div3A_2041, %le3A_2090 : vector<320x1xf32>
    %sub3A_2092 = arith.constant 1.57079637 : f32
    %sub3A_2093 = vector.broadcast %sub3A_2092 : f32 to vector<320x1xf32>
    %sub3A_2094 = arith.subf %sub3A_2093, %mul3A_2088 : vector<320x1xf32>
    %select_n3A_2095 = arith.select %le3A_2091, %mul3A_2088, %sub3A_2094 : vector<320x1xi1>, vector<320x1xf32>
    %sub3A_2096 = arith.subf %select_n3A_2037, %select_n3A_2095 : vector<320x1xf32>
    %integer_pow3A_2097 = arith.mulf %sub3A_2096, %sub3A_2096 : vector<320x1xf32>
    %mul3A_2098 = arith.constant 4.000000e+00 : f32
    %mul3A_2099 = vector.broadcast %mul3A_2098 : f32 to vector<320x1xf32>
    %mul3A_2100 = arith.mulf %mul3A_2099, %integer_pow3A_2097 : vector<320x1xf32>
    %div3A_2101 = arith.constant 9.86960411 : f32
    %div3A_2102 = vector.broadcast %div3A_2101 : f32 to vector<320x1xf32>
    %div3A_2103 = arith.divf %mul3A_2100, %div3A_2102 : vector<320x1xf32>
    %sub3A_2104 = arith.constant 1.000000e+00 : f32
    %sub3A_2105 = vector.broadcast %sub3A_2104 : f32 to vector<320x1xf32>
    %sub3A_2106 = arith.subf %sub3A_2105, %div3A_1962 : vector<320x1xf32>
    %add3A_2107 = arith.addf %sub3A_2106, %div3A_2103 : vector<320x1xf32>
    %add3A_2108 = arith.constant 9.99999997E-7 : f32
    %add3A_2109 = vector.broadcast %add3A_2108 : f32 to vector<320x1xf32>
    %add3A_2110 = arith.addf %add3A_2107, %add3A_2109 : vector<320x1xf32>
    %div3A_2111 = arith.divf %div3A_2103, %add3A_2110 : vector<320x1xf32>
    %div3A_2112 = arith.divf %add3A_1967, %add3A_1979 : vector<320x1xf32>
    %sub3A_2113 = arith.subf %div3A_1962, %div3A_2112 : vector<320x1xf32>
    %mul3A_2114 = arith.mulf %div3A_2111, %div3A_2103 : vector<320x1xf32>
    %sub3A_2115 = arith.subf %sub3A_2113, %mul3A_2114 : vector<320x1xf32>
    %get3A_2116 = arith.constant 0 : index
    %get3A_2117 = arith.constant 0 : index
    %get3A_2118 = vector.load %arg13[%get3A_2116, %get3A_2117] : memref<320x1xf32, #tpu.memory_space<vmem>>, vector<320x1xf32>
    %get3A_2119 = arith.constant 0 : index
    %get3A_2120 = arith.constant 0 : index
    %get3A_2121 = vector.load %arg14[%get3A_2119, %get3A_2120] : memref<320x1xf32, #tpu.memory_space<vmem>>, vector<320x1xf32>
    %mul3A_2122 = arith.mulf %get3A_2118, %get3A_2121 : vector<320x1xf32>
    %sub3A_2123 = arith.constant 2.000000e+00 : f32
    %sub3A_2124 = vector.broadcast %sub3A_2123 : f32 to vector<320x1xf32>
    %sub3A_2125 = arith.subf %sub3A_2124, %mul3A_2122 : vector<320x1xf32>
    %convert_element_type3A_2126 = arith.extui %not3A_1812 : vector<320x1xi1> to vector<320x1xi32>
    %convert_element_type3A_2127 = arith.sitofp %convert_element_type3A_2126 : vector<320x1xi32> to vector<320x1xf32>
    %reduce_sum3A_2128 = vector.shape_cast %convert_element_type3A_2127 : vector<320x1xf32> to vector<1x320x1xf32>
    %reduce_sum3A_2129 = arith.constant dense<0.000000e+00> : vector<1xf32>
    %reduce_sum3A_2130 = vector.multi_reduction <add>, %reduce_sum3A_2128, %reduce_sum3A_2129 [1, 2] : vector<1x320x1xf32> to vector<1xf32>
    %reduce_sum3A_2131 = vector.shape_cast %reduce_sum3A_2130 : vector<1xf32> to vector<1x1x1xf32>
    %reduce_sum3A_2132 = vector.extract %reduce_sum3A_2131[0, 0, 0] : f32 from vector<1x1x1xf32>
    %max3A_2133 = arith.constant 1.000000e+00 : f32
    %max3A_2134 = arith.maximumf %reduce_sum3A_2132, %max3A_2133 : f32
    %sub3A_2135 = arith.constant 1.000000e+00 : f32
    %sub3A_2136 = vector.broadcast %sub3A_2135 : f32 to vector<320x1xf32>
    %sub3A_2137 = arith.subf %sub3A_2136, %sub3A_2115 : vector<320x1xf32>
    %mul3A_2138 = arith.mulf %convert_element_type3A_2127, %sub3A_2137 : vector<320x1xf32>
    %mul3A_2139 = arith.mulf %mul3A_2138, %sub3A_2125 : vector<320x1xf32>
    %reduce_sum3A_2140 = vector.shape_cast %mul3A_2139 : vector<320x1xf32> to vector<1x320x1xf32>
    %reduce_sum3A_2141 = arith.constant dense<0.000000e+00> : vector<1xf32>
    %reduce_sum3A_2142 = vector.multi_reduction <add>, %reduce_sum3A_2140, %reduce_sum3A_2141 [1, 2] : vector<1x320x1xf32> to vector<1xf32>
    %reduce_sum3A_2143 = vector.shape_cast %reduce_sum3A_2142 : vector<1xf32> to vector<1x1x1xf32>
    %reduce_sum3A_2144 = vector.extract %reduce_sum3A_2143[0, 0, 0] : f32 from vector<1x1x1xf32>
    %slice3A_2145 = vector.extract_strided_slice %select_n3A_1837 {offsets = [0, 5], sizes = [320, 80], strides = [1, 1]} : vector<320x128xf32> to vector<320x80xf32>
    %max3A_2146 = arith.constant 0.000000e+00 : f32
    %max3A_2147 = vector.broadcast %max3A_2146 : f32 to vector<320x80xf32>
    %max3A_2148 = arith.maximumf %slice3A_2145, %max3A_2147 : vector<320x80xf32>
    %abs3A_2149 = math.absf %slice3A_2145 : vector<320x80xf32>
    %neg3A_2150 = arith.constant 0.000000e+00 : f32
    %neg3A_2151 = vector.broadcast %neg3A_2150 : f32 to vector<320x80xf32>
    %neg3A_2152 = arith.subf %neg3A_2151, %abs3A_2149 : vector<320x80xf32>
    %exp3A_2153 = math.exp %neg3A_2152 : vector<320x80xf32>
    %log1p3A_2154 = math.log1p %exp3A_2153 : vector<320x80xf32>
    %add3A_2155 = arith.addf %max3A_2148, %log1p3A_2154 : vector<320x80xf32>
    %reduce_sum3A_2156 = arith.constant dense<0.000000e+00> : vector<320xf32>
    %reduce_sum3A_2157 = vector.multi_reduction <add>, %add3A_2155, %reduce_sum3A_2156 [1] : vector<320x80xf32> to vector<320xf32>
    %broadcast_in_dim3A_2158 = vector.shape_cast %reduce_sum3A_2157 : vector<320xf32> to vector<320x1xf32>
    %iota3A_2159 = tpu.iota {dimensions = array<i32: 1>} : vector<320x80xi32>
    %broadcast_in_dim3A_2160 = vector.shape_cast %convert_element_type3A_6 : vector<320x1xi32> to vector<320x1xi32>
    %broadcast_in_dim3A_2161 = vector.broadcast %broadcast_in_dim3A_2160 : vector<320x1xi32> to vector<320x80xi32>
    %eq3A_2162 = arith.cmpi eq, %iota3A_2159, %broadcast_in_dim3A_2161 : vector<320x80xi32>
    %jit3A_2163 = arith.constant 0.000000e+00 : f32
    %broadcast_in_dim3A_2164 = vector.broadcast %jit3A_2163 : f32 to vector<320x80xf32>
    %select_n3A_2165 = arith.select %eq3A_2162, %slice3A_2145, %broadcast_in_dim3A_2164 : vector<320x80xi1>, vector<320x80xf32>
    %reduce_sum3A_2166 = arith.constant dense<0.000000e+00> : vector<320xf32>
    %reduce_sum3A_2167 = vector.multi_reduction <add>, %select_n3A_2165, %reduce_sum3A_2166 [1] : vector<320x80xf32> to vector<320xf32>
    %broadcast_in_dim3A_2168 = vector.shape_cast %reduce_sum3A_2167 : vector<320xf32> to vector<320x1xf32>
    %mul3A_2169 = arith.constant 80 : i32
    %mul3A_2170 = vector.broadcast %mul3A_2169 : i32 to vector<320x1xi32>
    %mul3A_2171 = arith.muli %select_n3A_1508, %mul3A_2170 : vector<320x1xi32>
    %add3A_2172 = arith.addi %mul3A_2171, %convert_element_type3A_6 : vector<320x1xi32>
    %mul3A_2173 = arith.constant 80 : i32
    %mul3A_2174 = vector.broadcast %mul3A_2173 : i32 to vector<1x320xi32>
    %mul3A_2175 = arith.muli %select_n3A_1674, %mul3A_2174 : vector<1x320xi32>
    %add3A_2176 = arith.addi %mul3A_2175, %convert_element_type3A : vector<1x320xi32>
    %iota3A_2177 = tpu.iota {dimensions = array<i32: 0>} : vector<320x1xi32>
    %slice3A_2178 = vector.extract_strided_slice %add3A_2176 {offsets = [0, 0], sizes = [1, 64], strides = [1, 1]} : vector<1x320xi32> to vector<1x64xi32>
    %slice3A_2179 = vector.extract_strided_slice %eq3A_1675 {offsets = [0, 0], sizes = [1, 64], strides = [1, 1]} : vector<1x320xi1> to vector<1x64xi1>
    %iota3A_2180 = tpu.iota {dimensions = array<i32: 1>} : vector<1x64xi32>
    %add3A_2181 = arith.constant 0 : i32
    %add3A_2182 = vector.broadcast %add3A_2181 : i32 to vector<1x64xi32>
    %add3A_2183 = arith.addi %iota3A_2180, %add3A_2182 : vector<1x64xi32>
    %gt3A_2184 = vector.broadcast %add3A_2183 : vector<1x64xi32> to vector<320x64xi32>
    %gt3A_2185 = vector.broadcast %iota3A_2177 : vector<320x1xi32> to vector<320x64xi32>
    %gt3A_2186 = arith.cmpi sgt, %gt3A_2184, %gt3A_2185 : vector<320x64xi32>
    %eq3A_2187 = vector.broadcast %slice3A_2178 : vector<1x64xi32> to vector<320x64xi32>
    %eq3A_2188 = vector.broadcast %add3A_2172 : vector<320x1xi32> to vector<320x64xi32>
    %eq3A_2189 = arith.cmpi eq, %eq3A_2187, %eq3A_2188 : vector<320x64xi32>
    %and3A_2190 = vector.broadcast %slice3A_2179 : vector<1x64xi1> to vector<320x64xi1>
    %and3A_2191 = arith.andi %eq3A_2189, %and3A_2190 : vector<320x64xi1>
    %and3A_2192 = arith.andi %and3A_2191, %gt3A_2186 : vector<320x64xi1>
    %reduce_or3A_2193 = arith.constant 1.000000e+00 : f32
    %reduce_or3A_2194 = arith.constant 0.000000e+00 : f32
    %reduce_or3A_2195 = vector.broadcast %reduce_or3A_2193 : f32 to vector<320x64xf32>
    %reduce_or3A_2196 = vector.broadcast %reduce_or3A_2194 : f32 to vector<320x64xf32>
    %reduce_or3A_2197 = arith.select %and3A_2192, %reduce_or3A_2195, %reduce_or3A_2196 : vector<320x64xi1>, vector<320x64xf32>
    %reduce_or3A_2198 = arith.constant dense<0xFF800000> : vector<320xf32>
    %reduce_or3A_2199 = vector.multi_reduction <maximumf>, %reduce_or3A_2197, %reduce_or3A_2198 [1] : vector<320x64xf32> to vector<320xf32>
    %reduce_or3A_2200 = arith.constant 0.000000e+00 : f32
    %reduce_or3A_2201 = vector.broadcast %reduce_or3A_2200 : f32 to vector<320xf32>
    %reduce_or3A_2202 = arith.cmpf ogt, %reduce_or3A_2199, %reduce_or3A_2201 : vector<320xf32>
    %broadcast_in_dim3A_2203 = vector.shape_cast %reduce_or3A_2202 : vector<320xi1> to vector<320x1xi1>
    %slice3A_2204 = vector.extract_strided_slice %add3A_2176 {offsets = [0, 64], sizes = [1, 64], strides = [1, 1]} : vector<1x320xi32> to vector<1x64xi32>
    %slice3A_2205 = vector.extract_strided_slice %eq3A_1675 {offsets = [0, 64], sizes = [1, 64], strides = [1, 1]} : vector<1x320xi1> to vector<1x64xi1>
    %iota3A_2206 = tpu.iota {dimensions = array<i32: 1>} : vector<1x64xi32>
    %add3A_2207 = arith.constant 64 : i32
    %add3A_2208 = vector.broadcast %add3A_2207 : i32 to vector<1x64xi32>
    %add3A_2209 = arith.addi %iota3A_2206, %add3A_2208 : vector<1x64xi32>
    %gt3A_2210 = vector.broadcast %add3A_2209 : vector<1x64xi32> to vector<320x64xi32>
    %gt3A_2211 = vector.broadcast %iota3A_2177 : vector<320x1xi32> to vector<320x64xi32>
    %gt3A_2212 = arith.cmpi sgt, %gt3A_2210, %gt3A_2211 : vector<320x64xi32>
    %eq3A_2213 = vector.broadcast %slice3A_2204 : vector<1x64xi32> to vector<320x64xi32>
    %eq3A_2214 = vector.broadcast %add3A_2172 : vector<320x1xi32> to vector<320x64xi32>
    %eq3A_2215 = arith.cmpi eq, %eq3A_2213, %eq3A_2214 : vector<320x64xi32>
    %and3A_2216 = vector.broadcast %slice3A_2205 : vector<1x64xi1> to vector<320x64xi1>
    %and3A_2217 = arith.andi %eq3A_2215, %and3A_2216 : vector<320x64xi1>
    %and3A_2218 = arith.andi %and3A_2217, %gt3A_2212 : vector<320x64xi1>
    %reduce_or3A_2219 = arith.constant 1.000000e+00 : f32
    %reduce_or3A_2220 = arith.constant 0.000000e+00 : f32
    %reduce_or3A_2221 = vector.broadcast %reduce_or3A_2219 : f32 to vector<320x64xf32>
    %reduce_or3A_2222 = vector.broadcast %reduce_or3A_2220 : f32 to vector<320x64xf32>
    %reduce_or3A_2223 = arith.select %and3A_2218, %reduce_or3A_2221, %reduce_or3A_2222 : vector<320x64xi1>, vector<320x64xf32>
    %reduce_or3A_2224 = arith.constant dense<0xFF800000> : vector<320xf32>
    %reduce_or3A_2225 = vector.multi_reduction <maximumf>, %reduce_or3A_2223, %reduce_or3A_2224 [1] : vector<320x64xf32> to vector<320xf32>
    %reduce_or3A_2226 = arith.constant 0.000000e+00 : f32
    %reduce_or3A_2227 = vector.broadcast %reduce_or3A_2226 : f32 to vector<320xf32>
    %reduce_or3A_2228 = arith.cmpf ogt, %reduce_or3A_2225, %reduce_or3A_2227 : vector<320xf32>
    %broadcast_in_dim3A_2229 = vector.shape_cast %reduce_or3A_2228 : vector<320xi1> to vector<320x1xi1>
    %or3A_2230 = arith.ori %broadcast_in_dim3A_2203, %broadcast_in_dim3A_2229 : vector<320x1xi1>
    %slice3A_2231 = vector.extract_strided_slice %add3A_2176 {offsets = [0, 128], sizes = [1, 64], strides = [1, 1]} : vector<1x320xi32> to vector<1x64xi32>
    %slice3A_2232 = vector.extract_strided_slice %eq3A_1675 {offsets = [0, 128], sizes = [1, 64], strides = [1, 1]} : vector<1x320xi1> to vector<1x64xi1>
    %iota3A_2233 = tpu.iota {dimensions = array<i32: 1>} : vector<1x64xi32>
    %add3A_2234 = arith.constant 128 : i32
    %add3A_2235 = vector.broadcast %add3A_2234 : i32 to vector<1x64xi32>
    %add3A_2236 = arith.addi %iota3A_2233, %add3A_2235 : vector<1x64xi32>
    %gt3A_2237 = vector.broadcast %add3A_2236 : vector<1x64xi32> to vector<320x64xi32>
    %gt3A_2238 = vector.broadcast %iota3A_2177 : vector<320x1xi32> to vector<320x64xi32>
    %gt3A_2239 = arith.cmpi sgt, %gt3A_2237, %gt3A_2238 : vector<320x64xi32>
    %eq3A_2240 = vector.broadcast %slice3A_2231 : vector<1x64xi32> to vector<320x64xi32>
    %eq3A_2241 = vector.broadcast %add3A_2172 : vector<320x1xi32> to vector<320x64xi32>
    %eq3A_2242 = arith.cmpi eq, %eq3A_2240, %eq3A_2241 : vector<320x64xi32>
    %and3A_2243 = vector.broadcast %slice3A_2232 : vector<1x64xi1> to vector<320x64xi1>
    %and3A_2244 = arith.andi %eq3A_2242, %and3A_2243 : vector<320x64xi1>
    %and3A_2245 = arith.andi %and3A_2244, %gt3A_2239 : vector<320x64xi1>
    %reduce_or3A_2246 = arith.constant 1.000000e+00 : f32
    %reduce_or3A_2247 = arith.constant 0.000000e+00 : f32
    %reduce_or3A_2248 = vector.broadcast %reduce_or3A_2246 : f32 to vector<320x64xf32>
    %reduce_or3A_2249 = vector.broadcast %reduce_or3A_2247 : f32 to vector<320x64xf32>
    %reduce_or3A_2250 = arith.select %and3A_2245, %reduce_or3A_2248, %reduce_or3A_2249 : vector<320x64xi1>, vector<320x64xf32>
    %reduce_or3A_2251 = arith.constant dense<0xFF800000> : vector<320xf32>
    %reduce_or3A_2252 = vector.multi_reduction <maximumf>, %reduce_or3A_2250, %reduce_or3A_2251 [1] : vector<320x64xf32> to vector<320xf32>
    %reduce_or3A_2253 = arith.constant 0.000000e+00 : f32
    %reduce_or3A_2254 = vector.broadcast %reduce_or3A_2253 : f32 to vector<320xf32>
    %reduce_or3A_2255 = arith.cmpf ogt, %reduce_or3A_2252, %reduce_or3A_2254 : vector<320xf32>
    %broadcast_in_dim3A_2256 = vector.shape_cast %reduce_or3A_2255 : vector<320xi1> to vector<320x1xi1>
    %or3A_2257 = arith.ori %or3A_2230, %broadcast_in_dim3A_2256 : vector<320x1xi1>
    %slice3A_2258 = vector.extract_strided_slice %add3A_2176 {offsets = [0, 192], sizes = [1, 64], strides = [1, 1]} : vector<1x320xi32> to vector<1x64xi32>
    %slice3A_2259 = vector.extract_strided_slice %eq3A_1675 {offsets = [0, 192], sizes = [1, 64], strides = [1, 1]} : vector<1x320xi1> to vector<1x64xi1>
    %iota3A_2260 = tpu.iota {dimensions = array<i32: 1>} : vector<1x64xi32>
    %add3A_2261 = arith.constant 192 : i32
    %add3A_2262 = vector.broadcast %add3A_2261 : i32 to vector<1x64xi32>
    %add3A_2263 = arith.addi %iota3A_2260, %add3A_2262 : vector<1x64xi32>
    %gt3A_2264 = vector.broadcast %add3A_2263 : vector<1x64xi32> to vector<320x64xi32>
    %gt3A_2265 = vector.broadcast %iota3A_2177 : vector<320x1xi32> to vector<320x64xi32>
    %gt3A_2266 = arith.cmpi sgt, %gt3A_2264, %gt3A_2265 : vector<320x64xi32>
    %eq3A_2267 = vector.broadcast %slice3A_2258 : vector<1x64xi32> to vector<320x64xi32>
    %eq3A_2268 = vector.broadcast %add3A_2172 : vector<320x1xi32> to vector<320x64xi32>
    %eq3A_2269 = arith.cmpi eq, %eq3A_2267, %eq3A_2268 : vector<320x64xi32>
    %and3A_2270 = vector.broadcast %slice3A_2259 : vector<1x64xi1> to vector<320x64xi1>
    %and3A_2271 = arith.andi %eq3A_2269, %and3A_2270 : vector<320x64xi1>
    %and3A_2272 = arith.andi %and3A_2271, %gt3A_2266 : vector<320x64xi1>
    %reduce_or3A_2273 = arith.constant 1.000000e+00 : f32
    %reduce_or3A_2274 = arith.constant 0.000000e+00 : f32
    %reduce_or3A_2275 = vector.broadcast %reduce_or3A_2273 : f32 to vector<320x64xf32>
    %reduce_or3A_2276 = vector.broadcast %reduce_or3A_2274 : f32 to vector<320x64xf32>
    %reduce_or3A_2277 = arith.select %and3A_2272, %reduce_or3A_2275, %reduce_or3A_2276 : vector<320x64xi1>, vector<320x64xf32>
    %reduce_or3A_2278 = arith.constant dense<0xFF800000> : vector<320xf32>
    %reduce_or3A_2279 = vector.multi_reduction <maximumf>, %reduce_or3A_2277, %reduce_or3A_2278 [1] : vector<320x64xf32> to vector<320xf32>
    %reduce_or3A_2280 = arith.constant 0.000000e+00 : f32
    %reduce_or3A_2281 = vector.broadcast %reduce_or3A_2280 : f32 to vector<320xf32>
    %reduce_or3A_2282 = arith.cmpf ogt, %reduce_or3A_2279, %reduce_or3A_2281 : vector<320xf32>
    %broadcast_in_dim3A_2283 = vector.shape_cast %reduce_or3A_2282 : vector<320xi1> to vector<320x1xi1>
    %or3A_2284 = arith.ori %or3A_2257, %broadcast_in_dim3A_2283 : vector<320x1xi1>
    %slice3A_2285 = vector.extract_strided_slice %add3A_2176 {offsets = [0, 256], sizes = [1, 64], strides = [1, 1]} : vector<1x320xi32> to vector<1x64xi32>
    %slice3A_2286 = vector.extract_strided_slice %eq3A_1675 {offsets = [0, 256], sizes = [1, 64], strides = [1, 1]} : vector<1x320xi1> to vector<1x64xi1>
    %iota3A_2287 = tpu.iota {dimensions = array<i32: 1>} : vector<1x64xi32>
    %add3A_2288 = arith.constant 256 : i32
    %add3A_2289 = vector.broadcast %add3A_2288 : i32 to vector<1x64xi32>
    %add3A_2290 = arith.addi %iota3A_2287, %add3A_2289 : vector<1x64xi32>
    %gt3A_2291 = vector.broadcast %add3A_2290 : vector<1x64xi32> to vector<320x64xi32>
    %gt3A_2292 = vector.broadcast %iota3A_2177 : vector<320x1xi32> to vector<320x64xi32>
    %gt3A_2293 = arith.cmpi sgt, %gt3A_2291, %gt3A_2292 : vector<320x64xi32>
    %eq3A_2294 = vector.broadcast %slice3A_2285 : vector<1x64xi32> to vector<320x64xi32>
    %eq3A_2295 = vector.broadcast %add3A_2172 : vector<320x1xi32> to vector<320x64xi32>
    %eq3A_2296 = arith.cmpi eq, %eq3A_2294, %eq3A_2295 : vector<320x64xi32>
    %and3A_2297 = vector.broadcast %slice3A_2286 : vector<1x64xi1> to vector<320x64xi1>
    %and3A_2298 = arith.andi %eq3A_2296, %and3A_2297 : vector<320x64xi1>
    %and3A_2299 = arith.andi %and3A_2298, %gt3A_2293 : vector<320x64xi1>
    %reduce_or3A_2300 = arith.constant 1.000000e+00 : f32
    %reduce_or3A_2301 = arith.constant 0.000000e+00 : f32
    %reduce_or3A_2302 = vector.broadcast %reduce_or3A_2300 : f32 to vector<320x64xf32>
    %reduce_or3A_2303 = vector.broadcast %reduce_or3A_2301 : f32 to vector<320x64xf32>
    %reduce_or3A_2304 = arith.select %and3A_2299, %reduce_or3A_2302, %reduce_or3A_2303 : vector<320x64xi1>, vector<320x64xf32>
    %reduce_or3A_2305 = arith.constant dense<0xFF800000> : vector<320xf32>
    %reduce_or3A_2306 = vector.multi_reduction <maximumf>, %reduce_or3A_2304, %reduce_or3A_2305 [1] : vector<320x64xf32> to vector<320xf32>
    %reduce_or3A_2307 = arith.constant 0.000000e+00 : f32
    %reduce_or3A_2308 = vector.broadcast %reduce_or3A_2307 : f32 to vector<320xf32>
    %reduce_or3A_2309 = arith.cmpf ogt, %reduce_or3A_2306, %reduce_or3A_2308 : vector<320xf32>
    %broadcast_in_dim3A_2310 = vector.shape_cast %reduce_or3A_2309 : vector<320xi1> to vector<320x1xi1>
    %or3A_2311 = arith.ori %or3A_2284, %broadcast_in_dim3A_2310 : vector<320x1xi1>
    %not3A_2312 = arith.constant dense<true> : vector<320x1xi1>
    %not3A_2313 = arith.xori %or3A_2311, %not3A_2312 : vector<320x1xi1>
    %mul3A_2314 = arith.mulf %convert_element_type3A_2127, %broadcast_in_dim3A_2158 : vector<320x1xf32>
    %reduce_sum3A_2315 = vector.shape_cast %mul3A_2314 : vector<320x1xf32> to vector<1x320x1xf32>
    %reduce_sum3A_2316 = arith.constant dense<0.000000e+00> : vector<1xf32>
    %reduce_sum3A_2317 = vector.multi_reduction <add>, %reduce_sum3A_2315, %reduce_sum3A_2316 [1, 2] : vector<1x320x1xf32> to vector<1xf32>
    %reduce_sum3A_2318 = vector.shape_cast %reduce_sum3A_2317 : vector<1xf32> to vector<1x1x1xf32>
    %reduce_sum3A_2319 = vector.extract %reduce_sum3A_2318[0, 0, 0] : f32 from vector<1x1x1xf32>
    %convert_element_type3A_2320 = arith.extui %not3A_2313 : vector<320x1xi1> to vector<320x1xi32>
    %convert_element_type3A_2321 = arith.sitofp %convert_element_type3A_2320 : vector<320x1xi32> to vector<320x1xf32>
    %mul3A_2322 = arith.mulf %convert_element_type3A_2321, %broadcast_in_dim3A_2168 : vector<320x1xf32>
    %reduce_sum3A_2323 = vector.shape_cast %mul3A_2322 : vector<320x1xf32> to vector<1x320x1xf32>
    %reduce_sum3A_2324 = arith.constant dense<0.000000e+00> : vector<1xf32>
    %reduce_sum3A_2325 = vector.multi_reduction <add>, %reduce_sum3A_2323, %reduce_sum3A_2324 [1, 2] : vector<1x320x1xf32> to vector<1xf32>
    %reduce_sum3A_2326 = vector.shape_cast %reduce_sum3A_2325 : vector<1xf32> to vector<1x1x1xf32>
    %reduce_sum3A_2327 = vector.extract %reduce_sum3A_2326[0, 0, 0] : f32 from vector<1x1x1xf32>
    %sub3A_2328 = arith.subf %reduce_sum3A_2319, %reduce_sum3A_2327 : f32
    %get3A_2329 = arith.constant 0 : index
    %get3A_2330 = arith.constant 0 : index
    %get3A_2331 = vector.load %arg4[%get3A_2329, %get3A_2330] : memref<1x1xf32, #tpu.memory_space<vmem>>, vector<1x1xf32>
    %get3A_2332 = vector.extract %get3A_2331[0, 0] : f32 from vector<1x1xf32>
    %concatenate3A_2333 = tpu.concatenate %add3A_1472, %add3A_1486, %add3A_1500, %select_n3A_1508 in 0 : vector<320x1xi32>, vector<320x1xi32>, vector<320x1xi32>, vector<320x1xi32> -> vector<1280x1xi32>
    %concatenate3A_2334 = tpu.concatenate %add3A_1638, %add3A_1652, %add3A_1666, %select_n3A_1674 in 1 : vector<1x320xi32>, vector<1x320xi32>, vector<1x320xi32>, vector<1x320xi32> -> vector<1x1280xi32>
    %gt3A_2335 = arith.constant 5.000000e-01 : f32
    %gt3A_2336 = vector.broadcast %gt3A_2335 : f32 to vector<1x320xf32>
    %gt3A_2337 = arith.cmpf ogt, %div3A_1550, %gt3A_2336 : vector<1x320xf32>
    %convert_element_type3A_2338 = arith.extui %gt3A_2337 : vector<1x320xi1> to vector<1x320xi32>
    %gt3A_2339 = arith.constant 5.000000e-01 : f32
    %gt3A_2340 = vector.broadcast %gt3A_2339 : f32 to vector<1x320xf32>
    %gt3A_2341 = arith.cmpf ogt, %div3A_1566, %gt3A_2340 : vector<1x320xf32>
    %convert_element_type3A_2342 = arith.extui %gt3A_2341 : vector<1x320xi1> to vector<1x320xi32>
    %gt3A_2343 = arith.constant 5.000000e-01 : f32
    %gt3A_2344 = vector.broadcast %gt3A_2343 : f32 to vector<1x320xf32>
    %gt3A_2345 = arith.cmpf ogt, %div3A_1582, %gt3A_2344 : vector<1x320xf32>
    %convert_element_type3A_2346 = arith.extui %gt3A_2345 : vector<1x320xi1> to vector<1x320xi32>
    %broadcast_in_dim3A_2347 = arith.constant 1 : i32
    %broadcast_in_dim3A_2348 = vector.broadcast %broadcast_in_dim3A_2347 : i32 to vector<1x320xi32>
    %concatenate3A_2349 = tpu.concatenate %convert_element_type3A_2338, %convert_element_type3A_2342, %convert_element_type3A_2346, %broadcast_in_dim3A_2348 in 1 : vector<1x320xi32>, vector<1x320xi32>, vector<1x320xi32>, vector<1x320xi32> -> vector<1x1280xi32>
    %ne3A_2350 = arith.constant 0 : i32
    %ne3A_2351 = vector.broadcast %ne3A_2350 : i32 to vector<1x1280xi32>
    %ne3A_2352 = arith.cmpi ne, %concatenate3A_2349, %ne3A_2351 : vector<1x1280xi32>
    %gt3A_2353 = arith.constant 5.000000e-01 : f32
    %gt3A_2354 = vector.broadcast %gt3A_2353 : f32 to vector<320x1xf32>
    %gt3A_2355 = arith.cmpf ogt, %div3A_1384, %gt3A_2354 : vector<320x1xf32>
    %convert_element_type3A_2356 = arith.extui %gt3A_2355 : vector<320x1xi1> to vector<320x1xi32>
    %gt3A_2357 = arith.constant 5.000000e-01 : f32
    %gt3A_2358 = vector.broadcast %gt3A_2357 : f32 to vector<320x1xf32>
    %gt3A_2359 = arith.cmpf ogt, %div3A_1400, %gt3A_2358 : vector<320x1xf32>
    %convert_element_type3A_2360 = arith.extui %gt3A_2359 : vector<320x1xi1> to vector<320x1xi32>
    %gt3A_2361 = arith.constant 5.000000e-01 : f32
    %gt3A_2362 = vector.broadcast %gt3A_2361 : f32 to vector<320x1xf32>
    %gt3A_2363 = arith.cmpf ogt, %div3A_1416, %gt3A_2362 : vector<320x1xf32>
    %convert_element_type3A_2364 = arith.extui %gt3A_2363 : vector<320x1xi1> to vector<320x1xi32>
    %broadcast_in_dim3A_2365 = arith.constant 1 : i32
    %broadcast_in_dim3A_2366 = vector.broadcast %broadcast_in_dim3A_2365 : i32 to vector<320x1xi32>
    %concatenate3A_2367 = tpu.concatenate %convert_element_type3A_2356, %convert_element_type3A_2360, %convert_element_type3A_2364, %broadcast_in_dim3A_2366 in 0 : vector<320x1xi32>, vector<320x1xi32>, vector<320x1xi32>, vector<320x1xi32> -> vector<1280x1xi32>
    %ne3A_2368 = arith.constant 0 : i32
    %ne3A_2369 = vector.broadcast %ne3A_2368 : i32 to vector<1280x1xi32>
    %ne3A_2370 = arith.cmpi ne, %concatenate3A_2367, %ne3A_2369 : vector<1280x1xi32>
    %iota3A_2371 = tpu.iota {dimensions = array<i32: 0>} : vector<1280x1xi32>
    %slice3A_2372 = vector.extract_strided_slice %concatenate3A_2334 {offsets = [0, 0], sizes = [1, 128], strides = [1, 1]} : vector<1x1280xi32> to vector<1x128xi32>
    %slice3A_2373 = vector.extract_strided_slice %ne3A_2352 {offsets = [0, 0], sizes = [1, 128], strides = [1, 1]} : vector<1x1280xi1> to vector<1x128xi1>
    %iota3A_2374 = tpu.iota {dimensions = array<i32: 1>} : vector<1x128xi32>
    %add3A_2375 = arith.constant 0 : i32
    %add3A_2376 = vector.broadcast %add3A_2375 : i32 to vector<1x128xi32>
    %add3A_2377 = arith.addi %iota3A_2374, %add3A_2376 : vector<1x128xi32>
    %lt3A_2378 = vector.broadcast %add3A_2377 : vector<1x128xi32> to vector<1280x128xi32>
    %lt3A_2379 = vector.broadcast %iota3A_2371 : vector<1280x1xi32> to vector<1280x128xi32>
    %lt3A_2380 = arith.cmpi slt, %lt3A_2378, %lt3A_2379 : vector<1280x128xi32>
    %eq3A_2381 = vector.broadcast %slice3A_2372 : vector<1x128xi32> to vector<1280x128xi32>
    %eq3A_2382 = vector.broadcast %concatenate3A_2333 : vector<1280x1xi32> to vector<1280x128xi32>
    %eq3A_2383 = arith.cmpi eq, %eq3A_2381, %eq3A_2382 : vector<1280x128xi32>
    %and3A_2384 = vector.broadcast %slice3A_2373 : vector<1x128xi1> to vector<1280x128xi1>
    %and3A_2385 = arith.andi %eq3A_2383, %and3A_2384 : vector<1280x128xi1>
    %and3A_2386 = arith.andi %and3A_2385, %lt3A_2380 : vector<1280x128xi1>
    %reduce_or3A_2387 = arith.constant 1.000000e+00 : f32
    %reduce_or3A_2388 = arith.constant 0.000000e+00 : f32
    %reduce_or3A_2389 = vector.broadcast %reduce_or3A_2387 : f32 to vector<1280x128xf32>
    %reduce_or3A_2390 = vector.broadcast %reduce_or3A_2388 : f32 to vector<1280x128xf32>
    %reduce_or3A_2391 = arith.select %and3A_2386, %reduce_or3A_2389, %reduce_or3A_2390 : vector<1280x128xi1>, vector<1280x128xf32>
    %reduce_or3A_2392 = arith.constant dense<0xFF800000> : vector<1280xf32>
    %reduce_or3A_2393 = vector.multi_reduction <maximumf>, %reduce_or3A_2391, %reduce_or3A_2392 [1] : vector<1280x128xf32> to vector<1280xf32>
    %reduce_or3A_2394 = arith.constant 0.000000e+00 : f32
    %reduce_or3A_2395 = vector.broadcast %reduce_or3A_2394 : f32 to vector<1280xf32>
    %reduce_or3A_2396 = arith.cmpf ogt, %reduce_or3A_2393, %reduce_or3A_2395 : vector<1280xf32>
    %broadcast_in_dim3A_2397 = vector.shape_cast %reduce_or3A_2396 : vector<1280xi1> to vector<1280x1xi1>
    %slice3A_2398 = vector.extract_strided_slice %concatenate3A_2334 {offsets = [0, 128], sizes = [1, 128], strides = [1, 1]} : vector<1x1280xi32> to vector<1x128xi32>
    %slice3A_2399 = vector.extract_strided_slice %ne3A_2352 {offsets = [0, 128], sizes = [1, 128], strides = [1, 1]} : vector<1x1280xi1> to vector<1x128xi1>
    %iota3A_2400 = tpu.iota {dimensions = array<i32: 1>} : vector<1x128xi32>
    %add3A_2401 = arith.constant 128 : i32
    %add3A_2402 = vector.broadcast %add3A_2401 : i32 to vector<1x128xi32>
    %add3A_2403 = arith.addi %iota3A_2400, %add3A_2402 : vector<1x128xi32>
    %lt3A_2404 = vector.broadcast %add3A_2403 : vector<1x128xi32> to vector<1280x128xi32>
    %lt3A_2405 = vector.broadcast %iota3A_2371 : vector<1280x1xi32> to vector<1280x128xi32>
    %lt3A_2406 = arith.cmpi slt, %lt3A_2404, %lt3A_2405 : vector<1280x128xi32>
    %eq3A_2407 = vector.broadcast %slice3A_2398 : vector<1x128xi32> to vector<1280x128xi32>
    %eq3A_2408 = vector.broadcast %concatenate3A_2333 : vector<1280x1xi32> to vector<1280x128xi32>
    %eq3A_2409 = arith.cmpi eq, %eq3A_2407, %eq3A_2408 : vector<1280x128xi32>
    %and3A_2410 = vector.broadcast %slice3A_2399 : vector<1x128xi1> to vector<1280x128xi1>
    %and3A_2411 = arith.andi %eq3A_2409, %and3A_2410 : vector<1280x128xi1>
    %and3A_2412 = arith.andi %and3A_2411, %lt3A_2406 : vector<1280x128xi1>
    %reduce_or3A_2413 = arith.constant 1.000000e+00 : f32
    %reduce_or3A_2414 = arith.constant 0.000000e+00 : f32
    %reduce_or3A_2415 = vector.broadcast %reduce_or3A_2413 : f32 to vector<1280x128xf32>
    %reduce_or3A_2416 = vector.broadcast %reduce_or3A_2414 : f32 to vector<1280x128xf32>
    %reduce_or3A_2417 = arith.select %and3A_2412, %reduce_or3A_2415, %reduce_or3A_2416 : vector<1280x128xi1>, vector<1280x128xf32>
    %reduce_or3A_2418 = arith.constant dense<0xFF800000> : vector<1280xf32>
    %reduce_or3A_2419 = vector.multi_reduction <maximumf>, %reduce_or3A_2417, %reduce_or3A_2418 [1] : vector<1280x128xf32> to vector<1280xf32>
    %reduce_or3A_2420 = arith.constant 0.000000e+00 : f32
    %reduce_or3A_2421 = vector.broadcast %reduce_or3A_2420 : f32 to vector<1280xf32>
    %reduce_or3A_2422 = arith.cmpf ogt, %reduce_or3A_2419, %reduce_or3A_2421 : vector<1280xf32>
    %broadcast_in_dim3A_2423 = vector.shape_cast %reduce_or3A_2422 : vector<1280xi1> to vector<1280x1xi1>
    %or3A_2424 = arith.ori %broadcast_in_dim3A_2397, %broadcast_in_dim3A_2423 : vector<1280x1xi1>
    %slice3A_2425 = vector.extract_strided_slice %concatenate3A_2334 {offsets = [0, 256], sizes = [1, 128], strides = [1, 1]} : vector<1x1280xi32> to vector<1x128xi32>
    %slice3A_2426 = vector.extract_strided_slice %ne3A_2352 {offsets = [0, 256], sizes = [1, 128], strides = [1, 1]} : vector<1x1280xi1> to vector<1x128xi1>
    %iota3A_2427 = tpu.iota {dimensions = array<i32: 1>} : vector<1x128xi32>
    %add3A_2428 = arith.constant 256 : i32
    %add3A_2429 = vector.broadcast %add3A_2428 : i32 to vector<1x128xi32>
    %add3A_2430 = arith.addi %iota3A_2427, %add3A_2429 : vector<1x128xi32>
    %lt3A_2431 = vector.broadcast %add3A_2430 : vector<1x128xi32> to vector<1280x128xi32>
    %lt3A_2432 = vector.broadcast %iota3A_2371 : vector<1280x1xi32> to vector<1280x128xi32>
    %lt3A_2433 = arith.cmpi slt, %lt3A_2431, %lt3A_2432 : vector<1280x128xi32>
    %eq3A_2434 = vector.broadcast %slice3A_2425 : vector<1x128xi32> to vector<1280x128xi32>
    %eq3A_2435 = vector.broadcast %concatenate3A_2333 : vector<1280x1xi32> to vector<1280x128xi32>
    %eq3A_2436 = arith.cmpi eq, %eq3A_2434, %eq3A_2435 : vector<1280x128xi32>
    %and3A_2437 = vector.broadcast %slice3A_2426 : vector<1x128xi1> to vector<1280x128xi1>
    %and3A_2438 = arith.andi %eq3A_2436, %and3A_2437 : vector<1280x128xi1>
    %and3A_2439 = arith.andi %and3A_2438, %lt3A_2433 : vector<1280x128xi1>
    %reduce_or3A_2440 = arith.constant 1.000000e+00 : f32
    %reduce_or3A_2441 = arith.constant 0.000000e+00 : f32
    %reduce_or3A_2442 = vector.broadcast %reduce_or3A_2440 : f32 to vector<1280x128xf32>
    %reduce_or3A_2443 = vector.broadcast %reduce_or3A_2441 : f32 to vector<1280x128xf32>
    %reduce_or3A_2444 = arith.select %and3A_2439, %reduce_or3A_2442, %reduce_or3A_2443 : vector<1280x128xi1>, vector<1280x128xf32>
    %reduce_or3A_2445 = arith.constant dense<0xFF800000> : vector<1280xf32>
    %reduce_or3A_2446 = vector.multi_reduction <maximumf>, %reduce_or3A_2444, %reduce_or3A_2445 [1] : vector<1280x128xf32> to vector<1280xf32>
    %reduce_or3A_2447 = arith.constant 0.000000e+00 : f32
    %reduce_or3A_2448 = vector.broadcast %reduce_or3A_2447 : f32 to vector<1280xf32>
    %reduce_or3A_2449 = arith.cmpf ogt, %reduce_or3A_2446, %reduce_or3A_2448 : vector<1280xf32>
    %broadcast_in_dim3A_2450 = vector.shape_cast %reduce_or3A_2449 : vector<1280xi1> to vector<1280x1xi1>
    %or3A_2451 = arith.ori %or3A_2424, %broadcast_in_dim3A_2450 : vector<1280x1xi1>
    %slice3A_2452 = vector.extract_strided_slice %concatenate3A_2334 {offsets = [0, 384], sizes = [1, 128], strides = [1, 1]} : vector<1x1280xi32> to vector<1x128xi32>
    %slice3A_2453 = vector.extract_strided_slice %ne3A_2352 {offsets = [0, 384], sizes = [1, 128], strides = [1, 1]} : vector<1x1280xi1> to vector<1x128xi1>
    %iota3A_2454 = tpu.iota {dimensions = array<i32: 1>} : vector<1x128xi32>
    %add3A_2455 = arith.constant 384 : i32
    %add3A_2456 = vector.broadcast %add3A_2455 : i32 to vector<1x128xi32>
    %add3A_2457 = arith.addi %iota3A_2454, %add3A_2456 : vector<1x128xi32>
    %lt3A_2458 = vector.broadcast %add3A_2457 : vector<1x128xi32> to vector<1280x128xi32>
    %lt3A_2459 = vector.broadcast %iota3A_2371 : vector<1280x1xi32> to vector<1280x128xi32>
    %lt3A_2460 = arith.cmpi slt, %lt3A_2458, %lt3A_2459 : vector<1280x128xi32>
    %eq3A_2461 = vector.broadcast %slice3A_2452 : vector<1x128xi32> to vector<1280x128xi32>
    %eq3A_2462 = vector.broadcast %concatenate3A_2333 : vector<1280x1xi32> to vector<1280x128xi32>
    %eq3A_2463 = arith.cmpi eq, %eq3A_2461, %eq3A_2462 : vector<1280x128xi32>
    %and3A_2464 = vector.broadcast %slice3A_2453 : vector<1x128xi1> to vector<1280x128xi1>
    %and3A_2465 = arith.andi %eq3A_2463, %and3A_2464 : vector<1280x128xi1>
    %and3A_2466 = arith.andi %and3A_2465, %lt3A_2460 : vector<1280x128xi1>
    %reduce_or3A_2467 = arith.constant 1.000000e+00 : f32
    %reduce_or3A_2468 = arith.constant 0.000000e+00 : f32
    %reduce_or3A_2469 = vector.broadcast %reduce_or3A_2467 : f32 to vector<1280x128xf32>
    %reduce_or3A_2470 = vector.broadcast %reduce_or3A_2468 : f32 to vector<1280x128xf32>
    %reduce_or3A_2471 = arith.select %and3A_2466, %reduce_or3A_2469, %reduce_or3A_2470 : vector<1280x128xi1>, vector<1280x128xf32>
    %reduce_or3A_2472 = arith.constant dense<0xFF800000> : vector<1280xf32>
    %reduce_or3A_2473 = vector.multi_reduction <maximumf>, %reduce_or3A_2471, %reduce_or3A_2472 [1] : vector<1280x128xf32> to vector<1280xf32>
    %reduce_or3A_2474 = arith.constant 0.000000e+00 : f32
    %reduce_or3A_2475 = vector.broadcast %reduce_or3A_2474 : f32 to vector<1280xf32>
    %reduce_or3A_2476 = arith.cmpf ogt, %reduce_or3A_2473, %reduce_or3A_2475 : vector<1280xf32>
    %broadcast_in_dim3A_2477 = vector.shape_cast %reduce_or3A_2476 : vector<1280xi1> to vector<1280x1xi1>
    %or3A_2478 = arith.ori %or3A_2451, %broadcast_in_dim3A_2477 : vector<1280x1xi1>
    %slice3A_2479 = vector.extract_strided_slice %concatenate3A_2334 {offsets = [0, 512], sizes = [1, 128], strides = [1, 1]} : vector<1x1280xi32> to vector<1x128xi32>
    %slice3A_2480 = vector.extract_strided_slice %ne3A_2352 {offsets = [0, 512], sizes = [1, 128], strides = [1, 1]} : vector<1x1280xi1> to vector<1x128xi1>
    %iota3A_2481 = tpu.iota {dimensions = array<i32: 1>} : vector<1x128xi32>
    %add3A_2482 = arith.constant 512 : i32
    %add3A_2483 = vector.broadcast %add3A_2482 : i32 to vector<1x128xi32>
    %add3A_2484 = arith.addi %iota3A_2481, %add3A_2483 : vector<1x128xi32>
    %lt3A_2485 = vector.broadcast %add3A_2484 : vector<1x128xi32> to vector<1280x128xi32>
    %lt3A_2486 = vector.broadcast %iota3A_2371 : vector<1280x1xi32> to vector<1280x128xi32>
    %lt3A_2487 = arith.cmpi slt, %lt3A_2485, %lt3A_2486 : vector<1280x128xi32>
    %eq3A_2488 = vector.broadcast %slice3A_2479 : vector<1x128xi32> to vector<1280x128xi32>
    %eq3A_2489 = vector.broadcast %concatenate3A_2333 : vector<1280x1xi32> to vector<1280x128xi32>
    %eq3A_2490 = arith.cmpi eq, %eq3A_2488, %eq3A_2489 : vector<1280x128xi32>
    %and3A_2491 = vector.broadcast %slice3A_2480 : vector<1x128xi1> to vector<1280x128xi1>
    %and3A_2492 = arith.andi %eq3A_2490, %and3A_2491 : vector<1280x128xi1>
    %and3A_2493 = arith.andi %and3A_2492, %lt3A_2487 : vector<1280x128xi1>
    %reduce_or3A_2494 = arith.constant 1.000000e+00 : f32
    %reduce_or3A_2495 = arith.constant 0.000000e+00 : f32
    %reduce_or3A_2496 = vector.broadcast %reduce_or3A_2494 : f32 to vector<1280x128xf32>
    %reduce_or3A_2497 = vector.broadcast %reduce_or3A_2495 : f32 to vector<1280x128xf32>
    %reduce_or3A_2498 = arith.select %and3A_2493, %reduce_or3A_2496, %reduce_or3A_2497 : vector<1280x128xi1>, vector<1280x128xf32>
    %reduce_or3A_2499 = arith.constant dense<0xFF800000> : vector<1280xf32>
    %reduce_or3A_2500 = vector.multi_reduction <maximumf>, %reduce_or3A_2498, %reduce_or3A_2499 [1] : vector<1280x128xf32> to vector<1280xf32>
    %reduce_or3A_2501 = arith.constant 0.000000e+00 : f32
    %reduce_or3A_2502 = vector.broadcast %reduce_or3A_2501 : f32 to vector<1280xf32>
    %reduce_or3A_2503 = arith.cmpf ogt, %reduce_or3A_2500, %reduce_or3A_2502 : vector<1280xf32>
    %broadcast_in_dim3A_2504 = vector.shape_cast %reduce_or3A_2503 : vector<1280xi1> to vector<1280x1xi1>
    %or3A_2505 = arith.ori %or3A_2478, %broadcast_in_dim3A_2504 : vector<1280x1xi1>
    %slice3A_2506 = vector.extract_strided_slice %concatenate3A_2334 {offsets = [0, 640], sizes = [1, 128], strides = [1, 1]} : vector<1x1280xi32> to vector<1x128xi32>
    %slice3A_2507 = vector.extract_strided_slice %ne3A_2352 {offsets = [0, 640], sizes = [1, 128], strides = [1, 1]} : vector<1x1280xi1> to vector<1x128xi1>
    %iota3A_2508 = tpu.iota {dimensions = array<i32: 1>} : vector<1x128xi32>
    %add3A_2509 = arith.constant 640 : i32
    %add3A_2510 = vector.broadcast %add3A_2509 : i32 to vector<1x128xi32>
    %add3A_2511 = arith.addi %iota3A_2508, %add3A_2510 : vector<1x128xi32>
    %lt3A_2512 = vector.broadcast %add3A_2511 : vector<1x128xi32> to vector<1280x128xi32>
    %lt3A_2513 = vector.broadcast %iota3A_2371 : vector<1280x1xi32> to vector<1280x128xi32>
    %lt3A_2514 = arith.cmpi slt, %lt3A_2512, %lt3A_2513 : vector<1280x128xi32>
    %eq3A_2515 = vector.broadcast %slice3A_2506 : vector<1x128xi32> to vector<1280x128xi32>
    %eq3A_2516 = vector.broadcast %concatenate3A_2333 : vector<1280x1xi32> to vector<1280x128xi32>
    %eq3A_2517 = arith.cmpi eq, %eq3A_2515, %eq3A_2516 : vector<1280x128xi32>
    %and3A_2518 = vector.broadcast %slice3A_2507 : vector<1x128xi1> to vector<1280x128xi1>
    %and3A_2519 = arith.andi %eq3A_2517, %and3A_2518 : vector<1280x128xi1>
    %and3A_2520 = arith.andi %and3A_2519, %lt3A_2514 : vector<1280x128xi1>
    %reduce_or3A_2521 = arith.constant 1.000000e+00 : f32
    %reduce_or3A_2522 = arith.constant 0.000000e+00 : f32
    %reduce_or3A_2523 = vector.broadcast %reduce_or3A_2521 : f32 to vector<1280x128xf32>
    %reduce_or3A_2524 = vector.broadcast %reduce_or3A_2522 : f32 to vector<1280x128xf32>
    %reduce_or3A_2525 = arith.select %and3A_2520, %reduce_or3A_2523, %reduce_or3A_2524 : vector<1280x128xi1>, vector<1280x128xf32>
    %reduce_or3A_2526 = arith.constant dense<0xFF800000> : vector<1280xf32>
    %reduce_or3A_2527 = vector.multi_reduction <maximumf>, %reduce_or3A_2525, %reduce_or3A_2526 [1] : vector<1280x128xf32> to vector<1280xf32>
    %reduce_or3A_2528 = arith.constant 0.000000e+00 : f32
    %reduce_or3A_2529 = vector.broadcast %reduce_or3A_2528 : f32 to vector<1280xf32>
    %reduce_or3A_2530 = arith.cmpf ogt, %reduce_or3A_2527, %reduce_or3A_2529 : vector<1280xf32>
    %broadcast_in_dim3A_2531 = vector.shape_cast %reduce_or3A_2530 : vector<1280xi1> to vector<1280x1xi1>
    %or3A_2532 = arith.ori %or3A_2505, %broadcast_in_dim3A_2531 : vector<1280x1xi1>
    %slice3A_2533 = vector.extract_strided_slice %concatenate3A_2334 {offsets = [0, 768], sizes = [1, 128], strides = [1, 1]} : vector<1x1280xi32> to vector<1x128xi32>
    %slice3A_2534 = vector.extract_strided_slice %ne3A_2352 {offsets = [0, 768], sizes = [1, 128], strides = [1, 1]} : vector<1x1280xi1> to vector<1x128xi1>
    %iota3A_2535 = tpu.iota {dimensions = array<i32: 1>} : vector<1x128xi32>
    %add3A_2536 = arith.constant 768 : i32
    %add3A_2537 = vector.broadcast %add3A_2536 : i32 to vector<1x128xi32>
    %add3A_2538 = arith.addi %iota3A_2535, %add3A_2537 : vector<1x128xi32>
    %lt3A_2539 = vector.broadcast %add3A_2538 : vector<1x128xi32> to vector<1280x128xi32>
    %lt3A_2540 = vector.broadcast %iota3A_2371 : vector<1280x1xi32> to vector<1280x128xi32>
    %lt3A_2541 = arith.cmpi slt, %lt3A_2539, %lt3A_2540 : vector<1280x128xi32>
    %eq3A_2542 = vector.broadcast %slice3A_2533 : vector<1x128xi32> to vector<1280x128xi32>
    %eq3A_2543 = vector.broadcast %concatenate3A_2333 : vector<1280x1xi32> to vector<1280x128xi32>
    %eq3A_2544 = arith.cmpi eq, %eq3A_2542, %eq3A_2543 : vector<1280x128xi32>
    %and3A_2545 = vector.broadcast %slice3A_2534 : vector<1x128xi1> to vector<1280x128xi1>
    %and3A_2546 = arith.andi %eq3A_2544, %and3A_2545 : vector<1280x128xi1>
    %and3A_2547 = arith.andi %and3A_2546, %lt3A_2541 : vector<1280x128xi1>
    %reduce_or3A_2548 = arith.constant 1.000000e+00 : f32
    %reduce_or3A_2549 = arith.constant 0.000000e+00 : f32
    %reduce_or3A_2550 = vector.broadcast %reduce_or3A_2548 : f32 to vector<1280x128xf32>
    %reduce_or3A_2551 = vector.broadcast %reduce_or3A_2549 : f32 to vector<1280x128xf32>
    %reduce_or3A_2552 = arith.select %and3A_2547, %reduce_or3A_2550, %reduce_or3A_2551 : vector<1280x128xi1>, vector<1280x128xf32>
    %reduce_or3A_2553 = arith.constant dense<0xFF800000> : vector<1280xf32>
    %reduce_or3A_2554 = vector.multi_reduction <maximumf>, %reduce_or3A_2552, %reduce_or3A_2553 [1] : vector<1280x128xf32> to vector<1280xf32>
    %reduce_or3A_2555 = arith.constant 0.000000e+00 : f32
    %reduce_or3A_2556 = vector.broadcast %reduce_or3A_2555 : f32 to vector<1280xf32>
    %reduce_or3A_2557 = arith.cmpf ogt, %reduce_or3A_2554, %reduce_or3A_2556 : vector<1280xf32>
    %broadcast_in_dim3A_2558 = vector.shape_cast %reduce_or3A_2557 : vector<1280xi1> to vector<1280x1xi1>
    %or3A_2559 = arith.ori %or3A_2532, %broadcast_in_dim3A_2558 : vector<1280x1xi1>
    %slice3A_2560 = vector.extract_strided_slice %concatenate3A_2334 {offsets = [0, 896], sizes = [1, 128], strides = [1, 1]} : vector<1x1280xi32> to vector<1x128xi32>
    %slice3A_2561 = vector.extract_strided_slice %ne3A_2352 {offsets = [0, 896], sizes = [1, 128], strides = [1, 1]} : vector<1x1280xi1> to vector<1x128xi1>
    %iota3A_2562 = tpu.iota {dimensions = array<i32: 1>} : vector<1x128xi32>
    %add3A_2563 = arith.constant 896 : i32
    %add3A_2564 = vector.broadcast %add3A_2563 : i32 to vector<1x128xi32>
    %add3A_2565 = arith.addi %iota3A_2562, %add3A_2564 : vector<1x128xi32>
    %lt3A_2566 = vector.broadcast %add3A_2565 : vector<1x128xi32> to vector<1280x128xi32>
    %lt3A_2567 = vector.broadcast %iota3A_2371 : vector<1280x1xi32> to vector<1280x128xi32>
    %lt3A_2568 = arith.cmpi slt, %lt3A_2566, %lt3A_2567 : vector<1280x128xi32>
    %eq3A_2569 = vector.broadcast %slice3A_2560 : vector<1x128xi32> to vector<1280x128xi32>
    %eq3A_2570 = vector.broadcast %concatenate3A_2333 : vector<1280x1xi32> to vector<1280x128xi32>
    %eq3A_2571 = arith.cmpi eq, %eq3A_2569, %eq3A_2570 : vector<1280x128xi32>
    %and3A_2572 = vector.broadcast %slice3A_2561 : vector<1x128xi1> to vector<1280x128xi1>
    %and3A_2573 = arith.andi %eq3A_2571, %and3A_2572 : vector<1280x128xi1>
    %and3A_2574 = arith.andi %and3A_2573, %lt3A_2568 : vector<1280x128xi1>
    %reduce_or3A_2575 = arith.constant 1.000000e+00 : f32
    %reduce_or3A_2576 = arith.constant 0.000000e+00 : f32
    %reduce_or3A_2577 = vector.broadcast %reduce_or3A_2575 : f32 to vector<1280x128xf32>
    %reduce_or3A_2578 = vector.broadcast %reduce_or3A_2576 : f32 to vector<1280x128xf32>
    %reduce_or3A_2579 = arith.select %and3A_2574, %reduce_or3A_2577, %reduce_or3A_2578 : vector<1280x128xi1>, vector<1280x128xf32>
    %reduce_or3A_2580 = arith.constant dense<0xFF800000> : vector<1280xf32>
    %reduce_or3A_2581 = vector.multi_reduction <maximumf>, %reduce_or3A_2579, %reduce_or3A_2580 [1] : vector<1280x128xf32> to vector<1280xf32>
    %reduce_or3A_2582 = arith.constant 0.000000e+00 : f32
    %reduce_or3A_2583 = vector.broadcast %reduce_or3A_2582 : f32 to vector<1280xf32>
    %reduce_or3A_2584 = arith.cmpf ogt, %reduce_or3A_2581, %reduce_or3A_2583 : vector<1280xf32>
    %broadcast_in_dim3A_2585 = vector.shape_cast %reduce_or3A_2584 : vector<1280xi1> to vector<1280x1xi1>
    %or3A_2586 = arith.ori %or3A_2559, %broadcast_in_dim3A_2585 : vector<1280x1xi1>
    %slice3A_2587 = vector.extract_strided_slice %concatenate3A_2334 {offsets = [0, 1024], sizes = [1, 128], strides = [1, 1]} : vector<1x1280xi32> to vector<1x128xi32>
    %slice3A_2588 = vector.extract_strided_slice %ne3A_2352 {offsets = [0, 1024], sizes = [1, 128], strides = [1, 1]} : vector<1x1280xi1> to vector<1x128xi1>
    %iota3A_2589 = tpu.iota {dimensions = array<i32: 1>} : vector<1x128xi32>
    %add3A_2590 = arith.constant 1024 : i32
    %add3A_2591 = vector.broadcast %add3A_2590 : i32 to vector<1x128xi32>
    %add3A_2592 = arith.addi %iota3A_2589, %add3A_2591 : vector<1x128xi32>
    %lt3A_2593 = vector.broadcast %add3A_2592 : vector<1x128xi32> to vector<1280x128xi32>
    %lt3A_2594 = vector.broadcast %iota3A_2371 : vector<1280x1xi32> to vector<1280x128xi32>
    %lt3A_2595 = arith.cmpi slt, %lt3A_2593, %lt3A_2594 : vector<1280x128xi32>
    %eq3A_2596 = vector.broadcast %slice3A_2587 : vector<1x128xi32> to vector<1280x128xi32>
    %eq3A_2597 = vector.broadcast %concatenate3A_2333 : vector<1280x1xi32> to vector<1280x128xi32>
    %eq3A_2598 = arith.cmpi eq, %eq3A_2596, %eq3A_2597 : vector<1280x128xi32>
    %and3A_2599 = vector.broadcast %slice3A_2588 : vector<1x128xi1> to vector<1280x128xi1>
    %and3A_2600 = arith.andi %eq3A_2598, %and3A_2599 : vector<1280x128xi1>
    %and3A_2601 = arith.andi %and3A_2600, %lt3A_2595 : vector<1280x128xi1>
    %reduce_or3A_2602 = arith.constant 1.000000e+00 : f32
    %reduce_or3A_2603 = arith.constant 0.000000e+00 : f32
    %reduce_or3A_2604 = vector.broadcast %reduce_or3A_2602 : f32 to vector<1280x128xf32>
    %reduce_or3A_2605 = vector.broadcast %reduce_or3A_2603 : f32 to vector<1280x128xf32>
    %reduce_or3A_2606 = arith.select %and3A_2601, %reduce_or3A_2604, %reduce_or3A_2605 : vector<1280x128xi1>, vector<1280x128xf32>
    %reduce_or3A_2607 = arith.constant dense<0xFF800000> : vector<1280xf32>
    %reduce_or3A_2608 = vector.multi_reduction <maximumf>, %reduce_or3A_2606, %reduce_or3A_2607 [1] : vector<1280x128xf32> to vector<1280xf32>
    %reduce_or3A_2609 = arith.constant 0.000000e+00 : f32
    %reduce_or3A_2610 = vector.broadcast %reduce_or3A_2609 : f32 to vector<1280xf32>
    %reduce_or3A_2611 = arith.cmpf ogt, %reduce_or3A_2608, %reduce_or3A_2610 : vector<1280xf32>
    %broadcast_in_dim3A_2612 = vector.shape_cast %reduce_or3A_2611 : vector<1280xi1> to vector<1280x1xi1>
    %or3A_2613 = arith.ori %or3A_2586, %broadcast_in_dim3A_2612 : vector<1280x1xi1>
    %slice3A_2614 = vector.extract_strided_slice %concatenate3A_2334 {offsets = [0, 1152], sizes = [1, 128], strides = [1, 1]} : vector<1x1280xi32> to vector<1x128xi32>
    %slice3A_2615 = vector.extract_strided_slice %ne3A_2352 {offsets = [0, 1152], sizes = [1, 128], strides = [1, 1]} : vector<1x1280xi1> to vector<1x128xi1>
    %iota3A_2616 = tpu.iota {dimensions = array<i32: 1>} : vector<1x128xi32>
    %add3A_2617 = arith.constant 1152 : i32
    %add3A_2618 = vector.broadcast %add3A_2617 : i32 to vector<1x128xi32>
    %add3A_2619 = arith.addi %iota3A_2616, %add3A_2618 : vector<1x128xi32>
    %lt3A_2620 = vector.broadcast %add3A_2619 : vector<1x128xi32> to vector<1280x128xi32>
    %lt3A_2621 = vector.broadcast %iota3A_2371 : vector<1280x1xi32> to vector<1280x128xi32>
    %lt3A_2622 = arith.cmpi slt, %lt3A_2620, %lt3A_2621 : vector<1280x128xi32>
    %eq3A_2623 = vector.broadcast %slice3A_2614 : vector<1x128xi32> to vector<1280x128xi32>
    %eq3A_2624 = vector.broadcast %concatenate3A_2333 : vector<1280x1xi32> to vector<1280x128xi32>
    %eq3A_2625 = arith.cmpi eq, %eq3A_2623, %eq3A_2624 : vector<1280x128xi32>
    %and3A_2626 = vector.broadcast %slice3A_2615 : vector<1x128xi1> to vector<1280x128xi1>
    %and3A_2627 = arith.andi %eq3A_2625, %and3A_2626 : vector<1280x128xi1>
    %and3A_2628 = arith.andi %and3A_2627, %lt3A_2622 : vector<1280x128xi1>
    %reduce_or3A_2629 = arith.constant 1.000000e+00 : f32
    %reduce_or3A_2630 = arith.constant 0.000000e+00 : f32
    %reduce_or3A_2631 = vector.broadcast %reduce_or3A_2629 : f32 to vector<1280x128xf32>
    %reduce_or3A_2632 = vector.broadcast %reduce_or3A_2630 : f32 to vector<1280x128xf32>
    %reduce_or3A_2633 = arith.select %and3A_2628, %reduce_or3A_2631, %reduce_or3A_2632 : vector<1280x128xi1>, vector<1280x128xf32>
    %reduce_or3A_2634 = arith.constant dense<0xFF800000> : vector<1280xf32>
    %reduce_or3A_2635 = vector.multi_reduction <maximumf>, %reduce_or3A_2633, %reduce_or3A_2634 [1] : vector<1280x128xf32> to vector<1280xf32>
    %reduce_or3A_2636 = arith.constant 0.000000e+00 : f32
    %reduce_or3A_2637 = vector.broadcast %reduce_or3A_2636 : f32 to vector<1280xf32>
    %reduce_or3A_2638 = arith.cmpf ogt, %reduce_or3A_2635, %reduce_or3A_2637 : vector<1280xf32>
    %broadcast_in_dim3A_2639 = vector.shape_cast %reduce_or3A_2638 : vector<1280xi1> to vector<1280x1xi1>
    %or3A_2640 = arith.ori %or3A_2613, %broadcast_in_dim3A_2639 : vector<1280x1xi1>
    %not3A_2641 = arith.constant dense<true> : vector<1280x1xi1>
    %not3A_2642 = arith.xori %or3A_2640, %not3A_2641 : vector<1280x1xi1>
    %and3A_2643 = arith.andi %not3A_2642, %ne3A_2370 : vector<1280x1xi1>
    %slice3A_2644 = vector.extract_strided_slice %get3A_1817 {offsets = [0, 4], sizes = [320, 1], strides = [1, 1]} : vector<320x128xf32> to vector<320x1xf32>
    %slice3A_2645 = vector.extract_strided_slice %get3A_1822 {offsets = [0, 4], sizes = [320, 1], strides = [1, 1]} : vector<320x128xf32> to vector<320x1xf32>
    %slice3A_2646 = vector.extract_strided_slice %get3A_1827 {offsets = [0, 4], sizes = [320, 1], strides = [1, 1]} : vector<320x128xf32> to vector<320x1xf32>
    %slice3A_2647 = vector.extract_strided_slice %select_n3A_1837 {offsets = [0, 4], sizes = [320, 1], strides = [1, 1]} : vector<320x128xf32> to vector<320x1xf32>
    %concatenate3A_2648 = tpu.concatenate %slice3A_2644, %slice3A_2645, %slice3A_2646, %slice3A_2647 in 0 : vector<320x1xf32>, vector<320x1xf32>, vector<320x1xf32>, vector<320x1xf32> -> vector<1280x1xf32>
    %slice3A_2649 = vector.extract_strided_slice %select_n3A_1837 {offsets = [0, 4], sizes = [320, 1], strides = [1, 1]} : vector<320x128xf32> to vector<320x1xf32>
    %neg3A_2650 = arith.constant 0.000000e+00 : f32
    %neg3A_2651 = vector.broadcast %neg3A_2650 : f32 to vector<320x1xf32>
    %neg3A_2652 = arith.subf %neg3A_2651, %slice3A_2649 : vector<320x1xf32>
    %max3A_2653 = arith.constant 0.000000e+00 : f32
    %max3A_2654 = vector.broadcast %max3A_2653 : f32 to vector<320x1xf32>
    %max3A_2655 = arith.maximumf %neg3A_2652, %max3A_2654 : vector<320x1xf32>
    %abs3A_2656 = math.absf %neg3A_2652 : vector<320x1xf32>
    %neg3A_2657 = arith.constant 0.000000e+00 : f32
    %neg3A_2658 = vector.broadcast %neg3A_2657 : f32 to vector<320x1xf32>
    %neg3A_2659 = arith.subf %neg3A_2658, %abs3A_2656 : vector<320x1xf32>
    %exp3A_2660 = math.exp %neg3A_2659 : vector<320x1xf32>
    %log1p3A_2661 = math.log1p %exp3A_2660 : vector<320x1xf32>
    %add3A_2662 = arith.addf %max3A_2655, %log1p3A_2661 : vector<320x1xf32>
    %mul3A_2663 = arith.mulf %convert_element_type3A_2127, %add3A_2662 : vector<320x1xf32>
    %reduce_sum3A_2664 = vector.shape_cast %mul3A_2663 : vector<320x1xf32> to vector<1x320x1xf32>
    %reduce_sum3A_2665 = arith.constant dense<0.000000e+00> : vector<1xf32>
    %reduce_sum3A_2666 = vector.multi_reduction <add>, %reduce_sum3A_2664, %reduce_sum3A_2665 [1, 2] : vector<1x320x1xf32> to vector<1xf32>
    %reduce_sum3A_2667 = vector.shape_cast %reduce_sum3A_2666 : vector<1xf32> to vector<1x1x1xf32>
    %reduce_sum3A_2668 = vector.extract %reduce_sum3A_2667[0, 0, 0] : f32 from vector<1x1x1xf32>
    %max3A_2669 = arith.constant 0.000000e+00 : f32
    %max3A_2670 = vector.broadcast %max3A_2669 : f32 to vector<1280x1xf32>
    %max3A_2671 = arith.maximumf %concatenate3A_2648, %max3A_2670 : vector<1280x1xf32>
    %abs3A_2672 = math.absf %concatenate3A_2648 : vector<1280x1xf32>
    %neg3A_2673 = arith.constant 0.000000e+00 : f32
    %neg3A_2674 = vector.broadcast %neg3A_2673 : f32 to vector<1280x1xf32>
    %neg3A_2675 = arith.subf %neg3A_2674, %abs3A_2672 : vector<1280x1xf32>
    %exp3A_2676 = math.exp %neg3A_2675 : vector<1280x1xf32>
    %log1p3A_2677 = math.log1p %exp3A_2676 : vector<1280x1xf32>
    %add3A_2678 = arith.addf %max3A_2671, %log1p3A_2677 : vector<1280x1xf32>
    %jit3A_2679 = arith.constant 0.000000e+00 : f32
    %broadcast_in_dim3A_2680 = vector.broadcast %jit3A_2679 : f32 to vector<1280x1xf32>
    %select_n3A_2681 = arith.select %and3A_2643, %add3A_2678, %broadcast_in_dim3A_2680 : vector<1280x1xi1>, vector<1280x1xf32>
    %reduce_sum3A_2682 = vector.shape_cast %select_n3A_2681 : vector<1280x1xf32> to vector<1x1280x1xf32>
    %reduce_sum3A_2683 = arith.constant dense<0.000000e+00> : vector<1xf32>
    %reduce_sum3A_2684 = vector.multi_reduction <add>, %reduce_sum3A_2682, %reduce_sum3A_2683 [1, 2] : vector<1x1280x1xf32> to vector<1xf32>
    %reduce_sum3A_2685 = vector.shape_cast %reduce_sum3A_2684 : vector<1xf32> to vector<1x1x1xf32>
    %reduce_sum3A_2686 = vector.extract %reduce_sum3A_2685[0, 0, 0] : f32 from vector<1x1x1xf32>
    %sub3A_2687 = arith.subf %reduce_sum3A_2668, %reduce_sum3A_2686 : f32
    %div3A_2688 = arith.divf %reduce_sum3A_2144, %max3A_2134 : f32
    %mul3A_2689 = arith.constant 5.000000e-02 : f32
    %mul3A_2690 = arith.mulf %div3A_2688, %mul3A_2689 : f32
    %mul3A_2691 = arith.constant 8.000000e+01 : f32
    %mul3A_2692 = arith.mulf %max3A_2134, %mul3A_2691 : f32
    %div3A_2693 = arith.divf %sub3A_2328, %mul3A_2692 : f32
    %mul3A_2694 = arith.constant 1.000000e+00 : f32
    %mul3A_2695 = arith.mulf %div3A_2693, %mul3A_2694 : f32
    %add3A_2696 = arith.addf %mul3A_2690, %mul3A_2695 : f32
    %add3A_2697 = arith.addf %get3A_2332, %sub3A_2687 : f32
    %div3A_2698 = arith.constant 3.244800e+04 : f32
    %div3A_2699 = arith.divf %add3A_2697, %div3A_2698 : f32
    %mul3A_2700 = arith.constant 1.000000e+00 : f32
    %mul3A_2701 = arith.mulf %div3A_2699, %mul3A_2700 : f32
    %mul3A_2702 = arith.constant 5.000000e+00 : f32
    %mul3A_2703 = arith.mulf %mul3A_2701, %mul3A_2702 : f32
    %add3A_2704 = arith.addf %add3A_2696, %mul3A_2703 : f32
    %add3A_2705 = arith.addf %add3A_1342, %add3A_2704 : f32
    %get3A_2706 = arith.constant 0 : index
    %get3A_2707 = arith.constant 0 : index
    %get3A_2708 = vector.load %arg11[%get3A_2706, %get3A_2707] : memref<320x1xf32, #tpu.memory_space<vmem>>, vector<320x1xf32>
    %get3A_2709 = arith.constant 0 : index
    %get3A_2710 = arith.constant 0 : index
    %get3A_2711 = vector.load %arg12[%get3A_2709, %get3A_2710] : memref<320x1xf32, #tpu.memory_space<vmem>>, vector<320x1xf32>
    %get3A_2712 = arith.constant 0 : index
    %get3A_2713 = arith.constant 0 : index
    %get3A_2714 = vector.load %arg13[%get3A_2712, %get3A_2713] : memref<320x1xf32, #tpu.memory_space<vmem>>, vector<320x1xf32>
    %get3A_2715 = arith.constant 0 : index
    %get3A_2716 = arith.constant 0 : index
    %get3A_2717 = vector.load %arg14[%get3A_2715, %get3A_2716] : memref<320x1xf32, #tpu.memory_space<vmem>>, vector<320x1xf32>
    %mul3A_2718 = arith.constant 5.200000e+01 : f32
    %mul3A_2719 = vector.broadcast %mul3A_2718 : f32 to vector<320x1xf32>
    %mul3A_2720 = arith.mulf %get3A_2708, %mul3A_2719 : vector<320x1xf32>
    %convert_element_type3A_2721 = arith.fptosi %mul3A_2720 : vector<320x1xf32> to vector<320x1xi32>
    %mul3A_2722 = arith.constant 5.200000e+01 : f32
    %mul3A_2723 = vector.broadcast %mul3A_2722 : f32 to vector<320x1xf32>
    %mul3A_2724 = arith.mulf %get3A_2711, %mul3A_2723 : vector<320x1xf32>
    %convert_element_type3A_2725 = arith.fptosi %mul3A_2724 : vector<320x1xf32> to vector<320x1xi32>
    %mul3A_2726 = arith.constant 5.200000e+01 : f32
    %mul3A_2727 = vector.broadcast %mul3A_2726 : f32 to vector<320x1xf32>
    %mul3A_2728 = arith.mulf %get3A_2714, %mul3A_2727 : vector<320x1xf32>
    %mul3A_2729 = arith.constant 5.200000e+01 : f32
    %mul3A_2730 = vector.broadcast %mul3A_2729 : f32 to vector<320x1xf32>
    %mul3A_2731 = arith.mulf %get3A_2717, %mul3A_2730 : vector<320x1xf32>
    %min3A_2732 = arith.constant 0.024038462 : f32
    %min3A_2733 = vector.broadcast %min3A_2732 : f32 to vector<320x1xf32>
    %min3A_2734 = arith.minimumf %mul3A_2728, %min3A_2733 : vector<320x1xf32>
    %min3A_2735 = arith.constant 3.125000e-02 : f32
    %min3A_2736 = vector.broadcast %min3A_2735 : f32 to vector<320x1xf32>
    %min3A_2737 = arith.minimumf %mul3A_2731, %min3A_2736 : vector<320x1xf32>
    %mul3A_2738 = arith.mulf %min3A_2734, %min3A_2737 : vector<320x1xf32>
    %mul3A_2739 = arith.mulf %mul3A_2728, %mul3A_2731 : vector<320x1xf32>
    %add3A_2740 = arith.constant 7.51201937E-4 : f32
    %add3A_2741 = vector.broadcast %add3A_2740 : f32 to vector<320x1xf32>
    %add3A_2742 = arith.addf %mul3A_2739, %add3A_2741 : vector<320x1xf32>
    %sub3A_2743 = arith.subf %add3A_2742, %mul3A_2738 : vector<320x1xf32>
    %add3A_2744 = arith.constant 9.99999997E-7 : f32
    %add3A_2745 = vector.broadcast %add3A_2744 : f32 to vector<320x1xf32>
    %add3A_2746 = arith.addf %sub3A_2743, %add3A_2745 : vector<320x1xf32>
    %div3A_2747 = arith.divf %mul3A_2738, %add3A_2746 : vector<320x1xf32>
    %min3A_2748 = arith.constant 0.0384615399 : f32
    %min3A_2749 = vector.broadcast %min3A_2748 : f32 to vector<320x1xf32>
    %min3A_2750 = arith.minimumf %mul3A_2728, %min3A_2749 : vector<320x1xf32>
    %min3A_2751 = arith.constant 0.072115384 : f32
    %min3A_2752 = vector.broadcast %min3A_2751 : f32 to vector<320x1xf32>
    %min3A_2753 = arith.minimumf %mul3A_2731, %min3A_2752 : vector<320x1xf32>
    %mul3A_2754 = arith.mulf %min3A_2750, %min3A_2753 : vector<320x1xf32>
    %mul3A_2755 = arith.mulf %mul3A_2728, %mul3A_2731 : vector<320x1xf32>
    %add3A_2756 = arith.constant 0.00277366862 : f32
    %add3A_2757 = vector.broadcast %add3A_2756 : f32 to vector<320x1xf32>
    %add3A_2758 = arith.addf %mul3A_2755, %add3A_2757 : vector<320x1xf32>
    %sub3A_2759 = arith.subf %add3A_2758, %mul3A_2754 : vector<320x1xf32>
    %add3A_2760 = arith.constant 9.99999997E-7 : f32
    %add3A_2761 = vector.broadcast %add3A_2760 : f32 to vector<320x1xf32>
    %add3A_2762 = arith.addf %sub3A_2759, %add3A_2761 : vector<320x1xf32>
    %div3A_2763 = arith.divf %mul3A_2754, %add3A_2762 : vector<320x1xf32>
    %min3A_2764 = arith.constant 0.0793269202 : f32
    %min3A_2765 = vector.broadcast %min3A_2764 : f32 to vector<320x1xf32>
    %min3A_2766 = arith.minimumf %mul3A_2728, %min3A_2765 : vector<320x1xf32>
    %min3A_2767 = arith.constant 0.0552884601 : f32
    %min3A_2768 = vector.broadcast %min3A_2767 : f32 to vector<320x1xf32>
    %min3A_2769 = arith.minimumf %mul3A_2731, %min3A_2768 : vector<320x1xf32>
    %mul3A_2770 = arith.mulf %min3A_2766, %min3A_2769 : vector<320x1xf32>
    %mul3A_2771 = arith.mulf %mul3A_2728, %mul3A_2731 : vector<320x1xf32>
    %add3A_2772 = arith.constant 0.00438586343 : f32
    %add3A_2773 = vector.broadcast %add3A_2772 : f32 to vector<320x1xf32>
    %add3A_2774 = arith.addf %mul3A_2771, %add3A_2773 : vector<320x1xf32>
    %sub3A_2775 = arith.subf %add3A_2774, %mul3A_2770 : vector<320x1xf32>
    %add3A_2776 = arith.constant 9.99999997E-7 : f32
    %add3A_2777 = vector.broadcast %add3A_2776 : f32 to vector<320x1xf32>
    %add3A_2778 = arith.addf %sub3A_2775, %add3A_2777 : vector<320x1xf32>
    %div3A_2779 = arith.divf %mul3A_2770, %add3A_2778 : vector<320x1xf32>
    %gt3A_2780 = arith.cmpf ogt, %div3A_2763, %div3A_2747 : vector<320x1xf32>
    %jit3A_2781 = arith.constant 1 : i32
    %jit3A_2782 = arith.constant 0 : i32
    %broadcast_in_dim3A_2783 = vector.broadcast %jit3A_2781 : i32 to vector<320x1xi32>
    %broadcast_in_dim3A_2784 = vector.broadcast %jit3A_2782 : i32 to vector<320x1xi32>
    %select_n3A_2785 = arith.select %gt3A_2780, %broadcast_in_dim3A_2783, %broadcast_in_dim3A_2784 : vector<320x1xi1>, vector<320x1xi32>
    %max3A_2786 = arith.maximumf %div3A_2747, %div3A_2763 : vector<320x1xf32>
    %gt3A_2787 = arith.cmpf ogt, %div3A_2779, %max3A_2786 : vector<320x1xf32>
    %jit3A_2788 = arith.constant 2 : i32
    %broadcast_in_dim3A_2789 = vector.broadcast %jit3A_2788 : i32 to vector<320x1xi32>
    %select_n3A_2790 = arith.select %gt3A_2787, %broadcast_in_dim3A_2789, %select_n3A_2785 : vector<320x1xi1>, vector<320x1xi32>
    %jit3A_2791 = arith.constant 20 : i32
    %div3A_2792 = vector.broadcast %jit3A_2791 : i32 to vector<320x1xi32>
    %div3A_2793 = arith.divsi %iota3A_0, %div3A_2792 : vector<320x1xi32>
    %sign3A_2794 = arith.constant 0 : i32
    %sign3A_2795 = vector.broadcast %sign3A_2794 : i32 to vector<320x1xi32>
    %sign3A_2796 = arith.cmpi sgt, %iota3A_0, %sign3A_2795 : vector<320x1xi32>
    %sign3A_2797 = arith.extui %sign3A_2796 : vector<320x1xi1> to vector<320x1xi32>
    %sign3A_2798 = arith.constant 0 : i32
    %sign3A_2799 = vector.broadcast %sign3A_2798 : i32 to vector<320x1xi32>
    %sign3A_2800 = arith.cmpi slt, %iota3A_0, %sign3A_2799 : vector<320x1xi32>
    %sign3A_2801 = arith.extui %sign3A_2800 : vector<320x1xi1> to vector<320x1xi32>
    %sign3A_2802 = arith.subi %sign3A_2797, %sign3A_2801 : vector<320x1xi32>
    %sign3A_2803 = arith.constant 0 : i32
    %sign3A_2804 = arith.cmpi sgt, %jit3A_2791, %sign3A_2803 : i32
    %sign3A_2805 = arith.extui %sign3A_2804 : i1 to i32
    %sign3A_2806 = arith.constant 0 : i32
    %sign3A_2807 = arith.cmpi slt, %jit3A_2791, %sign3A_2806 : i32
    %sign3A_2808 = arith.extui %sign3A_2807 : i1 to i32
    %sign3A_2809 = arith.subi %sign3A_2805, %sign3A_2808 : i32
    %ne3A_2810 = vector.broadcast %sign3A_2809 : i32 to vector<320x1xi32>
    %ne3A_2811 = arith.cmpi ne, %sign3A_2802, %ne3A_2810 : vector<320x1xi32>
    %rem3A_2812 = vector.broadcast %jit3A_2791 : i32 to vector<320x1xi32>
    %rem3A_2813 = arith.remsi %iota3A_0, %rem3A_2812 : vector<320x1xi32>
    %ne3A_2814 = arith.constant 0 : i32
    %ne3A_2815 = vector.broadcast %ne3A_2814 : i32 to vector<320x1xi32>
    %ne3A_2816 = arith.cmpi ne, %rem3A_2813, %ne3A_2815 : vector<320x1xi32>
    %and3A_2817 = arith.andi %ne3A_2811, %ne3A_2816 : vector<320x1xi1>
    %sub3A_2818 = arith.constant 1 : i32
    %sub3A_2819 = vector.broadcast %sub3A_2818 : i32 to vector<320x1xi32>
    %sub3A_2820 = arith.subi %div3A_2793, %sub3A_2819 : vector<320x1xi32>
    %select_n3A_2821 = arith.select %and3A_2817, %sub3A_2820, %div3A_2793 : vector<320x1xi1>, vector<320x1xi32>
    %mul3A_2822 = arith.constant 3 : i32
    %mul3A_2823 = vector.broadcast %mul3A_2822 : i32 to vector<320x1xi32>
    %mul3A_2824 = arith.muli %select_n3A_2821, %mul3A_2823 : vector<320x1xi32>
    %add3A_2825 = arith.constant 0 : i32
    %add3A_2826 = vector.broadcast %add3A_2825 : i32 to vector<320x1xi32>
    %add3A_2827 = arith.addi %mul3A_2824, %add3A_2826 : vector<320x1xi32>
    %mul3A_2828 = arith.constant 52 : i32
    %mul3A_2829 = vector.broadcast %mul3A_2828 : i32 to vector<320x1xi32>
    %mul3A_2830 = arith.muli %add3A_2827, %mul3A_2829 : vector<320x1xi32>
    %add3A_2831 = arith.addi %mul3A_2830, %convert_element_type3A_2725 : vector<320x1xi32>
    %mul3A_2832 = arith.constant 52 : i32
    %mul3A_2833 = vector.broadcast %mul3A_2832 : i32 to vector<320x1xi32>
    %mul3A_2834 = arith.muli %add3A_2831, %mul3A_2833 : vector<320x1xi32>
    %add3A_2835 = arith.addi %mul3A_2834, %convert_element_type3A_2721 : vector<320x1xi32>
    %mul3A_2836 = arith.constant 3 : i32
    %mul3A_2837 = vector.broadcast %mul3A_2836 : i32 to vector<320x1xi32>
    %mul3A_2838 = arith.muli %select_n3A_2821, %mul3A_2837 : vector<320x1xi32>
    %add3A_2839 = arith.constant 1 : i32
    %add3A_2840 = vector.broadcast %add3A_2839 : i32 to vector<320x1xi32>
    %add3A_2841 = arith.addi %mul3A_2838, %add3A_2840 : vector<320x1xi32>
    %mul3A_2842 = arith.constant 52 : i32
    %mul3A_2843 = vector.broadcast %mul3A_2842 : i32 to vector<320x1xi32>
    %mul3A_2844 = arith.muli %add3A_2841, %mul3A_2843 : vector<320x1xi32>
    %add3A_2845 = arith.addi %mul3A_2844, %convert_element_type3A_2725 : vector<320x1xi32>
    %mul3A_2846 = arith.constant 52 : i32
    %mul3A_2847 = vector.broadcast %mul3A_2846 : i32 to vector<320x1xi32>
    %mul3A_2848 = arith.muli %add3A_2845, %mul3A_2847 : vector<320x1xi32>
    %add3A_2849 = arith.addi %mul3A_2848, %convert_element_type3A_2721 : vector<320x1xi32>
    %mul3A_2850 = arith.constant 3 : i32
    %mul3A_2851 = vector.broadcast %mul3A_2850 : i32 to vector<320x1xi32>
    %mul3A_2852 = arith.muli %select_n3A_2821, %mul3A_2851 : vector<320x1xi32>
    %add3A_2853 = arith.constant 2 : i32
    %add3A_2854 = vector.broadcast %add3A_2853 : i32 to vector<320x1xi32>
    %add3A_2855 = arith.addi %mul3A_2852, %add3A_2854 : vector<320x1xi32>
    %mul3A_2856 = arith.constant 52 : i32
    %mul3A_2857 = vector.broadcast %mul3A_2856 : i32 to vector<320x1xi32>
    %mul3A_2858 = arith.muli %add3A_2855, %mul3A_2857 : vector<320x1xi32>
    %add3A_2859 = arith.addi %mul3A_2858, %convert_element_type3A_2725 : vector<320x1xi32>
    %mul3A_2860 = arith.constant 52 : i32
    %mul3A_2861 = vector.broadcast %mul3A_2860 : i32 to vector<320x1xi32>
    %mul3A_2862 = arith.muli %add3A_2859, %mul3A_2861 : vector<320x1xi32>
    %add3A_2863 = arith.addi %mul3A_2862, %convert_element_type3A_2721 : vector<320x1xi32>
    %eq3A_2864 = arith.constant 0 : i32
    %eq3A_2865 = vector.broadcast %eq3A_2864 : i32 to vector<320x1xi32>
    %eq3A_2866 = arith.cmpi eq, %select_n3A_2790, %eq3A_2865 : vector<320x1xi32>
    %eq3A_2867 = arith.constant 1 : i32
    %eq3A_2868 = vector.broadcast %eq3A_2867 : i32 to vector<320x1xi32>
    %eq3A_2869 = arith.cmpi eq, %select_n3A_2790, %eq3A_2868 : vector<320x1xi32>
    %select_n3A_2870 = arith.select %eq3A_2869, %add3A_2849, %add3A_2863 : vector<320x1xi1>, vector<320x1xi32>
    %select_n3A_2871 = arith.select %eq3A_2866, %add3A_2835, %select_n3A_2870 : vector<320x1xi1>, vector<320x1xi32>
    %get3A_2872 = arith.constant 0 : index
    %get3A_2873 = arith.constant 0 : index
    %get3A_2874 = vector.load %arg6[%get3A_2872, %get3A_2873] : memref<1x320xf32, #tpu.memory_space<vmem>>, vector<1x320xf32>
    %get3A_2875 = arith.constant 0 : index
    %get3A_2876 = arith.constant 0 : index
    %get3A_2877 = vector.load %arg7[%get3A_2875, %get3A_2876] : memref<1x320xf32, #tpu.memory_space<vmem>>, vector<1x320xf32>
    %get3A_2878 = arith.constant 0 : index
    %get3A_2879 = arith.constant 0 : index
    %get3A_2880 = vector.load %arg8[%get3A_2878, %get3A_2879] : memref<1x320xf32, #tpu.memory_space<vmem>>, vector<1x320xf32>
    %get3A_2881 = arith.constant 0 : index
    %get3A_2882 = arith.constant 0 : index
    %get3A_2883 = vector.load %arg9[%get3A_2881, %get3A_2882] : memref<1x320xf32, #tpu.memory_space<vmem>>, vector<1x320xf32>
    %mul3A_2884 = arith.constant 5.200000e+01 : f32
    %mul3A_2885 = vector.broadcast %mul3A_2884 : f32 to vector<1x320xf32>
    %mul3A_2886 = arith.mulf %get3A_2874, %mul3A_2885 : vector<1x320xf32>
    %convert_element_type3A_2887 = arith.fptosi %mul3A_2886 : vector<1x320xf32> to vector<1x320xi32>
    %mul3A_2888 = arith.constant 5.200000e+01 : f32
    %mul3A_2889 = vector.broadcast %mul3A_2888 : f32 to vector<1x320xf32>
    %mul3A_2890 = arith.mulf %get3A_2877, %mul3A_2889 : vector<1x320xf32>
    %convert_element_type3A_2891 = arith.fptosi %mul3A_2890 : vector<1x320xf32> to vector<1x320xi32>
    %mul3A_2892 = arith.constant 5.200000e+01 : f32
    %mul3A_2893 = vector.broadcast %mul3A_2892 : f32 to vector<1x320xf32>
    %mul3A_2894 = arith.mulf %get3A_2880, %mul3A_2893 : vector<1x320xf32>
    %mul3A_2895 = arith.constant 5.200000e+01 : f32
    %mul3A_2896 = vector.broadcast %mul3A_2895 : f32 to vector<1x320xf32>
    %mul3A_2897 = arith.mulf %get3A_2883, %mul3A_2896 : vector<1x320xf32>
    %min3A_2898 = arith.constant 0.024038462 : f32
    %min3A_2899 = vector.broadcast %min3A_2898 : f32 to vector<1x320xf32>
    %min3A_2900 = arith.minimumf %mul3A_2894, %min3A_2899 : vector<1x320xf32>
    %min3A_2901 = arith.constant 3.125000e-02 : f32
    %min3A_2902 = vector.broadcast %min3A_2901 : f32 to vector<1x320xf32>
    %min3A_2903 = arith.minimumf %mul3A_2897, %min3A_2902 : vector<1x320xf32>
    %mul3A_2904 = arith.mulf %min3A_2900, %min3A_2903 : vector<1x320xf32>
    %mul3A_2905 = arith.mulf %mul3A_2894, %mul3A_2897 : vector<1x320xf32>
    %add3A_2906 = arith.constant 7.51201937E-4 : f32
    %add3A_2907 = vector.broadcast %add3A_2906 : f32 to vector<1x320xf32>
    %add3A_2908 = arith.addf %mul3A_2905, %add3A_2907 : vector<1x320xf32>
    %sub3A_2909 = arith.subf %add3A_2908, %mul3A_2904 : vector<1x320xf32>
    %add3A_2910 = arith.constant 9.99999997E-7 : f32
    %add3A_2911 = vector.broadcast %add3A_2910 : f32 to vector<1x320xf32>
    %add3A_2912 = arith.addf %sub3A_2909, %add3A_2911 : vector<1x320xf32>
    %div3A_2913 = arith.divf %mul3A_2904, %add3A_2912 : vector<1x320xf32>
    %min3A_2914 = arith.constant 0.0384615399 : f32
    %min3A_2915 = vector.broadcast %min3A_2914 : f32 to vector<1x320xf32>
    %min3A_2916 = arith.minimumf %mul3A_2894, %min3A_2915 : vector<1x320xf32>
    %min3A_2917 = arith.constant 0.072115384 : f32
    %min3A_2918 = vector.broadcast %min3A_2917 : f32 to vector<1x320xf32>
    %min3A_2919 = arith.minimumf %mul3A_2897, %min3A_2918 : vector<1x320xf32>
    %mul3A_2920 = arith.mulf %min3A_2916, %min3A_2919 : vector<1x320xf32>
    %mul3A_2921 = arith.mulf %mul3A_2894, %mul3A_2897 : vector<1x320xf32>
    %add3A_2922 = arith.constant 0.00277366862 : f32
    %add3A_2923 = vector.broadcast %add3A_2922 : f32 to vector<1x320xf32>
    %add3A_2924 = arith.addf %mul3A_2921, %add3A_2923 : vector<1x320xf32>
    %sub3A_2925 = arith.subf %add3A_2924, %mul3A_2920 : vector<1x320xf32>
    %add3A_2926 = arith.constant 9.99999997E-7 : f32
    %add3A_2927 = vector.broadcast %add3A_2926 : f32 to vector<1x320xf32>
    %add3A_2928 = arith.addf %sub3A_2925, %add3A_2927 : vector<1x320xf32>
    %div3A_2929 = arith.divf %mul3A_2920, %add3A_2928 : vector<1x320xf32>
    %min3A_2930 = arith.constant 0.0793269202 : f32
    %min3A_2931 = vector.broadcast %min3A_2930 : f32 to vector<1x320xf32>
    %min3A_2932 = arith.minimumf %mul3A_2894, %min3A_2931 : vector<1x320xf32>
    %min3A_2933 = arith.constant 0.0552884601 : f32
    %min3A_2934 = vector.broadcast %min3A_2933 : f32 to vector<1x320xf32>
    %min3A_2935 = arith.minimumf %mul3A_2897, %min3A_2934 : vector<1x320xf32>
    %mul3A_2936 = arith.mulf %min3A_2932, %min3A_2935 : vector<1x320xf32>
    %mul3A_2937 = arith.mulf %mul3A_2894, %mul3A_2897 : vector<1x320xf32>
    %add3A_2938 = arith.constant 0.00438586343 : f32
    %add3A_2939 = vector.broadcast %add3A_2938 : f32 to vector<1x320xf32>
    %add3A_2940 = arith.addf %mul3A_2937, %add3A_2939 : vector<1x320xf32>
    %sub3A_2941 = arith.subf %add3A_2940, %mul3A_2936 : vector<1x320xf32>
    %add3A_2942 = arith.constant 9.99999997E-7 : f32
    %add3A_2943 = vector.broadcast %add3A_2942 : f32 to vector<1x320xf32>
    %add3A_2944 = arith.addf %sub3A_2941, %add3A_2943 : vector<1x320xf32>
    %div3A_2945 = arith.divf %mul3A_2936, %add3A_2944 : vector<1x320xf32>
    %gt3A_2946 = arith.cmpf ogt, %div3A_2929, %div3A_2913 : vector<1x320xf32>
    %jit3A_2947 = arith.constant 1 : i32
    %jit3A_2948 = arith.constant 0 : i32
    %broadcast_in_dim3A_2949 = vector.broadcast %jit3A_2947 : i32 to vector<1x320xi32>
    %broadcast_in_dim3A_2950 = vector.broadcast %jit3A_2948 : i32 to vector<1x320xi32>
    %select_n3A_2951 = arith.select %gt3A_2946, %broadcast_in_dim3A_2949, %broadcast_in_dim3A_2950 : vector<1x320xi1>, vector<1x320xi32>
    %max3A_2952 = arith.maximumf %div3A_2913, %div3A_2929 : vector<1x320xf32>
    %gt3A_2953 = arith.cmpf ogt, %div3A_2945, %max3A_2952 : vector<1x320xf32>
    %jit3A_2954 = arith.constant 2 : i32
    %broadcast_in_dim3A_2955 = vector.broadcast %jit3A_2954 : i32 to vector<1x320xi32>
    %select_n3A_2956 = arith.select %gt3A_2953, %broadcast_in_dim3A_2955, %select_n3A_2951 : vector<1x320xi1>, vector<1x320xi32>
    %jit3A_2957 = arith.constant 20 : i32
    %div3A_2958 = vector.broadcast %jit3A_2957 : i32 to vector<1x320xi32>
    %div3A_2959 = arith.divsi %iota3A, %div3A_2958 : vector<1x320xi32>
    %sign3A_2960 = arith.constant 0 : i32
    %sign3A_2961 = vector.broadcast %sign3A_2960 : i32 to vector<1x320xi32>
    %sign3A_2962 = arith.cmpi sgt, %iota3A, %sign3A_2961 : vector<1x320xi32>
    %sign3A_2963 = arith.extui %sign3A_2962 : vector<1x320xi1> to vector<1x320xi32>
    %sign3A_2964 = arith.constant 0 : i32
    %sign3A_2965 = vector.broadcast %sign3A_2964 : i32 to vector<1x320xi32>
    %sign3A_2966 = arith.cmpi slt, %iota3A, %sign3A_2965 : vector<1x320xi32>
    %sign3A_2967 = arith.extui %sign3A_2966 : vector<1x320xi1> to vector<1x320xi32>
    %sign3A_2968 = arith.subi %sign3A_2963, %sign3A_2967 : vector<1x320xi32>
    %sign3A_2969 = arith.constant 0 : i32
    %sign3A_2970 = arith.cmpi sgt, %jit3A_2957, %sign3A_2969 : i32
    %sign3A_2971 = arith.extui %sign3A_2970 : i1 to i32
    %sign3A_2972 = arith.constant 0 : i32
    %sign3A_2973 = arith.cmpi slt, %jit3A_2957, %sign3A_2972 : i32
    %sign3A_2974 = arith.extui %sign3A_2973 : i1 to i32
    %sign3A_2975 = arith.subi %sign3A_2971, %sign3A_2974 : i32
    %ne3A_2976 = vector.broadcast %sign3A_2975 : i32 to vector<1x320xi32>
    %ne3A_2977 = arith.cmpi ne, %sign3A_2968, %ne3A_2976 : vector<1x320xi32>
    %rem3A_2978 = vector.broadcast %jit3A_2957 : i32 to vector<1x320xi32>
    %rem3A_2979 = arith.remsi %iota3A, %rem3A_2978 : vector<1x320xi32>
    %ne3A_2980 = arith.constant 0 : i32
    %ne3A_2981 = vector.broadcast %ne3A_2980 : i32 to vector<1x320xi32>
    %ne3A_2982 = arith.cmpi ne, %rem3A_2979, %ne3A_2981 : vector<1x320xi32>
    %and3A_2983 = arith.andi %ne3A_2977, %ne3A_2982 : vector<1x320xi1>
    %sub3A_2984 = arith.constant 1 : i32
    %sub3A_2985 = vector.broadcast %sub3A_2984 : i32 to vector<1x320xi32>
    %sub3A_2986 = arith.subi %div3A_2959, %sub3A_2985 : vector<1x320xi32>
    %select_n3A_2987 = arith.select %and3A_2983, %sub3A_2986, %div3A_2959 : vector<1x320xi1>, vector<1x320xi32>
    %mul3A_2988 = arith.constant 3 : i32
    %mul3A_2989 = vector.broadcast %mul3A_2988 : i32 to vector<1x320xi32>
    %mul3A_2990 = arith.muli %select_n3A_2987, %mul3A_2989 : vector<1x320xi32>
    %add3A_2991 = arith.constant 0 : i32
    %add3A_2992 = vector.broadcast %add3A_2991 : i32 to vector<1x320xi32>
    %add3A_2993 = arith.addi %mul3A_2990, %add3A_2992 : vector<1x320xi32>
    %mul3A_2994 = arith.constant 52 : i32
    %mul3A_2995 = vector.broadcast %mul3A_2994 : i32 to vector<1x320xi32>
    %mul3A_2996 = arith.muli %add3A_2993, %mul3A_2995 : vector<1x320xi32>
    %add3A_2997 = arith.addi %mul3A_2996, %convert_element_type3A_2891 : vector<1x320xi32>
    %mul3A_2998 = arith.constant 52 : i32
    %mul3A_2999 = vector.broadcast %mul3A_2998 : i32 to vector<1x320xi32>
    %mul3A_3000 = arith.muli %add3A_2997, %mul3A_2999 : vector<1x320xi32>
    %add3A_3001 = arith.addi %mul3A_3000, %convert_element_type3A_2887 : vector<1x320xi32>
    %mul3A_3002 = arith.constant 3 : i32
    %mul3A_3003 = vector.broadcast %mul3A_3002 : i32 to vector<1x320xi32>
    %mul3A_3004 = arith.muli %select_n3A_2987, %mul3A_3003 : vector<1x320xi32>
    %add3A_3005 = arith.constant 1 : i32
    %add3A_3006 = vector.broadcast %add3A_3005 : i32 to vector<1x320xi32>
    %add3A_3007 = arith.addi %mul3A_3004, %add3A_3006 : vector<1x320xi32>
    %mul3A_3008 = arith.constant 52 : i32
    %mul3A_3009 = vector.broadcast %mul3A_3008 : i32 to vector<1x320xi32>
    %mul3A_3010 = arith.muli %add3A_3007, %mul3A_3009 : vector<1x320xi32>
    %add3A_3011 = arith.addi %mul3A_3010, %convert_element_type3A_2891 : vector<1x320xi32>
    %mul3A_3012 = arith.constant 52 : i32
    %mul3A_3013 = vector.broadcast %mul3A_3012 : i32 to vector<1x320xi32>
    %mul3A_3014 = arith.muli %add3A_3011, %mul3A_3013 : vector<1x320xi32>
    %add3A_3015 = arith.addi %mul3A_3014, %convert_element_type3A_2887 : vector<1x320xi32>
    %mul3A_3016 = arith.constant 3 : i32
    %mul3A_3017 = vector.broadcast %mul3A_3016 : i32 to vector<1x320xi32>
    %mul3A_3018 = arith.muli %select_n3A_2987, %mul3A_3017 : vector<1x320xi32>
    %add3A_3019 = arith.constant 2 : i32
    %add3A_3020 = vector.broadcast %add3A_3019 : i32 to vector<1x320xi32>
    %add3A_3021 = arith.addi %mul3A_3018, %add3A_3020 : vector<1x320xi32>
    %mul3A_3022 = arith.constant 52 : i32
    %mul3A_3023 = vector.broadcast %mul3A_3022 : i32 to vector<1x320xi32>
    %mul3A_3024 = arith.muli %add3A_3021, %mul3A_3023 : vector<1x320xi32>
    %add3A_3025 = arith.addi %mul3A_3024, %convert_element_type3A_2891 : vector<1x320xi32>
    %mul3A_3026 = arith.constant 52 : i32
    %mul3A_3027 = vector.broadcast %mul3A_3026 : i32 to vector<1x320xi32>
    %mul3A_3028 = arith.muli %add3A_3025, %mul3A_3027 : vector<1x320xi32>
    %add3A_3029 = arith.addi %mul3A_3028, %convert_element_type3A_2887 : vector<1x320xi32>
    %eq3A_3030 = arith.constant 0 : i32
    %eq3A_3031 = vector.broadcast %eq3A_3030 : i32 to vector<1x320xi32>
    %eq3A_3032 = arith.cmpi eq, %select_n3A_2956, %eq3A_3031 : vector<1x320xi32>
    %eq3A_3033 = arith.constant 1 : i32
    %eq3A_3034 = vector.broadcast %eq3A_3033 : i32 to vector<1x320xi32>
    %eq3A_3035 = arith.cmpi eq, %select_n3A_2956, %eq3A_3034 : vector<1x320xi32>
    %select_n3A_3036 = arith.select %eq3A_3035, %add3A_3015, %add3A_3029 : vector<1x320xi1>, vector<1x320xi32>
    %select_n3A_3037 = arith.select %eq3A_3032, %add3A_3001, %select_n3A_3036 : vector<1x320xi1>, vector<1x320xi32>
    %eq3A_3038 = arith.cmpi eq, %select_n3A_3037, %select_n3A_3037 : vector<1x320xi32>
    %iota3A_3039 = tpu.iota {dimensions = array<i32: 0>} : vector<320x1xi32>
    %slice3A_3040 = vector.extract_strided_slice %select_n3A_3037 {offsets = [0, 0], sizes = [1, 64], strides = [1, 1]} : vector<1x320xi32> to vector<1x64xi32>
    %slice3A_3041 = vector.extract_strided_slice %eq3A_3038 {offsets = [0, 0], sizes = [1, 64], strides = [1, 1]} : vector<1x320xi1> to vector<1x64xi1>
    %iota3A_3042 = tpu.iota {dimensions = array<i32: 1>} : vector<1x64xi32>
    %add3A_3043 = arith.constant 0 : i32
    %add3A_3044 = vector.broadcast %add3A_3043 : i32 to vector<1x64xi32>
    %add3A_3045 = arith.addi %iota3A_3042, %add3A_3044 : vector<1x64xi32>
    %gt3A_3046 = vector.broadcast %add3A_3045 : vector<1x64xi32> to vector<320x64xi32>
    %gt3A_3047 = vector.broadcast %iota3A_3039 : vector<320x1xi32> to vector<320x64xi32>
    %gt3A_3048 = arith.cmpi sgt, %gt3A_3046, %gt3A_3047 : vector<320x64xi32>
    %eq3A_3049 = vector.broadcast %slice3A_3040 : vector<1x64xi32> to vector<320x64xi32>
    %eq3A_3050 = vector.broadcast %select_n3A_2871 : vector<320x1xi32> to vector<320x64xi32>
    %eq3A_3051 = arith.cmpi eq, %eq3A_3049, %eq3A_3050 : vector<320x64xi32>
    %and3A_3052 = vector.broadcast %slice3A_3041 : vector<1x64xi1> to vector<320x64xi1>
    %and3A_3053 = arith.andi %eq3A_3051, %and3A_3052 : vector<320x64xi1>
    %and3A_3054 = arith.andi %and3A_3053, %gt3A_3048 : vector<320x64xi1>
    %reduce_or3A_3055 = arith.constant 1.000000e+00 : f32
    %reduce_or3A_3056 = arith.constant 0.000000e+00 : f32
    %reduce_or3A_3057 = vector.broadcast %reduce_or3A_3055 : f32 to vector<320x64xf32>
    %reduce_or3A_3058 = vector.broadcast %reduce_or3A_3056 : f32 to vector<320x64xf32>
    %reduce_or3A_3059 = arith.select %and3A_3054, %reduce_or3A_3057, %reduce_or3A_3058 : vector<320x64xi1>, vector<320x64xf32>
    %reduce_or3A_3060 = arith.constant dense<0xFF800000> : vector<320xf32>
    %reduce_or3A_3061 = vector.multi_reduction <maximumf>, %reduce_or3A_3059, %reduce_or3A_3060 [1] : vector<320x64xf32> to vector<320xf32>
    %reduce_or3A_3062 = arith.constant 0.000000e+00 : f32
    %reduce_or3A_3063 = vector.broadcast %reduce_or3A_3062 : f32 to vector<320xf32>
    %reduce_or3A_3064 = arith.cmpf ogt, %reduce_or3A_3061, %reduce_or3A_3063 : vector<320xf32>
    %broadcast_in_dim3A_3065 = vector.shape_cast %reduce_or3A_3064 : vector<320xi1> to vector<320x1xi1>
    %slice3A_3066 = vector.extract_strided_slice %select_n3A_3037 {offsets = [0, 64], sizes = [1, 64], strides = [1, 1]} : vector<1x320xi32> to vector<1x64xi32>
    %slice3A_3067 = vector.extract_strided_slice %eq3A_3038 {offsets = [0, 64], sizes = [1, 64], strides = [1, 1]} : vector<1x320xi1> to vector<1x64xi1>
    %iota3A_3068 = tpu.iota {dimensions = array<i32: 1>} : vector<1x64xi32>
    %add3A_3069 = arith.constant 64 : i32
    %add3A_3070 = vector.broadcast %add3A_3069 : i32 to vector<1x64xi32>
    %add3A_3071 = arith.addi %iota3A_3068, %add3A_3070 : vector<1x64xi32>
    %gt3A_3072 = vector.broadcast %add3A_3071 : vector<1x64xi32> to vector<320x64xi32>
    %gt3A_3073 = vector.broadcast %iota3A_3039 : vector<320x1xi32> to vector<320x64xi32>
    %gt3A_3074 = arith.cmpi sgt, %gt3A_3072, %gt3A_3073 : vector<320x64xi32>
    %eq3A_3075 = vector.broadcast %slice3A_3066 : vector<1x64xi32> to vector<320x64xi32>
    %eq3A_3076 = vector.broadcast %select_n3A_2871 : vector<320x1xi32> to vector<320x64xi32>
    %eq3A_3077 = arith.cmpi eq, %eq3A_3075, %eq3A_3076 : vector<320x64xi32>
    %and3A_3078 = vector.broadcast %slice3A_3067 : vector<1x64xi1> to vector<320x64xi1>
    %and3A_3079 = arith.andi %eq3A_3077, %and3A_3078 : vector<320x64xi1>
    %and3A_3080 = arith.andi %and3A_3079, %gt3A_3074 : vector<320x64xi1>
    %reduce_or3A_3081 = arith.constant 1.000000e+00 : f32
    %reduce_or3A_3082 = arith.constant 0.000000e+00 : f32
    %reduce_or3A_3083 = vector.broadcast %reduce_or3A_3081 : f32 to vector<320x64xf32>
    %reduce_or3A_3084 = vector.broadcast %reduce_or3A_3082 : f32 to vector<320x64xf32>
    %reduce_or3A_3085 = arith.select %and3A_3080, %reduce_or3A_3083, %reduce_or3A_3084 : vector<320x64xi1>, vector<320x64xf32>
    %reduce_or3A_3086 = arith.constant dense<0xFF800000> : vector<320xf32>
    %reduce_or3A_3087 = vector.multi_reduction <maximumf>, %reduce_or3A_3085, %reduce_or3A_3086 [1] : vector<320x64xf32> to vector<320xf32>
    %reduce_or3A_3088 = arith.constant 0.000000e+00 : f32
    %reduce_or3A_3089 = vector.broadcast %reduce_or3A_3088 : f32 to vector<320xf32>
    %reduce_or3A_3090 = arith.cmpf ogt, %reduce_or3A_3087, %reduce_or3A_3089 : vector<320xf32>
    %broadcast_in_dim3A_3091 = vector.shape_cast %reduce_or3A_3090 : vector<320xi1> to vector<320x1xi1>
    %or3A_3092 = arith.ori %broadcast_in_dim3A_3065, %broadcast_in_dim3A_3091 : vector<320x1xi1>
    %slice3A_3093 = vector.extract_strided_slice %select_n3A_3037 {offsets = [0, 128], sizes = [1, 64], strides = [1, 1]} : vector<1x320xi32> to vector<1x64xi32>
    %slice3A_3094 = vector.extract_strided_slice %eq3A_3038 {offsets = [0, 128], sizes = [1, 64], strides = [1, 1]} : vector<1x320xi1> to vector<1x64xi1>
    %iota3A_3095 = tpu.iota {dimensions = array<i32: 1>} : vector<1x64xi32>
    %add3A_3096 = arith.constant 128 : i32
    %add3A_3097 = vector.broadcast %add3A_3096 : i32 to vector<1x64xi32>
    %add3A_3098 = arith.addi %iota3A_3095, %add3A_3097 : vector<1x64xi32>
    %gt3A_3099 = vector.broadcast %add3A_3098 : vector<1x64xi32> to vector<320x64xi32>
    %gt3A_3100 = vector.broadcast %iota3A_3039 : vector<320x1xi32> to vector<320x64xi32>
    %gt3A_3101 = arith.cmpi sgt, %gt3A_3099, %gt3A_3100 : vector<320x64xi32>
    %eq3A_3102 = vector.broadcast %slice3A_3093 : vector<1x64xi32> to vector<320x64xi32>
    %eq3A_3103 = vector.broadcast %select_n3A_2871 : vector<320x1xi32> to vector<320x64xi32>
    %eq3A_3104 = arith.cmpi eq, %eq3A_3102, %eq3A_3103 : vector<320x64xi32>
    %and3A_3105 = vector.broadcast %slice3A_3094 : vector<1x64xi1> to vector<320x64xi1>
    %and3A_3106 = arith.andi %eq3A_3104, %and3A_3105 : vector<320x64xi1>
    %and3A_3107 = arith.andi %and3A_3106, %gt3A_3101 : vector<320x64xi1>
    %reduce_or3A_3108 = arith.constant 1.000000e+00 : f32
    %reduce_or3A_3109 = arith.constant 0.000000e+00 : f32
    %reduce_or3A_3110 = vector.broadcast %reduce_or3A_3108 : f32 to vector<320x64xf32>
    %reduce_or3A_3111 = vector.broadcast %reduce_or3A_3109 : f32 to vector<320x64xf32>
    %reduce_or3A_3112 = arith.select %and3A_3107, %reduce_or3A_3110, %reduce_or3A_3111 : vector<320x64xi1>, vector<320x64xf32>
    %reduce_or3A_3113 = arith.constant dense<0xFF800000> : vector<320xf32>
    %reduce_or3A_3114 = vector.multi_reduction <maximumf>, %reduce_or3A_3112, %reduce_or3A_3113 [1] : vector<320x64xf32> to vector<320xf32>
    %reduce_or3A_3115 = arith.constant 0.000000e+00 : f32
    %reduce_or3A_3116 = vector.broadcast %reduce_or3A_3115 : f32 to vector<320xf32>
    %reduce_or3A_3117 = arith.cmpf ogt, %reduce_or3A_3114, %reduce_or3A_3116 : vector<320xf32>
    %broadcast_in_dim3A_3118 = vector.shape_cast %reduce_or3A_3117 : vector<320xi1> to vector<320x1xi1>
    %or3A_3119 = arith.ori %or3A_3092, %broadcast_in_dim3A_3118 : vector<320x1xi1>
    %slice3A_3120 = vector.extract_strided_slice %select_n3A_3037 {offsets = [0, 192], sizes = [1, 64], strides = [1, 1]} : vector<1x320xi32> to vector<1x64xi32>
    %slice3A_3121 = vector.extract_strided_slice %eq3A_3038 {offsets = [0, 192], sizes = [1, 64], strides = [1, 1]} : vector<1x320xi1> to vector<1x64xi1>
    %iota3A_3122 = tpu.iota {dimensions = array<i32: 1>} : vector<1x64xi32>
    %add3A_3123 = arith.constant 192 : i32
    %add3A_3124 = vector.broadcast %add3A_3123 : i32 to vector<1x64xi32>
    %add3A_3125 = arith.addi %iota3A_3122, %add3A_3124 : vector<1x64xi32>
    %gt3A_3126 = vector.broadcast %add3A_3125 : vector<1x64xi32> to vector<320x64xi32>
    %gt3A_3127 = vector.broadcast %iota3A_3039 : vector<320x1xi32> to vector<320x64xi32>
    %gt3A_3128 = arith.cmpi sgt, %gt3A_3126, %gt3A_3127 : vector<320x64xi32>
    %eq3A_3129 = vector.broadcast %slice3A_3120 : vector<1x64xi32> to vector<320x64xi32>
    %eq3A_3130 = vector.broadcast %select_n3A_2871 : vector<320x1xi32> to vector<320x64xi32>
    %eq3A_3131 = arith.cmpi eq, %eq3A_3129, %eq3A_3130 : vector<320x64xi32>
    %and3A_3132 = vector.broadcast %slice3A_3121 : vector<1x64xi1> to vector<320x64xi1>
    %and3A_3133 = arith.andi %eq3A_3131, %and3A_3132 : vector<320x64xi1>
    %and3A_3134 = arith.andi %and3A_3133, %gt3A_3128 : vector<320x64xi1>
    %reduce_or3A_3135 = arith.constant 1.000000e+00 : f32
    %reduce_or3A_3136 = arith.constant 0.000000e+00 : f32
    %reduce_or3A_3137 = vector.broadcast %reduce_or3A_3135 : f32 to vector<320x64xf32>
    %reduce_or3A_3138 = vector.broadcast %reduce_or3A_3136 : f32 to vector<320x64xf32>
    %reduce_or3A_3139 = arith.select %and3A_3134, %reduce_or3A_3137, %reduce_or3A_3138 : vector<320x64xi1>, vector<320x64xf32>
    %reduce_or3A_3140 = arith.constant dense<0xFF800000> : vector<320xf32>
    %reduce_or3A_3141 = vector.multi_reduction <maximumf>, %reduce_or3A_3139, %reduce_or3A_3140 [1] : vector<320x64xf32> to vector<320xf32>
    %reduce_or3A_3142 = arith.constant 0.000000e+00 : f32
    %reduce_or3A_3143 = vector.broadcast %reduce_or3A_3142 : f32 to vector<320xf32>
    %reduce_or3A_3144 = arith.cmpf ogt, %reduce_or3A_3141, %reduce_or3A_3143 : vector<320xf32>
    %broadcast_in_dim3A_3145 = vector.shape_cast %reduce_or3A_3144 : vector<320xi1> to vector<320x1xi1>
    %or3A_3146 = arith.ori %or3A_3119, %broadcast_in_dim3A_3145 : vector<320x1xi1>
    %slice3A_3147 = vector.extract_strided_slice %select_n3A_3037 {offsets = [0, 256], sizes = [1, 64], strides = [1, 1]} : vector<1x320xi32> to vector<1x64xi32>
    %slice3A_3148 = vector.extract_strided_slice %eq3A_3038 {offsets = [0, 256], sizes = [1, 64], strides = [1, 1]} : vector<1x320xi1> to vector<1x64xi1>
    %iota3A_3149 = tpu.iota {dimensions = array<i32: 1>} : vector<1x64xi32>
    %add3A_3150 = arith.constant 256 : i32
    %add3A_3151 = vector.broadcast %add3A_3150 : i32 to vector<1x64xi32>
    %add3A_3152 = arith.addi %iota3A_3149, %add3A_3151 : vector<1x64xi32>
    %gt3A_3153 = vector.broadcast %add3A_3152 : vector<1x64xi32> to vector<320x64xi32>
    %gt3A_3154 = vector.broadcast %iota3A_3039 : vector<320x1xi32> to vector<320x64xi32>
    %gt3A_3155 = arith.cmpi sgt, %gt3A_3153, %gt3A_3154 : vector<320x64xi32>
    %eq3A_3156 = vector.broadcast %slice3A_3147 : vector<1x64xi32> to vector<320x64xi32>
    %eq3A_3157 = vector.broadcast %select_n3A_2871 : vector<320x1xi32> to vector<320x64xi32>
    %eq3A_3158 = arith.cmpi eq, %eq3A_3156, %eq3A_3157 : vector<320x64xi32>
    %and3A_3159 = vector.broadcast %slice3A_3148 : vector<1x64xi1> to vector<320x64xi1>
    %and3A_3160 = arith.andi %eq3A_3158, %and3A_3159 : vector<320x64xi1>
    %and3A_3161 = arith.andi %and3A_3160, %gt3A_3155 : vector<320x64xi1>
    %reduce_or3A_3162 = arith.constant 1.000000e+00 : f32
    %reduce_or3A_3163 = arith.constant 0.000000e+00 : f32
    %reduce_or3A_3164 = vector.broadcast %reduce_or3A_3162 : f32 to vector<320x64xf32>
    %reduce_or3A_3165 = vector.broadcast %reduce_or3A_3163 : f32 to vector<320x64xf32>
    %reduce_or3A_3166 = arith.select %and3A_3161, %reduce_or3A_3164, %reduce_or3A_3165 : vector<320x64xi1>, vector<320x64xf32>
    %reduce_or3A_3167 = arith.constant dense<0xFF800000> : vector<320xf32>
    %reduce_or3A_3168 = vector.multi_reduction <maximumf>, %reduce_or3A_3166, %reduce_or3A_3167 [1] : vector<320x64xf32> to vector<320xf32>
    %reduce_or3A_3169 = arith.constant 0.000000e+00 : f32
    %reduce_or3A_3170 = vector.broadcast %reduce_or3A_3169 : f32 to vector<320xf32>
    %reduce_or3A_3171 = arith.cmpf ogt, %reduce_or3A_3168, %reduce_or3A_3170 : vector<320xf32>
    %broadcast_in_dim3A_3172 = vector.shape_cast %reduce_or3A_3171 : vector<320xi1> to vector<320x1xi1>
    %or3A_3173 = arith.ori %or3A_3146, %broadcast_in_dim3A_3172 : vector<320x1xi1>
    %not3A_3174 = arith.constant dense<true> : vector<320x1xi1>
    %not3A_3175 = arith.xori %or3A_3173, %not3A_3174 : vector<320x1xi1>
    %get3A_3176 = arith.constant 0 : index
    %get3A_3177 = arith.constant 0 : index
    %get3A_3178 = arith.constant 0 : index
    %get3A_3179 = vector.load %arg2[%get3A_3176, %get3A_3177, %get3A_3178] : memref<3x320x128xf32, #tpu.memory_space<vmem>>, vector<1x320x128xf32>
    %get3A_3180 = vector.shape_cast %get3A_3179 : vector<1x320x128xf32> to vector<320x128xf32>
    %get3A_3181 = arith.constant 1 : index
    %get3A_3182 = arith.constant 0 : index
    %get3A_3183 = arith.constant 0 : index
    %get3A_3184 = vector.load %arg2[%get3A_3181, %get3A_3182, %get3A_3183] : memref<3x320x128xf32, #tpu.memory_space<vmem>>, vector<1x320x128xf32>
    %get3A_3185 = vector.shape_cast %get3A_3184 : vector<1x320x128xf32> to vector<320x128xf32>
    %get3A_3186 = arith.constant 2 : index
    %get3A_3187 = arith.constant 0 : index
    %get3A_3188 = arith.constant 0 : index
    %get3A_3189 = vector.load %arg2[%get3A_3186, %get3A_3187, %get3A_3188] : memref<3x320x128xf32, #tpu.memory_space<vmem>>, vector<1x320x128xf32>
    %get3A_3190 = vector.shape_cast %get3A_3189 : vector<1x320x128xf32> to vector<320x128xf32>
    %broadcast_in_dim3A_3191 = vector.shape_cast %select_n3A_2790 : vector<320x1xi32> to vector<320x1xi32>
    %broadcast_in_dim3A_3192 = vector.broadcast %broadcast_in_dim3A_3191 : vector<320x1xi32> to vector<320x128xi32>
    %eq3A_3193 = arith.constant 0 : i32
    %eq3A_3194 = vector.broadcast %eq3A_3193 : i32 to vector<320x128xi32>
    %eq3A_3195 = arith.cmpi eq, %broadcast_in_dim3A_3192, %eq3A_3194 : vector<320x128xi32>
    %eq3A_3196 = arith.constant 1 : i32
    %eq3A_3197 = vector.broadcast %eq3A_3196 : i32 to vector<320x128xi32>
    %eq3A_3198 = arith.cmpi eq, %broadcast_in_dim3A_3192, %eq3A_3197 : vector<320x128xi32>
    %select_n3A_3199 = arith.select %eq3A_3198, %get3A_3185, %get3A_3190 : vector<320x128xi1>, vector<320x128xf32>
    %select_n3A_3200 = arith.select %eq3A_3195, %get3A_3180, %select_n3A_3199 : vector<320x128xi1>, vector<320x128xf32>
    %eq3A_3201 = arith.constant 0 : i32
    %eq3A_3202 = vector.broadcast %eq3A_3201 : i32 to vector<320x1xi32>
    %eq3A_3203 = arith.cmpi eq, %select_n3A_2790, %eq3A_3202 : vector<320x1xi32>
    %eq3A_3204 = arith.constant 1 : i32
    %eq3A_3205 = vector.broadcast %eq3A_3204 : i32 to vector<320x1xi32>
    %eq3A_3206 = arith.cmpi eq, %select_n3A_2790, %eq3A_3205 : vector<320x1xi32>
    %jit3A_3207 = arith.constant 0.0384615399 : f32
    %jit3A_3208 = arith.constant 0.0793269202 : f32
    %broadcast_in_dim3A_3209 = vector.broadcast %jit3A_3207 : f32 to vector<320x1xf32>
    %broadcast_in_dim3A_3210 = vector.broadcast %jit3A_3208 : f32 to vector<320x1xf32>
    %select_n3A_3211 = arith.select %eq3A_3206, %broadcast_in_dim3A_3209, %broadcast_in_dim3A_3210 : vector<320x1xi1>, vector<320x1xf32>
    %jit3A_3212 = arith.constant 0.024038462 : f32
    %broadcast_in_dim3A_3213 = vector.broadcast %jit3A_3212 : f32 to vector<320x1xf32>
    %select_n3A_3214 = arith.select %eq3A_3203, %broadcast_in_dim3A_3213, %select_n3A_3211 : vector<320x1xi1>, vector<320x1xf32>
    %eq3A_3215 = arith.constant 0 : i32
    %eq3A_3216 = vector.broadcast %eq3A_3215 : i32 to vector<320x1xi32>
    %eq3A_3217 = arith.cmpi eq, %select_n3A_2790, %eq3A_3216 : vector<320x1xi32>
    %eq3A_3218 = arith.constant 1 : i32
    %eq3A_3219 = vector.broadcast %eq3A_3218 : i32 to vector<320x1xi32>
    %eq3A_3220 = arith.cmpi eq, %select_n3A_2790, %eq3A_3219 : vector<320x1xi32>
    %jit3A_3221 = arith.constant 0.072115384 : f32
    %jit3A_3222 = arith.constant 0.0552884601 : f32
    %broadcast_in_dim3A_3223 = vector.broadcast %jit3A_3221 : f32 to vector<320x1xf32>
    %broadcast_in_dim3A_3224 = vector.broadcast %jit3A_3222 : f32 to vector<320x1xf32>
    %select_n3A_3225 = arith.select %eq3A_3220, %broadcast_in_dim3A_3223, %broadcast_in_dim3A_3224 : vector<320x1xi1>, vector<320x1xf32>
    %jit3A_3226 = arith.constant 3.125000e-02 : f32
    %broadcast_in_dim3A_3227 = vector.broadcast %jit3A_3226 : f32 to vector<320x1xf32>
    %select_n3A_3228 = arith.select %eq3A_3217, %broadcast_in_dim3A_3227, %select_n3A_3225 : vector<320x1xi1>, vector<320x1xf32>
    %convert_element_type3A_3229 = arith.sitofp %convert_element_type3A_2721 : vector<320x1xi32> to vector<320x1xf32>
    %convert_element_type3A_3230 = arith.sitofp %convert_element_type3A_2725 : vector<320x1xi32> to vector<320x1xf32>
    %slice3A_3231 = vector.extract_strided_slice %select_n3A_3200 {offsets = [0, 0], sizes = [320, 1], strides = [1, 1]} : vector<320x128xf32> to vector<320x1xf32>
    %neg3A_3232 = arith.constant 0.000000e+00 : f32
    %neg3A_3233 = vector.broadcast %neg3A_3232 : f32 to vector<320x1xf32>
    %neg3A_3234 = arith.subf %neg3A_3233, %slice3A_3231 : vector<320x1xf32>
    %exp3A_3235 = math.exp %neg3A_3234 : vector<320x1xf32>
    %add3A_3236 = arith.constant 1.000000e+00 : f32
    %add3A_3237 = vector.broadcast %add3A_3236 : f32 to vector<320x1xf32>
    %add3A_3238 = arith.addf %add3A_3237, %exp3A_3235 : vector<320x1xf32>
    %div3A_3239 = arith.constant 1.000000e+00 : f32
    %div3A_3240 = vector.broadcast %div3A_3239 : f32 to vector<320x1xf32>
    %div3A_3241 = arith.divf %div3A_3240, %add3A_3238 : vector<320x1xf32>
    %add3A_3242 = arith.addf %div3A_3241, %convert_element_type3A_3229 : vector<320x1xf32>
    %slice3A_3243 = vector.extract_strided_slice %select_n3A_3200 {offsets = [0, 1], sizes = [320, 1], strides = [1, 1]} : vector<320x128xf32> to vector<320x1xf32>
    %neg3A_3244 = arith.constant 0.000000e+00 : f32
    %neg3A_3245 = vector.broadcast %neg3A_3244 : f32 to vector<320x1xf32>
    %neg3A_3246 = arith.subf %neg3A_3245, %slice3A_3243 : vector<320x1xf32>
    %exp3A_3247 = math.exp %neg3A_3246 : vector<320x1xf32>
    %add3A_3248 = arith.constant 1.000000e+00 : f32
    %add3A_3249 = vector.broadcast %add3A_3248 : f32 to vector<320x1xf32>
    %add3A_3250 = arith.addf %add3A_3249, %exp3A_3247 : vector<320x1xf32>
    %div3A_3251 = arith.constant 1.000000e+00 : f32
    %div3A_3252 = vector.broadcast %div3A_3251 : f32 to vector<320x1xf32>
    %div3A_3253 = arith.divf %div3A_3252, %add3A_3250 : vector<320x1xf32>
    %add3A_3254 = arith.addf %div3A_3253, %convert_element_type3A_3230 : vector<320x1xf32>
    %slice3A_3255 = vector.extract_strided_slice %select_n3A_3200 {offsets = [0, 2], sizes = [320, 1], strides = [1, 1]} : vector<320x128xf32> to vector<320x1xf32>
    %exp3A_3256 = math.exp %slice3A_3255 : vector<320x1xf32>
    %mul3A_3257 = arith.mulf %exp3A_3256, %select_n3A_3214 : vector<320x1xf32>
    %slice3A_3258 = vector.extract_strided_slice %select_n3A_3200 {offsets = [0, 3], sizes = [320, 1], strides = [1, 1]} : vector<320x128xf32> to vector<320x1xf32>
    %exp3A_3259 = math.exp %slice3A_3258 : vector<320x1xf32>
    %mul3A_3260 = arith.mulf %exp3A_3259, %select_n3A_3228 : vector<320x1xf32>
    %get3A_3261 = arith.constant 0 : index
    %get3A_3262 = arith.constant 0 : index
    %get3A_3263 = vector.load %arg11[%get3A_3261, %get3A_3262] : memref<320x1xf32, #tpu.memory_space<vmem>>, vector<320x1xf32>
    %mul3A_3264 = arith.constant 5.200000e+01 : f32
    %mul3A_3265 = vector.broadcast %mul3A_3264 : f32 to vector<320x1xf32>
    %mul3A_3266 = arith.mulf %get3A_3263, %mul3A_3265 : vector<320x1xf32>
    %get3A_3267 = arith.constant 0 : index
    %get3A_3268 = arith.constant 0 : index
    %get3A_3269 = vector.load %arg12[%get3A_3267, %get3A_3268] : memref<320x1xf32, #tpu.memory_space<vmem>>, vector<320x1xf32>
    %mul3A_3270 = arith.constant 5.200000e+01 : f32
    %mul3A_3271 = vector.broadcast %mul3A_3270 : f32 to vector<320x1xf32>
    %mul3A_3272 = arith.mulf %get3A_3269, %mul3A_3271 : vector<320x1xf32>
    %mul3A_3273 = arith.constant 5.000000e-01 : f32
    %mul3A_3274 = vector.broadcast %mul3A_3273 : f32 to vector<320x1xf32>
    %mul3A_3275 = arith.mulf %mul3A_3257, %mul3A_3274 : vector<320x1xf32>
    %sub3A_3276 = arith.subf %add3A_3242, %mul3A_3275 : vector<320x1xf32>
    %mul3A_3277 = arith.constant 5.000000e-01 : f32
    %mul3A_3278 = vector.broadcast %mul3A_3277 : f32 to vector<320x1xf32>
    %mul3A_3279 = arith.mulf %mul3A_3260, %mul3A_3278 : vector<320x1xf32>
    %sub3A_3280 = arith.subf %add3A_3254, %mul3A_3279 : vector<320x1xf32>
    %mul3A_3281 = arith.constant 5.000000e-01 : f32
    %mul3A_3282 = vector.broadcast %mul3A_3281 : f32 to vector<320x1xf32>
    %mul3A_3283 = arith.mulf %mul3A_3257, %mul3A_3282 : vector<320x1xf32>
    %add3A_3284 = arith.addf %add3A_3242, %mul3A_3283 : vector<320x1xf32>
    %mul3A_3285 = arith.constant 5.000000e-01 : f32
    %mul3A_3286 = vector.broadcast %mul3A_3285 : f32 to vector<320x1xf32>
    %mul3A_3287 = arith.mulf %mul3A_3260, %mul3A_3286 : vector<320x1xf32>
    %add3A_3288 = arith.addf %add3A_3254, %mul3A_3287 : vector<320x1xf32>
    %mul3A_3289 = arith.constant 5.000000e-01 : f32
    %mul3A_3290 = vector.broadcast %mul3A_3289 : f32 to vector<320x1xf32>
    %mul3A_3291 = arith.mulf %mul3A_2728, %mul3A_3290 : vector<320x1xf32>
    %sub3A_3292 = arith.subf %mul3A_3266, %mul3A_3291 : vector<320x1xf32>
    %mul3A_3293 = arith.constant 5.000000e-01 : f32
    %mul3A_3294 = vector.broadcast %mul3A_3293 : f32 to vector<320x1xf32>
    %mul3A_3295 = arith.mulf %mul3A_2731, %mul3A_3294 : vector<320x1xf32>
    %sub3A_3296 = arith.subf %mul3A_3272, %mul3A_3295 : vector<320x1xf32>
    %mul3A_3297 = arith.constant 5.000000e-01 : f32
    %mul3A_3298 = vector.broadcast %mul3A_3297 : f32 to vector<320x1xf32>
    %mul3A_3299 = arith.mulf %mul3A_2728, %mul3A_3298 : vector<320x1xf32>
    %add3A_3300 = arith.addf %mul3A_3266, %mul3A_3299 : vector<320x1xf32>
    %mul3A_3301 = arith.constant 5.000000e-01 : f32
    %mul3A_3302 = vector.broadcast %mul3A_3301 : f32 to vector<320x1xf32>
    %mul3A_3303 = arith.mulf %mul3A_2731, %mul3A_3302 : vector<320x1xf32>
    %add3A_3304 = arith.addf %mul3A_3272, %mul3A_3303 : vector<320x1xf32>
    %mul3A_3305 = arith.mulf %mul3A_3257, %mul3A_3260 : vector<320x1xf32>
    %mul3A_3306 = arith.mulf %mul3A_2728, %mul3A_2731 : vector<320x1xf32>
    %min3A_3307 = arith.minimumf %add3A_3284, %add3A_3300 : vector<320x1xf32>
    %max3A_3308 = arith.maximumf %sub3A_3276, %sub3A_3292 : vector<320x1xf32>
    %sub3A_3309 = arith.subf %min3A_3307, %max3A_3308 : vector<320x1xf32>
    %max3A_3310 = arith.constant 0.000000e+00 : f32
    %max3A_3311 = vector.broadcast %max3A_3310 : f32 to vector<320x1xf32>
    %max3A_3312 = arith.maximumf %sub3A_3309, %max3A_3311 : vector<320x1xf32>
    %min3A_3313 = arith.minimumf %add3A_3288, %add3A_3304 : vector<320x1xf32>
    %max3A_3314 = arith.maximumf %sub3A_3280, %sub3A_3296 : vector<320x1xf32>
    %sub3A_3315 = arith.subf %min3A_3313, %max3A_3314 : vector<320x1xf32>
    %max3A_3316 = arith.constant 0.000000e+00 : f32
    %max3A_3317 = vector.broadcast %max3A_3316 : f32 to vector<320x1xf32>
    %max3A_3318 = arith.maximumf %sub3A_3315, %max3A_3317 : vector<320x1xf32>
    %mul3A_3319 = arith.mulf %max3A_3312, %max3A_3318 : vector<320x1xf32>
    %add3A_3320 = arith.addf %mul3A_3305, %mul3A_3306 : vector<320x1xf32>
    %sub3A_3321 = arith.subf %add3A_3320, %mul3A_3319 : vector<320x1xf32>
    %add3A_3322 = arith.constant 9.99999997E-7 : f32
    %add3A_3323 = vector.broadcast %add3A_3322 : f32 to vector<320x1xf32>
    %add3A_3324 = arith.addf %sub3A_3321, %add3A_3323 : vector<320x1xf32>
    %div3A_3325 = arith.divf %mul3A_3319, %add3A_3324 : vector<320x1xf32>
    %sub3A_3326 = arith.subf %mul3A_3266, %add3A_3242 : vector<320x1xf32>
    %integer_pow3A_3327 = arith.mulf %sub3A_3326, %sub3A_3326 : vector<320x1xf32>
    %sub3A_3328 = arith.subf %mul3A_3272, %add3A_3254 : vector<320x1xf32>
    %integer_pow3A_3329 = arith.mulf %sub3A_3328, %sub3A_3328 : vector<320x1xf32>
    %add3A_3330 = arith.addf %integer_pow3A_3327, %integer_pow3A_3329 : vector<320x1xf32>
    %max3A_3331 = arith.maximumf %add3A_3284, %add3A_3300 : vector<320x1xf32>
    %min3A_3332 = arith.minimumf %sub3A_3276, %sub3A_3292 : vector<320x1xf32>
    %sub3A_3333 = arith.subf %max3A_3331, %min3A_3332 : vector<320x1xf32>
    %integer_pow3A_3334 = arith.mulf %sub3A_3333, %sub3A_3333 : vector<320x1xf32>
    %max3A_3335 = arith.maximumf %add3A_3288, %add3A_3304 : vector<320x1xf32>
    %min3A_3336 = arith.minimumf %sub3A_3280, %sub3A_3296 : vector<320x1xf32>
    %sub3A_3337 = arith.subf %max3A_3335, %min3A_3336 : vector<320x1xf32>
    %integer_pow3A_3338 = arith.mulf %sub3A_3337, %sub3A_3337 : vector<320x1xf32>
    %add3A_3339 = arith.addf %integer_pow3A_3334, %integer_pow3A_3338 : vector<320x1xf32>
    %add3A_3340 = arith.constant 9.99999997E-7 : f32
    %add3A_3341 = vector.broadcast %add3A_3340 : f32 to vector<320x1xf32>
    %add3A_3342 = arith.addf %add3A_3339, %add3A_3341 : vector<320x1xf32>
    %add3A_3343 = arith.constant 9.99999997E-7 : f32
    %add3A_3344 = vector.broadcast %add3A_3343 : f32 to vector<320x1xf32>
    %add3A_3345 = arith.addf %mul3A_3260, %add3A_3344 : vector<320x1xf32>
    %div3A_3346 = arith.divf %mul3A_3257, %add3A_3345 : vector<320x1xf32>
    %max3A_3347 = arith.constant 1.000000e-30 : f32
    %max3A_3348 = vector.broadcast %max3A_3347 : f32 to vector<320x1xf32>
    %max3A_3349 = arith.maximumf %div3A_3346, %max3A_3348 : vector<320x1xf32>
    %div3A_3350 = arith.constant 1.000000e+00 : f32
    %div3A_3351 = vector.broadcast %div3A_3350 : f32 to vector<320x1xf32>
    %div3A_3352 = arith.divf %div3A_3351, %max3A_3349 : vector<320x1xf32>
    %min3A_3353 = arith.minimumf %div3A_3346, %div3A_3352 : vector<320x1xf32>
    %mul3A_3354 = arith.mulf %min3A_3353, %min3A_3353 : vector<320x1xf32>
    %broadcast_in_dim3A_3355 = arith.constant -0.00180449022 : f32
    %broadcast_in_dim3A_3356 = vector.broadcast %broadcast_in_dim3A_3355 : f32 to vector<320x1xf32>
    %mul3A_3357 = arith.mulf %broadcast_in_dim3A_3356, %mul3A_3354 : vector<320x1xf32>
    %add3A_3358 = arith.constant 0.0109624434 : f32
    %add3A_3359 = vector.broadcast %add3A_3358 : f32 to vector<320x1xf32>
    %add3A_3360 = arith.addf %mul3A_3357, %add3A_3359 : vector<320x1xf32>
    %mul3A_3361 = arith.mulf %add3A_3360, %mul3A_3354 : vector<320x1xf32>
    %add3A_3362 = arith.constant -0.0312645063 : f32
    %add3A_3363 = vector.broadcast %add3A_3362 : f32 to vector<320x1xf32>
    %add3A_3364 = arith.addf %mul3A_3361, %add3A_3363 : vector<320x1xf32>
    %mul3A_3365 = arith.mulf %add3A_3364, %mul3A_3354 : vector<320x1xf32>
    %add3A_3366 = arith.constant 0.0580404513 : f32
    %add3A_3367 = vector.broadcast %add3A_3366 : f32 to vector<320x1xf32>
    %add3A_3368 = arith.addf %mul3A_3365, %add3A_3367 : vector<320x1xf32>
    %mul3A_3369 = arith.mulf %add3A_3368, %mul3A_3354 : vector<320x1xf32>
    %add3A_3370 = arith.constant -0.0840787888 : f32
    %add3A_3371 = vector.broadcast %add3A_3370 : f32 to vector<320x1xf32>
    %add3A_3372 = arith.addf %mul3A_3369, %add3A_3371 : vector<320x1xf32>
    %mul3A_3373 = arith.mulf %add3A_3372, %mul3A_3354 : vector<320x1xf32>
    %add3A_3374 = arith.constant 0.109534502 : f32
    %add3A_3375 = vector.broadcast %add3A_3374 : f32 to vector<320x1xf32>
    %add3A_3376 = arith.addf %mul3A_3373, %add3A_3375 : vector<320x1xf32>
    %mul3A_3377 = arith.mulf %add3A_3376, %mul3A_3354 : vector<320x1xf32>
    %add3A_3378 = arith.constant -0.142643899 : f32
    %add3A_3379 = vector.broadcast %add3A_3378 : f32 to vector<320x1xf32>
    %add3A_3380 = arith.addf %mul3A_3377, %add3A_3379 : vector<320x1xf32>
    %mul3A_3381 = arith.mulf %add3A_3380, %mul3A_3354 : vector<320x1xf32>
    %add3A_3382 = arith.constant 0.19998543 : f32
    %add3A_3383 = vector.broadcast %add3A_3382 : f32 to vector<320x1xf32>
    %add3A_3384 = arith.addf %mul3A_3381, %add3A_3383 : vector<320x1xf32>
    %mul3A_3385 = arith.mulf %add3A_3384, %mul3A_3354 : vector<320x1xf32>
    %add3A_3386 = arith.constant -0.333332956 : f32
    %add3A_3387 = vector.broadcast %add3A_3386 : f32 to vector<320x1xf32>
    %add3A_3388 = arith.addf %mul3A_3385, %add3A_3387 : vector<320x1xf32>
    %mul3A_3389 = arith.mulf %add3A_3388, %mul3A_3354 : vector<320x1xf32>
    %add3A_3390 = arith.constant 1.000000e+00 : f32
    %add3A_3391 = vector.broadcast %add3A_3390 : f32 to vector<320x1xf32>
    %add3A_3392 = arith.addf %mul3A_3389, %add3A_3391 : vector<320x1xf32>
    %mul3A_3393 = arith.mulf %min3A_3353, %add3A_3392 : vector<320x1xf32>
    %le3A_3394 = arith.constant 1.000000e+00 : f32
    %le3A_3395 = vector.broadcast %le3A_3394 : f32 to vector<320x1xf32>
    %le3A_3396 = arith.cmpf ole, %div3A_3346, %le3A_3395 : vector<320x1xf32>
    %sub3A_3397 = arith.constant 1.57079637 : f32
    %sub3A_3398 = vector.broadcast %sub3A_3397 : f32 to vector<320x1xf32>
    %sub3A_3399 = arith.subf %sub3A_3398, %mul3A_3393 : vector<320x1xf32>
    %select_n3A_3400 = arith.select %le3A_3396, %mul3A_3393, %sub3A_3399 : vector<320x1xi1>, vector<320x1xf32>
    %add3A_3401 = arith.constant 9.99999997E-7 : f32
    %add3A_3402 = vector.broadcast %add3A_3401 : f32 to vector<320x1xf32>
    %add3A_3403 = arith.addf %mul3A_2731, %add3A_3402 : vector<320x1xf32>
    %div3A_3404 = arith.divf %mul3A_2728, %add3A_3403 : vector<320x1xf32>
    %max3A_3405 = arith.constant 1.000000e-30 : f32
    %max3A_3406 = vector.broadcast %max3A_3405 : f32 to vector<320x1xf32>
    %max3A_3407 = arith.maximumf %div3A_3404, %max3A_3406 : vector<320x1xf32>
    %div3A_3408 = arith.constant 1.000000e+00 : f32
    %div3A_3409 = vector.broadcast %div3A_3408 : f32 to vector<320x1xf32>
    %div3A_3410 = arith.divf %div3A_3409, %max3A_3407 : vector<320x1xf32>
    %min3A_3411 = arith.minimumf %div3A_3404, %div3A_3410 : vector<320x1xf32>
    %mul3A_3412 = arith.mulf %min3A_3411, %min3A_3411 : vector<320x1xf32>
    %broadcast_in_dim3A_3413 = arith.constant -0.00180449022 : f32
    %broadcast_in_dim3A_3414 = vector.broadcast %broadcast_in_dim3A_3413 : f32 to vector<320x1xf32>
    %mul3A_3415 = arith.mulf %broadcast_in_dim3A_3414, %mul3A_3412 : vector<320x1xf32>
    %add3A_3416 = arith.constant 0.0109624434 : f32
    %add3A_3417 = vector.broadcast %add3A_3416 : f32 to vector<320x1xf32>
    %add3A_3418 = arith.addf %mul3A_3415, %add3A_3417 : vector<320x1xf32>
    %mul3A_3419 = arith.mulf %add3A_3418, %mul3A_3412 : vector<320x1xf32>
    %add3A_3420 = arith.constant -0.0312645063 : f32
    %add3A_3421 = vector.broadcast %add3A_3420 : f32 to vector<320x1xf32>
    %add3A_3422 = arith.addf %mul3A_3419, %add3A_3421 : vector<320x1xf32>
    %mul3A_3423 = arith.mulf %add3A_3422, %mul3A_3412 : vector<320x1xf32>
    %add3A_3424 = arith.constant 0.0580404513 : f32
    %add3A_3425 = vector.broadcast %add3A_3424 : f32 to vector<320x1xf32>
    %add3A_3426 = arith.addf %mul3A_3423, %add3A_3425 : vector<320x1xf32>
    %mul3A_3427 = arith.mulf %add3A_3426, %mul3A_3412 : vector<320x1xf32>
    %add3A_3428 = arith.constant -0.0840787888 : f32
    %add3A_3429 = vector.broadcast %add3A_3428 : f32 to vector<320x1xf32>
    %add3A_3430 = arith.addf %mul3A_3427, %add3A_3429 : vector<320x1xf32>
    %mul3A_3431 = arith.mulf %add3A_3430, %mul3A_3412 : vector<320x1xf32>
    %add3A_3432 = arith.constant 0.109534502 : f32
    %add3A_3433 = vector.broadcast %add3A_3432 : f32 to vector<320x1xf32>
    %add3A_3434 = arith.addf %mul3A_3431, %add3A_3433 : vector<320x1xf32>
    %mul3A_3435 = arith.mulf %add3A_3434, %mul3A_3412 : vector<320x1xf32>
    %add3A_3436 = arith.constant -0.142643899 : f32
    %add3A_3437 = vector.broadcast %add3A_3436 : f32 to vector<320x1xf32>
    %add3A_3438 = arith.addf %mul3A_3435, %add3A_3437 : vector<320x1xf32>
    %mul3A_3439 = arith.mulf %add3A_3438, %mul3A_3412 : vector<320x1xf32>
    %add3A_3440 = arith.constant 0.19998543 : f32
    %add3A_3441 = vector.broadcast %add3A_3440 : f32 to vector<320x1xf32>
    %add3A_3442 = arith.addf %mul3A_3439, %add3A_3441 : vector<320x1xf32>
    %mul3A_3443 = arith.mulf %add3A_3442, %mul3A_3412 : vector<320x1xf32>
    %add3A_3444 = arith.constant -0.333332956 : f32
    %add3A_3445 = vector.broadcast %add3A_3444 : f32 to vector<320x1xf32>
    %add3A_3446 = arith.addf %mul3A_3443, %add3A_3445 : vector<320x1xf32>
    %mul3A_3447 = arith.mulf %add3A_3446, %mul3A_3412 : vector<320x1xf32>
    %add3A_3448 = arith.constant 1.000000e+00 : f32
    %add3A_3449 = vector.broadcast %add3A_3448 : f32 to vector<320x1xf32>
    %add3A_3450 = arith.addf %mul3A_3447, %add3A_3449 : vector<320x1xf32>
    %mul3A_3451 = arith.mulf %min3A_3411, %add3A_3450 : vector<320x1xf32>
    %le3A_3452 = arith.constant 1.000000e+00 : f32
    %le3A_3453 = vector.broadcast %le3A_3452 : f32 to vector<320x1xf32>
    %le3A_3454 = arith.cmpf ole, %div3A_3404, %le3A_3453 : vector<320x1xf32>
    %sub3A_3455 = arith.constant 1.57079637 : f32
    %sub3A_3456 = vector.broadcast %sub3A_3455 : f32 to vector<320x1xf32>
    %sub3A_3457 = arith.subf %sub3A_3456, %mul3A_3451 : vector<320x1xf32>
    %select_n3A_3458 = arith.select %le3A_3454, %mul3A_3451, %sub3A_3457 : vector<320x1xi1>, vector<320x1xf32>
    %sub3A_3459 = arith.subf %select_n3A_3400, %select_n3A_3458 : vector<320x1xf32>
    %integer_pow3A_3460 = arith.mulf %sub3A_3459, %sub3A_3459 : vector<320x1xf32>
    %mul3A_3461 = arith.constant 4.000000e+00 : f32
    %mul3A_3462 = vector.broadcast %mul3A_3461 : f32 to vector<320x1xf32>
    %mul3A_3463 = arith.mulf %mul3A_3462, %integer_pow3A_3460 : vector<320x1xf32>
    %div3A_3464 = arith.constant 9.86960411 : f32
    %div3A_3465 = vector.broadcast %div3A_3464 : f32 to vector<320x1xf32>
    %div3A_3466 = arith.divf %mul3A_3463, %div3A_3465 : vector<320x1xf32>
    %sub3A_3467 = arith.constant 1.000000e+00 : f32
    %sub3A_3468 = vector.broadcast %sub3A_3467 : f32 to vector<320x1xf32>
    %sub3A_3469 = arith.subf %sub3A_3468, %div3A_3325 : vector<320x1xf32>
    %add3A_3470 = arith.addf %sub3A_3469, %div3A_3466 : vector<320x1xf32>
    %add3A_3471 = arith.constant 9.99999997E-7 : f32
    %add3A_3472 = vector.broadcast %add3A_3471 : f32 to vector<320x1xf32>
    %add3A_3473 = arith.addf %add3A_3470, %add3A_3472 : vector<320x1xf32>
    %div3A_3474 = arith.divf %div3A_3466, %add3A_3473 : vector<320x1xf32>
    %div3A_3475 = arith.divf %add3A_3330, %add3A_3342 : vector<320x1xf32>
    %sub3A_3476 = arith.subf %div3A_3325, %div3A_3475 : vector<320x1xf32>
    %mul3A_3477 = arith.mulf %div3A_3474, %div3A_3466 : vector<320x1xf32>
    %sub3A_3478 = arith.subf %sub3A_3476, %mul3A_3477 : vector<320x1xf32>
    %get3A_3479 = arith.constant 0 : index
    %get3A_3480 = arith.constant 0 : index
    %get3A_3481 = vector.load %arg13[%get3A_3479, %get3A_3480] : memref<320x1xf32, #tpu.memory_space<vmem>>, vector<320x1xf32>
    %get3A_3482 = arith.constant 0 : index
    %get3A_3483 = arith.constant 0 : index
    %get3A_3484 = vector.load %arg14[%get3A_3482, %get3A_3483] : memref<320x1xf32, #tpu.memory_space<vmem>>, vector<320x1xf32>
    %mul3A_3485 = arith.mulf %get3A_3481, %get3A_3484 : vector<320x1xf32>
    %sub3A_3486 = arith.constant 2.000000e+00 : f32
    %sub3A_3487 = vector.broadcast %sub3A_3486 : f32 to vector<320x1xf32>
    %sub3A_3488 = arith.subf %sub3A_3487, %mul3A_3485 : vector<320x1xf32>
    %convert_element_type3A_3489 = arith.extui %not3A_3175 : vector<320x1xi1> to vector<320x1xi32>
    %convert_element_type3A_3490 = arith.sitofp %convert_element_type3A_3489 : vector<320x1xi32> to vector<320x1xf32>
    %reduce_sum3A_3491 = vector.shape_cast %convert_element_type3A_3490 : vector<320x1xf32> to vector<1x320x1xf32>
    %reduce_sum3A_3492 = arith.constant dense<0.000000e+00> : vector<1xf32>
    %reduce_sum3A_3493 = vector.multi_reduction <add>, %reduce_sum3A_3491, %reduce_sum3A_3492 [1, 2] : vector<1x320x1xf32> to vector<1xf32>
    %reduce_sum3A_3494 = vector.shape_cast %reduce_sum3A_3493 : vector<1xf32> to vector<1x1x1xf32>
    %reduce_sum3A_3495 = vector.extract %reduce_sum3A_3494[0, 0, 0] : f32 from vector<1x1x1xf32>
    %max3A_3496 = arith.constant 1.000000e+00 : f32
    %max3A_3497 = arith.maximumf %reduce_sum3A_3495, %max3A_3496 : f32
    %sub3A_3498 = arith.constant 1.000000e+00 : f32
    %sub3A_3499 = vector.broadcast %sub3A_3498 : f32 to vector<320x1xf32>
    %sub3A_3500 = arith.subf %sub3A_3499, %sub3A_3478 : vector<320x1xf32>
    %mul3A_3501 = arith.mulf %convert_element_type3A_3490, %sub3A_3500 : vector<320x1xf32>
    %mul3A_3502 = arith.mulf %mul3A_3501, %sub3A_3488 : vector<320x1xf32>
    %reduce_sum3A_3503 = vector.shape_cast %mul3A_3502 : vector<320x1xf32> to vector<1x320x1xf32>
    %reduce_sum3A_3504 = arith.constant dense<0.000000e+00> : vector<1xf32>
    %reduce_sum3A_3505 = vector.multi_reduction <add>, %reduce_sum3A_3503, %reduce_sum3A_3504 [1, 2] : vector<1x320x1xf32> to vector<1xf32>
    %reduce_sum3A_3506 = vector.shape_cast %reduce_sum3A_3505 : vector<1xf32> to vector<1x1x1xf32>
    %reduce_sum3A_3507 = vector.extract %reduce_sum3A_3506[0, 0, 0] : f32 from vector<1x1x1xf32>
    %slice3A_3508 = vector.extract_strided_slice %select_n3A_3200 {offsets = [0, 5], sizes = [320, 80], strides = [1, 1]} : vector<320x128xf32> to vector<320x80xf32>
    %max3A_3509 = arith.constant 0.000000e+00 : f32
    %max3A_3510 = vector.broadcast %max3A_3509 : f32 to vector<320x80xf32>
    %max3A_3511 = arith.maximumf %slice3A_3508, %max3A_3510 : vector<320x80xf32>
    %abs3A_3512 = math.absf %slice3A_3508 : vector<320x80xf32>
    %neg3A_3513 = arith.constant 0.000000e+00 : f32
    %neg3A_3514 = vector.broadcast %neg3A_3513 : f32 to vector<320x80xf32>
    %neg3A_3515 = arith.subf %neg3A_3514, %abs3A_3512 : vector<320x80xf32>
    %exp3A_3516 = math.exp %neg3A_3515 : vector<320x80xf32>
    %log1p3A_3517 = math.log1p %exp3A_3516 : vector<320x80xf32>
    %add3A_3518 = arith.addf %max3A_3511, %log1p3A_3517 : vector<320x80xf32>
    %reduce_sum3A_3519 = arith.constant dense<0.000000e+00> : vector<320xf32>
    %reduce_sum3A_3520 = vector.multi_reduction <add>, %add3A_3518, %reduce_sum3A_3519 [1] : vector<320x80xf32> to vector<320xf32>
    %broadcast_in_dim3A_3521 = vector.shape_cast %reduce_sum3A_3520 : vector<320xf32> to vector<320x1xf32>
    %iota3A_3522 = tpu.iota {dimensions = array<i32: 1>} : vector<320x80xi32>
    %broadcast_in_dim3A_3523 = vector.shape_cast %convert_element_type3A_6 : vector<320x1xi32> to vector<320x1xi32>
    %broadcast_in_dim3A_3524 = vector.broadcast %broadcast_in_dim3A_3523 : vector<320x1xi32> to vector<320x80xi32>
    %eq3A_3525 = arith.cmpi eq, %iota3A_3522, %broadcast_in_dim3A_3524 : vector<320x80xi32>
    %jit3A_3526 = arith.constant 0.000000e+00 : f32
    %broadcast_in_dim3A_3527 = vector.broadcast %jit3A_3526 : f32 to vector<320x80xf32>
    %select_n3A_3528 = arith.select %eq3A_3525, %slice3A_3508, %broadcast_in_dim3A_3527 : vector<320x80xi1>, vector<320x80xf32>
    %reduce_sum3A_3529 = arith.constant dense<0.000000e+00> : vector<320xf32>
    %reduce_sum3A_3530 = vector.multi_reduction <add>, %select_n3A_3528, %reduce_sum3A_3529 [1] : vector<320x80xf32> to vector<320xf32>
    %broadcast_in_dim3A_3531 = vector.shape_cast %reduce_sum3A_3530 : vector<320xf32> to vector<320x1xf32>
    %mul3A_3532 = arith.constant 80 : i32
    %mul3A_3533 = vector.broadcast %mul3A_3532 : i32 to vector<320x1xi32>
    %mul3A_3534 = arith.muli %select_n3A_2871, %mul3A_3533 : vector<320x1xi32>
    %add3A_3535 = arith.addi %mul3A_3534, %convert_element_type3A_6 : vector<320x1xi32>
    %mul3A_3536 = arith.constant 80 : i32
    %mul3A_3537 = vector.broadcast %mul3A_3536 : i32 to vector<1x320xi32>
    %mul3A_3538 = arith.muli %select_n3A_3037, %mul3A_3537 : vector<1x320xi32>
    %add3A_3539 = arith.addi %mul3A_3538, %convert_element_type3A : vector<1x320xi32>
    %iota3A_3540 = tpu.iota {dimensions = array<i32: 0>} : vector<320x1xi32>
    %slice3A_3541 = vector.extract_strided_slice %add3A_3539 {offsets = [0, 0], sizes = [1, 64], strides = [1, 1]} : vector<1x320xi32> to vector<1x64xi32>
    %slice3A_3542 = vector.extract_strided_slice %eq3A_3038 {offsets = [0, 0], sizes = [1, 64], strides = [1, 1]} : vector<1x320xi1> to vector<1x64xi1>
    %iota3A_3543 = tpu.iota {dimensions = array<i32: 1>} : vector<1x64xi32>
    %add3A_3544 = arith.constant 0 : i32
    %add3A_3545 = vector.broadcast %add3A_3544 : i32 to vector<1x64xi32>
    %add3A_3546 = arith.addi %iota3A_3543, %add3A_3545 : vector<1x64xi32>
    %gt3A_3547 = vector.broadcast %add3A_3546 : vector<1x64xi32> to vector<320x64xi32>
    %gt3A_3548 = vector.broadcast %iota3A_3540 : vector<320x1xi32> to vector<320x64xi32>
    %gt3A_3549 = arith.cmpi sgt, %gt3A_3547, %gt3A_3548 : vector<320x64xi32>
    %eq3A_3550 = vector.broadcast %slice3A_3541 : vector<1x64xi32> to vector<320x64xi32>
    %eq3A_3551 = vector.broadcast %add3A_3535 : vector<320x1xi32> to vector<320x64xi32>
    %eq3A_3552 = arith.cmpi eq, %eq3A_3550, %eq3A_3551 : vector<320x64xi32>
    %and3A_3553 = vector.broadcast %slice3A_3542 : vector<1x64xi1> to vector<320x64xi1>
    %and3A_3554 = arith.andi %eq3A_3552, %and3A_3553 : vector<320x64xi1>
    %and3A_3555 = arith.andi %and3A_3554, %gt3A_3549 : vector<320x64xi1>
    %reduce_or3A_3556 = arith.constant 1.000000e+00 : f32
    %reduce_or3A_3557 = arith.constant 0.000000e+00 : f32
    %reduce_or3A_3558 = vector.broadcast %reduce_or3A_3556 : f32 to vector<320x64xf32>
    %reduce_or3A_3559 = vector.broadcast %reduce_or3A_3557 : f32 to vector<320x64xf32>
    %reduce_or3A_3560 = arith.select %and3A_3555, %reduce_or3A_3558, %reduce_or3A_3559 : vector<320x64xi1>, vector<320x64xf32>
    %reduce_or3A_3561 = arith.constant dense<0xFF800000> : vector<320xf32>
    %reduce_or3A_3562 = vector.multi_reduction <maximumf>, %reduce_or3A_3560, %reduce_or3A_3561 [1] : vector<320x64xf32> to vector<320xf32>
    %reduce_or3A_3563 = arith.constant 0.000000e+00 : f32
    %reduce_or3A_3564 = vector.broadcast %reduce_or3A_3563 : f32 to vector<320xf32>
    %reduce_or3A_3565 = arith.cmpf ogt, %reduce_or3A_3562, %reduce_or3A_3564 : vector<320xf32>
    %broadcast_in_dim3A_3566 = vector.shape_cast %reduce_or3A_3565 : vector<320xi1> to vector<320x1xi1>
    %slice3A_3567 = vector.extract_strided_slice %add3A_3539 {offsets = [0, 64], sizes = [1, 64], strides = [1, 1]} : vector<1x320xi32> to vector<1x64xi32>
    %slice3A_3568 = vector.extract_strided_slice %eq3A_3038 {offsets = [0, 64], sizes = [1, 64], strides = [1, 1]} : vector<1x320xi1> to vector<1x64xi1>
    %iota3A_3569 = tpu.iota {dimensions = array<i32: 1>} : vector<1x64xi32>
    %add3A_3570 = arith.constant 64 : i32
    %add3A_3571 = vector.broadcast %add3A_3570 : i32 to vector<1x64xi32>
    %add3A_3572 = arith.addi %iota3A_3569, %add3A_3571 : vector<1x64xi32>
    %gt3A_3573 = vector.broadcast %add3A_3572 : vector<1x64xi32> to vector<320x64xi32>
    %gt3A_3574 = vector.broadcast %iota3A_3540 : vector<320x1xi32> to vector<320x64xi32>
    %gt3A_3575 = arith.cmpi sgt, %gt3A_3573, %gt3A_3574 : vector<320x64xi32>
    %eq3A_3576 = vector.broadcast %slice3A_3567 : vector<1x64xi32> to vector<320x64xi32>
    %eq3A_3577 = vector.broadcast %add3A_3535 : vector<320x1xi32> to vector<320x64xi32>
    %eq3A_3578 = arith.cmpi eq, %eq3A_3576, %eq3A_3577 : vector<320x64xi32>
    %and3A_3579 = vector.broadcast %slice3A_3568 : vector<1x64xi1> to vector<320x64xi1>
    %and3A_3580 = arith.andi %eq3A_3578, %and3A_3579 : vector<320x64xi1>
    %and3A_3581 = arith.andi %and3A_3580, %gt3A_3575 : vector<320x64xi1>
    %reduce_or3A_3582 = arith.constant 1.000000e+00 : f32
    %reduce_or3A_3583 = arith.constant 0.000000e+00 : f32
    %reduce_or3A_3584 = vector.broadcast %reduce_or3A_3582 : f32 to vector<320x64xf32>
    %reduce_or3A_3585 = vector.broadcast %reduce_or3A_3583 : f32 to vector<320x64xf32>
    %reduce_or3A_3586 = arith.select %and3A_3581, %reduce_or3A_3584, %reduce_or3A_3585 : vector<320x64xi1>, vector<320x64xf32>
    %reduce_or3A_3587 = arith.constant dense<0xFF800000> : vector<320xf32>
    %reduce_or3A_3588 = vector.multi_reduction <maximumf>, %reduce_or3A_3586, %reduce_or3A_3587 [1] : vector<320x64xf32> to vector<320xf32>
    %reduce_or3A_3589 = arith.constant 0.000000e+00 : f32
    %reduce_or3A_3590 = vector.broadcast %reduce_or3A_3589 : f32 to vector<320xf32>
    %reduce_or3A_3591 = arith.cmpf ogt, %reduce_or3A_3588, %reduce_or3A_3590 : vector<320xf32>
    %broadcast_in_dim3A_3592 = vector.shape_cast %reduce_or3A_3591 : vector<320xi1> to vector<320x1xi1>
    %or3A_3593 = arith.ori %broadcast_in_dim3A_3566, %broadcast_in_dim3A_3592 : vector<320x1xi1>
    %slice3A_3594 = vector.extract_strided_slice %add3A_3539 {offsets = [0, 128], sizes = [1, 64], strides = [1, 1]} : vector<1x320xi32> to vector<1x64xi32>
    %slice3A_3595 = vector.extract_strided_slice %eq3A_3038 {offsets = [0, 128], sizes = [1, 64], strides = [1, 1]} : vector<1x320xi1> to vector<1x64xi1>
    %iota3A_3596 = tpu.iota {dimensions = array<i32: 1>} : vector<1x64xi32>
    %add3A_3597 = arith.constant 128 : i32
    %add3A_3598 = vector.broadcast %add3A_3597 : i32 to vector<1x64xi32>
    %add3A_3599 = arith.addi %iota3A_3596, %add3A_3598 : vector<1x64xi32>
    %gt3A_3600 = vector.broadcast %add3A_3599 : vector<1x64xi32> to vector<320x64xi32>
    %gt3A_3601 = vector.broadcast %iota3A_3540 : vector<320x1xi32> to vector<320x64xi32>
    %gt3A_3602 = arith.cmpi sgt, %gt3A_3600, %gt3A_3601 : vector<320x64xi32>
    %eq3A_3603 = vector.broadcast %slice3A_3594 : vector<1x64xi32> to vector<320x64xi32>
    %eq3A_3604 = vector.broadcast %add3A_3535 : vector<320x1xi32> to vector<320x64xi32>
    %eq3A_3605 = arith.cmpi eq, %eq3A_3603, %eq3A_3604 : vector<320x64xi32>
    %and3A_3606 = vector.broadcast %slice3A_3595 : vector<1x64xi1> to vector<320x64xi1>
    %and3A_3607 = arith.andi %eq3A_3605, %and3A_3606 : vector<320x64xi1>
    %and3A_3608 = arith.andi %and3A_3607, %gt3A_3602 : vector<320x64xi1>
    %reduce_or3A_3609 = arith.constant 1.000000e+00 : f32
    %reduce_or3A_3610 = arith.constant 0.000000e+00 : f32
    %reduce_or3A_3611 = vector.broadcast %reduce_or3A_3609 : f32 to vector<320x64xf32>
    %reduce_or3A_3612 = vector.broadcast %reduce_or3A_3610 : f32 to vector<320x64xf32>
    %reduce_or3A_3613 = arith.select %and3A_3608, %reduce_or3A_3611, %reduce_or3A_3612 : vector<320x64xi1>, vector<320x64xf32>
    %reduce_or3A_3614 = arith.constant dense<0xFF800000> : vector<320xf32>
    %reduce_or3A_3615 = vector.multi_reduction <maximumf>, %reduce_or3A_3613, %reduce_or3A_3614 [1] : vector<320x64xf32> to vector<320xf32>
    %reduce_or3A_3616 = arith.constant 0.000000e+00 : f32
    %reduce_or3A_3617 = vector.broadcast %reduce_or3A_3616 : f32 to vector<320xf32>
    %reduce_or3A_3618 = arith.cmpf ogt, %reduce_or3A_3615, %reduce_or3A_3617 : vector<320xf32>
    %broadcast_in_dim3A_3619 = vector.shape_cast %reduce_or3A_3618 : vector<320xi1> to vector<320x1xi1>
    %or3A_3620 = arith.ori %or3A_3593, %broadcast_in_dim3A_3619 : vector<320x1xi1>
    %slice3A_3621 = vector.extract_strided_slice %add3A_3539 {offsets = [0, 192], sizes = [1, 64], strides = [1, 1]} : vector<1x320xi32> to vector<1x64xi32>
    %slice3A_3622 = vector.extract_strided_slice %eq3A_3038 {offsets = [0, 192], sizes = [1, 64], strides = [1, 1]} : vector<1x320xi1> to vector<1x64xi1>
    %iota3A_3623 = tpu.iota {dimensions = array<i32: 1>} : vector<1x64xi32>
    %add3A_3624 = arith.constant 192 : i32
    %add3A_3625 = vector.broadcast %add3A_3624 : i32 to vector<1x64xi32>
    %add3A_3626 = arith.addi %iota3A_3623, %add3A_3625 : vector<1x64xi32>
    %gt3A_3627 = vector.broadcast %add3A_3626 : vector<1x64xi32> to vector<320x64xi32>
    %gt3A_3628 = vector.broadcast %iota3A_3540 : vector<320x1xi32> to vector<320x64xi32>
    %gt3A_3629 = arith.cmpi sgt, %gt3A_3627, %gt3A_3628 : vector<320x64xi32>
    %eq3A_3630 = vector.broadcast %slice3A_3621 : vector<1x64xi32> to vector<320x64xi32>
    %eq3A_3631 = vector.broadcast %add3A_3535 : vector<320x1xi32> to vector<320x64xi32>
    %eq3A_3632 = arith.cmpi eq, %eq3A_3630, %eq3A_3631 : vector<320x64xi32>
    %and3A_3633 = vector.broadcast %slice3A_3622 : vector<1x64xi1> to vector<320x64xi1>
    %and3A_3634 = arith.andi %eq3A_3632, %and3A_3633 : vector<320x64xi1>
    %and3A_3635 = arith.andi %and3A_3634, %gt3A_3629 : vector<320x64xi1>
    %reduce_or3A_3636 = arith.constant 1.000000e+00 : f32
    %reduce_or3A_3637 = arith.constant 0.000000e+00 : f32
    %reduce_or3A_3638 = vector.broadcast %reduce_or3A_3636 : f32 to vector<320x64xf32>
    %reduce_or3A_3639 = vector.broadcast %reduce_or3A_3637 : f32 to vector<320x64xf32>
    %reduce_or3A_3640 = arith.select %and3A_3635, %reduce_or3A_3638, %reduce_or3A_3639 : vector<320x64xi1>, vector<320x64xf32>
    %reduce_or3A_3641 = arith.constant dense<0xFF800000> : vector<320xf32>
    %reduce_or3A_3642 = vector.multi_reduction <maximumf>, %reduce_or3A_3640, %reduce_or3A_3641 [1] : vector<320x64xf32> to vector<320xf32>
    %reduce_or3A_3643 = arith.constant 0.000000e+00 : f32
    %reduce_or3A_3644 = vector.broadcast %reduce_or3A_3643 : f32 to vector<320xf32>
    %reduce_or3A_3645 = arith.cmpf ogt, %reduce_or3A_3642, %reduce_or3A_3644 : vector<320xf32>
    %broadcast_in_dim3A_3646 = vector.shape_cast %reduce_or3A_3645 : vector<320xi1> to vector<320x1xi1>
    %or3A_3647 = arith.ori %or3A_3620, %broadcast_in_dim3A_3646 : vector<320x1xi1>
    %slice3A_3648 = vector.extract_strided_slice %add3A_3539 {offsets = [0, 256], sizes = [1, 64], strides = [1, 1]} : vector<1x320xi32> to vector<1x64xi32>
    %slice3A_3649 = vector.extract_strided_slice %eq3A_3038 {offsets = [0, 256], sizes = [1, 64], strides = [1, 1]} : vector<1x320xi1> to vector<1x64xi1>
    %iota3A_3650 = tpu.iota {dimensions = array<i32: 1>} : vector<1x64xi32>
    %add3A_3651 = arith.constant 256 : i32
    %add3A_3652 = vector.broadcast %add3A_3651 : i32 to vector<1x64xi32>
    %add3A_3653 = arith.addi %iota3A_3650, %add3A_3652 : vector<1x64xi32>
    %gt3A_3654 = vector.broadcast %add3A_3653 : vector<1x64xi32> to vector<320x64xi32>
    %gt3A_3655 = vector.broadcast %iota3A_3540 : vector<320x1xi32> to vector<320x64xi32>
    %gt3A_3656 = arith.cmpi sgt, %gt3A_3654, %gt3A_3655 : vector<320x64xi32>
    %eq3A_3657 = vector.broadcast %slice3A_3648 : vector<1x64xi32> to vector<320x64xi32>
    %eq3A_3658 = vector.broadcast %add3A_3535 : vector<320x1xi32> to vector<320x64xi32>
    %eq3A_3659 = arith.cmpi eq, %eq3A_3657, %eq3A_3658 : vector<320x64xi32>
    %and3A_3660 = vector.broadcast %slice3A_3649 : vector<1x64xi1> to vector<320x64xi1>
    %and3A_3661 = arith.andi %eq3A_3659, %and3A_3660 : vector<320x64xi1>
    %and3A_3662 = arith.andi %and3A_3661, %gt3A_3656 : vector<320x64xi1>
    %reduce_or3A_3663 = arith.constant 1.000000e+00 : f32
    %reduce_or3A_3664 = arith.constant 0.000000e+00 : f32
    %reduce_or3A_3665 = vector.broadcast %reduce_or3A_3663 : f32 to vector<320x64xf32>
    %reduce_or3A_3666 = vector.broadcast %reduce_or3A_3664 : f32 to vector<320x64xf32>
    %reduce_or3A_3667 = arith.select %and3A_3662, %reduce_or3A_3665, %reduce_or3A_3666 : vector<320x64xi1>, vector<320x64xf32>
    %reduce_or3A_3668 = arith.constant dense<0xFF800000> : vector<320xf32>
    %reduce_or3A_3669 = vector.multi_reduction <maximumf>, %reduce_or3A_3667, %reduce_or3A_3668 [1] : vector<320x64xf32> to vector<320xf32>
    %reduce_or3A_3670 = arith.constant 0.000000e+00 : f32
    %reduce_or3A_3671 = vector.broadcast %reduce_or3A_3670 : f32 to vector<320xf32>
    %reduce_or3A_3672 = arith.cmpf ogt, %reduce_or3A_3669, %reduce_or3A_3671 : vector<320xf32>
    %broadcast_in_dim3A_3673 = vector.shape_cast %reduce_or3A_3672 : vector<320xi1> to vector<320x1xi1>
    %or3A_3674 = arith.ori %or3A_3647, %broadcast_in_dim3A_3673 : vector<320x1xi1>
    %not3A_3675 = arith.constant dense<true> : vector<320x1xi1>
    %not3A_3676 = arith.xori %or3A_3674, %not3A_3675 : vector<320x1xi1>
    %mul3A_3677 = arith.mulf %convert_element_type3A_3490, %broadcast_in_dim3A_3521 : vector<320x1xf32>
    %reduce_sum3A_3678 = vector.shape_cast %mul3A_3677 : vector<320x1xf32> to vector<1x320x1xf32>
    %reduce_sum3A_3679 = arith.constant dense<0.000000e+00> : vector<1xf32>
    %reduce_sum3A_3680 = vector.multi_reduction <add>, %reduce_sum3A_3678, %reduce_sum3A_3679 [1, 2] : vector<1x320x1xf32> to vector<1xf32>
    %reduce_sum3A_3681 = vector.shape_cast %reduce_sum3A_3680 : vector<1xf32> to vector<1x1x1xf32>
    %reduce_sum3A_3682 = vector.extract %reduce_sum3A_3681[0, 0, 0] : f32 from vector<1x1x1xf32>
    %convert_element_type3A_3683 = arith.extui %not3A_3676 : vector<320x1xi1> to vector<320x1xi32>
    %convert_element_type3A_3684 = arith.sitofp %convert_element_type3A_3683 : vector<320x1xi32> to vector<320x1xf32>
    %mul3A_3685 = arith.mulf %convert_element_type3A_3684, %broadcast_in_dim3A_3531 : vector<320x1xf32>
    %reduce_sum3A_3686 = vector.shape_cast %mul3A_3685 : vector<320x1xf32> to vector<1x320x1xf32>
    %reduce_sum3A_3687 = arith.constant dense<0.000000e+00> : vector<1xf32>
    %reduce_sum3A_3688 = vector.multi_reduction <add>, %reduce_sum3A_3686, %reduce_sum3A_3687 [1, 2] : vector<1x320x1xf32> to vector<1xf32>
    %reduce_sum3A_3689 = vector.shape_cast %reduce_sum3A_3688 : vector<1xf32> to vector<1x1x1xf32>
    %reduce_sum3A_3690 = vector.extract %reduce_sum3A_3689[0, 0, 0] : f32 from vector<1x1x1xf32>
    %sub3A_3691 = arith.subf %reduce_sum3A_3682, %reduce_sum3A_3690 : f32
    %get3A_3692 = arith.constant 0 : index
    %get3A_3693 = arith.constant 0 : index
    %get3A_3694 = vector.load %arg5[%get3A_3692, %get3A_3693] : memref<1x1xf32, #tpu.memory_space<vmem>>, vector<1x1xf32>
    %get3A_3695 = vector.extract %get3A_3694[0, 0] : f32 from vector<1x1xf32>
    %concatenate3A_3696 = tpu.concatenate %add3A_2835, %add3A_2849, %add3A_2863, %select_n3A_2871 in 0 : vector<320x1xi32>, vector<320x1xi32>, vector<320x1xi32>, vector<320x1xi32> -> vector<1280x1xi32>
    %concatenate3A_3697 = tpu.concatenate %add3A_3001, %add3A_3015, %add3A_3029, %select_n3A_3037 in 1 : vector<1x320xi32>, vector<1x320xi32>, vector<1x320xi32>, vector<1x320xi32> -> vector<1x1280xi32>
    %gt3A_3698 = arith.constant 5.000000e-01 : f32
    %gt3A_3699 = vector.broadcast %gt3A_3698 : f32 to vector<1x320xf32>
    %gt3A_3700 = arith.cmpf ogt, %div3A_2913, %gt3A_3699 : vector<1x320xf32>
    %convert_element_type3A_3701 = arith.extui %gt3A_3700 : vector<1x320xi1> to vector<1x320xi32>
    %gt3A_3702 = arith.constant 5.000000e-01 : f32
    %gt3A_3703 = vector.broadcast %gt3A_3702 : f32 to vector<1x320xf32>
    %gt3A_3704 = arith.cmpf ogt, %div3A_2929, %gt3A_3703 : vector<1x320xf32>
    %convert_element_type3A_3705 = arith.extui %gt3A_3704 : vector<1x320xi1> to vector<1x320xi32>
    %gt3A_3706 = arith.constant 5.000000e-01 : f32
    %gt3A_3707 = vector.broadcast %gt3A_3706 : f32 to vector<1x320xf32>
    %gt3A_3708 = arith.cmpf ogt, %div3A_2945, %gt3A_3707 : vector<1x320xf32>
    %convert_element_type3A_3709 = arith.extui %gt3A_3708 : vector<1x320xi1> to vector<1x320xi32>
    %broadcast_in_dim3A_3710 = arith.constant 1 : i32
    %broadcast_in_dim3A_3711 = vector.broadcast %broadcast_in_dim3A_3710 : i32 to vector<1x320xi32>
    %concatenate3A_3712 = tpu.concatenate %convert_element_type3A_3701, %convert_element_type3A_3705, %convert_element_type3A_3709, %broadcast_in_dim3A_3711 in 1 : vector<1x320xi32>, vector<1x320xi32>, vector<1x320xi32>, vector<1x320xi32> -> vector<1x1280xi32>
    %ne3A_3713 = arith.constant 0 : i32
    %ne3A_3714 = vector.broadcast %ne3A_3713 : i32 to vector<1x1280xi32>
    %ne3A_3715 = arith.cmpi ne, %concatenate3A_3712, %ne3A_3714 : vector<1x1280xi32>
    %gt3A_3716 = arith.constant 5.000000e-01 : f32
    %gt3A_3717 = vector.broadcast %gt3A_3716 : f32 to vector<320x1xf32>
    %gt3A_3718 = arith.cmpf ogt, %div3A_2747, %gt3A_3717 : vector<320x1xf32>
    %convert_element_type3A_3719 = arith.extui %gt3A_3718 : vector<320x1xi1> to vector<320x1xi32>
    %gt3A_3720 = arith.constant 5.000000e-01 : f32
    %gt3A_3721 = vector.broadcast %gt3A_3720 : f32 to vector<320x1xf32>
    %gt3A_3722 = arith.cmpf ogt, %div3A_2763, %gt3A_3721 : vector<320x1xf32>
    %convert_element_type3A_3723 = arith.extui %gt3A_3722 : vector<320x1xi1> to vector<320x1xi32>
    %gt3A_3724 = arith.constant 5.000000e-01 : f32
    %gt3A_3725 = vector.broadcast %gt3A_3724 : f32 to vector<320x1xf32>
    %gt3A_3726 = arith.cmpf ogt, %div3A_2779, %gt3A_3725 : vector<320x1xf32>
    %convert_element_type3A_3727 = arith.extui %gt3A_3726 : vector<320x1xi1> to vector<320x1xi32>
    %broadcast_in_dim3A_3728 = arith.constant 1 : i32
    %broadcast_in_dim3A_3729 = vector.broadcast %broadcast_in_dim3A_3728 : i32 to vector<320x1xi32>
    %concatenate3A_3730 = tpu.concatenate %convert_element_type3A_3719, %convert_element_type3A_3723, %convert_element_type3A_3727, %broadcast_in_dim3A_3729 in 0 : vector<320x1xi32>, vector<320x1xi32>, vector<320x1xi32>, vector<320x1xi32> -> vector<1280x1xi32>
    %ne3A_3731 = arith.constant 0 : i32
    %ne3A_3732 = vector.broadcast %ne3A_3731 : i32 to vector<1280x1xi32>
    %ne3A_3733 = arith.cmpi ne, %concatenate3A_3730, %ne3A_3732 : vector<1280x1xi32>
    %iota3A_3734 = tpu.iota {dimensions = array<i32: 0>} : vector<1280x1xi32>
    %slice3A_3735 = vector.extract_strided_slice %concatenate3A_3697 {offsets = [0, 0], sizes = [1, 128], strides = [1, 1]} : vector<1x1280xi32> to vector<1x128xi32>
    %slice3A_3736 = vector.extract_strided_slice %ne3A_3715 {offsets = [0, 0], sizes = [1, 128], strides = [1, 1]} : vector<1x1280xi1> to vector<1x128xi1>
    %iota3A_3737 = tpu.iota {dimensions = array<i32: 1>} : vector<1x128xi32>
    %add3A_3738 = arith.constant 0 : i32
    %add3A_3739 = vector.broadcast %add3A_3738 : i32 to vector<1x128xi32>
    %add3A_3740 = arith.addi %iota3A_3737, %add3A_3739 : vector<1x128xi32>
    %lt3A_3741 = vector.broadcast %add3A_3740 : vector<1x128xi32> to vector<1280x128xi32>
    %lt3A_3742 = vector.broadcast %iota3A_3734 : vector<1280x1xi32> to vector<1280x128xi32>
    %lt3A_3743 = arith.cmpi slt, %lt3A_3741, %lt3A_3742 : vector<1280x128xi32>
    %eq3A_3744 = vector.broadcast %slice3A_3735 : vector<1x128xi32> to vector<1280x128xi32>
    %eq3A_3745 = vector.broadcast %concatenate3A_3696 : vector<1280x1xi32> to vector<1280x128xi32>
    %eq3A_3746 = arith.cmpi eq, %eq3A_3744, %eq3A_3745 : vector<1280x128xi32>
    %and3A_3747 = vector.broadcast %slice3A_3736 : vector<1x128xi1> to vector<1280x128xi1>
    %and3A_3748 = arith.andi %eq3A_3746, %and3A_3747 : vector<1280x128xi1>
    %and3A_3749 = arith.andi %and3A_3748, %lt3A_3743 : vector<1280x128xi1>
    %reduce_or3A_3750 = arith.constant 1.000000e+00 : f32
    %reduce_or3A_3751 = arith.constant 0.000000e+00 : f32
    %reduce_or3A_3752 = vector.broadcast %reduce_or3A_3750 : f32 to vector<1280x128xf32>
    %reduce_or3A_3753 = vector.broadcast %reduce_or3A_3751 : f32 to vector<1280x128xf32>
    %reduce_or3A_3754 = arith.select %and3A_3749, %reduce_or3A_3752, %reduce_or3A_3753 : vector<1280x128xi1>, vector<1280x128xf32>
    %reduce_or3A_3755 = arith.constant dense<0xFF800000> : vector<1280xf32>
    %reduce_or3A_3756 = vector.multi_reduction <maximumf>, %reduce_or3A_3754, %reduce_or3A_3755 [1] : vector<1280x128xf32> to vector<1280xf32>
    %reduce_or3A_3757 = arith.constant 0.000000e+00 : f32
    %reduce_or3A_3758 = vector.broadcast %reduce_or3A_3757 : f32 to vector<1280xf32>
    %reduce_or3A_3759 = arith.cmpf ogt, %reduce_or3A_3756, %reduce_or3A_3758 : vector<1280xf32>
    %broadcast_in_dim3A_3760 = vector.shape_cast %reduce_or3A_3759 : vector<1280xi1> to vector<1280x1xi1>
    %slice3A_3761 = vector.extract_strided_slice %concatenate3A_3697 {offsets = [0, 128], sizes = [1, 128], strides = [1, 1]} : vector<1x1280xi32> to vector<1x128xi32>
    %slice3A_3762 = vector.extract_strided_slice %ne3A_3715 {offsets = [0, 128], sizes = [1, 128], strides = [1, 1]} : vector<1x1280xi1> to vector<1x128xi1>
    %iota3A_3763 = tpu.iota {dimensions = array<i32: 1>} : vector<1x128xi32>
    %add3A_3764 = arith.constant 128 : i32
    %add3A_3765 = vector.broadcast %add3A_3764 : i32 to vector<1x128xi32>
    %add3A_3766 = arith.addi %iota3A_3763, %add3A_3765 : vector<1x128xi32>
    %lt3A_3767 = vector.broadcast %add3A_3766 : vector<1x128xi32> to vector<1280x128xi32>
    %lt3A_3768 = vector.broadcast %iota3A_3734 : vector<1280x1xi32> to vector<1280x128xi32>
    %lt3A_3769 = arith.cmpi slt, %lt3A_3767, %lt3A_3768 : vector<1280x128xi32>
    %eq3A_3770 = vector.broadcast %slice3A_3761 : vector<1x128xi32> to vector<1280x128xi32>
    %eq3A_3771 = vector.broadcast %concatenate3A_3696 : vector<1280x1xi32> to vector<1280x128xi32>
    %eq3A_3772 = arith.cmpi eq, %eq3A_3770, %eq3A_3771 : vector<1280x128xi32>
    %and3A_3773 = vector.broadcast %slice3A_3762 : vector<1x128xi1> to vector<1280x128xi1>
    %and3A_3774 = arith.andi %eq3A_3772, %and3A_3773 : vector<1280x128xi1>
    %and3A_3775 = arith.andi %and3A_3774, %lt3A_3769 : vector<1280x128xi1>
    %reduce_or3A_3776 = arith.constant 1.000000e+00 : f32
    %reduce_or3A_3777 = arith.constant 0.000000e+00 : f32
    %reduce_or3A_3778 = vector.broadcast %reduce_or3A_3776 : f32 to vector<1280x128xf32>
    %reduce_or3A_3779 = vector.broadcast %reduce_or3A_3777 : f32 to vector<1280x128xf32>
    %reduce_or3A_3780 = arith.select %and3A_3775, %reduce_or3A_3778, %reduce_or3A_3779 : vector<1280x128xi1>, vector<1280x128xf32>
    %reduce_or3A_3781 = arith.constant dense<0xFF800000> : vector<1280xf32>
    %reduce_or3A_3782 = vector.multi_reduction <maximumf>, %reduce_or3A_3780, %reduce_or3A_3781 [1] : vector<1280x128xf32> to vector<1280xf32>
    %reduce_or3A_3783 = arith.constant 0.000000e+00 : f32
    %reduce_or3A_3784 = vector.broadcast %reduce_or3A_3783 : f32 to vector<1280xf32>
    %reduce_or3A_3785 = arith.cmpf ogt, %reduce_or3A_3782, %reduce_or3A_3784 : vector<1280xf32>
    %broadcast_in_dim3A_3786 = vector.shape_cast %reduce_or3A_3785 : vector<1280xi1> to vector<1280x1xi1>
    %or3A_3787 = arith.ori %broadcast_in_dim3A_3760, %broadcast_in_dim3A_3786 : vector<1280x1xi1>
    %slice3A_3788 = vector.extract_strided_slice %concatenate3A_3697 {offsets = [0, 256], sizes = [1, 128], strides = [1, 1]} : vector<1x1280xi32> to vector<1x128xi32>
    %slice3A_3789 = vector.extract_strided_slice %ne3A_3715 {offsets = [0, 256], sizes = [1, 128], strides = [1, 1]} : vector<1x1280xi1> to vector<1x128xi1>
    %iota3A_3790 = tpu.iota {dimensions = array<i32: 1>} : vector<1x128xi32>
    %add3A_3791 = arith.constant 256 : i32
    %add3A_3792 = vector.broadcast %add3A_3791 : i32 to vector<1x128xi32>
    %add3A_3793 = arith.addi %iota3A_3790, %add3A_3792 : vector<1x128xi32>
    %lt3A_3794 = vector.broadcast %add3A_3793 : vector<1x128xi32> to vector<1280x128xi32>
    %lt3A_3795 = vector.broadcast %iota3A_3734 : vector<1280x1xi32> to vector<1280x128xi32>
    %lt3A_3796 = arith.cmpi slt, %lt3A_3794, %lt3A_3795 : vector<1280x128xi32>
    %eq3A_3797 = vector.broadcast %slice3A_3788 : vector<1x128xi32> to vector<1280x128xi32>
    %eq3A_3798 = vector.broadcast %concatenate3A_3696 : vector<1280x1xi32> to vector<1280x128xi32>
    %eq3A_3799 = arith.cmpi eq, %eq3A_3797, %eq3A_3798 : vector<1280x128xi32>
    %and3A_3800 = vector.broadcast %slice3A_3789 : vector<1x128xi1> to vector<1280x128xi1>
    %and3A_3801 = arith.andi %eq3A_3799, %and3A_3800 : vector<1280x128xi1>
    %and3A_3802 = arith.andi %and3A_3801, %lt3A_3796 : vector<1280x128xi1>
    %reduce_or3A_3803 = arith.constant 1.000000e+00 : f32
    %reduce_or3A_3804 = arith.constant 0.000000e+00 : f32
    %reduce_or3A_3805 = vector.broadcast %reduce_or3A_3803 : f32 to vector<1280x128xf32>
    %reduce_or3A_3806 = vector.broadcast %reduce_or3A_3804 : f32 to vector<1280x128xf32>
    %reduce_or3A_3807 = arith.select %and3A_3802, %reduce_or3A_3805, %reduce_or3A_3806 : vector<1280x128xi1>, vector<1280x128xf32>
    %reduce_or3A_3808 = arith.constant dense<0xFF800000> : vector<1280xf32>
    %reduce_or3A_3809 = vector.multi_reduction <maximumf>, %reduce_or3A_3807, %reduce_or3A_3808 [1] : vector<1280x128xf32> to vector<1280xf32>
    %reduce_or3A_3810 = arith.constant 0.000000e+00 : f32
    %reduce_or3A_3811 = vector.broadcast %reduce_or3A_3810 : f32 to vector<1280xf32>
    %reduce_or3A_3812 = arith.cmpf ogt, %reduce_or3A_3809, %reduce_or3A_3811 : vector<1280xf32>
    %broadcast_in_dim3A_3813 = vector.shape_cast %reduce_or3A_3812 : vector<1280xi1> to vector<1280x1xi1>
    %or3A_3814 = arith.ori %or3A_3787, %broadcast_in_dim3A_3813 : vector<1280x1xi1>
    %slice3A_3815 = vector.extract_strided_slice %concatenate3A_3697 {offsets = [0, 384], sizes = [1, 128], strides = [1, 1]} : vector<1x1280xi32> to vector<1x128xi32>
    %slice3A_3816 = vector.extract_strided_slice %ne3A_3715 {offsets = [0, 384], sizes = [1, 128], strides = [1, 1]} : vector<1x1280xi1> to vector<1x128xi1>
    %iota3A_3817 = tpu.iota {dimensions = array<i32: 1>} : vector<1x128xi32>
    %add3A_3818 = arith.constant 384 : i32
    %add3A_3819 = vector.broadcast %add3A_3818 : i32 to vector<1x128xi32>
    %add3A_3820 = arith.addi %iota3A_3817, %add3A_3819 : vector<1x128xi32>
    %lt3A_3821 = vector.broadcast %add3A_3820 : vector<1x128xi32> to vector<1280x128xi32>
    %lt3A_3822 = vector.broadcast %iota3A_3734 : vector<1280x1xi32> to vector<1280x128xi32>
    %lt3A_3823 = arith.cmpi slt, %lt3A_3821, %lt3A_3822 : vector<1280x128xi32>
    %eq3A_3824 = vector.broadcast %slice3A_3815 : vector<1x128xi32> to vector<1280x128xi32>
    %eq3A_3825 = vector.broadcast %concatenate3A_3696 : vector<1280x1xi32> to vector<1280x128xi32>
    %eq3A_3826 = arith.cmpi eq, %eq3A_3824, %eq3A_3825 : vector<1280x128xi32>
    %and3A_3827 = vector.broadcast %slice3A_3816 : vector<1x128xi1> to vector<1280x128xi1>
    %and3A_3828 = arith.andi %eq3A_3826, %and3A_3827 : vector<1280x128xi1>
    %and3A_3829 = arith.andi %and3A_3828, %lt3A_3823 : vector<1280x128xi1>
    %reduce_or3A_3830 = arith.constant 1.000000e+00 : f32
    %reduce_or3A_3831 = arith.constant 0.000000e+00 : f32
    %reduce_or3A_3832 = vector.broadcast %reduce_or3A_3830 : f32 to vector<1280x128xf32>
    %reduce_or3A_3833 = vector.broadcast %reduce_or3A_3831 : f32 to vector<1280x128xf32>
    %reduce_or3A_3834 = arith.select %and3A_3829, %reduce_or3A_3832, %reduce_or3A_3833 : vector<1280x128xi1>, vector<1280x128xf32>
    %reduce_or3A_3835 = arith.constant dense<0xFF800000> : vector<1280xf32>
    %reduce_or3A_3836 = vector.multi_reduction <maximumf>, %reduce_or3A_3834, %reduce_or3A_3835 [1] : vector<1280x128xf32> to vector<1280xf32>
    %reduce_or3A_3837 = arith.constant 0.000000e+00 : f32
    %reduce_or3A_3838 = vector.broadcast %reduce_or3A_3837 : f32 to vector<1280xf32>
    %reduce_or3A_3839 = arith.cmpf ogt, %reduce_or3A_3836, %reduce_or3A_3838 : vector<1280xf32>
    %broadcast_in_dim3A_3840 = vector.shape_cast %reduce_or3A_3839 : vector<1280xi1> to vector<1280x1xi1>
    %or3A_3841 = arith.ori %or3A_3814, %broadcast_in_dim3A_3840 : vector<1280x1xi1>
    %slice3A_3842 = vector.extract_strided_slice %concatenate3A_3697 {offsets = [0, 512], sizes = [1, 128], strides = [1, 1]} : vector<1x1280xi32> to vector<1x128xi32>
    %slice3A_3843 = vector.extract_strided_slice %ne3A_3715 {offsets = [0, 512], sizes = [1, 128], strides = [1, 1]} : vector<1x1280xi1> to vector<1x128xi1>
    %iota3A_3844 = tpu.iota {dimensions = array<i32: 1>} : vector<1x128xi32>
    %add3A_3845 = arith.constant 512 : i32
    %add3A_3846 = vector.broadcast %add3A_3845 : i32 to vector<1x128xi32>
    %add3A_3847 = arith.addi %iota3A_3844, %add3A_3846 : vector<1x128xi32>
    %lt3A_3848 = vector.broadcast %add3A_3847 : vector<1x128xi32> to vector<1280x128xi32>
    %lt3A_3849 = vector.broadcast %iota3A_3734 : vector<1280x1xi32> to vector<1280x128xi32>
    %lt3A_3850 = arith.cmpi slt, %lt3A_3848, %lt3A_3849 : vector<1280x128xi32>
    %eq3A_3851 = vector.broadcast %slice3A_3842 : vector<1x128xi32> to vector<1280x128xi32>
    %eq3A_3852 = vector.broadcast %concatenate3A_3696 : vector<1280x1xi32> to vector<1280x128xi32>
    %eq3A_3853 = arith.cmpi eq, %eq3A_3851, %eq3A_3852 : vector<1280x128xi32>
    %and3A_3854 = vector.broadcast %slice3A_3843 : vector<1x128xi1> to vector<1280x128xi1>
    %and3A_3855 = arith.andi %eq3A_3853, %and3A_3854 : vector<1280x128xi1>
    %and3A_3856 = arith.andi %and3A_3855, %lt3A_3850 : vector<1280x128xi1>
    %reduce_or3A_3857 = arith.constant 1.000000e+00 : f32
    %reduce_or3A_3858 = arith.constant 0.000000e+00 : f32
    %reduce_or3A_3859 = vector.broadcast %reduce_or3A_3857 : f32 to vector<1280x128xf32>
    %reduce_or3A_3860 = vector.broadcast %reduce_or3A_3858 : f32 to vector<1280x128xf32>
    %reduce_or3A_3861 = arith.select %and3A_3856, %reduce_or3A_3859, %reduce_or3A_3860 : vector<1280x128xi1>, vector<1280x128xf32>
    %reduce_or3A_3862 = arith.constant dense<0xFF800000> : vector<1280xf32>
    %reduce_or3A_3863 = vector.multi_reduction <maximumf>, %reduce_or3A_3861, %reduce_or3A_3862 [1] : vector<1280x128xf32> to vector<1280xf32>
    %reduce_or3A_3864 = arith.constant 0.000000e+00 : f32
    %reduce_or3A_3865 = vector.broadcast %reduce_or3A_3864 : f32 to vector<1280xf32>
    %reduce_or3A_3866 = arith.cmpf ogt, %reduce_or3A_3863, %reduce_or3A_3865 : vector<1280xf32>
    %broadcast_in_dim3A_3867 = vector.shape_cast %reduce_or3A_3866 : vector<1280xi1> to vector<1280x1xi1>
    %or3A_3868 = arith.ori %or3A_3841, %broadcast_in_dim3A_3867 : vector<1280x1xi1>
    %slice3A_3869 = vector.extract_strided_slice %concatenate3A_3697 {offsets = [0, 640], sizes = [1, 128], strides = [1, 1]} : vector<1x1280xi32> to vector<1x128xi32>
    %slice3A_3870 = vector.extract_strided_slice %ne3A_3715 {offsets = [0, 640], sizes = [1, 128], strides = [1, 1]} : vector<1x1280xi1> to vector<1x128xi1>
    %iota3A_3871 = tpu.iota {dimensions = array<i32: 1>} : vector<1x128xi32>
    %add3A_3872 = arith.constant 640 : i32
    %add3A_3873 = vector.broadcast %add3A_3872 : i32 to vector<1x128xi32>
    %add3A_3874 = arith.addi %iota3A_3871, %add3A_3873 : vector<1x128xi32>
    %lt3A_3875 = vector.broadcast %add3A_3874 : vector<1x128xi32> to vector<1280x128xi32>
    %lt3A_3876 = vector.broadcast %iota3A_3734 : vector<1280x1xi32> to vector<1280x128xi32>
    %lt3A_3877 = arith.cmpi slt, %lt3A_3875, %lt3A_3876 : vector<1280x128xi32>
    %eq3A_3878 = vector.broadcast %slice3A_3869 : vector<1x128xi32> to vector<1280x128xi32>
    %eq3A_3879 = vector.broadcast %concatenate3A_3696 : vector<1280x1xi32> to vector<1280x128xi32>
    %eq3A_3880 = arith.cmpi eq, %eq3A_3878, %eq3A_3879 : vector<1280x128xi32>
    %and3A_3881 = vector.broadcast %slice3A_3870 : vector<1x128xi1> to vector<1280x128xi1>
    %and3A_3882 = arith.andi %eq3A_3880, %and3A_3881 : vector<1280x128xi1>
    %and3A_3883 = arith.andi %and3A_3882, %lt3A_3877 : vector<1280x128xi1>
    %reduce_or3A_3884 = arith.constant 1.000000e+00 : f32
    %reduce_or3A_3885 = arith.constant 0.000000e+00 : f32
    %reduce_or3A_3886 = vector.broadcast %reduce_or3A_3884 : f32 to vector<1280x128xf32>
    %reduce_or3A_3887 = vector.broadcast %reduce_or3A_3885 : f32 to vector<1280x128xf32>
    %reduce_or3A_3888 = arith.select %and3A_3883, %reduce_or3A_3886, %reduce_or3A_3887 : vector<1280x128xi1>, vector<1280x128xf32>
    %reduce_or3A_3889 = arith.constant dense<0xFF800000> : vector<1280xf32>
    %reduce_or3A_3890 = vector.multi_reduction <maximumf>, %reduce_or3A_3888, %reduce_or3A_3889 [1] : vector<1280x128xf32> to vector<1280xf32>
    %reduce_or3A_3891 = arith.constant 0.000000e+00 : f32
    %reduce_or3A_3892 = vector.broadcast %reduce_or3A_3891 : f32 to vector<1280xf32>
    %reduce_or3A_3893 = arith.cmpf ogt, %reduce_or3A_3890, %reduce_or3A_3892 : vector<1280xf32>
    %broadcast_in_dim3A_3894 = vector.shape_cast %reduce_or3A_3893 : vector<1280xi1> to vector<1280x1xi1>
    %or3A_3895 = arith.ori %or3A_3868, %broadcast_in_dim3A_3894 : vector<1280x1xi1>
    %slice3A_3896 = vector.extract_strided_slice %concatenate3A_3697 {offsets = [0, 768], sizes = [1, 128], strides = [1, 1]} : vector<1x1280xi32> to vector<1x128xi32>
    %slice3A_3897 = vector.extract_strided_slice %ne3A_3715 {offsets = [0, 768], sizes = [1, 128], strides = [1, 1]} : vector<1x1280xi1> to vector<1x128xi1>
    %iota3A_3898 = tpu.iota {dimensions = array<i32: 1>} : vector<1x128xi32>
    %add3A_3899 = arith.constant 768 : i32
    %add3A_3900 = vector.broadcast %add3A_3899 : i32 to vector<1x128xi32>
    %add3A_3901 = arith.addi %iota3A_3898, %add3A_3900 : vector<1x128xi32>
    %lt3A_3902 = vector.broadcast %add3A_3901 : vector<1x128xi32> to vector<1280x128xi32>
    %lt3A_3903 = vector.broadcast %iota3A_3734 : vector<1280x1xi32> to vector<1280x128xi32>
    %lt3A_3904 = arith.cmpi slt, %lt3A_3902, %lt3A_3903 : vector<1280x128xi32>
    %eq3A_3905 = vector.broadcast %slice3A_3896 : vector<1x128xi32> to vector<1280x128xi32>
    %eq3A_3906 = vector.broadcast %concatenate3A_3696 : vector<1280x1xi32> to vector<1280x128xi32>
    %eq3A_3907 = arith.cmpi eq, %eq3A_3905, %eq3A_3906 : vector<1280x128xi32>
    %and3A_3908 = vector.broadcast %slice3A_3897 : vector<1x128xi1> to vector<1280x128xi1>
    %and3A_3909 = arith.andi %eq3A_3907, %and3A_3908 : vector<1280x128xi1>
    %and3A_3910 = arith.andi %and3A_3909, %lt3A_3904 : vector<1280x128xi1>
    %reduce_or3A_3911 = arith.constant 1.000000e+00 : f32
    %reduce_or3A_3912 = arith.constant 0.000000e+00 : f32
    %reduce_or3A_3913 = vector.broadcast %reduce_or3A_3911 : f32 to vector<1280x128xf32>
    %reduce_or3A_3914 = vector.broadcast %reduce_or3A_3912 : f32 to vector<1280x128xf32>
    %reduce_or3A_3915 = arith.select %and3A_3910, %reduce_or3A_3913, %reduce_or3A_3914 : vector<1280x128xi1>, vector<1280x128xf32>
    %reduce_or3A_3916 = arith.constant dense<0xFF800000> : vector<1280xf32>
    %reduce_or3A_3917 = vector.multi_reduction <maximumf>, %reduce_or3A_3915, %reduce_or3A_3916 [1] : vector<1280x128xf32> to vector<1280xf32>
    %reduce_or3A_3918 = arith.constant 0.000000e+00 : f32
    %reduce_or3A_3919 = vector.broadcast %reduce_or3A_3918 : f32 to vector<1280xf32>
    %reduce_or3A_3920 = arith.cmpf ogt, %reduce_or3A_3917, %reduce_or3A_3919 : vector<1280xf32>
    %broadcast_in_dim3A_3921 = vector.shape_cast %reduce_or3A_3920 : vector<1280xi1> to vector<1280x1xi1>
    %or3A_3922 = arith.ori %or3A_3895, %broadcast_in_dim3A_3921 : vector<1280x1xi1>
    %slice3A_3923 = vector.extract_strided_slice %concatenate3A_3697 {offsets = [0, 896], sizes = [1, 128], strides = [1, 1]} : vector<1x1280xi32> to vector<1x128xi32>
    %slice3A_3924 = vector.extract_strided_slice %ne3A_3715 {offsets = [0, 896], sizes = [1, 128], strides = [1, 1]} : vector<1x1280xi1> to vector<1x128xi1>
    %iota3A_3925 = tpu.iota {dimensions = array<i32: 1>} : vector<1x128xi32>
    %add3A_3926 = arith.constant 896 : i32
    %add3A_3927 = vector.broadcast %add3A_3926 : i32 to vector<1x128xi32>
    %add3A_3928 = arith.addi %iota3A_3925, %add3A_3927 : vector<1x128xi32>
    %lt3A_3929 = vector.broadcast %add3A_3928 : vector<1x128xi32> to vector<1280x128xi32>
    %lt3A_3930 = vector.broadcast %iota3A_3734 : vector<1280x1xi32> to vector<1280x128xi32>
    %lt3A_3931 = arith.cmpi slt, %lt3A_3929, %lt3A_3930 : vector<1280x128xi32>
    %eq3A_3932 = vector.broadcast %slice3A_3923 : vector<1x128xi32> to vector<1280x128xi32>
    %eq3A_3933 = vector.broadcast %concatenate3A_3696 : vector<1280x1xi32> to vector<1280x128xi32>
    %eq3A_3934 = arith.cmpi eq, %eq3A_3932, %eq3A_3933 : vector<1280x128xi32>
    %and3A_3935 = vector.broadcast %slice3A_3924 : vector<1x128xi1> to vector<1280x128xi1>
    %and3A_3936 = arith.andi %eq3A_3934, %and3A_3935 : vector<1280x128xi1>
    %and3A_3937 = arith.andi %and3A_3936, %lt3A_3931 : vector<1280x128xi1>
    %reduce_or3A_3938 = arith.constant 1.000000e+00 : f32
    %reduce_or3A_3939 = arith.constant 0.000000e+00 : f32
    %reduce_or3A_3940 = vector.broadcast %reduce_or3A_3938 : f32 to vector<1280x128xf32>
    %reduce_or3A_3941 = vector.broadcast %reduce_or3A_3939 : f32 to vector<1280x128xf32>
    %reduce_or3A_3942 = arith.select %and3A_3937, %reduce_or3A_3940, %reduce_or3A_3941 : vector<1280x128xi1>, vector<1280x128xf32>
    %reduce_or3A_3943 = arith.constant dense<0xFF800000> : vector<1280xf32>
    %reduce_or3A_3944 = vector.multi_reduction <maximumf>, %reduce_or3A_3942, %reduce_or3A_3943 [1] : vector<1280x128xf32> to vector<1280xf32>
    %reduce_or3A_3945 = arith.constant 0.000000e+00 : f32
    %reduce_or3A_3946 = vector.broadcast %reduce_or3A_3945 : f32 to vector<1280xf32>
    %reduce_or3A_3947 = arith.cmpf ogt, %reduce_or3A_3944, %reduce_or3A_3946 : vector<1280xf32>
    %broadcast_in_dim3A_3948 = vector.shape_cast %reduce_or3A_3947 : vector<1280xi1> to vector<1280x1xi1>
    %or3A_3949 = arith.ori %or3A_3922, %broadcast_in_dim3A_3948 : vector<1280x1xi1>
    %slice3A_3950 = vector.extract_strided_slice %concatenate3A_3697 {offsets = [0, 1024], sizes = [1, 128], strides = [1, 1]} : vector<1x1280xi32> to vector<1x128xi32>
    %slice3A_3951 = vector.extract_strided_slice %ne3A_3715 {offsets = [0, 1024], sizes = [1, 128], strides = [1, 1]} : vector<1x1280xi1> to vector<1x128xi1>
    %iota3A_3952 = tpu.iota {dimensions = array<i32: 1>} : vector<1x128xi32>
    %add3A_3953 = arith.constant 1024 : i32
    %add3A_3954 = vector.broadcast %add3A_3953 : i32 to vector<1x128xi32>
    %add3A_3955 = arith.addi %iota3A_3952, %add3A_3954 : vector<1x128xi32>
    %lt3A_3956 = vector.broadcast %add3A_3955 : vector<1x128xi32> to vector<1280x128xi32>
    %lt3A_3957 = vector.broadcast %iota3A_3734 : vector<1280x1xi32> to vector<1280x128xi32>
    %lt3A_3958 = arith.cmpi slt, %lt3A_3956, %lt3A_3957 : vector<1280x128xi32>
    %eq3A_3959 = vector.broadcast %slice3A_3950 : vector<1x128xi32> to vector<1280x128xi32>
    %eq3A_3960 = vector.broadcast %concatenate3A_3696 : vector<1280x1xi32> to vector<1280x128xi32>
    %eq3A_3961 = arith.cmpi eq, %eq3A_3959, %eq3A_3960 : vector<1280x128xi32>
    %and3A_3962 = vector.broadcast %slice3A_3951 : vector<1x128xi1> to vector<1280x128xi1>
    %and3A_3963 = arith.andi %eq3A_3961, %and3A_3962 : vector<1280x128xi1>
    %and3A_3964 = arith.andi %and3A_3963, %lt3A_3958 : vector<1280x128xi1>
    %reduce_or3A_3965 = arith.constant 1.000000e+00 : f32
    %reduce_or3A_3966 = arith.constant 0.000000e+00 : f32
    %reduce_or3A_3967 = vector.broadcast %reduce_or3A_3965 : f32 to vector<1280x128xf32>
    %reduce_or3A_3968 = vector.broadcast %reduce_or3A_3966 : f32 to vector<1280x128xf32>
    %reduce_or3A_3969 = arith.select %and3A_3964, %reduce_or3A_3967, %reduce_or3A_3968 : vector<1280x128xi1>, vector<1280x128xf32>
    %reduce_or3A_3970 = arith.constant dense<0xFF800000> : vector<1280xf32>
    %reduce_or3A_3971 = vector.multi_reduction <maximumf>, %reduce_or3A_3969, %reduce_or3A_3970 [1] : vector<1280x128xf32> to vector<1280xf32>
    %reduce_or3A_3972 = arith.constant 0.000000e+00 : f32
    %reduce_or3A_3973 = vector.broadcast %reduce_or3A_3972 : f32 to vector<1280xf32>
    %reduce_or3A_3974 = arith.cmpf ogt, %reduce_or3A_3971, %reduce_or3A_3973 : vector<1280xf32>
    %broadcast_in_dim3A_3975 = vector.shape_cast %reduce_or3A_3974 : vector<1280xi1> to vector<1280x1xi1>
    %or3A_3976 = arith.ori %or3A_3949, %broadcast_in_dim3A_3975 : vector<1280x1xi1>
    %slice3A_3977 = vector.extract_strided_slice %concatenate3A_3697 {offsets = [0, 1152], sizes = [1, 128], strides = [1, 1]} : vector<1x1280xi32> to vector<1x128xi32>
    %slice3A_3978 = vector.extract_strided_slice %ne3A_3715 {offsets = [0, 1152], sizes = [1, 128], strides = [1, 1]} : vector<1x1280xi1> to vector<1x128xi1>
    %iota3A_3979 = tpu.iota {dimensions = array<i32: 1>} : vector<1x128xi32>
    %add3A_3980 = arith.constant 1152 : i32
    %add3A_3981 = vector.broadcast %add3A_3980 : i32 to vector<1x128xi32>
    %add3A_3982 = arith.addi %iota3A_3979, %add3A_3981 : vector<1x128xi32>
    %lt3A_3983 = vector.broadcast %add3A_3982 : vector<1x128xi32> to vector<1280x128xi32>
    %lt3A_3984 = vector.broadcast %iota3A_3734 : vector<1280x1xi32> to vector<1280x128xi32>
    %lt3A_3985 = arith.cmpi slt, %lt3A_3983, %lt3A_3984 : vector<1280x128xi32>
    %eq3A_3986 = vector.broadcast %slice3A_3977 : vector<1x128xi32> to vector<1280x128xi32>
    %eq3A_3987 = vector.broadcast %concatenate3A_3696 : vector<1280x1xi32> to vector<1280x128xi32>
    %eq3A_3988 = arith.cmpi eq, %eq3A_3986, %eq3A_3987 : vector<1280x128xi32>
    %and3A_3989 = vector.broadcast %slice3A_3978 : vector<1x128xi1> to vector<1280x128xi1>
    %and3A_3990 = arith.andi %eq3A_3988, %and3A_3989 : vector<1280x128xi1>
    %and3A_3991 = arith.andi %and3A_3990, %lt3A_3985 : vector<1280x128xi1>
    %reduce_or3A_3992 = arith.constant 1.000000e+00 : f32
    %reduce_or3A_3993 = arith.constant 0.000000e+00 : f32
    %reduce_or3A_3994 = vector.broadcast %reduce_or3A_3992 : f32 to vector<1280x128xf32>
    %reduce_or3A_3995 = vector.broadcast %reduce_or3A_3993 : f32 to vector<1280x128xf32>
    %reduce_or3A_3996 = arith.select %and3A_3991, %reduce_or3A_3994, %reduce_or3A_3995 : vector<1280x128xi1>, vector<1280x128xf32>
    %reduce_or3A_3997 = arith.constant dense<0xFF800000> : vector<1280xf32>
    %reduce_or3A_3998 = vector.multi_reduction <maximumf>, %reduce_or3A_3996, %reduce_or3A_3997 [1] : vector<1280x128xf32> to vector<1280xf32>
    %reduce_or3A_3999 = arith.constant 0.000000e+00 : f32
    %reduce_or3A_4000 = vector.broadcast %reduce_or3A_3999 : f32 to vector<1280xf32>
    %reduce_or3A_4001 = arith.cmpf ogt, %reduce_or3A_3998, %reduce_or3A_4000 : vector<1280xf32>
    %broadcast_in_dim3A_4002 = vector.shape_cast %reduce_or3A_4001 : vector<1280xi1> to vector<1280x1xi1>
    %or3A_4003 = arith.ori %or3A_3976, %broadcast_in_dim3A_4002 : vector<1280x1xi1>
    %not3A_4004 = arith.constant dense<true> : vector<1280x1xi1>
    %not3A_4005 = arith.xori %or3A_4003, %not3A_4004 : vector<1280x1xi1>
    %and3A_4006 = arith.andi %not3A_4005, %ne3A_3733 : vector<1280x1xi1>
    %slice3A_4007 = vector.extract_strided_slice %get3A_3180 {offsets = [0, 4], sizes = [320, 1], strides = [1, 1]} : vector<320x128xf32> to vector<320x1xf32>
    %slice3A_4008 = vector.extract_strided_slice %get3A_3185 {offsets = [0, 4], sizes = [320, 1], strides = [1, 1]} : vector<320x128xf32> to vector<320x1xf32>
    %slice3A_4009 = vector.extract_strided_slice %get3A_3190 {offsets = [0, 4], sizes = [320, 1], strides = [1, 1]} : vector<320x128xf32> to vector<320x1xf32>
    %slice3A_4010 = vector.extract_strided_slice %select_n3A_3200 {offsets = [0, 4], sizes = [320, 1], strides = [1, 1]} : vector<320x128xf32> to vector<320x1xf32>
    %concatenate3A_4011 = tpu.concatenate %slice3A_4007, %slice3A_4008, %slice3A_4009, %slice3A_4010 in 0 : vector<320x1xf32>, vector<320x1xf32>, vector<320x1xf32>, vector<320x1xf32> -> vector<1280x1xf32>
    %slice3A_4012 = vector.extract_strided_slice %select_n3A_3200 {offsets = [0, 4], sizes = [320, 1], strides = [1, 1]} : vector<320x128xf32> to vector<320x1xf32>
    %neg3A_4013 = arith.constant 0.000000e+00 : f32
    %neg3A_4014 = vector.broadcast %neg3A_4013 : f32 to vector<320x1xf32>
    %neg3A_4015 = arith.subf %neg3A_4014, %slice3A_4012 : vector<320x1xf32>
    %max3A_4016 = arith.constant 0.000000e+00 : f32
    %max3A_4017 = vector.broadcast %max3A_4016 : f32 to vector<320x1xf32>
    %max3A_4018 = arith.maximumf %neg3A_4015, %max3A_4017 : vector<320x1xf32>
    %abs3A_4019 = math.absf %neg3A_4015 : vector<320x1xf32>
    %neg3A_4020 = arith.constant 0.000000e+00 : f32
    %neg3A_4021 = vector.broadcast %neg3A_4020 : f32 to vector<320x1xf32>
    %neg3A_4022 = arith.subf %neg3A_4021, %abs3A_4019 : vector<320x1xf32>
    %exp3A_4023 = math.exp %neg3A_4022 : vector<320x1xf32>
    %log1p3A_4024 = math.log1p %exp3A_4023 : vector<320x1xf32>
    %add3A_4025 = arith.addf %max3A_4018, %log1p3A_4024 : vector<320x1xf32>
    %mul3A_4026 = arith.mulf %convert_element_type3A_3490, %add3A_4025 : vector<320x1xf32>
    %reduce_sum3A_4027 = vector.shape_cast %mul3A_4026 : vector<320x1xf32> to vector<1x320x1xf32>
    %reduce_sum3A_4028 = arith.constant dense<0.000000e+00> : vector<1xf32>
    %reduce_sum3A_4029 = vector.multi_reduction <add>, %reduce_sum3A_4027, %reduce_sum3A_4028 [1, 2] : vector<1x320x1xf32> to vector<1xf32>
    %reduce_sum3A_4030 = vector.shape_cast %reduce_sum3A_4029 : vector<1xf32> to vector<1x1x1xf32>
    %reduce_sum3A_4031 = vector.extract %reduce_sum3A_4030[0, 0, 0] : f32 from vector<1x1x1xf32>
    %max3A_4032 = arith.constant 0.000000e+00 : f32
    %max3A_4033 = vector.broadcast %max3A_4032 : f32 to vector<1280x1xf32>
    %max3A_4034 = arith.maximumf %concatenate3A_4011, %max3A_4033 : vector<1280x1xf32>
    %abs3A_4035 = math.absf %concatenate3A_4011 : vector<1280x1xf32>
    %neg3A_4036 = arith.constant 0.000000e+00 : f32
    %neg3A_4037 = vector.broadcast %neg3A_4036 : f32 to vector<1280x1xf32>
    %neg3A_4038 = arith.subf %neg3A_4037, %abs3A_4035 : vector<1280x1xf32>
    %exp3A_4039 = math.exp %neg3A_4038 : vector<1280x1xf32>
    %log1p3A_4040 = math.log1p %exp3A_4039 : vector<1280x1xf32>
    %add3A_4041 = arith.addf %max3A_4034, %log1p3A_4040 : vector<1280x1xf32>
    %jit3A_4042 = arith.constant 0.000000e+00 : f32
    %broadcast_in_dim3A_4043 = vector.broadcast %jit3A_4042 : f32 to vector<1280x1xf32>
    %select_n3A_4044 = arith.select %and3A_4006, %add3A_4041, %broadcast_in_dim3A_4043 : vector<1280x1xi1>, vector<1280x1xf32>
    %reduce_sum3A_4045 = vector.shape_cast %select_n3A_4044 : vector<1280x1xf32> to vector<1x1280x1xf32>
    %reduce_sum3A_4046 = arith.constant dense<0.000000e+00> : vector<1xf32>
    %reduce_sum3A_4047 = vector.multi_reduction <add>, %reduce_sum3A_4045, %reduce_sum3A_4046 [1, 2] : vector<1x1280x1xf32> to vector<1xf32>
    %reduce_sum3A_4048 = vector.shape_cast %reduce_sum3A_4047 : vector<1xf32> to vector<1x1x1xf32>
    %reduce_sum3A_4049 = vector.extract %reduce_sum3A_4048[0, 0, 0] : f32 from vector<1x1x1xf32>
    %sub3A_4050 = arith.subf %reduce_sum3A_4031, %reduce_sum3A_4049 : f32
    %div3A_4051 = arith.divf %reduce_sum3A_3507, %max3A_3497 : f32
    %mul3A_4052 = arith.constant 5.000000e-02 : f32
    %mul3A_4053 = arith.mulf %div3A_4051, %mul3A_4052 : f32
    %mul3A_4054 = arith.constant 8.000000e+01 : f32
    %mul3A_4055 = arith.mulf %max3A_3497, %mul3A_4054 : f32
    %div3A_4056 = arith.divf %sub3A_3691, %mul3A_4055 : f32
    %mul3A_4057 = arith.constant 1.000000e+00 : f32
    %mul3A_4058 = arith.mulf %div3A_4056, %mul3A_4057 : f32
    %add3A_4059 = arith.addf %mul3A_4053, %mul3A_4058 : f32
    %add3A_4060 = arith.addf %get3A_3695, %sub3A_4050 : f32
    %div3A_4061 = arith.constant 1.297920e+05 : f32
    %div3A_4062 = arith.divf %add3A_4060, %div3A_4061 : f32
    %mul3A_4063 = arith.constant 4.000000e+00 : f32
    %mul3A_4064 = arith.mulf %div3A_4062, %mul3A_4063 : f32
    %mul3A_4065 = arith.constant 5.000000e+00 : f32
    %mul3A_4066 = arith.mulf %mul3A_4064, %mul3A_4065 : f32
    %add3A_4067 = arith.addf %add3A_4059, %mul3A_4066 : f32
    %add3A_4068 = arith.addf %add3A_2705, %add3A_4067 : f32
    %broadcast_in_dim3A_4069 = vector.broadcast %add3A_4068 : f32 to vector<1x1xf32>
    %swap3A = arith.constant 0 : index
    %swap3A_4070 = arith.constant 0 : index
    %swap3A_4071 = vector.load %arg16[%swap3A, %swap3A_4070] : memref<1x1xf32, #tpu.memory_space<vmem>>, vector<1x1xf32>
    tpu.vector_store %arg16[%swap3A, %swap3A_4070], %broadcast_in_dim3A_4069 {strides = array<i32>} : memref<1x1xf32, #tpu.memory_space<vmem>>, vector<1x1xf32>,
    return
  }
}

</mosaic_0001>

<sc_bundles>
// kernel: kernel.7.cloned.1.call-start
scs
__scs_entry_jumppad:
0x0: {  	(pc) =	sbr.rel $0x88, $3  }
0x1: {  	(tag) =	ssettag $0x0;
	lr =	simm.s32 $0x1  }
0x2: {  	[smem:$0x3F9D] =	sst lr;
	_ =	strace $0xD0000000  }
0x3: {  	_ = 	snop  }
0x4: {  	_ = 	snop  }
0x5: {  	_ = 	snop  }
0x6: {  	_ = 	snop  }
0x7: {  	_ = 	snop  }
__scs_overlays_trampoline_lowered:
0x8: {  	[smem:$0x3FAC] =	sst s0  }
0x9: {  	[smem:$0x3FAD] =	sst s1  }
0xa: {  	[smem:$0x3FAE] =	sst s2  }
0xb: {  	[smem:$0x3FAF] =	sst s3  }
0xc: {  	[smem:$0x3FB0] =	sst s4  }
0xd: {  	[smem:$0x3FB1] =	sst s5  }
0xe: {  	[smem:$0x3FB2] =	sst s6  }
0xf: {  	[smem:$0x3FB3] =	sst s7  }
0x10: {  	[smem:$0x3FB4] =	sst s8  }
0x11: {  	[smem:$0x3FB5] =	sst s9;
	s0 =	simm.s32 @!p0 $0x0  }
0x12: {  	s1 =	sld [smem:$0x3F9B];
	s0 =	simm.s32 @p0 $0x1  }
0x13: {  	[smem:$0x3FB6] =	sst s0;
	s0 =	simm.s32 @!p1 $0x0  }
0x14: {  	s2 =	sld [smem:$0x3F9A];
	s0 =	simm.s32 @p1 $0x1  }
0x15: {  	[smem:$0x3FB7] =	sst s0;
	s0 =	simm.s32 @!p2 $0x0  }
0x16: {  	s3 =	sld [smem:$0x3FDB];
	s0 =	simm.s32 @p2 $0x1  }
0x17: {  	s4 =	simm.s32 $0x1BF5;
	[smem:$0x3FB9] =	sst s0  }
0x18: {  	s0 =	sld [smem:$0x3F9C];
	_ =	swait.ge [sflag:s4], $0x0  }
0x19: {  	s7 =	sld [smem:$0x3F9D]  }
0x1a: {  	s8 =	sadd.s32 $0xFFFFE003, lr  }
0x1b: {  	s9 =	sadd.s32 $0xFFFFFEF7, lr;
	s5 =	simm.s32 $0xFFFFFFFF;
	p2 =	slt.u32 s8, $0xFFFFF086  }
0x1c: {  	p1 =	slt.u32 s9, $0xF7A;
	s5 =	simm.s32 @!p2 $0x0  }
0x1d: {  	s5 =	simm.s32 @p1 $0x1;
	p0 =	seq.s32 s7, s2  }
0x1e: {  	s7 =	smul.u32 @!p0 $0xF7A, s2;
	p2 =	seq.s32 @!p0 s5, $0x0  }
0x1f: {  	s9 =	smul.u32 $0xF7A, s1;
	s8 =	simm.s32 @!p0 $0x1BF5;
	p2 =	por !p2, p0  }
0x20: {  	[sflag:s8] =	ssyncset.s32 @!p0 $0xFFFFF086;
	s6 =	sadd.s32 @!p0 s3, s7;
	s7 =	simm.s32 @!p0 $0x108  }
0x21: {  	s3 =	sadd.s32 s3, s9;
	s6 =	sadd.s32 @!p0 $0x88, s6;
	s7 =	simm.s32 @p2 $0x1082  }
0x22: {  	[simem:s7], [sflag:s8] =	dma.local @!p0 [hbm:s6], $0xF7A  }
0x23: {  	s9 =	sor.u32 $0xD0000000, s2;
	s6 =	simm.s32 $0x108;
	_ =	swait.ge @!p0 [sflag:s8], $0x0  }
0x24: {  	s3 =	sadd.s32 $0x88, s3;
	s6 =	simm.s32 @!p1 $0x1082;
	[sflag:s4] =	ssyncset.s32 $0xFFFFF086  }
0x25: {  	[simem:s6], [sflag:s4] =	dma.local [hbm:s3], $0xF7A  }
0x26: {  	[smem:$0x3F9D] =	sst s1;
	(tag) =	ssettag s2;
	_ =	strace s9  }
0x27: {  	s1 =	sld [smem:$0x3FAD]  }
0x28: {  	s2 =	sld [smem:$0x3FAE]  }
0x29: {  	s4 =	sld [smem:$0x3FB0]  }
0x2a: {  	p0 =	seq.s32 s5, $0x0;
	s5 =	sld [smem:$0x3FB1]  }
0x2b: {  	s6 =	sld [smem:$0x3FB2]  }
0x2c: {  	s7 =	sld [smem:$0x3FB3]  }
0x2d: {  	s3 =	simm.s32 $0x108;
	s8 =	sld [smem:$0x3FB4]  }
0x2e: {  	s3 =	simm.s32 @!p0 $0x1082;
	s9 =	sld [smem:$0x3FB5]  }
0x2f: {  	lr =	sadd.s32 s0, s3;
	s0 =	sld [smem:$0x3FAC]  }
0x30: {  	s3 =	sld [smem:$0x3FAF]  }
0x31: {  	[smem:$0x3FB8] =	sst s10  }
0x32: {  	s10 =	sld [smem:$0x3FB6];
	_ =	sdelay $0x3  }
0x33: {  	p0 =	seq.s32 s10, $0x1;
	s10 =	sld [smem:$0x3FB8];
	_ =	sdelay $0x3  }
0x34: {  	[smem:$0x3FB8] =	sst s10  }
0x35: {  	s10 =	sld [smem:$0x3FB7];
	_ =	sdelay $0x3  }
0x36: {  	p1 =	seq.s32 s10, $0x1;
	s10 =	sld [smem:$0x3FB8];
	_ =	sdelay $0x3  }
0x37: {  	[smem:$0x3FB8] =	sst s10  }
0x38: {  	s10 =	sld [smem:$0x3FB9]  }
0x39: {  	_ = 	snop;
	(pc) =	sbr.ind lr, $3  }
0x3a: {  	_ = 	snop  }
0x3b: {  	_ = 	snop  }
0x3c: {  	p2 =	seq.s32 s10, $0x1;
	s10 =	sld [smem:$0x3FB8]  }
0x3d: {  	_ =	shalt  }
0x3e: {  	_ =	shalt  }
0x3f: {  	_ =	shalt  }
0x40: {  	_ =	shalt  }
0x41: {  	_ =	shalt  }
0x42: {  	_ =	shalt  }
0x43: {  	_ =	shalt  }
0x44: {  	_ =	shalt  }
0x45: {  	_ =	shalt  }
0x46: {  	_ =	shalt  }
0x47: {  	_ =	shalt  }
0x48: {  	_ =	shalt  }
0x49: {  	_ =	shalt  }
0x4a: {  	_ =	shalt  }
0x4b: {  	_ =	shalt  }
0x4c: {  	_ =	shalt  }
0x4d: {  	_ =	shalt  }
0x4e: {  	_ =	shalt  }
0x4f: {  	_ =	shalt  }
0x50: {  	_ =	shalt  }
0x51: {  	_ =	shalt  }
0x52: {  	_ =	shalt  }
0x53: {  	_ =	shalt  }
0x54: {  	_ =	shalt  }
0x55: {  	_ =	shalt  }
0x56: {  	_ =	shalt  }
0x57: {  	_ =	shalt  }
0x58: {  	_ =	shalt  }
0x59: {  	_ =	shalt  }
0x5a: {  	_ =	shalt  }
0x5b: {  	_ =	shalt  }
0x5c: {  	_ =	shalt  }
0x5d: {  	_ =	shalt  }
0x5e: {  	_ =	shalt  }
0x5f: {  	_ =	shalt  }
0x60: {  	_ =	shalt  }
0x61: {  	_ =	shalt  }
0x62: {  	_ =	shalt  }
0x63: {  	_ =	shalt  }
0x64: {  	_ =	shalt  }
0x65: {  	_ =	shalt  }
0x66: {  	_ =	shalt  }
0x67: {  	_ =	shalt  }
0x68: {  	_ =	shalt  }
0x69: {  	_ =	shalt  }
0x6a: {  	_ =	shalt  }
0x6b: {  	_ =	shalt  }
0x6c: {  	_ =	shalt  }
0x6d: {  	_ =	shalt  }
0x6e: {  	_ =	shalt  }
0x6f: {  	_ =	shalt  }
0x70: {  	_ =	shalt  }
0x71: {  	_ =	shalt  }
0x72: {  	_ =	shalt  }
0x73: {  	_ =	shalt  }
0x74: {  	_ =	shalt  }
0x75: {  	_ =	shalt  }
0x76: {  	_ =	shalt  }
0x77: {  	_ =	shalt  }
0x78: {  	_ =	shalt  }
0x79: {  	_ =	shalt  }
0x7a: {  	_ =	shalt  }
0x7b: {  	_ =	shalt  }
0x7c: {  	_ =	shalt  }
0x7d: {  	_ =	shalt  }
0x7e: {  	_ =	shalt  }
0x7f: {  	_ =	shalt  }
0x80: {  	_ =	shalt  }
0x81: {  	_ =	shalt  }
0x82: {  	_ =	shalt  }
0x83: {  	_ =	shalt  }
0x84: {  	_ =	shalt  }
0x85: {  	_ =	shalt  }
0x86: {  	_ =	shalt  }
0x87: {  	_ =	shalt  }
.Lfunc_end0:
.L_simem_size_0:
called_computation_lowered:
.L_overlay_start_0:
0x88: {  	s2 =	sld [smem:$0x3FD9]  }
0x89: {  	s3 =	sld [smem:$0x3FFE];
	_ =	sdelay $0x1  }
0x8a: {  	s1 =	srdreg.scid  }
0x8b: {  	s0 =	sand.u32 $0x1, s1  }
0x8c: {  	s16 =	sshll.u32 s0, $0xA;
	s2 =	sadd.s32 s3, s2  }
0x8d: {  	s2 =	sadd.s32 s2, s16  }
0x8e: {  	[smem:$0x3FC4] =	sst s2  }
0x8f: {  	_ = 	snop  }
0x90: {  	(tm) =	ssettm $0x1  }
0x91: {  	s17 =	sld [smem:$0x3FFB];
	_ =	sdelay $0x3  }
0x92: {  	_ =	strace s17  }
0x93: {  	s2 =	sld [smem:$0x3FFC];
	_ =	sdelay $0x3  }
0x94: {  	_ =	strace s2  }
0x95: {  	s2 =	sld [smem:$0x3FFD];
	_ =	sdelay $0x3  }
0x96: {  	_ =	strace s2  }
0x97: {  	_ =	strace $0x8FFFFFFF  }
0x98: {  	s18 =	sld [smem:$0x3FDB];
	_ =	sdelay $0x1  }
0x99: {  	s19 =	simm.s32 $_scs_section_size  }
0x9a: {  	s4 =	simm.s32 $_size__tile_overlayer_lowered;
	s5 =	simm.s32 $_tile_overlayer_lowered  }
0x9b: {  	s22 =	simm.s32 $0x1BFF;
	s21 =	sshll.u32 s5, $0x1;
	s2 =	sadd.s32 s19, s18  }
0x9c: {  	s6 =	simm.s32 $0x0;
	s20 =	sshll.u32 s4, $0x1;
	s4 =	sadd.s32 s21, s2  }
0x9d: {  	[timem:s6], [sflag:s22] =	dma.local [hbm:s4], s20  }
0x9e: {  	_ =	swait.ge [sflag:s22], s20  }
0x9f: {  	s3 =	ssub.s32 $0x0, s20;
	[sflag:s22] =	ssyncset.done $0x0  }
0xa0: {  	[sflag:s22] =	ssyncadd.s32 s3;
	_ =	sdelay $0x1  }
0xa1: {  	s23 =	simm.s32 $0x1B8B  }
0xa2: {  	_ =	swait.ge [sflag:s23], $0x1  }
0xa3: {  	[sflag:s23] =	ssyncset.done $0x0  }
0xa4: {  	s25 =	simm.s32 $0x1B8E;
	s24 =	sld [smem:$0x3FFE];
	[sflag:s23] =	ssyncadd.s32 $0xFFFFFFFF  }
0xa5: {  	s26 =	simm.s32 $execute0_lowered;
	[smem:$0x3FD2] =	sst s25  }
0xa6: {  	s4 =	sshll.u32 s26, $0x1;
	_ =	strace $0x80000046;
	[dreg:$0x1] =	wrdreg $0xFFFFFFFF  }
0xa7: {  	s28 =	simm.s32 $_size_execute0_lowered;
	s2 =	sadd.s32 s2, s4;
	[dreg:$0x0] =	wrdreg $0x0  }
0xa8: {  	s4 =	sshll.u32 s28, $0x1;
	[dreg:$0x2] =	wrdreg s2  }
0xa9: {  	[dreg:$0x3] =	wrdreg s4  }
0xaa: {  	[dreg:$0x4] =	wrdreg $0xC0  }
0xab: {  	_ =	task [dreg:s6], $0x5FFFF  }
0xac: {  	[dreg:$0x1] =	wrdreg $0xFFFFFFFF  }
0xad: {  	[dreg:$0x0] =	wrdreg $0x60  }
0xae: {  	[dreg:$0x2] =	wrdreg s24  }
0xaf: {  	[dreg:$0x3] =	wrdreg $0x9  }
0xb0: {  	_ =	task.clear_ibuf [dreg:s6], $0x4FFFF;
	_ =	strace $0x90000046  }
0xb1: {  	s29 =	simm.s32 $0x9;
	_ =	strace $0x80000048  }
0xb2: {  	_ =	swait.ge [sflag:s29], $0x1  }
0xb3: {  	[sflag:s29] =	ssyncadd.s32 $0xFFFFFFFF  }
0xb4: {  	_ =	strace $0x90000048  }
0xb5: {  	_ =	sfence  }
0xb6: {  	s30 =	sld [smem:$0x0];
	_ =	sdelay $0x2  }
0xb7: {  	s31 =	sshll.u32 s1, $0xD;
	s1 =	sshrl.u32 s1, $0x2  }
0xb8: {  	s3 =	sand.u32 $0x4000, s31;
	s1 =	sadd.s32 s1, s30  }
0xb9: {  	s0 =	sor.u32 s3, s0;
	s1 =	sshll.u32 s1, $0x11  }
0xba: {  	s0 =	sor.u32 s1, s0  }
0xbb: {  	s0 =	sadd.s32 $0x8F2B, s0  }
0xbc: {  	[sflag:s0] =	ssyncadd.remote.s32 $0x1  }
0xbd: {  	_ =	sfence.sel $0xFFFF  }
0xbe: {  	[dreg:$0x0] =	wrdreg $0xFFFFFFFF;
	(pc) =	sbr.abs _section_cstart, $3  }
0xbf: {  	[dreg:$0x1] =	wrdreg $0xFFFFFFFF  }
0xc0: {  	_ =	task.clear_ibuf [dreg:s6], $0x2FFFF;
	_ =	strace $0x9FFFFFFF  }
0xc1: {  	(tm) =	ssettm $0x7FFFFFFF  }
tec
execute0_lowered:
.L_overlay_start_1:
0x0: {  	(tag) =	ssettag $0x1  }
0x1: {  	s1 =	stileid.u32  }
0x2: {  	p0 =	sgt.u32 s1, $0x9  }
.Ltmp0:
0x3: {  	_ = 	snop;
	(pc) =	sbr.rel @p0 .LBB2_4-.Ltmp0, $4  }
0x4: {  	_ = 	snop  }
0x5: {  	s22 =	rddreg [dreg:$0x0];
	s2 =	simm.s32 $0x0  }
0x6: {  	[smem:$0x7FF] =	sst s2  }
0x7: {  	s0 =	rddreg [dreg:$0x1];
	_ =	strace $0x80000047  }
0x8: {  	s3 =	srdreg.scid  }
0x9: {  	s29 =	sshll.u32 s1, $0x1;
	s24 =	sand.u32 $0x1, s3  }
0xa: {  	s14 =	sor.u32 s24, s29  }
0xb: {  	s30 =	sadd.s32 $0x3600, s22;
	s5 =	sshll.u32 s14, $0x1  }
0xc: {  	s3 =	simm.s32 $0x2;
	s4 =	sadd.s32 s30, s5  }
0xd: {  	[tilespmem:s2], [sflag:$0x2] =	stream.linear.gather [hbm4b:s4+s2], $0x10, $0x38;
	[tilespmem:$0xA00] =	vst v63  }
0xe: {  	_ =	swait.ge [sflag:s3], $0x10  }
0xf: {  	s7 =	sadd.s32 s5, s22;
	[sflag:s3] =	ssyncset.done $0x0  }
0x10: {  	s6 =	simm.s32 $0x80;
	s5 =	sadd.s32 $0x3800, s7;
	[sflag:s3] =	ssyncadd.s32 $0xFFFFFFF0  }
0x11: {  	[tilespmem:s6], [sflag:$0x2] =	stream.linear.gather [hbm4b:s5+s2], $0x10, $0x38;
	[tilespmem:$0xA00] =	vst v63  }
0x12: {  	_ =	swait.ge [sflag:s3], $0x10  }
0x13: {  	[sflag:s3] =	ssyncset.done $0x0  }
0x14: {  	s8 =	simm.s32 $0x100;
	s7 =	sadd.s32 $0x2A00, s7;
	[sflag:s3] =	ssyncadd.s32 $0xFFFFFFF0  }
0x15: {  	[tilespmem:s8], [sflag:$0x2] =	stream.linear.gather [hbm4b:s7+s2], $0x10, $0x38;
	[tilespmem:$0xA00] =	vst v63  }
0x16: {  	_ =	swait.ge [sflag:s3], $0x10  }
0x17: {  	[sflag:s3] =	ssyncset.done $0x0  }
0x18: {  	[sflag:s3] =	ssyncadd.s32 $0xFFFFFFF0  }
0x19: {  	v0 =	vld [tilespmem:$0x80];
	_ =	sdelay $0x1  }
0x1a: {  	v1 =	vld [tilespmem:$0x0]  }
0x1b: {  	v2 =	vld [tilespmem:$0x100];
	_ =	sdelay $0x1  }
0x1c: {  	v3 =	vmul.f32 $1.300000000e+01, v0;
	_ =	sdelay $0x1  }
0x1d: {  	v3 =	vtrunc.f32 v3  }
0x1e: {  	v4 =	vmul.f32 $1.300000000e+01, v1;
	v5 =	vmul.u32 $0x27, v2;
	v3 =	vcvt.f32.s32 v3;
	_ =	sdelay $0x1  }
0x1f: {  	v4 =	vtrunc.f32 v4;
	v5 =	vadd.s32 v3, v5  }
0x20: {  	v4 =	vcvt.f32.s32 v4;
	v6 =	vmul.u32 $0xD, v5;
	_ =	sdelay $0x1  }
0x21: {  	s9 =	sadd.s32 $0x27DC00, s22;
	s10 =	simm.s32 $0x10;
	v6 =	vadd.s32 v4, v6  }
0x22: {  	s11 =	simm.s32 $0x180;
	s12 =	simm.s32 $0x200;
	s13 =	simm.s32 $0x1;
	v7 =	vmul.u32 $0x3, v2;
	[tilespmem:$0x180] =	vst v6  }
0x23: {  	[tilespmem:s12], [sflag:$0x1] =	stream.indirect.gather [hbm4b:s9+s10], $0x80, s11, s10, $0xb8;
	[tilespmem:$0xA00] =	vst v63  }
0x24: {  	v52 =	vadd.s32 $0x1, v7;
	_ =	swait.ge [sflag:s13], $0x800  }
0x25: {  	s16 =	sadd.s32 $0x29D800, s22;
	s23 =	sshll.u32 s14, $0x8;
	v7 =	vmul.u32 $0xD, v52;
	[sflag:s13] =	ssyncset.done $0x0  }
0x26: {  	s14 =	sadd.s32 s16, s23;
	[sflag:s13] =	ssyncadd.s32 $0xFFFFF800  }
0x27: {  	v3 =	vadd.s32 v3, v7;
	[hbm4b:s14+s2] =	stream.linear.scatter [tilespmem:s12], [sflag:$0x2], $0x800, $0x38;
	[tilespmem:$0xA00] =	vst v63  }
0x28: {  	v3 =	vmul.u32 $0xD, v3;
	_ =	swait.ge [sflag:s3], $0x800  }
0x29: {  	[sflag:s3] =	ssyncset.done $0x0  }
0x2a: {  	v3 =	vadd.s32 v4, v3;
	[sflag:s3] =	ssyncadd.s32 $0xFFFFF800  }
0x2b: {  	[tilespmem:$0x180] =	vst v3  }
0x2c: {  	[tilespmem:s12], [sflag:$0x1] =	stream.indirect.gather [hbm4b:s9+s10], $0x80, s11, s10, $0xb8;
	[tilespmem:$0xA00] =	vst v63  }
0x2d: {  	_ =	swait.ge [sflag:s13], $0x800  }
0x2e: {  	s25 =	sadd.s32 $0x1400, s23;
	[sflag:s13] =	ssyncset.done $0x0  }
0x2f: {  	s15 =	sadd.s32 s16, s25;
	[sflag:s13] =	ssyncadd.s32 $0xFFFFF800  }
0x30: {  	v53 =	vadd.s32 $0x1A, v5;
	[hbm4b:s15+s2] =	stream.linear.scatter [tilespmem:s12], [sflag:$0x2], $0x800, $0x38;
	[tilespmem:$0xA00] =	vst v63  }
0x31: {  	v3 =	vmul.u32 $0xD, v53;
	_ =	swait.ge [sflag:s3], $0x800  }
0x32: {  	[sflag:s3] =	ssyncset.done $0x0  }
0x33: {  	v3 =	vadd.s32 v4, v3;
	[sflag:s3] =	ssyncadd.s32 $0xFFFFF800  }
0x34: {  	v54 =	vmul.f32 $2.600000000e+01, v0;
	[tilespmem:$0x180] =	vst v3  }
0x35: {  	[tilespmem:s12], [sflag:$0x1] =	stream.indirect.gather [hbm4b:s9+s10], $0x80, s11, s10, $0xb8;
	[tilespmem:$0xA00] =	vst v63  }
0x36: {  	v55 =	vtrunc.f32 v54;
	_ =	swait.ge [sflag:s13], $0x800  }
0x37: {  	s26 =	sadd.s32 $0x2800, s23;
	v56 =	vmul.f32 $2.600000000e+01, v1;
	v57 =	vmul.u32 $0x4E, v2;
	v3 =	vcvt.f32.s32 v55;
	[sflag:s13] =	ssyncset.done $0x0  }
0x38: {  	s16 =	sadd.s32 s16, s26;
	[sflag:s13] =	ssyncadd.s32 $0xFFFFF800  }
0x39: {  	v4 =	vtrunc.f32 v56;
	v5 =	vadd.s32 v3, v57;
	[hbm4b:s16+s2] =	stream.linear.scatter [tilespmem:s12], [sflag:$0x2], $0x800, $0x38;
	[tilespmem:$0xA00] =	vst v63  }
0x3a: {  	v4 =	vcvt.f32.s32 v4;
	v58 =	vmul.u32 $0x1A, v5;
	_ =	swait.ge [sflag:s3], $0x800  }
0x3b: {  	[sflag:s3] =	ssyncset.done $0x0  }
0x3c: {  	v7 =	vadd.s32 v4, v58;
	[sflag:s3] =	ssyncadd.s32 $0xFFFFF800  }
0x3d: {  	s17 =	sadd.s32 $0x1FEC00, s22;
	[tilespmem:$0x180] =	vst v7  }
0x3e: {  	[tilespmem:s12], [sflag:$0x1] =	stream.indirect.gather [hbm4b:s17+s10], $0x80, s11, s10, $0xb8;
	[tilespmem:$0xA00] =	vst v63  }
0x3f: {  	_ =	swait.ge [sflag:s13], $0x800  }
0x40: {  	s20 =	sadd.s32 $0x2A1400, s22;
	v59 =	vmul.u32 $0x1A, v52;
	[sflag:s13] =	ssyncset.done $0x0  }
0x41: {  	s18 =	sadd.s32 s20, s23;
	[sflag:s13] =	ssyncadd.s32 $0xFFFFF800  }
0x42: {  	v3 =	vadd.s32 v3, v59;
	[hbm4b:s18+s2] =	stream.linear.scatter [tilespmem:s12], [sflag:$0x2], $0x800, $0x38;
	[tilespmem:$0xA00] =	vst v63  }
0x43: {  	v3 =	vmul.u32 $0x1A, v3;
	_ =	swait.ge [sflag:s3], $0x800  }
0x44: {  	[sflag:s3] =	ssyncset.done $0x0  }
0x45: {  	v3 =	vadd.s32 v4, v3;
	[sflag:s3] =	ssyncadd.s32 $0xFFFFF800  }
0x46: {  	[tilespmem:$0x180] =	vst v3  }
0x47: {  	[tilespmem:s12], [sflag:$0x1] =	stream.indirect.gather [hbm4b:s17+s10], $0x80, s11, s10, $0xb8;
	[tilespmem:$0xA00] =	vst v63  }
0x48: {  	_ =	swait.ge [sflag:s13], $0x800  }
0x49: {  	[sflag:s13] =	ssyncset.done $0x0  }
0x4a: {  	s19 =	sadd.s32 s20, s25;
	[sflag:s13] =	ssyncadd.s32 $0xFFFFF800  }
0x4b: {  	v60 =	vadd.s32 $0x34, v5;
	[hbm4b:s19+s2] =	stream.linear.scatter [tilespmem:s12], [sflag:$0x2], $0x800, $0x38;
	[tilespmem:$0xA00] =	vst v63  }
0x4c: {  	v3 =	vmul.u32 $0x1A, v60;
	_ =	swait.ge [sflag:s3], $0x800  }
0x4d: {  	[sflag:s3] =	ssyncset.done $0x0  }
0x4e: {  	v3 =	vadd.s32 v4, v3;
	[sflag:s3] =	ssyncadd.s32 $0xFFFFF800  }
0x4f: {  	v0 =	vmul.f32 $5.200000000e+01, v0;
	[tilespmem:$0x180] =	vst v3  }
0x50: {  	[tilespmem:s12], [sflag:$0x1] =	stream.indirect.gather [hbm4b:s17+s10], $0x80, s11, s10, $0xb8;
	[tilespmem:$0xA00] =	vst v63  }
0x51: {  	v0 =	vtrunc.f32 v0;
	_ =	swait.ge [sflag:s13], $0x800  }
0x52: {  	v1 =	vmul.f32 $5.200000000e+01, v1;
	v2 =	vmul.u32 $0x9C, v2;
	v0 =	vcvt.f32.s32 v0;
	[sflag:s13] =	ssyncset.done $0x0  }
0x53: {  	s20 =	sadd.s32 s20, s26;
	[sflag:s13] =	ssyncadd.s32 $0xFFFFF800  }
0x54: {  	v1 =	vtrunc.f32 v1;
	v2 =	vadd.s32 v0, v2;
	[hbm4b:s20+s2] =	stream.linear.scatter [tilespmem:s12], [sflag:$0x2], $0x800, $0x38;
	[tilespmem:$0xA00] =	vst v63  }
0x55: {  	v1 =	vcvt.f32.s32 v1;
	v61 =	vmul.u32 $0x34, v2;
	_ =	swait.ge [sflag:s3], $0x800  }
0x56: {  	[sflag:s3] =	ssyncset.done $0x0  }
0x57: {  	v3 =	vadd.s32 v1, v61;
	[sflag:s3] =	ssyncadd.s32 $0xFFFFF800  }
0x58: {  	s21 =	sadd.s32 $0x3A00, s22;
	[tilespmem:$0x180] =	vst v3  }
0x59: {  	[tilespmem:s12], [sflag:$0x1] =	stream.indirect.gather [hbm4b:s21+s10], $0x80, s11, s10, $0xb8;
	[tilespmem:$0xA00] =	vst v63  }
0x5a: {  	_ =	swait.ge [sflag:s13], $0x800  }
0x5b: {  	s28 =	sadd.s32 $0x2A5000, s22;
	v62 =	vmul.u32 $0x34, v52;
	[sflag:s13] =	ssyncset.done $0x0  }
0x5c: {  	s22 =	sadd.s32 s28, s23;
	[sflag:s13] =	ssyncadd.s32 $0xFFFFF800  }
0x5d: {  	v0 =	vadd.s32 v0, v62;
	[hbm4b:s22+s2] =	stream.linear.scatter [tilespmem:s12], [sflag:$0x2], $0x800, $0x38;
	[tilespmem:$0xA00] =	vst v63  }
0x5e: {  	v0 =	vmul.u32 $0x34, v0;
	_ =	swait.ge [sflag:s3], $0x800  }
0x5f: {  	[sflag:s3] =	ssyncset.done $0x0  }
0x60: {  	v0 =	vadd.s32 v1, v0;
	[sflag:s3] =	ssyncadd.s32 $0xFFFFF800  }
0x61: {  	[tilespmem:$0x180] =	vst v0  }
0x62: {  	[tilespmem:s12], [sflag:$0x1] =	stream.indirect.gather [hbm4b:s21+s10], $0x80, s11, s10, $0xb8;
	[tilespmem:$0xA00] =	vst v63  }
0x63: {  	_ =	swait.ge [sflag:s13], $0x800  }
0x64: {  	[sflag:s13] =	ssyncset.done $0x0  }
0x65: {  	s23 =	sadd.s32 s28, s25;
	[sflag:s13] =	ssyncadd.s32 $0xFFFFF800  }
0x66: {  	v63 =	vadd.s32 $0x68, v2;
	[hbm4b:s23+s2] =	stream.linear.scatter [tilespmem:s12], [sflag:$0x2], $0x800, $0x38;
	[tilespmem:$0xA00] =	vst v63  }
0x67: {  	s24 =	ssub.s32 $0x2, s24;
	v0 =	vmul.u32 $0x34, v63;
	_ =	swait.ge [sflag:s3], $0x800  }
0x68: {  	s31 =	sshrl.u32 s24, $0x1;
	[sflag:s3] =	ssyncset.done $0x0  }
0x69: {  	s25 =	ssub.s32 s24, s31;
	v0 =	vadd.s32 v1, v0;
	[sflag:s3] =	ssyncadd.s32 $0xFFFFF800  }
0x6a: {  	s25 =	smax.u32 s25, $0x1;
	[tilespmem:$0x180] =	vst v0  }
0x6b: {  	[tilespmem:s12], [sflag:$0x1] =	stream.indirect.gather [hbm4b:s21+s10], $0x80, s11, s10, $0xb8;
	[tilespmem:$0xA00] =	vst v63  }
0x6c: {  	p0 =	sne.s32 s25, $0x1;
	_ =	swait.ge [sflag:s13], $0x800  }
.Ltmp1:
0x6d: {  	[sflag:s13] =	ssyncset.done $0x0;
	(pc) =	sbr.rel @!p0 .LBB2_3-.Ltmp1, $4  }
0x6e: {  	s24 =	sadd.s32 s28, s26;
	[sflag:s13] =	ssyncadd.s32 $0xFFFFF800  }
0x6f: {  	[hbm4b:s24+s2] =	stream.linear.scatter [tilespmem:s12], [sflag:$0x2], $0x800, $0x38;
	[tilespmem:$0xA00] =	vst v63  }
0x70: {  	_ =	swait.ge [sflag:s3], $0x800  }
0x71: {  	s25 =	sadd.s32 $0xFFFFFFFF, s25;
	[sflag:s3] =	ssyncset.done $0x0  }
.LBB2_2:
0x72: {  	p0 =	sne.s32 s25, $0x1;
	s25 =	sadd.s32 $0xFFFFFFFF, s25;
	[sflag:s3] =	ssyncadd.s32 $0xFFFFF800  }
0x73: {  	[tilespmem:s2], [sflag:$0x2] =	stream.linear.gather [hbm4b:s4+s2], $0x10, $0x38;
	[tilespmem:$0xA00] =	vst v63  }
0x74: {  	_ =	swait.ge [sflag:s3], $0x10  }
0x75: {  	[sflag:s3] =	ssyncset.done $0x0  }
0x76: {  	[sflag:s3] =	ssyncadd.s32 $0xFFFFFFF0  }
0x77: {  	[tilespmem:s6], [sflag:$0x2] =	stream.linear.gather [hbm4b:s5+s2], $0x10, $0x38;
	[tilespmem:$0xA00] =	vst v63  }
0x78: {  	_ =	swait.ge [sflag:s3], $0x10  }
0x79: {  	[sflag:s3] =	ssyncset.done $0x0  }
0x7a: {  	[sflag:s3] =	ssyncadd.s32 $0xFFFFFFF0  }
0x7b: {  	[tilespmem:s8], [sflag:$0x2] =	stream.linear.gather [hbm4b:s7+s2], $0x10, $0x38;
	[tilespmem:$0xA00] =	vst v63  }
0x7c: {  	_ =	swait.ge [sflag:s3], $0x10  }
0x7d: {  	[sflag:s3] =	ssyncset.done $0x0  }
0x7e: {  	[sflag:s3] =	ssyncadd.s32 $0xFFFFFFF0  }
0x7f: {  	v0 =	vld [tilespmem:$0x80]  }
0x80: {  	v1 =	vld [tilespmem:$0x0]  }
0x81: {  	v2 =	vld [tilespmem:$0x100];
	_ =	sdelay $0x2  }
0x82: {  	v3 =	vmul.f32 $1.300000000e+01, v0;
	v4 =	vmul.f32 $2.600000000e+01, v0  }
0x83: {  	v5 =	vmul.f32 $1.300000000e+01, v1;
	v6 =	vmul.f32 $2.600000000e+01, v1  }
0x84: {  	v3 =	vtrunc.f32 v3;
	v7 =	vmul.u32 $0x3, v2;
	v4 =	vtrunc.f32 v4  }
0x85: {  	v8 =	vmul.u32 $0x27, v2;
	v5 =	vtrunc.f32 v5;
	v3 =	vcvt.f32.s32 v3  }
0x86: {  	v6 =	vtrunc.f32 v6;
	v4 =	vcvt.f32.s32 v4;
	v7 =	vadd.s32 $0x1, v7  }
0x87: {  	v10 =	vmul.u32 $0x4E, v2;
	v8 =	vadd.s32 v3, v8;
	v9 =	vmul.u32 $0xD, v7  }
0x88: {  	v5 =	vcvt.f32.s32 v5;
	v11 =	vmul.u32 $0xD, v8;
	v8 =	vadd.s32 $0x1A, v8  }
0x89: {  	v3 =	vadd.s32 v3, v9;
	v8 =	vmul.u32 $0xD, v8;
	v9 =	vadd.s32 v4, v10  }
0x8a: {  	v10 =	vadd.s32 v5, v11;
	v3 =	vmul.u32 $0xD, v3;
	v11 =	vmul.u32 $0x1A, v9  }
0x8b: {  	v9 =	vadd.s32 $0x34, v9;
	[tilespmem:$0x180] =	vst v10;
	v8 =	vadd.s32 v5, v8;
	v10 =	vmul.u32 $0x1A, v7  }
0x8c: {  	v0 =	vmul.f32 $5.200000000e+01, v0;
	[tilespmem:s12], [sflag:$0x1] =	stream.indirect.gather [hbm4b:s9+s10], $0x80, s11, s10, $0xb8;
	v3 =	vadd.s32 v5, v3;
	v5 =	vmul.u32 $0x34, v7;
	[tilespmem:$0xA00] =	vst v63  }
0x8d: {  	v1 =	vmul.f32 $5.200000000e+01, v1;
	_ =	swait.ge [sflag:s13], $0x800;
	v4 =	vadd.s32 v4, v10  }
0x8e: {  	v0 =	vtrunc.f32 v0;
	[sflag:s13] =	ssyncset.done $0x0  }
0x8f: {  	v2 =	vmul.u32 $0x9C, v2;
	v1 =	vtrunc.f32 v1;
	v0 =	vcvt.f32.s32 v0;
	[sflag:s13] =	ssyncadd.s32 $0xFFFFF800  }
0x90: {  	[hbm4b:s14+s2] =	stream.linear.scatter [tilespmem:s12], [sflag:$0x2], $0x800, $0x38;
	[tilespmem:$0xA00] =	vst v63  }
0x91: {  	v2 =	vadd.s32 v0, v2;
	v0 =	vadd.s32 v0, v5;
	_ =	swait.ge [sflag:s3], $0x800  }
0x92: {  	v5 =	vmul.u32 $0x34, v2;
	v7 =	vmul.u32 $0x34, v0;
	v0 =	vadd.s32 $0x68, v2;
	[sflag:s3] =	ssyncset.done $0x0  }
0x93: {  	[sflag:s3] =	ssyncadd.s32 $0xFFFFF800  }
0x94: {  	[tilespmem:$0x180] =	vst v3  }
0x95: {  	[tilespmem:s12], [sflag:$0x1] =	stream.indirect.gather [hbm4b:s9+s10], $0x80, s11, s10, $0xb8;
	[tilespmem:$0xA00] =	vst v63  }
0x96: {  	_ =	swait.ge [sflag:s13], $0x800  }
0x97: {  	[sflag:s13] =	ssyncset.done $0x0  }
0x98: {  	[sflag:s13] =	ssyncadd.s32 $0xFFFFF800  }
0x99: {  	[hbm4b:s15+s2] =	stream.linear.scatter [tilespmem:s12], [sflag:$0x2], $0x800, $0x38;
	[tilespmem:$0xA00] =	vst v63  }
0x9a: {  	_ =	swait.ge [sflag:s3], $0x800  }
0x9b: {  	[sflag:s3] =	ssyncset.done $0x0  }
0x9c: {  	[sflag:s3] =	ssyncadd.s32 $0xFFFFF800  }
0x9d: {  	[tilespmem:$0x180] =	vst v8  }
0x9e: {  	[tilespmem:s12], [sflag:$0x1] =	stream.indirect.gather [hbm4b:s9+s10], $0x80, s11, s10, $0xb8;
	[tilespmem:$0xA00] =	vst v63  }
0x9f: {  	_ =	swait.ge [sflag:s13], $0x800  }
0xa0: {  	[sflag:s13] =	ssyncset.done $0x0  }
0xa1: {  	[sflag:s13] =	ssyncadd.s32 $0xFFFFF800  }
0xa2: {  	[hbm4b:s16+s2] =	stream.linear.scatter [tilespmem:s12], [sflag:$0x2], $0x800, $0x38;
	[tilespmem:$0xA00] =	vst v63  }
0xa3: {  	v2 =	vcvt.f32.s32 v6;
	_ =	swait.ge [sflag:s3], $0x800  }
0xa4: {  	[sflag:s3] =	ssyncset.done $0x0  }
0xa5: {  	v3 =	vadd.s32 v2, v11;
	[sflag:s3] =	ssyncadd.s32 $0xFFFFF800  }
0xa6: {  	[tilespmem:$0x180] =	vst v3  }
0xa7: {  	[tilespmem:s12], [sflag:$0x1] =	stream.indirect.gather [hbm4b:s17+s10], $0x80, s11, s10, $0xb8;
	[tilespmem:$0xA00] =	vst v63  }
0xa8: {  	_ =	swait.ge [sflag:s13], $0x800  }
0xa9: {  	[sflag:s13] =	ssyncset.done $0x0  }
0xaa: {  	[sflag:s13] =	ssyncadd.s32 $0xFFFFF800  }
0xab: {  	[hbm4b:s18+s2] =	stream.linear.scatter [tilespmem:s12], [sflag:$0x2], $0x800, $0x38;
	[tilespmem:$0xA00] =	vst v63  }
0xac: {  	v3 =	vmul.u32 $0x1A, v4;
	_ =	swait.ge [sflag:s3], $0x800  }
0xad: {  	[sflag:s3] =	ssyncset.done $0x0  }
0xae: {  	v3 =	vadd.s32 v2, v3;
	[sflag:s3] =	ssyncadd.s32 $0xFFFFF800  }
0xaf: {  	[tilespmem:$0x180] =	vst v3  }
0xb0: {  	[tilespmem:s12], [sflag:$0x1] =	stream.indirect.gather [hbm4b:s17+s10], $0x80, s11, s10, $0xb8;
	[tilespmem:$0xA00] =	vst v63  }
0xb1: {  	_ =	swait.ge [sflag:s13], $0x800  }
0xb2: {  	[sflag:s13] =	ssyncset.done $0x0  }
0xb3: {  	[sflag:s13] =	ssyncadd.s32 $0xFFFFF800  }
0xb4: {  	[hbm4b:s19+s2] =	stream.linear.scatter [tilespmem:s12], [sflag:$0x2], $0x800, $0x38;
	[tilespmem:$0xA00] =	vst v63  }
0xb5: {  	v3 =	vmul.u32 $0x1A, v9;
	_ =	swait.ge [sflag:s3], $0x800  }
0xb6: {  	[sflag:s3] =	ssyncset.done $0x0  }
0xb7: {  	v2 =	vadd.s32 v2, v3;
	[sflag:s3] =	ssyncadd.s32 $0xFFFFF800  }
0xb8: {  	[tilespmem:$0x180] =	vst v2  }
0xb9: {  	[tilespmem:s12], [sflag:$0x1] =	stream.indirect.gather [hbm4b:s17+s10], $0x80, s11, s10, $0xb8;
	[tilespmem:$0xA00] =	vst v63  }
0xba: {  	_ =	swait.ge [sflag:s13], $0x800  }
0xbb: {  	[sflag:s13] =	ssyncset.done $0x0  }
0xbc: {  	[sflag:s13] =	ssyncadd.s32 $0xFFFFF800  }
0xbd: {  	[hbm4b:s20+s2] =	stream.linear.scatter [tilespmem:s12], [sflag:$0x2], $0x800, $0x38;
	[tilespmem:$0xA00] =	vst v63  }
0xbe: {  	v1 =	vcvt.f32.s32 v1;
	_ =	swait.ge [sflag:s3], $0x800  }
0xbf: {  	[sflag:s3] =	ssyncset.done $0x0  }
0xc0: {  	v2 =	vadd.s32 v1, v5;
	[sflag:s3] =	ssyncadd.s32 $0xFFFFF800  }
0xc1: {  	[tilespmem:$0x180] =	vst v2  }
0xc2: {  	[tilespmem:s12], [sflag:$0x1] =	stream.indirect.gather [hbm4b:s21+s10], $0x80, s11, s10, $0xb8;
	[tilespmem:$0xA00] =	vst v63  }
0xc3: {  	_ =	swait.ge [sflag:s13], $0x800  }
0xc4: {  	[sflag:s13] =	ssyncset.done $0x0  }
0xc5: {  	[sflag:s13] =	ssyncadd.s32 $0xFFFFF800  }
0xc6: {  	[hbm4b:s22+s2] =	stream.linear.scatter [tilespmem:s12], [sflag:$0x2], $0x800, $0x38;
	[tilespmem:$0xA00] =	vst v63  }
0xc7: {  	_ =	swait.ge [sflag:s3], $0x800  }
0xc8: {  	[sflag:s3] =	ssyncset.done $0x0  }
0xc9: {  	v2 =	vadd.s32 v1, v7;
	[sflag:s3] =	ssyncadd.s32 $0xFFFFF800  }
0xca: {  	[tilespmem:$0x180] =	vst v2  }
0xcb: {  	[tilespmem:s12], [sflag:$0x1] =	stream.indirect.gather [hbm4b:s21+s10], $0x80, s11, s10, $0xb8;
	[tilespmem:$0xA00] =	vst v63  }
0xcc: {  	_ =	swait.ge [sflag:s13], $0x800  }
0xcd: {  	[sflag:s13] =	ssyncset.done $0x0  }
0xce: {  	[sflag:s13] =	ssyncadd.s32 $0xFFFFF800  }
0xcf: {  	[hbm4b:s23+s2] =	stream.linear.scatter [tilespmem:s12], [sflag:$0x2], $0x800, $0x38;
	[tilespmem:$0xA00] =	vst v63  }
0xd0: {  	v0 =	vmul.u32 $0x34, v0;
	_ =	swait.ge [sflag:s3], $0x800  }
0xd1: {  	[sflag:s3] =	ssyncset.done $0x0  }
0xd2: {  	v0 =	vadd.s32 v1, v0;
	[sflag:s3] =	ssyncadd.s32 $0xFFFFF800  }
0xd3: {  	[tilespmem:$0x180] =	vst v0  }
0xd4: {  	[tilespmem:s12], [sflag:$0x1] =	stream.indirect.gather [hbm4b:s21+s10], $0x80, s11, s10, $0xb8;
	[tilespmem:$0xA00] =	vst v63  }
0xd5: {  	_ =	swait.ge [sflag:s13], $0x800  }
.Ltmp2:
0xd6: {  	[sflag:s13] =	ssyncset.done $0x0;
	(pc) =	sbr.rel @p0 .LBB2_2-.Ltmp2, $4  }
0xd7: {  	[sflag:s13] =	ssyncadd.s32 $0xFFFFF800  }
0xd8: {  	[hbm4b:s24+s2] =	stream.linear.scatter [tilespmem:s12], [sflag:$0x2], $0x800, $0x38;
	[tilespmem:$0xA00] =	vst v63  }
0xd9: {  	_ =	swait.ge [sflag:s3], $0x800  }
0xda: {  	[sflag:s3] =	ssyncset.done $0x0  }
.LBB2_3:
0xdb: {  	[sflag:s3] =	ssyncadd.s32 $0xFFFFF800  }
.LBB2_4:
0xdc: {  	_ =	sfence.sel $0x180000  }
0xdd: {  	[bflag:$0x0] =	sbarrier.arrive $0xFFFF  }
0xde: {  	p0 =	sne.s32 s1, $0x0;
	_ =	strace $0x90000047  }
0xdf: {  	s0 =	sadd.s32 @!p0 $0x100000, s0;
	[bflag:$0x2] =	sbarrier.arrive $0xFFFF  }
0xe0: {  	[sflag:s0] =	ssyncadd.tile.s32 @!p0 $0x1;
	_ =	shalt  }
.Lfunc_end2:
_tile_overlayer_lowered:
.L_overlay_start_2:
0xe1: {  	(tag) =	ssettag $0x2  }
0xe2: {  	s0 =	rddreg [dreg:$0x0];
	s2 =	stileid.u32  }
0xe3: {  	s1 =	rddreg [dreg:$0x1];
	p0 =	sne.s32 s2, $0x0  }
0xe4: {  	s3 =	rddreg [dreg:$0x2];
	[bflag:$0x3] =	sbarrier.arrive $0xFFFF;
	s2 =	simm.s32 @!p0 $0x1C02  }
0xe5: {  	[timem:s3], [sflag:s2] =	dma.local @!p0 [hbm:s0], s1  }
0xe6: {  	s0 =	simm.s32 @!p0 $0x2  }
0xe7: {  	_ =	swait.ge @!p0 [sflag:s0], s1  }
0xe8: {  	s1 =	ssub.s32 @!p0 $0x0, s1;
	[sflag:s0] =	ssyncset.done @!p0 $0x0  }
0xe9: {  	[sflag:s0] =	ssyncadd.s32 @!p0 s1  }
0xea: {  	[bflag:$0x3] =	sbarrier.arrive $0xFFFF  }
0xeb: {  	_ =	shalt  }

</sc_bundles>
